<compile_context>
chip_gen: v7x
topology: tpu7x:2x2x1
jax: 0.10.2.dev20260603
libtpu: 0.0.44.dev20260713+nightly
codegen_flags: <defaults>
</compile_context>

<pallas_src>
import functools

import jax
import jax.numpy as jnp
from jax import lax
from jax.experimental import pallas as pl
from jax.experimental.pallas import tpu as pltpu
from jax.experimental.pallas import tpu_sc as plsc

N = 10000
E = 320000
D = 128
HD = D // 2
NC, NS = 2, 16
EPT = E // NS
CH = 80
NCHUNK = EPT // CH
K = 4
NBATCH = NCHUNK // K
NPAD = 10240
RPT = NPAD // NS
ZR = 80
EPW = E // (NC * NS)
DCH = EPW // CH
BLK = 2000
GRID = N // BLK

_sc_mesh = plsc.VectorSubcoreMesh(core_axis_name="c", subcore_axis_name="s")


@functools.partial(
    pl.kernel,
    out_type=jax.ShapeDtypeStruct((NC, NPAD), jnp.float32),
    mesh=_sc_mesh,
    scratch_types=[
        pltpu.VMEM((DCH, CH), jnp.int32),
        pltpu.VMEM((CH,), jnp.float32),
        pltpu.VMEM((RPT,), jnp.float32),
        pltpu.VMEM_SHARED((NPAD,), jnp.float32),
        pltpu.SemaphoreType.DMA,
    ],
    compiler_params=pltpu.CompilerParams(use_tc_tiling_on_sc=False),
)
def _deg_kernel(eir_hbm, out_hbm, cidx, ones_v, zer_v, acc, sem):
    c = lax.axis_index("c")
    s = lax.axis_index("s")
    for j in range(CH // 16):
        ones_v[pl.ds(j * 16, 16)] = jnp.ones((16,), jnp.float32)

    def zbody(j, _):
        zer_v[pl.ds(j * 16, 16)] = jnp.zeros((16,), jnp.float32)
        return 0

    lax.fori_loop(0, RPT // 16, zbody, 0)
    pltpu.sync_copy(zer_v, acc.at[pl.ds(s * RPT, RPT)])
    pltpu.sync_copy(eir_hbm.at[1, s, pl.ds(c * DCH, DCH)], cidx)
    plsc.subcore_barrier()

    def body(i, _):
        pltpu.async_copy(ones_v, acc.at[cidx.at[i]], sem, add=True)
        return 0

    lax.fori_loop(0, DCH, body, 0)

    def drain(i, _):
        pltpu.make_async_copy(ones_v, acc.at[cidx.at[0]], sem).wait()
        return 0

    lax.fori_loop(0, DCH, drain, 0)
    plsc.subcore_barrier()
    pltpu.sync_copy(acc.at[pl.ds(s * RPT, RPT)],
                    out_hbm.at[c, pl.ds(s * RPT, RPT)])


@functools.partial(
    pl.kernel,
    out_type=jax.ShapeDtypeStruct((NC, NPAD, HD), jnp.float32),
    mesh=_sc_mesh,
    scratch_types=[
        pltpu.VMEM((NCHUNK, CH), jnp.int32),
        pltpu.VMEM((NCHUNK, CH), jnp.int32),
        pltpu.VMEM((2 * K, CH, HD), jnp.float32),
        pltpu.VMEM((ZR, HD), jnp.float32),
        pltpu.VMEM_SHARED((NPAD, HD), jnp.float32),
        pltpu.SemaphoreType.DMA,
        pltpu.SemaphoreType.DMA,
    ],
    compiler_params=pltpu.CompilerParams(use_tc_tiling_on_sc=False),
)
def _scatter_kernel(ga_hbm, gb_hbm, eir_hbm, out_hbm, ridx, cidx,
                    bufs, zer_v, acc, sem_g, sem_s):
    c = lax.axis_index("c")
    s = lax.axis_index("s")

    def zfill(i, _):
        for j in range(HD // 16):
            zer_v[i, pl.ds(j * 16, 16)] = jnp.zeros((16,), jnp.float32)
        return 0

    lax.fori_loop(0, ZR, zfill, 0)

    def zcopy(k, _):
        pltpu.sync_copy(zer_v, acc.at[pl.ds(s * RPT + k * ZR, ZR)])
        return 0

    lax.fori_loop(0, RPT // ZR, zcopy, 0)
    pltpu.sync_copy(eir_hbm.at[0, s], ridx)
    pltpu.sync_copy(eir_hbm.at[1, s], cidx)
    plsc.subcore_barrier()

    def run(tbl):
        def fire_g(off, b):
            for j in range(K):
                pltpu.async_copy(tbl.at[ridx.at[b * K + j]], bufs.at[off + j],
                                 sem_g)

        def drain_g(off):
            for j in range(K):
                pltpu.make_async_copy(tbl.at[ridx.at[0]], bufs.at[off + j],
                                      sem_g).wait()

        def fire_s(off, b):
            for j in range(K):
                pltpu.async_copy(bufs.at[off + j], acc.at[cidx.at[b * K + j]],
                                 sem_s, add=True)

        def drain_s(off):
            for j in range(K):
                pltpu.make_async_copy(bufs.at[off + j], acc.at[cidx.at[0]],
                                      sem_s).wait()

        fire_g(0, 0)
        fire_g(K, 1)

        def body(b, _):
            par = (b % 2) * K
            drain_g(par)
            fire_s(par, b)
            drain_s(par)
            fire_g(par, b + 2)
            return 0

        lax.fori_loop(0, NBATCH - 2, body, 0)
        for b in (NBATCH - 2, NBATCH - 1):
            par = (b % 2) * K
            drain_g(par)
            fire_s(par, b)
            drain_s(par)
        for e in range(NBATCH * K, NCHUNK):
            pltpu.async_copy(tbl.at[ridx.at[e]], bufs.at[0], sem_g).wait()
            pltpu.sync_copy(bufs.at[0], acc.at[cidx.at[e]], add=True)

    @pl.when(c == 0)
    def _():
        run(ga_hbm)

    @pl.when(c == 1)
    def _():
        run(gb_hbm)

    plsc.subcore_barrier()
    pltpu.sync_copy(acc.at[pl.ds(s * RPT, RPT)],
                    out_hbm.at[c, pl.ds(s * RPT, RPT)])


def _mm1_body(x_ref, w_ref, b_ref, dp_ref, ga_ref, gb_ref, dis_ref):
    h = lax.dot_general(x_ref[...], w_ref[...], (((1,), (1,)), ((), ())),
                        preferred_element_type=jnp.float32) + b_ref[...]
    deg = 1.0 + dp_ref[:, 0:1] + dp_ref[:, 1:2]
    dis = lax.rsqrt(deg)
    dis_ref[...] = dis
    g = dis * h
    ga_ref[...] = g[:, :HD]
    gb_ref[...] = g[:, HD:]


_mm1 = pl.pallas_call(
    _mm1_body,
    grid=(GRID,),
    in_specs=[
        pl.BlockSpec((BLK, D), lambda i: (i, 0)),
        pl.BlockSpec((D, D), lambda i: (0, 0)),
        pl.BlockSpec((1, D), lambda i: (0, 0)),
        pl.BlockSpec((BLK, 2), lambda i: (i, 0)),
    ],
    out_specs=[
        pl.BlockSpec((BLK, HD), lambda i: (i, 0)),
        pl.BlockSpec((BLK, HD), lambda i: (i, 0)),
        pl.BlockSpec((BLK, 1), lambda i: (i, 0)),
    ],
    out_shape=[
        jax.ShapeDtypeStruct((N, HD), jnp.float32),
        jax.ShapeDtypeStruct((N, HD), jnp.float32),
        jax.ShapeDtypeStruct((N, 1), jnp.float32),
    ],
)


def _mm2_body(ga_ref, gb_ref, pa_ref, pb_ref, dis_ref, w_ref, b_ref,
              g2a_ref, g2b_ref):
    dis = dis_ref[...]
    ha = jnp.maximum(dis * (ga_ref[...] + pa_ref[0]), 0.0)
    hb = jnp.maximum(dis * (gb_ref[...] + pb_ref[0]), 0.0)
    mm = lax.dot_general(ha, w_ref[:, :HD], (((1,), (1,)), ((), ())),
                         preferred_element_type=jnp.float32)
    mm = mm + lax.dot_general(hb, w_ref[:, HD:], (((1,), (1,)), ((), ())),
                              preferred_element_type=jnp.float32)
    g2 = dis * (mm + b_ref[...])
    g2a_ref[...] = g2[:, :HD]
    g2b_ref[...] = g2[:, HD:]


_mm2 = pl.pallas_call(
    _mm2_body,
    grid=(GRID,),
    in_specs=[
        pl.BlockSpec((BLK, HD), lambda i: (i, 0)),
        pl.BlockSpec((BLK, HD), lambda i: (i, 0)),
        pl.BlockSpec((1, BLK, HD), lambda i: (0, i, 0)),
        pl.BlockSpec((1, BLK, HD), lambda i: (1, i, 0)),
        pl.BlockSpec((BLK, 1), lambda i: (i, 0)),
        pl.BlockSpec((D, D), lambda i: (0, 0)),
        pl.BlockSpec((1, D), lambda i: (0, 0)),
    ],
    out_specs=[
        pl.BlockSpec((BLK, HD), lambda i: (i, 0)),
        pl.BlockSpec((BLK, HD), lambda i: (i, 0)),
    ],
    out_shape=[
        jax.ShapeDtypeStruct((N, HD), jnp.float32),
        jax.ShapeDtypeStruct((N, HD), jnp.float32),
    ],
)


def _fin_body(g2a_ref, g2b_ref, pa_ref, pb_ref, dis_ref, o_ref):
    dis = dis_ref[...]
    o_ref[:, :HD] = dis * (g2a_ref[...] + pa_ref[0])
    o_ref[:, HD:] = dis * (g2b_ref[...] + pb_ref[0])


_fin = pl.pallas_call(
    _fin_body,
    grid=(GRID,),
    in_specs=[
        pl.BlockSpec((BLK, HD), lambda i: (i, 0)),
        pl.BlockSpec((BLK, HD), lambda i: (i, 0)),
        pl.BlockSpec((1, BLK, HD), lambda i: (0, i, 0)),
        pl.BlockSpec((1, BLK, HD), lambda i: (1, i, 0)),
        pl.BlockSpec((BLK, 1), lambda i: (i, 0)),
    ],
    out_specs=pl.BlockSpec((BLK, D), lambda i: (i, 0)),
    out_shape=jax.ShapeDtypeStruct((N, D), jnp.float32),
)


def kernel(x, edge_index, W1, b1, W2, b2):
    eir = edge_index.astype(jnp.int32).reshape(2, NS, NCHUNK, CH)
    degp = _deg_kernel(eir)
    degT = jnp.transpose(degp)
    b1r = b1.reshape(1, D)
    b2r = b2.reshape(1, D)
    g1a, g1b, dis = _mm1(x, W1, b1r, degT)
    p1 = _scatter_kernel(g1a, g1b, eir)
    g2a, g2b = _mm2(g1a, g1b, p1, p1, dis, W2, b2r)
    p2 = _scatter_kernel(g2a, g2b, eir)
    return _fin(g2a, g2b, p2, p2, dis)

# --- scband reference (transcript-rebuilt; emitter-appended) ---
"""Pipeline reference for scband-gcn-51651276702106 (READ-ONLY COPY).

The authoritative reference and input builder live on the scoring server;
editing this copy changes nothing except your own understanding.
"""

import jax, jax.numpy as jnp
import numpy as np

N_NODES = 10000
N_EDGES = 320000
D = 128
H = 128

def setup_inputs(seed: int = 0) -> dict:
    key = jax.random.key(seed)
    k1, k2, k3, k4, k5, k6 = jax.random.split(key, 6)
    x = jax.random.normal(k1, (N_NODES, D), dtype=jnp.float32)
    edge_index = jax.random.randint(k2, (2, N_EDGES), 0, N_NODES, dtype=jnp.int64)
    # Linear params (torch nn.Linear default init approximated with uniform)
    lim1 = 1.0 / np.sqrt(D)
    W1 = jax.random.uniform(k3, (H, D), minval=-lim1, maxval=lim1, dtype=jnp.float32)
    b1 = jax.random.uniform(k4, (H,), minval=-lim1, maxval=lim1, dtype=jnp.float32)
    lim2 = 1.0 / np.sqrt(H)
    W2 = jax.random.uniform(k5, (H, H), minval=-lim2, maxval=lim2, dtype=jnp.float32)
    b2 = jax.random.uniform(k6, (H,), minval=-lim2, maxval=lim2, dtype=jnp.float32)
    return {"x": x, "edge_index": edge_index, "W1": W1, "b1": b1, "W2": W2, "b2": b2}


def _gcn_layer(x, row, col, W, b):
    n = x.shape[0]
    h = x @ W.T + b
    # degree of destination (col) nodes, including self loops already appended
    deg = jax.ops.segment_sum(jnp.ones_like(col, dtype=h.dtype), col, num_segments=n)
    deg_inv_sqrt = jnp.where(deg > 0, deg ** -0.5, 0.0)
    norm = deg_inv_sqrt[row] * deg_inv_sqrt[col]
    msg = norm[:, None] * h[row]  # x_j = h[source]
    out = jax.ops.segment_sum(msg, col, num_segments=n)
    return out


def reference(x, edge_index, W1, b1, W2, b2):
    n = x.shape[0]
    # add_self_loops
    self_idx = jnp.arange(n, dtype=edge_index.dtype)
    row = jnp.concatenate([edge_index[0], self_idx])
    col = jnp.concatenate([edge_index[1], self_idx])
    h = _gcn_layer(x, row, col, W1, b1)
    h = jax.nn.relu(h)
    # dropout is identity in eval mode
    out = _gcn_layer(h, row, col, W2, b2)
    return out

if __name__ == "__main__":
    import jax
    _d = setup_inputs()
    print(jax.jit(kernel)(*tuple(_d.values())))

</pallas_src>

<mosaic_0001>
#map = affine_map<(d0, d1) -> (0, 0)>
#map1 = affine_map<(d0, d1) -> (0, 0, 0, 0)>
#map2 = affine_map<(d0, d1) -> (0, 0, 0)>
module attributes {stable_mosaic.version = 14 : i64} {
  func.func @_scatter_kernel(%arg0: i32, %arg1: i32, %arg2: memref<10000x64xf32, #tpu.memory_space<hbm>>, %arg3: memref<10000x64xf32, #tpu.memory_space<hbm>>, %arg4: memref<2x16x250x80xi32, #tpu.memory_space<hbm>>, %arg5: memref<2x10240x64xf32, #tpu.memory_space<hbm>>, %arg6: memref<250x80xi32, #tpu.memory_space<vmem>>, %arg7: memref<250x80xi32, #tpu.memory_space<vmem>>, %arg8: memref<8x80x64xf32, #tpu.memory_space<vmem>>, %arg9: memref<80x64xf32, #tpu.memory_space<vmem>>, %arg10: memref<10240x64xf32, #tpu.memory_space<vmem_shared>>, %arg11: memref<!tpu.dma_semaphore, #tpu.memory_space<semaphore_mem>>, %arg12: memref<!tpu.dma_semaphore, #tpu.memory_space<semaphore_mem>>) attributes {dimension_semantics = [#tpu.dimension_semantics<core_parallel>, #tpu.dimension_semantics<subcore_parallel>], iteration_bounds = array<i64: 2, 16>, scalar_prefetch = 0 : i64, scratch_operands = 7 : i64, tpu.core_type = #tpu.core_type<sc_vector_subcore>, window_params = [{transform_indices = #map}, {transform_indices = #map}, {transform_indices = #map1}, {transform_indices = #map2}]} {
    %scan3A = arith.constant 0 : i32
    %scan3A_0 = arith.constant 0 : i32
    %scan3A_1 = arith.constant 80 : i32
    %scan3A_2 = arith.addi %scan3A_0, %scan3A_1 : i32
    %scan3A_3 = arith.constant 1 : i32
    %scan3A_4 = scf.for %scan3A_25 = %scan3A_0 to %scan3A_2 step %scan3A_3 iter_args(%scan3A_26 = %scan3A) -> (i32)  : i32 {
      %broadcast_in_dim3A = arith.constant 0.000000e+00 : f32
      %broadcast_in_dim3A_27 = vector.broadcast %broadcast_in_dim3A : f32 to vector<16xf32>
      %swap3A = arith.index_cast %scan3A_25 : i32 to index
      %swap3A_28 = arith.constant 0 : index
      %swap3A_29 = tpu.vector_load %arg9[%swap3A, %swap3A_28] {strides = array<i32>} : memref<80x64xf32, #tpu.memory_space<vmem>>, vector<1x16xf32>,
      %swap3A_30 = vector.shape_cast %swap3A_29 : vector<1x16xf32> to vector<16xf32>
      %swap3A_31 = vector.shape_cast %broadcast_in_dim3A_27 : vector<16xf32> to vector<1x16xf32>
      tpu.vector_store %arg9[%swap3A, %swap3A_28], %swap3A_31 {strides = array<i32>} : memref<80x64xf32, #tpu.memory_space<vmem>>, vector<1x16xf32>,
      %broadcast_in_dim3A_32 = arith.constant 0.000000e+00 : f32
      %broadcast_in_dim3A_33 = vector.broadcast %broadcast_in_dim3A_32 : f32 to vector<16xf32>
      %swap3A_34 = arith.index_cast %scan3A_25 : i32 to index
      %swap3A_35 = arith.constant 16 : index
      %swap3A_36 = tpu.vector_load %arg9[%swap3A_34, %swap3A_35] {strides = array<i32>} : memref<80x64xf32, #tpu.memory_space<vmem>>, vector<1x16xf32>,
      %swap3A_37 = vector.shape_cast %swap3A_36 : vector<1x16xf32> to vector<16xf32>
      %swap3A_38 = vector.shape_cast %broadcast_in_dim3A_33 : vector<16xf32> to vector<1x16xf32>
      tpu.vector_store %arg9[%swap3A_34, %swap3A_35], %swap3A_38 {strides = array<i32>} : memref<80x64xf32, #tpu.memory_space<vmem>>, vector<1x16xf32>,
      %broadcast_in_dim3A_39 = arith.constant 0.000000e+00 : f32
      %broadcast_in_dim3A_40 = vector.broadcast %broadcast_in_dim3A_39 : f32 to vector<16xf32>
      %swap3A_41 = arith.index_cast %scan3A_25 : i32 to index
      %swap3A_42 = arith.constant 32 : index
      %swap3A_43 = tpu.vector_load %arg9[%swap3A_41, %swap3A_42] {strides = array<i32>} : memref<80x64xf32, #tpu.memory_space<vmem>>, vector<1x16xf32>,
      %swap3A_44 = vector.shape_cast %swap3A_43 : vector<1x16xf32> to vector<16xf32>
      %swap3A_45 = vector.shape_cast %broadcast_in_dim3A_40 : vector<16xf32> to vector<1x16xf32>
      tpu.vector_store %arg9[%swap3A_41, %swap3A_42], %swap3A_45 {strides = array<i32>} : memref<80x64xf32, #tpu.memory_space<vmem>>, vector<1x16xf32>,
      %broadcast_in_dim3A_46 = arith.constant 0.000000e+00 : f32
      %broadcast_in_dim3A_47 = vector.broadcast %broadcast_in_dim3A_46 : f32 to vector<16xf32>
      %swap3A_48 = arith.index_cast %scan3A_25 : i32 to index
      %swap3A_49 = arith.constant 48 : index
      %swap3A_50 = tpu.vector_load %arg9[%swap3A_48, %swap3A_49] {strides = array<i32>} : memref<80x64xf32, #tpu.memory_space<vmem>>, vector<1x16xf32>,
      %swap3A_51 = vector.shape_cast %swap3A_50 : vector<1x16xf32> to vector<16xf32>
      %swap3A_52 = vector.shape_cast %broadcast_in_dim3A_47 : vector<16xf32> to vector<1x16xf32>
      tpu.vector_store %arg9[%swap3A_48, %swap3A_49], %swap3A_52 {strides = array<i32>} : memref<80x64xf32, #tpu.memory_space<vmem>>, vector<1x16xf32>,
      %scan3A_53 = arith.constant 0 : i32
      scf.yield %scan3A_53 : i32
    }
    %scan3A_5 = arith.constant 80 : i32
    %scan3A_6 = arith.constant 0 : i32
    %scan3A_7 = arith.constant 0 : i32
    %scan3A_8 = arith.constant 8 : i32
    %scan3A_9 = arith.addi %scan3A_7, %scan3A_8 : i32
    %scan3A_10 = arith.constant 1 : i32
    %scan3A_11 = scf.for %scan3A_25 = %scan3A_7 to %scan3A_9 step %scan3A_10 iter_args(%scan3A_26 = %scan3A_6) -> (i32)  : i32 {
      %mul3A_27 = arith.constant 640 : i32
      %mul3A_28 = arith.muli %arg1, %mul3A_27 : i32
      %mul3A_29 = arith.constant 80 : i32
      %mul3A_30 = arith.muli %scan3A_25, %mul3A_29 : i32
      %add3A = arith.addi %mul3A_28, %mul3A_30 : i32
      "tpu.region"() ({
        %run_scoped3A_32 = tpu.sem_alloc : memref<!tpu.dma_semaphore, #tpu.memory_space<semaphore_mem>>
        %dma_start3A = arith.constant 0 : i32
        %dma_start3A_33 = tpu.memref_slice %arg10[%add3A, %dma_start3A] : memref<10240x64xf32, #tpu.memory_space<vmem_shared>> -> memref<80x64xf32, #tpu.memory_space<vmem_shared>>
        %dma_start3A_34 = arith.constant 0 : i32
        %dma_start3A_35 = tpu.memref_slice %arg10[%add3A, %dma_start3A_34] : memref<10240x64xf32, #tpu.memory_space<vmem_shared>> -> memref<80x64xf32, #tpu.memory_space<vmem_shared>>
        tpu.enqueue_dma source(%arg9 : memref<80x64xf32, #tpu.memory_space<vmem>>) target(%dma_start3A_35 : memref<80x64xf32, #tpu.memory_space<vmem_shared>>) target_semaphore(%run_scoped3A_32 : memref<!tpu.dma_semaphore, #tpu.memory_space<semaphore_mem>>)
        %dma_wait3A = arith.constant 0 : i32
        %dma_wait3A_36 = tpu.memref_slice %arg10[%add3A, %dma_wait3A] : memref<10240x64xf32, #tpu.memory_space<vmem_shared>> -> memref<80x64xf32, #tpu.memory_space<vmem_shared>>
        %dma_wait3A_37 = arith.constant 0 : i32
        %dma_wait3A_38 = tpu.memref_slice %arg10[%add3A, %dma_wait3A_37] : memref<10240x64xf32, #tpu.memory_space<vmem_shared>> -> memref<80x64xf32, #tpu.memory_space<vmem_shared>>
        tpu.wait_dma2 semaphore(%run_scoped3A_32 : memref<!tpu.dma_semaphore, #tpu.memory_space<semaphore_mem>>) src(%arg9 : memref<80x64xf32, #tpu.memory_space<vmem>>) dst(%dma_wait3A_38 : memref<80x64xf32, #tpu.memory_space<vmem_shared>>)
        tpu.yield
      }) : () -> ()
      %scan3A_31 = arith.constant 0 : i32
      scf.yield %scan3A_31 : i32
    }
    %scan3A_12 = arith.constant 8 : i32
    %run_scoped3A = arith.constant 0 : i32
    "tpu.region"() ({
      %run_scoped3A_25 = tpu.sem_alloc : memref<!tpu.dma_semaphore, #tpu.memory_space<semaphore_mem>>
      %dma_start3A = arith.constant 0 : i32
      %dma_start3A_26 = arith.constant 0 : i32
      %dma_start3A_27 = tpu.memref_slice %arg4[%run_scoped3A, %arg1, %dma_start3A, %dma_start3A_26] : memref<2x16x250x80xi32, #tpu.memory_space<hbm>> -> memref<1x1x250x80xi32, #tpu.memory_space<hbm>>
      %dma_start3A_28 = tpu.memref_squeeze %dma_start3A_27 : memref<1x1x250x80xi32, #tpu.memory_space<hbm>> -> memref<250x80xi32, #tpu.memory_space<hbm>>
      %dma_start3A_29 = arith.constant 0 : i32
      %dma_start3A_30 = arith.constant 0 : i32
      %dma_start3A_31 = tpu.memref_slice %arg4[%run_scoped3A, %arg1, %dma_start3A_29, %dma_start3A_30] : memref<2x16x250x80xi32, #tpu.memory_space<hbm>> -> memref<1x1x250x80xi32, #tpu.memory_space<hbm>>
      %dma_start3A_32 = tpu.memref_squeeze %dma_start3A_31 : memref<1x1x250x80xi32, #tpu.memory_space<hbm>> -> memref<250x80xi32, #tpu.memory_space<hbm>>
      tpu.enqueue_dma source(%dma_start3A_32 : memref<250x80xi32, #tpu.memory_space<hbm>>) target(%arg6 : memref<250x80xi32, #tpu.memory_space<vmem>>) target_semaphore(%run_scoped3A_25 : memref<!tpu.dma_semaphore, #tpu.memory_space<semaphore_mem>>)
      %dma_wait3A = arith.constant 0 : i32
      %dma_wait3A_33 = arith.constant 0 : i32
      %dma_wait3A_34 = tpu.memref_slice %arg4[%run_scoped3A, %arg1, %dma_wait3A, %dma_wait3A_33] : memref<2x16x250x80xi32, #tpu.memory_space<hbm>> -> memref<1x1x250x80xi32, #tpu.memory_space<hbm>>
      %dma_wait3A_35 = tpu.memref_squeeze %dma_wait3A_34 : memref<1x1x250x80xi32, #tpu.memory_space<hbm>> -> memref<250x80xi32, #tpu.memory_space<hbm>>
      %dma_wait3A_36 = arith.constant 0 : i32
      %dma_wait3A_37 = arith.constant 0 : i32
      %dma_wait3A_38 = tpu.memref_slice %arg4[%run_scoped3A, %arg1, %dma_wait3A_36, %dma_wait3A_37] : memref<2x16x250x80xi32, #tpu.memory_space<hbm>> -> memref<1x1x250x80xi32, #tpu.memory_space<hbm>>
      %dma_wait3A_39 = tpu.memref_squeeze %dma_wait3A_38 : memref<1x1x250x80xi32, #tpu.memory_space<hbm>> -> memref<250x80xi32, #tpu.memory_space<hbm>>
      tpu.wait_dma2 semaphore(%run_scoped3A_25 : memref<!tpu.dma_semaphore, #tpu.memory_space<semaphore_mem>>) src(%dma_wait3A_39 : memref<250x80xi32, #tpu.memory_space<hbm>>) dst(%arg6 : memref<250x80xi32, #tpu.memory_space<vmem>>)
      tpu.yield
    }) : () -> ()
    %run_scoped3A_13 = arith.constant 1 : i32
    "tpu.region"() ({
      %run_scoped3A_25 = tpu.sem_alloc : memref<!tpu.dma_semaphore, #tpu.memory_space<semaphore_mem>>
      %dma_start3A = arith.constant 0 : i32
      %dma_start3A_26 = arith.constant 0 : i32
      %dma_start3A_27 = tpu.memref_slice %arg4[%run_scoped3A_13, %arg1, %dma_start3A, %dma_start3A_26] : memref<2x16x250x80xi32, #tpu.memory_space<hbm>> -> memref<1x1x250x80xi32, #tpu.memory_space<hbm>>
      %dma_start3A_28 = tpu.memref_squeeze %dma_start3A_27 : memref<1x1x250x80xi32, #tpu.memory_space<hbm>> -> memref<250x80xi32, #tpu.memory_space<hbm>>
      %dma_start3A_29 = arith.constant 0 : i32
      %dma_start3A_30 = arith.constant 0 : i32
      %dma_start3A_31 = tpu.memref_slice %arg4[%run_scoped3A_13, %arg1, %dma_start3A_29, %dma_start3A_30] : memref<2x16x250x80xi32, #tpu.memory_space<hbm>> -> memref<1x1x250x80xi32, #tpu.memory_space<hbm>>
      %dma_start3A_32 = tpu.memref_squeeze %dma_start3A_31 : memref<1x1x250x80xi32, #tpu.memory_space<hbm>> -> memref<250x80xi32, #tpu.memory_space<hbm>>
      tpu.enqueue_dma source(%dma_start3A_32 : memref<250x80xi32, #tpu.memory_space<hbm>>) target(%arg7 : memref<250x80xi32, #tpu.memory_space<vmem>>) target_semaphore(%run_scoped3A_25 : memref<!tpu.dma_semaphore, #tpu.memory_space<semaphore_mem>>)
      %dma_wait3A = arith.constant 0 : i32
      %dma_wait3A_33 = arith.constant 0 : i32
      %dma_wait3A_34 = tpu.memref_slice %arg4[%run_scoped3A_13, %arg1, %dma_wait3A, %dma_wait3A_33] : memref<2x16x250x80xi32, #tpu.memory_space<hbm>> -> memref<1x1x250x80xi32, #tpu.memory_space<hbm>>
      %dma_wait3A_35 = tpu.memref_squeeze %dma_wait3A_34 : memref<1x1x250x80xi32, #tpu.memory_space<hbm>> -> memref<250x80xi32, #tpu.memory_space<hbm>>
      %dma_wait3A_36 = arith.constant 0 : i32
      %dma_wait3A_37 = arith.constant 0 : i32
      %dma_wait3A_38 = tpu.memref_slice %arg4[%run_scoped3A_13, %arg1, %dma_wait3A_36, %dma_wait3A_37] : memref<2x16x250x80xi32, #tpu.memory_space<hbm>> -> memref<1x1x250x80xi32, #tpu.memory_space<hbm>>
      %dma_wait3A_39 = tpu.memref_squeeze %dma_wait3A_38 : memref<1x1x250x80xi32, #tpu.memory_space<hbm>> -> memref<250x80xi32, #tpu.memory_space<hbm>>
      tpu.wait_dma2 semaphore(%run_scoped3A_25 : memref<!tpu.dma_semaphore, #tpu.memory_space<semaphore_mem>>) src(%dma_wait3A_39 : memref<250x80xi32, #tpu.memory_space<hbm>>) dst(%arg7 : memref<250x80xi32, #tpu.memory_space<vmem>>)
      tpu.yield
    }) : () -> ()
    %barrier3A = arith.constant 0 : index
    tpu.barrier barrier_id(%barrier3A)
    %eq3A = arith.constant 0 : i32
    %eq3A_14 = arith.cmpi eq, %arg0, %eq3A : i32
    %convert_element_type3A = arith.extui %eq3A_14 : i1 to i32
    %cond3A = arith.constant 0 : i32
    %cond3A_15 = arith.cmpi ne, %convert_element_type3A, %cond3A : i32
    scf.if %cond3A_15 {
      %dma_start3A = arith.constant 0 : i32
      %dma_start3A_25 = arith.constant 0 : i32
      %dma_start3A_26 = arith.constant 0 : i32
      %dma_start3A_27 = arith.constant 0 : i32
      %dma_start3A_28 = tpu.memref_slice %arg8[%dma_start3A_25, %dma_start3A_26, %dma_start3A_27] : memref<8x80x64xf32, #tpu.memory_space<vmem>> -> memref<1x80x64xf32, #tpu.memory_space<vmem>>
      %dma_start3A_29 = tpu.memref_squeeze %dma_start3A_28 : memref<1x80x64xf32, #tpu.memory_space<vmem>> -> memref<80x64xf32, #tpu.memory_space<vmem>>
      %dma_start3A_30 = arith.constant 0 : i32
      %dma_start3A_31 = tpu.memref_slice %arg6[%dma_start3A, %dma_start3A_30] : memref<250x80xi32, #tpu.memory_space<vmem>> -> memref<1x80xi32, #tpu.memory_space<vmem>>
      %dma_start3A_32 = tpu.memref_squeeze %dma_start3A_31 : memref<1x80xi32, #tpu.memory_space<vmem>> -> memref<80xi32, #tpu.memory_space<vmem>>
      %dma_start3A_33 = arith.constant 0 : i32
      %dma_start3A_34 = arith.constant 0 : i32
      %dma_start3A_35 = tpu.memref_slice %arg2[%dma_start3A_33, %dma_start3A_34] : memref<10000x64xf32, #tpu.memory_space<hbm>> -> memref<10000x64xf32, #tpu.memory_space<hbm>>
      tpu.enqueue_indirect_dma source(%dma_start3A_35 : memref<10000x64xf32, #tpu.memory_space<hbm>>) target(%dma_start3A_29 : memref<80x64xf32, #tpu.memory_space<vmem>>) offsets(%dma_start3A_32 : memref<80xi32, #tpu.memory_space<vmem>>) semaphore(%arg11 : memref<!tpu.dma_semaphore, #tpu.memory_space<semaphore_mem>>)
      %dma_start3A_36 = arith.constant 1 : i32
      %dma_start3A_37 = arith.constant 1 : i32
      %dma_start3A_38 = arith.constant 0 : i32
      %dma_start3A_39 = arith.constant 0 : i32
      %dma_start3A_40 = tpu.memref_slice %arg8[%dma_start3A_37, %dma_start3A_38, %dma_start3A_39] : memref<8x80x64xf32, #tpu.memory_space<vmem>> -> memref<1x80x64xf32, #tpu.memory_space<vmem>>
      %dma_start3A_41 = tpu.memref_squeeze %dma_start3A_40 : memref<1x80x64xf32, #tpu.memory_space<vmem>> -> memref<80x64xf32, #tpu.memory_space<vmem>>
      %dma_start3A_42 = arith.constant 0 : i32
      %dma_start3A_43 = tpu.memref_slice %arg6[%dma_start3A_36, %dma_start3A_42] : memref<250x80xi32, #tpu.memory_space<vmem>> -> memref<1x80xi32, #tpu.memory_space<vmem>>
      %dma_start3A_44 = tpu.memref_squeeze %dma_start3A_43 : memref<1x80xi32, #tpu.memory_space<vmem>> -> memref<80xi32, #tpu.memory_space<vmem>>
      %dma_start3A_45 = arith.constant 0 : i32
      %dma_start3A_46 = arith.constant 0 : i32
      %dma_start3A_47 = tpu.memref_slice %arg2[%dma_start3A_45, %dma_start3A_46] : memref<10000x64xf32, #tpu.memory_space<hbm>> -> memref<10000x64xf32, #tpu.memory_space<hbm>>
      tpu.enqueue_indirect_dma source(%dma_start3A_47 : memref<10000x64xf32, #tpu.memory_space<hbm>>) target(%dma_start3A_41 : memref<80x64xf32, #tpu.memory_space<vmem>>) offsets(%dma_start3A_44 : memref<80xi32, #tpu.memory_space<vmem>>) semaphore(%arg11 : memref<!tpu.dma_semaphore, #tpu.memory_space<semaphore_mem>>)
      %dma_start3A_48 = arith.constant 2 : i32
      %dma_start3A_49 = arith.constant 2 : i32
      %dma_start3A_50 = arith.constant 0 : i32
      %dma_start3A_51 = arith.constant 0 : i32
      %dma_start3A_52 = tpu.memref_slice %arg8[%dma_start3A_49, %dma_start3A_50, %dma_start3A_51] : memref<8x80x64xf32, #tpu.memory_space<vmem>> -> memref<1x80x64xf32, #tpu.memory_space<vmem>>
      %dma_start3A_53 = tpu.memref_squeeze %dma_start3A_52 : memref<1x80x64xf32, #tpu.memory_space<vmem>> -> memref<80x64xf32, #tpu.memory_space<vmem>>
      %dma_start3A_54 = arith.constant 0 : i32
      %dma_start3A_55 = tpu.memref_slice %arg6[%dma_start3A_48, %dma_start3A_54] : memref<250x80xi32, #tpu.memory_space<vmem>> -> memref<1x80xi32, #tpu.memory_space<vmem>>
      %dma_start3A_56 = tpu.memref_squeeze %dma_start3A_55 : memref<1x80xi32, #tpu.memory_space<vmem>> -> memref<80xi32, #tpu.memory_space<vmem>>
      %dma_start3A_57 = arith.constant 0 : i32
      %dma_start3A_58 = arith.constant 0 : i32
      %dma_start3A_59 = tpu.memref_slice %arg2[%dma_start3A_57, %dma_start3A_58] : memref<10000x64xf32, #tpu.memory_space<hbm>> -> memref<10000x64xf32, #tpu.memory_space<hbm>>
      tpu.enqueue_indirect_dma source(%dma_start3A_59 : memref<10000x64xf32, #tpu.memory_space<hbm>>) target(%dma_start3A_53 : memref<80x64xf32, #tpu.memory_space<vmem>>) offsets(%dma_start3A_56 : memref<80xi32, #tpu.memory_space<vmem>>) semaphore(%arg11 : memref<!tpu.dma_semaphore, #tpu.memory_space<semaphore_mem>>)
      %dma_start3A_60 = arith.constant 3 : i32
      %dma_start3A_61 = arith.constant 3 : i32
      %dma_start3A_62 = arith.constant 0 : i32
      %dma_start3A_63 = arith.constant 0 : i32
      %dma_start3A_64 = tpu.memref_slice %arg8[%dma_start3A_61, %dma_start3A_62, %dma_start3A_63] : memref<8x80x64xf32, #tpu.memory_space<vmem>> -> memref<1x80x64xf32, #tpu.memory_space<vmem>>
      %dma_start3A_65 = tpu.memref_squeeze %dma_start3A_64 : memref<1x80x64xf32, #tpu.memory_space<vmem>> -> memref<80x64xf32, #tpu.memory_space<vmem>>
      %dma_start3A_66 = arith.constant 0 : i32
      %dma_start3A_67 = tpu.memref_slice %arg6[%dma_start3A_60, %dma_start3A_66] : memref<250x80xi32, #tpu.memory_space<vmem>> -> memref<1x80xi32, #tpu.memory_space<vmem>>
      %dma_start3A_68 = tpu.memref_squeeze %dma_start3A_67 : memref<1x80xi32, #tpu.memory_space<vmem>> -> memref<80xi32, #tpu.memory_space<vmem>>
      %dma_start3A_69 = arith.constant 0 : i32
      %dma_start3A_70 = arith.constant 0 : i32
      %dma_start3A_71 = tpu.memref_slice %arg2[%dma_start3A_69, %dma_start3A_70] : memref<10000x64xf32, #tpu.memory_space<hbm>> -> memref<10000x64xf32, #tpu.memory_space<hbm>>
      tpu.enqueue_indirect_dma source(%dma_start3A_71 : memref<10000x64xf32, #tpu.memory_space<hbm>>) target(%dma_start3A_65 : memref<80x64xf32, #tpu.memory_space<vmem>>) offsets(%dma_start3A_68 : memref<80xi32, #tpu.memory_space<vmem>>) semaphore(%arg11 : memref<!tpu.dma_semaphore, #tpu.memory_space<semaphore_mem>>)
      %dma_start3A_72 = arith.constant 4 : i32
      %dma_start3A_73 = arith.constant 4 : i32
      %dma_start3A_74 = arith.constant 0 : i32
      %dma_start3A_75 = arith.constant 0 : i32
      %dma_start3A_76 = tpu.memref_slice %arg8[%dma_start3A_73, %dma_start3A_74, %dma_start3A_75] : memref<8x80x64xf32, #tpu.memory_space<vmem>> -> memref<1x80x64xf32, #tpu.memory_space<vmem>>
      %dma_start3A_77 = tpu.memref_squeeze %dma_start3A_76 : memref<1x80x64xf32, #tpu.memory_space<vmem>> -> memref<80x64xf32, #tpu.memory_space<vmem>>
      %dma_start3A_78 = arith.constant 0 : i32
      %dma_start3A_79 = tpu.memref_slice %arg6[%dma_start3A_72, %dma_start3A_78] : memref<250x80xi32, #tpu.memory_space<vmem>> -> memref<1x80xi32, #tpu.memory_space<vmem>>
      %dma_start3A_80 = tpu.memref_squeeze %dma_start3A_79 : memref<1x80xi32, #tpu.memory_space<vmem>> -> memref<80xi32, #tpu.memory_space<vmem>>
      %dma_start3A_81 = arith.constant 0 : i32
      %dma_start3A_82 = arith.constant 0 : i32
      %dma_start3A_83 = tpu.memref_slice %arg2[%dma_start3A_81, %dma_start3A_82] : memref<10000x64xf32, #tpu.memory_space<hbm>> -> memref<10000x64xf32, #tpu.memory_space<hbm>>
      tpu.enqueue_indirect_dma source(%dma_start3A_83 : memref<10000x64xf32, #tpu.memory_space<hbm>>) target(%dma_start3A_77 : memref<80x64xf32, #tpu.memory_space<vmem>>) offsets(%dma_start3A_80 : memref<80xi32, #tpu.memory_space<vmem>>) semaphore(%arg11 : memref<!tpu.dma_semaphore, #tpu.memory_space<semaphore_mem>>)
      %dma_start3A_84 = arith.constant 5 : i32
      %dma_start3A_85 = arith.constant 5 : i32
      %dma_start3A_86 = arith.constant 0 : i32
      %dma_start3A_87 = arith.constant 0 : i32
      %dma_start3A_88 = tpu.memref_slice %arg8[%dma_start3A_85, %dma_start3A_86, %dma_start3A_87] : memref<8x80x64xf32, #tpu.memory_space<vmem>> -> memref<1x80x64xf32, #tpu.memory_space<vmem>>
      %dma_start3A_89 = tpu.memref_squeeze %dma_start3A_88 : memref<1x80x64xf32, #tpu.memory_space<vmem>> -> memref<80x64xf32, #tpu.memory_space<vmem>>
      %dma_start3A_90 = arith.constant 0 : i32
      %dma_start3A_91 = tpu.memref_slice %arg6[%dma_start3A_84, %dma_start3A_90] : memref<250x80xi32, #tpu.memory_space<vmem>> -> memref<1x80xi32, #tpu.memory_space<vmem>>
      %dma_start3A_92 = tpu.memref_squeeze %dma_start3A_91 : memref<1x80xi32, #tpu.memory_space<vmem>> -> memref<80xi32, #tpu.memory_space<vmem>>
      %dma_start3A_93 = arith.constant 0 : i32
      %dma_start3A_94 = arith.constant 0 : i32
      %dma_start3A_95 = tpu.memref_slice %arg2[%dma_start3A_93, %dma_start3A_94] : memref<10000x64xf32, #tpu.memory_space<hbm>> -> memref<10000x64xf32, #tpu.memory_space<hbm>>
      tpu.enqueue_indirect_dma source(%dma_start3A_95 : memref<10000x64xf32, #tpu.memory_space<hbm>>) target(%dma_start3A_89 : memref<80x64xf32, #tpu.memory_space<vmem>>) offsets(%dma_start3A_92 : memref<80xi32, #tpu.memory_space<vmem>>) semaphore(%arg11 : memref<!tpu.dma_semaphore, #tpu.memory_space<semaphore_mem>>)
      %dma_start3A_96 = arith.constant 6 : i32
      %dma_start3A_97 = arith.constant 6 : i32
      %dma_start3A_98 = arith.constant 0 : i32
      %dma_start3A_99 = arith.constant 0 : i32
      %dma_start3A_100 = tpu.memref_slice %arg8[%dma_start3A_97, %dma_start3A_98, %dma_start3A_99] : memref<8x80x64xf32, #tpu.memory_space<vmem>> -> memref<1x80x64xf32, #tpu.memory_space<vmem>>
      %dma_start3A_101 = tpu.memref_squeeze %dma_start3A_100 : memref<1x80x64xf32, #tpu.memory_space<vmem>> -> memref<80x64xf32, #tpu.memory_space<vmem>>
      %dma_start3A_102 = arith.constant 0 : i32
      %dma_start3A_103 = tpu.memref_slice %arg6[%dma_start3A_96, %dma_start3A_102] : memref<250x80xi32, #tpu.memory_space<vmem>> -> memref<1x80xi32, #tpu.memory_space<vmem>>
      %dma_start3A_104 = tpu.memref_squeeze %dma_start3A_103 : memref<1x80xi32, #tpu.memory_space<vmem>> -> memref<80xi32, #tpu.memory_space<vmem>>
      %dma_start3A_105 = arith.constant 0 : i32
      %dma_start3A_106 = arith.constant 0 : i32
      %dma_start3A_107 = tpu.memref_slice %arg2[%dma_start3A_105, %dma_start3A_106] : memref<10000x64xf32, #tpu.memory_space<hbm>> -> memref<10000x64xf32, #tpu.memory_space<hbm>>
      tpu.enqueue_indirect_dma source(%dma_start3A_107 : memref<10000x64xf32, #tpu.memory_space<hbm>>) target(%dma_start3A_101 : memref<80x64xf32, #tpu.memory_space<vmem>>) offsets(%dma_start3A_104 : memref<80xi32, #tpu.memory_space<vmem>>) semaphore(%arg11 : memref<!tpu.dma_semaphore, #tpu.memory_space<semaphore_mem>>)
      %dma_start3A_108 = arith.constant 7 : i32
      %dma_start3A_109 = arith.constant 7 : i32
      %dma_start3A_110 = arith.constant 0 : i32
      %dma_start3A_111 = arith.constant 0 : i32
      %dma_start3A_112 = tpu.memref_slice %arg8[%dma_start3A_109, %dma_start3A_110, %dma_start3A_111] : memref<8x80x64xf32, #tpu.memory_space<vmem>> -> memref<1x80x64xf32, #tpu.memory_space<vmem>>
      %dma_start3A_113 = tpu.memref_squeeze %dma_start3A_112 : memref<1x80x64xf32, #tpu.memory_space<vmem>> -> memref<80x64xf32, #tpu.memory_space<vmem>>
      %dma_start3A_114 = arith.constant 0 : i32
      %dma_start3A_115 = tpu.memref_slice %arg6[%dma_start3A_108, %dma_start3A_114] : memref<250x80xi32, #tpu.memory_space<vmem>> -> memref<1x80xi32, #tpu.memory_space<vmem>>
      %dma_start3A_116 = tpu.memref_squeeze %dma_start3A_115 : memref<1x80xi32, #tpu.memory_space<vmem>> -> memref<80xi32, #tpu.memory_space<vmem>>
      %dma_start3A_117 = arith.constant 0 : i32
      %dma_start3A_118 = arith.constant 0 : i32
      %dma_start3A_119 = tpu.memref_slice %arg2[%dma_start3A_117, %dma_start3A_118] : memref<10000x64xf32, #tpu.memory_space<hbm>> -> memref<10000x64xf32, #tpu.memory_space<hbm>>
      tpu.enqueue_indirect_dma source(%dma_start3A_119 : memref<10000x64xf32, #tpu.memory_space<hbm>>) target(%dma_start3A_113 : memref<80x64xf32, #tpu.memory_space<vmem>>) offsets(%dma_start3A_116 : memref<80xi32, #tpu.memory_space<vmem>>) semaphore(%arg11 : memref<!tpu.dma_semaphore, #tpu.memory_space<semaphore_mem>>)
      %scan3A_120 = arith.constant 0 : i32
      %scan3A_121 = arith.constant 0 : i32
      %scan3A_122 = arith.constant 60 : i32
      %scan3A_123 = arith.addi %scan3A_121, %scan3A_122 : i32
      %scan3A_124 = arith.constant 1 : i32
      %scan3A_125 = scf.for %scan3A_466 = %scan3A_121 to %scan3A_123 step %scan3A_124 iter_args(%scan3A_467 = %scan3A_120) -> (i32)  : i32 {
        %jit3A = arith.constant 2 : i32
        %eq3A_468 = arith.constant 0 : i32
        %eq3A_469 = arith.cmpi eq, %jit3A, %eq3A_468 : i32
        %jit3A_470 = arith.constant 1 : i32
        %select_n3A = arith.select %eq3A_469, %jit3A_470, %jit3A : i32
        %rem3A = arith.remsi %scan3A_466, %select_n3A : i32
        %ne3A = arith.constant 0 : i32
        %ne3A_471 = arith.cmpi ne, %rem3A, %ne3A : i32
        %lt3A = arith.constant 0 : i32
        %lt3A_472 = arith.cmpi slt, %rem3A, %lt3A : i32
        %lt3A_473 = arith.constant 0 : i32
        %lt3A_474 = arith.cmpi slt, %select_n3A, %lt3A_473 : i32
        %ne3A_475 = arith.xori %lt3A_472, %lt3A_474 : i1
        %and3A = arith.andi %ne3A_475, %ne3A_471 : i1
        %add3A = arith.addi %rem3A, %select_n3A : i32
        %select_n3A_476 = arith.select %and3A, %add3A, %rem3A : i32
        %mul3A_477 = arith.constant 4 : i32
        %mul3A_478 = arith.muli %select_n3A_476, %mul3A_477 : i32
        %add3A_479 = arith.constant 0 : i32
        %add3A_480 = arith.addi %mul3A_478, %add3A_479 : i32
        %dma_wait3A_481 = arith.constant 0 : i32
        %dma_wait3A_482 = arith.constant 0 : i32
        %dma_wait3A_483 = arith.constant 0 : i32
        %dma_wait3A_484 = tpu.memref_slice %arg8[%add3A_480, %dma_wait3A_482, %dma_wait3A_483] : memref<8x80x64xf32, #tpu.memory_space<vmem>> -> memref<1x80x64xf32, #tpu.memory_space<vmem>>
        %dma_wait3A_485 = tpu.memref_squeeze %dma_wait3A_484 : memref<1x80x64xf32, #tpu.memory_space<vmem>> -> memref<80x64xf32, #tpu.memory_space<vmem>>
        %dma_wait3A_486 = arith.constant 0 : i32
        %dma_wait3A_487 = tpu.memref_slice %arg6[%dma_wait3A_481, %dma_wait3A_486] : memref<250x80xi32, #tpu.memory_space<vmem>> -> memref<1x80xi32, #tpu.memory_space<vmem>>
        %dma_wait3A_488 = tpu.memref_squeeze %dma_wait3A_487 : memref<1x80xi32, #tpu.memory_space<vmem>> -> memref<80xi32, #tpu.memory_space<vmem>>
        %dma_wait3A_489 = arith.constant 0 : i32
        %dma_wait3A_490 = arith.constant 0 : i32
        %dma_wait3A_491 = tpu.memref_slice %arg2[%dma_wait3A_489, %dma_wait3A_490] : memref<10000x64xf32, #tpu.memory_space<hbm>> -> memref<10000x64xf32, #tpu.memory_space<hbm>>
        tpu.wait_indirect_dma semaphore(%arg11 : memref<!tpu.dma_semaphore, #tpu.memory_space<semaphore_mem>>) src(%dma_wait3A_491 : memref<10000x64xf32, #tpu.memory_space<hbm>>) dst(%dma_wait3A_485 : memref<80x64xf32, #tpu.memory_space<vmem>>)
        %add3A_492 = arith.constant 1 : i32
        %add3A_493 = arith.addi %mul3A_478, %add3A_492 : i32
        %dma_wait3A_494 = arith.constant 0 : i32
        %dma_wait3A_495 = arith.constant 0 : i32
        %dma_wait3A_496 = arith.constant 0 : i32
        %dma_wait3A_497 = tpu.memref_slice %arg8[%add3A_493, %dma_wait3A_495, %dma_wait3A_496] : memref<8x80x64xf32, #tpu.memory_space<vmem>> -> memref<1x80x64xf32, #tpu.memory_space<vmem>>
        %dma_wait3A_498 = tpu.memref_squeeze %dma_wait3A_497 : memref<1x80x64xf32, #tpu.memory_space<vmem>> -> memref<80x64xf32, #tpu.memory_space<vmem>>
        %dma_wait3A_499 = arith.constant 0 : i32
        %dma_wait3A_500 = tpu.memref_slice %arg6[%dma_wait3A_494, %dma_wait3A_499] : memref<250x80xi32, #tpu.memory_space<vmem>> -> memref<1x80xi32, #tpu.memory_space<vmem>>
        %dma_wait3A_501 = tpu.memref_squeeze %dma_wait3A_500 : memref<1x80xi32, #tpu.memory_space<vmem>> -> memref<80xi32, #tpu.memory_space<vmem>>
        %dma_wait3A_502 = arith.constant 0 : i32
        %dma_wait3A_503 = arith.constant 0 : i32
        %dma_wait3A_504 = tpu.memref_slice %arg2[%dma_wait3A_502, %dma_wait3A_503] : memref<10000x64xf32, #tpu.memory_space<hbm>> -> memref<10000x64xf32, #tpu.memory_space<hbm>>
        tpu.wait_indirect_dma semaphore(%arg11 : memref<!tpu.dma_semaphore, #tpu.memory_space<semaphore_mem>>) src(%dma_wait3A_504 : memref<10000x64xf32, #tpu.memory_space<hbm>>) dst(%dma_wait3A_498 : memref<80x64xf32, #tpu.memory_space<vmem>>)
        %add3A_505 = arith.constant 2 : i32
        %add3A_506 = arith.addi %mul3A_478, %add3A_505 : i32
        %dma_wait3A_507 = arith.constant 0 : i32
        %dma_wait3A_508 = arith.constant 0 : i32
        %dma_wait3A_509 = arith.constant 0 : i32
        %dma_wait3A_510 = tpu.memref_slice %arg8[%add3A_506, %dma_wait3A_508, %dma_wait3A_509] : memref<8x80x64xf32, #tpu.memory_space<vmem>> -> memref<1x80x64xf32, #tpu.memory_space<vmem>>
        %dma_wait3A_511 = tpu.memref_squeeze %dma_wait3A_510 : memref<1x80x64xf32, #tpu.memory_space<vmem>> -> memref<80x64xf32, #tpu.memory_space<vmem>>
        %dma_wait3A_512 = arith.constant 0 : i32
        %dma_wait3A_513 = tpu.memref_slice %arg6[%dma_wait3A_507, %dma_wait3A_512] : memref<250x80xi32, #tpu.memory_space<vmem>> -> memref<1x80xi32, #tpu.memory_space<vmem>>
        %dma_wait3A_514 = tpu.memref_squeeze %dma_wait3A_513 : memref<1x80xi32, #tpu.memory_space<vmem>> -> memref<80xi32, #tpu.memory_space<vmem>>
        %dma_wait3A_515 = arith.constant 0 : i32
        %dma_wait3A_516 = arith.constant 0 : i32
        %dma_wait3A_517 = tpu.memref_slice %arg2[%dma_wait3A_515, %dma_wait3A_516] : memref<10000x64xf32, #tpu.memory_space<hbm>> -> memref<10000x64xf32, #tpu.memory_space<hbm>>
        tpu.wait_indirect_dma semaphore(%arg11 : memref<!tpu.dma_semaphore, #tpu.memory_space<semaphore_mem>>) src(%dma_wait3A_517 : memref<10000x64xf32, #tpu.memory_space<hbm>>) dst(%dma_wait3A_511 : memref<80x64xf32, #tpu.memory_space<vmem>>)
        %add3A_518 = arith.constant 3 : i32
        %add3A_519 = arith.addi %mul3A_478, %add3A_518 : i32
        %dma_wait3A_520 = arith.constant 0 : i32
        %dma_wait3A_521 = arith.constant 0 : i32
        %dma_wait3A_522 = arith.constant 0 : i32
        %dma_wait3A_523 = tpu.memref_slice %arg8[%add3A_519, %dma_wait3A_521, %dma_wait3A_522] : memref<8x80x64xf32, #tpu.memory_space<vmem>> -> memref<1x80x64xf32, #tpu.memory_space<vmem>>
        %dma_wait3A_524 = tpu.memref_squeeze %dma_wait3A_523 : memref<1x80x64xf32, #tpu.memory_space<vmem>> -> memref<80x64xf32, #tpu.memory_space<vmem>>
        %dma_wait3A_525 = arith.constant 0 : i32
        %dma_wait3A_526 = tpu.memref_slice %arg6[%dma_wait3A_520, %dma_wait3A_525] : memref<250x80xi32, #tpu.memory_space<vmem>> -> memref<1x80xi32, #tpu.memory_space<vmem>>
        %dma_wait3A_527 = tpu.memref_squeeze %dma_wait3A_526 : memref<1x80xi32, #tpu.memory_space<vmem>> -> memref<80xi32, #tpu.memory_space<vmem>>
        %dma_wait3A_528 = arith.constant 0 : i32
        %dma_wait3A_529 = arith.constant 0 : i32
        %dma_wait3A_530 = tpu.memref_slice %arg2[%dma_wait3A_528, %dma_wait3A_529] : memref<10000x64xf32, #tpu.memory_space<hbm>> -> memref<10000x64xf32, #tpu.memory_space<hbm>>
        tpu.wait_indirect_dma semaphore(%arg11 : memref<!tpu.dma_semaphore, #tpu.memory_space<semaphore_mem>>) src(%dma_wait3A_530 : memref<10000x64xf32, #tpu.memory_space<hbm>>) dst(%dma_wait3A_524 : memref<80x64xf32, #tpu.memory_space<vmem>>)
        %add3A_531 = arith.constant 0 : i32
        %add3A_532 = arith.addi %mul3A_478, %add3A_531 : i32
        %mul3A_533 = arith.constant 4 : i32
        %mul3A_534 = arith.muli %scan3A_466, %mul3A_533 : i32
        %add3A_535 = arith.constant 0 : i32
        %add3A_536 = arith.addi %mul3A_534, %add3A_535 : i32
        %dma_start3A_537 = arith.constant 0 : i32
        %dma_start3A_538 = arith.constant 0 : i32
        %dma_start3A_539 = tpu.memref_slice %arg8[%add3A_532, %dma_start3A_537, %dma_start3A_538] : memref<8x80x64xf32, #tpu.memory_space<vmem>> -> memref<1x80x64xf32, #tpu.memory_space<vmem>>
        %dma_start3A_540 = tpu.memref_squeeze %dma_start3A_539 : memref<1x80x64xf32, #tpu.memory_space<vmem>> -> memref<80x64xf32, #tpu.memory_space<vmem>>
        %dma_start3A_541 = arith.constant 0 : i32
        %dma_start3A_542 = tpu.memref_slice %arg7[%add3A_536, %dma_start3A_541] : memref<250x80xi32, #tpu.memory_space<vmem>> -> memref<1x80xi32, #tpu.memory_space<vmem>>
        %dma_start3A_543 = tpu.memref_squeeze %dma_start3A_542 : memref<1x80xi32, #tpu.memory_space<vmem>> -> memref<80xi32, #tpu.memory_space<vmem>>
        %dma_start3A_544 = arith.constant 0 : i32
        %dma_start3A_545 = arith.constant 0 : i32
        %dma_start3A_546 = tpu.memref_slice %arg10[%dma_start3A_544, %dma_start3A_545] : memref<10240x64xf32, #tpu.memory_space<vmem_shared>> -> memref<10240x64xf32, #tpu.memory_space<vmem_shared>>
        tpu.enqueue_indirect_dma source(%dma_start3A_540 : memref<80x64xf32, #tpu.memory_space<vmem>>) target(%dma_start3A_546 : memref<10240x64xf32, #tpu.memory_space<vmem_shared>>) offsets(%dma_start3A_543 : memref<80xi32, #tpu.memory_space<vmem>>) semaphore(%arg12 : memref<!tpu.dma_semaphore, #tpu.memory_space<semaphore_mem>>) {add = true}
        %add3A_547 = arith.constant 1 : i32
        %add3A_548 = arith.addi %mul3A_478, %add3A_547 : i32
        %mul3A_549 = arith.constant 4 : i32
        %mul3A_550 = arith.muli %scan3A_466, %mul3A_549 : i32
        %add3A_551 = arith.constant 1 : i32
        %add3A_552 = arith.addi %mul3A_550, %add3A_551 : i32
        %dma_start3A_553 = arith.constant 0 : i32
        %dma_start3A_554 = arith.constant 0 : i32
        %dma_start3A_555 = tpu.memref_slice %arg8[%add3A_548, %dma_start3A_553, %dma_start3A_554] : memref<8x80x64xf32, #tpu.memory_space<vmem>> -> memref<1x80x64xf32, #tpu.memory_space<vmem>>
        %dma_start3A_556 = tpu.memref_squeeze %dma_start3A_555 : memref<1x80x64xf32, #tpu.memory_space<vmem>> -> memref<80x64xf32, #tpu.memory_space<vmem>>
        %dma_start3A_557 = arith.constant 0 : i32
        %dma_start3A_558 = tpu.memref_slice %arg7[%add3A_552, %dma_start3A_557] : memref<250x80xi32, #tpu.memory_space<vmem>> -> memref<1x80xi32, #tpu.memory_space<vmem>>
        %dma_start3A_559 = tpu.memref_squeeze %dma_start3A_558 : memref<1x80xi32, #tpu.memory_space<vmem>> -> memref<80xi32, #tpu.memory_space<vmem>>
        %dma_start3A_560 = arith.constant 0 : i32
        %dma_start3A_561 = arith.constant 0 : i32
        %dma_start3A_562 = tpu.memref_slice %arg10[%dma_start3A_560, %dma_start3A_561] : memref<10240x64xf32, #tpu.memory_space<vmem_shared>> -> memref<10240x64xf32, #tpu.memory_space<vmem_shared>>
        tpu.enqueue_indirect_dma source(%dma_start3A_556 : memref<80x64xf32, #tpu.memory_space<vmem>>) target(%dma_start3A_562 : memref<10240x64xf32, #tpu.memory_space<vmem_shared>>) offsets(%dma_start3A_559 : memref<80xi32, #tpu.memory_space<vmem>>) semaphore(%arg12 : memref<!tpu.dma_semaphore, #tpu.memory_space<semaphore_mem>>) {add = true}
        %add3A_563 = arith.constant 2 : i32
        %add3A_564 = arith.addi %mul3A_478, %add3A_563 : i32
        %mul3A_565 = arith.constant 4 : i32
        %mul3A_566 = arith.muli %scan3A_466, %mul3A_565 : i32
        %add3A_567 = arith.constant 2 : i32
        %add3A_568 = arith.addi %mul3A_566, %add3A_567 : i32
        %dma_start3A_569 = arith.constant 0 : i32
        %dma_start3A_570 = arith.constant 0 : i32
        %dma_start3A_571 = tpu.memref_slice %arg8[%add3A_564, %dma_start3A_569, %dma_start3A_570] : memref<8x80x64xf32, #tpu.memory_space<vmem>> -> memref<1x80x64xf32, #tpu.memory_space<vmem>>
        %dma_start3A_572 = tpu.memref_squeeze %dma_start3A_571 : memref<1x80x64xf32, #tpu.memory_space<vmem>> -> memref<80x64xf32, #tpu.memory_space<vmem>>
        %dma_start3A_573 = arith.constant 0 : i32
        %dma_start3A_574 = tpu.memref_slice %arg7[%add3A_568, %dma_start3A_573] : memref<250x80xi32, #tpu.memory_space<vmem>> -> memref<1x80xi32, #tpu.memory_space<vmem>>
        %dma_start3A_575 = tpu.memref_squeeze %dma_start3A_574 : memref<1x80xi32, #tpu.memory_space<vmem>> -> memref<80xi32, #tpu.memory_space<vmem>>
        %dma_start3A_576 = arith.constant 0 : i32
        %dma_start3A_577 = arith.constant 0 : i32
        %dma_start3A_578 = tpu.memref_slice %arg10[%dma_start3A_576, %dma_start3A_577] : memref<10240x64xf32, #tpu.memory_space<vmem_shared>> -> memref<10240x64xf32, #tpu.memory_space<vmem_shared>>
        tpu.enqueue_indirect_dma source(%dma_start3A_572 : memref<80x64xf32, #tpu.memory_space<vmem>>) target(%dma_start3A_578 : memref<10240x64xf32, #tpu.memory_space<vmem_shared>>) offsets(%dma_start3A_575 : memref<80xi32, #tpu.memory_space<vmem>>) semaphore(%arg12 : memref<!tpu.dma_semaphore, #tpu.memory_space<semaphore_mem>>) {add = true}
        %add3A_579 = arith.constant 3 : i32
        %add3A_580 = arith.addi %mul3A_478, %add3A_579 : i32
        %mul3A_581 = arith.constant 4 : i32
        %mul3A_582 = arith.muli %scan3A_466, %mul3A_581 : i32
        %add3A_583 = arith.constant 3 : i32
        %add3A_584 = arith.addi %mul3A_582, %add3A_583 : i32
        %dma_start3A_585 = arith.constant 0 : i32
        %dma_start3A_586 = arith.constant 0 : i32
        %dma_start3A_587 = tpu.memref_slice %arg8[%add3A_580, %dma_start3A_585, %dma_start3A_586] : memref<8x80x64xf32, #tpu.memory_space<vmem>> -> memref<1x80x64xf32, #tpu.memory_space<vmem>>
        %dma_start3A_588 = tpu.memref_squeeze %dma_start3A_587 : memref<1x80x64xf32, #tpu.memory_space<vmem>> -> memref<80x64xf32, #tpu.memory_space<vmem>>
        %dma_start3A_589 = arith.constant 0 : i32
        %dma_start3A_590 = tpu.memref_slice %arg7[%add3A_584, %dma_start3A_589] : memref<250x80xi32, #tpu.memory_space<vmem>> -> memref<1x80xi32, #tpu.memory_space<vmem>>
        %dma_start3A_591 = tpu.memref_squeeze %dma_start3A_590 : memref<1x80xi32, #tpu.memory_space<vmem>> -> memref<80xi32, #tpu.memory_space<vmem>>
        %dma_start3A_592 = arith.constant 0 : i32
        %dma_start3A_593 = arith.constant 0 : i32
        %dma_start3A_594 = tpu.memref_slice %arg10[%dma_start3A_592, %dma_start3A_593] : memref<10240x64xf32, #tpu.memory_space<vmem_shared>> -> memref<10240x64xf32, #tpu.memory_space<vmem_shared>>
        tpu.enqueue_indirect_dma source(%dma_start3A_588 : memref<80x64xf32, #tpu.memory_space<vmem>>) target(%dma_start3A_594 : memref<10240x64xf32, #tpu.memory_space<vmem_shared>>) offsets(%dma_start3A_591 : memref<80xi32, #tpu.memory_space<vmem>>) semaphore(%arg12 : memref<!tpu.dma_semaphore, #tpu.memory_space<semaphore_mem>>) {add = true}
        %add3A_595 = arith.constant 0 : i32
        %add3A_596 = arith.addi %mul3A_478, %add3A_595 : i32
        %dma_wait3A_597 = arith.constant 0 : i32
        %dma_wait3A_598 = arith.constant 0 : i32
        %dma_wait3A_599 = arith.constant 0 : i32
        %dma_wait3A_600 = tpu.memref_slice %arg8[%add3A_596, %dma_wait3A_598, %dma_wait3A_599] : memref<8x80x64xf32, #tpu.memory_space<vmem>> -> memref<1x80x64xf32, #tpu.memory_space<vmem>>
        %dma_wait3A_601 = tpu.memref_squeeze %dma_wait3A_600 : memref<1x80x64xf32, #tpu.memory_space<vmem>> -> memref<80x64xf32, #tpu.memory_space<vmem>>
        %dma_wait3A_602 = arith.constant 0 : i32
        %dma_wait3A_603 = tpu.memref_slice %arg7[%dma_wait3A_597, %dma_wait3A_602] : memref<250x80xi32, #tpu.memory_space<vmem>> -> memref<1x80xi32, #tpu.memory_space<vmem>>
        %dma_wait3A_604 = tpu.memref_squeeze %dma_wait3A_603 : memref<1x80xi32, #tpu.memory_space<vmem>> -> memref<80xi32, #tpu.memory_space<vmem>>
        %dma_wait3A_605 = arith.constant 0 : i32
        %dma_wait3A_606 = arith.constant 0 : i32
        %dma_wait3A_607 = tpu.memref_slice %arg10[%dma_wait3A_605, %dma_wait3A_606] : memref<10240x64xf32, #tpu.memory_space<vmem_shared>> -> memref<10240x64xf32, #tpu.memory_space<vmem_shared>>
        tpu.wait_indirect_dma semaphore(%arg12 : memref<!tpu.dma_semaphore, #tpu.memory_space<semaphore_mem>>) src(%dma_wait3A_601 : memref<80x64xf32, #tpu.memory_space<vmem>>) dst(%dma_wait3A_607 : memref<10240x64xf32, #tpu.memory_space<vmem_shared>>)
        %add3A_608 = arith.constant 1 : i32
        %add3A_609 = arith.addi %mul3A_478, %add3A_608 : i32
        %dma_wait3A_610 = arith.constant 0 : i32
        %dma_wait3A_611 = arith.constant 0 : i32
        %dma_wait3A_612 = arith.constant 0 : i32
        %dma_wait3A_613 = tpu.memref_slice %arg8[%add3A_609, %dma_wait3A_611, %dma_wait3A_612] : memref<8x80x64xf32, #tpu.memory_space<vmem>> -> memref<1x80x64xf32, #tpu.memory_space<vmem>>
        %dma_wait3A_614 = tpu.memref_squeeze %dma_wait3A_613 : memref<1x80x64xf32, #tpu.memory_space<vmem>> -> memref<80x64xf32, #tpu.memory_space<vmem>>
        %dma_wait3A_615 = arith.constant 0 : i32
        %dma_wait3A_616 = tpu.memref_slice %arg7[%dma_wait3A_610, %dma_wait3A_615] : memref<250x80xi32, #tpu.memory_space<vmem>> -> memref<1x80xi32, #tpu.memory_space<vmem>>
        %dma_wait3A_617 = tpu.memref_squeeze %dma_wait3A_616 : memref<1x80xi32, #tpu.memory_space<vmem>> -> memref<80xi32, #tpu.memory_space<vmem>>
        %dma_wait3A_618 = arith.constant 0 : i32
        %dma_wait3A_619 = arith.constant 0 : i32
        %dma_wait3A_620 = tpu.memref_slice %arg10[%dma_wait3A_618, %dma_wait3A_619] : memref<10240x64xf32, #tpu.memory_space<vmem_shared>> -> memref<10240x64xf32, #tpu.memory_space<vmem_shared>>
        tpu.wait_indirect_dma semaphore(%arg12 : memref<!tpu.dma_semaphore, #tpu.memory_space<semaphore_mem>>) src(%dma_wait3A_614 : memref<80x64xf32, #tpu.memory_space<vmem>>) dst(%dma_wait3A_620 : memref<10240x64xf32, #tpu.memory_space<vmem_shared>>)
        %add3A_621 = arith.constant 2 : i32
        %add3A_622 = arith.addi %mul3A_478, %add3A_621 : i32
        %dma_wait3A_623 = arith.constant 0 : i32
        %dma_wait3A_624 = arith.constant 0 : i32
        %dma_wait3A_625 = arith.constant 0 : i32
        %dma_wait3A_626 = tpu.memref_slice %arg8[%add3A_622, %dma_wait3A_624, %dma_wait3A_625] : memref<8x80x64xf32, #tpu.memory_space<vmem>> -> memref<1x80x64xf32, #tpu.memory_space<vmem>>
        %dma_wait3A_627 = tpu.memref_squeeze %dma_wait3A_626 : memref<1x80x64xf32, #tpu.memory_space<vmem>> -> memref<80x64xf32, #tpu.memory_space<vmem>>
        %dma_wait3A_628 = arith.constant 0 : i32
        %dma_wait3A_629 = tpu.memref_slice %arg7[%dma_wait3A_623, %dma_wait3A_628] : memref<250x80xi32, #tpu.memory_space<vmem>> -> memref<1x80xi32, #tpu.memory_space<vmem>>
        %dma_wait3A_630 = tpu.memref_squeeze %dma_wait3A_629 : memref<1x80xi32, #tpu.memory_space<vmem>> -> memref<80xi32, #tpu.memory_space<vmem>>
        %dma_wait3A_631 = arith.constant 0 : i32
        %dma_wait3A_632 = arith.constant 0 : i32
        %dma_wait3A_633 = tpu.memref_slice %arg10[%dma_wait3A_631, %dma_wait3A_632] : memref<10240x64xf32, #tpu.memory_space<vmem_shared>> -> memref<10240x64xf32, #tpu.memory_space<vmem_shared>>
        tpu.wait_indirect_dma semaphore(%arg12 : memref<!tpu.dma_semaphore, #tpu.memory_space<semaphore_mem>>) src(%dma_wait3A_627 : memref<80x64xf32, #tpu.memory_space<vmem>>) dst(%dma_wait3A_633 : memref<10240x64xf32, #tpu.memory_space<vmem_shared>>)
        %add3A_634 = arith.constant 3 : i32
        %add3A_635 = arith.addi %mul3A_478, %add3A_634 : i32
        %dma_wait3A_636 = arith.constant 0 : i32
        %dma_wait3A_637 = arith.constant 0 : i32
        %dma_wait3A_638 = arith.constant 0 : i32
        %dma_wait3A_639 = tpu.memref_slice %arg8[%add3A_635, %dma_wait3A_637, %dma_wait3A_638] : memref<8x80x64xf32, #tpu.memory_space<vmem>> -> memref<1x80x64xf32, #tpu.memory_space<vmem>>
        %dma_wait3A_640 = tpu.memref_squeeze %dma_wait3A_639 : memref<1x80x64xf32, #tpu.memory_space<vmem>> -> memref<80x64xf32, #tpu.memory_space<vmem>>
        %dma_wait3A_641 = arith.constant 0 : i32
        %dma_wait3A_642 = tpu.memref_slice %arg7[%dma_wait3A_636, %dma_wait3A_641] : memref<250x80xi32, #tpu.memory_space<vmem>> -> memref<1x80xi32, #tpu.memory_space<vmem>>
        %dma_wait3A_643 = tpu.memref_squeeze %dma_wait3A_642 : memref<1x80xi32, #tpu.memory_space<vmem>> -> memref<80xi32, #tpu.memory_space<vmem>>
        %dma_wait3A_644 = arith.constant 0 : i32
        %dma_wait3A_645 = arith.constant 0 : i32
        %dma_wait3A_646 = tpu.memref_slice %arg10[%dma_wait3A_644, %dma_wait3A_645] : memref<10240x64xf32, #tpu.memory_space<vmem_shared>> -> memref<10240x64xf32, #tpu.memory_space<vmem_shared>>
        tpu.wait_indirect_dma semaphore(%arg12 : memref<!tpu.dma_semaphore, #tpu.memory_space<semaphore_mem>>) src(%dma_wait3A_640 : memref<80x64xf32, #tpu.memory_space<vmem>>) dst(%dma_wait3A_646 : memref<10240x64xf32, #tpu.memory_space<vmem_shared>>)
        %add3A_647 = arith.constant 2 : i32
        %add3A_648 = arith.addi %scan3A_466, %add3A_647 : i32
        %mul3A_649 = arith.constant 4 : i32
        %mul3A_650 = arith.muli %add3A_648, %mul3A_649 : i32
        %add3A_651 = arith.constant 0 : i32
        %add3A_652 = arith.addi %mul3A_650, %add3A_651 : i32
        %add3A_653 = arith.constant 0 : i32
        %add3A_654 = arith.addi %mul3A_478, %add3A_653 : i32
        %dma_start3A_655 = arith.constant 0 : i32
        %dma_start3A_656 = arith.constant 0 : i32
        %dma_start3A_657 = tpu.memref_slice %arg8[%add3A_654, %dma_start3A_655, %dma_start3A_656] : memref<8x80x64xf32, #tpu.memory_space<vmem>> -> memref<1x80x64xf32, #tpu.memory_space<vmem>>
        %dma_start3A_658 = tpu.memref_squeeze %dma_start3A_657 : memref<1x80x64xf32, #tpu.memory_space<vmem>> -> memref<80x64xf32, #tpu.memory_space<vmem>>
        %dma_start3A_659 = arith.constant 0 : i32
        %dma_start3A_660 = tpu.memref_slice %arg6[%add3A_652, %dma_start3A_659] : memref<250x80xi32, #tpu.memory_space<vmem>> -> memref<1x80xi32, #tpu.memory_space<vmem>>
        %dma_start3A_661 = tpu.memref_squeeze %dma_start3A_660 : memref<1x80xi32, #tpu.memory_space<vmem>> -> memref<80xi32, #tpu.memory_space<vmem>>
        %dma_start3A_662 = arith.constant 0 : i32
        %dma_start3A_663 = arith.constant 0 : i32
        %dma_start3A_664 = tpu.memref_slice %arg2[%dma_start3A_662, %dma_start3A_663] : memref<10000x64xf32, #tpu.memory_space<hbm>> -> memref<10000x64xf32, #tpu.memory_space<hbm>>
        tpu.enqueue_indirect_dma source(%dma_start3A_664 : memref<10000x64xf32, #tpu.memory_space<hbm>>) target(%dma_start3A_658 : memref<80x64xf32, #tpu.memory_space<vmem>>) offsets(%dma_start3A_661 : memref<80xi32, #tpu.memory_space<vmem>>) semaphore(%arg11 : memref<!tpu.dma_semaphore, #tpu.memory_space<semaphore_mem>>)
        %mul3A_665 = arith.constant 4 : i32
        %mul3A_666 = arith.muli %add3A_648, %mul3A_665 : i32
        %add3A_667 = arith.constant 1 : i32
        %add3A_668 = arith.addi %mul3A_666, %add3A_667 : i32
        %add3A_669 = arith.constant 1 : i32
        %add3A_670 = arith.addi %mul3A_478, %add3A_669 : i32
        %dma_start3A_671 = arith.constant 0 : i32
        %dma_start3A_672 = arith.constant 0 : i32
        %dma_start3A_673 = tpu.memref_slice %arg8[%add3A_670, %dma_start3A_671, %dma_start3A_672] : memref<8x80x64xf32, #tpu.memory_space<vmem>> -> memref<1x80x64xf32, #tpu.memory_space<vmem>>
        %dma_start3A_674 = tpu.memref_squeeze %dma_start3A_673 : memref<1x80x64xf32, #tpu.memory_space<vmem>> -> memref<80x64xf32, #tpu.memory_space<vmem>>
        %dma_start3A_675 = arith.constant 0 : i32
        %dma_start3A_676 = tpu.memref_slice %arg6[%add3A_668, %dma_start3A_675] : memref<250x80xi32, #tpu.memory_space<vmem>> -> memref<1x80xi32, #tpu.memory_space<vmem>>
        %dma_start3A_677 = tpu.memref_squeeze %dma_start3A_676 : memref<1x80xi32, #tpu.memory_space<vmem>> -> memref<80xi32, #tpu.memory_space<vmem>>
        %dma_start3A_678 = arith.constant 0 : i32
        %dma_start3A_679 = arith.constant 0 : i32
        %dma_start3A_680 = tpu.memref_slice %arg2[%dma_start3A_678, %dma_start3A_679] : memref<10000x64xf32, #tpu.memory_space<hbm>> -> memref<10000x64xf32, #tpu.memory_space<hbm>>
        tpu.enqueue_indirect_dma source(%dma_start3A_680 : memref<10000x64xf32, #tpu.memory_space<hbm>>) target(%dma_start3A_674 : memref<80x64xf32, #tpu.memory_space<vmem>>) offsets(%dma_start3A_677 : memref<80xi32, #tpu.memory_space<vmem>>) semaphore(%arg11 : memref<!tpu.dma_semaphore, #tpu.memory_space<semaphore_mem>>)
        %mul3A_681 = arith.constant 4 : i32
        %mul3A_682 = arith.muli %add3A_648, %mul3A_681 : i32
        %add3A_683 = arith.constant 2 : i32
        %add3A_684 = arith.addi %mul3A_682, %add3A_683 : i32
        %add3A_685 = arith.constant 2 : i32
        %add3A_686 = arith.addi %mul3A_478, %add3A_685 : i32
        %dma_start3A_687 = arith.constant 0 : i32
        %dma_start3A_688 = arith.constant 0 : i32
        %dma_start3A_689 = tpu.memref_slice %arg8[%add3A_686, %dma_start3A_687, %dma_start3A_688] : memref<8x80x64xf32, #tpu.memory_space<vmem>> -> memref<1x80x64xf32, #tpu.memory_space<vmem>>
        %dma_start3A_690 = tpu.memref_squeeze %dma_start3A_689 : memref<1x80x64xf32, #tpu.memory_space<vmem>> -> memref<80x64xf32, #tpu.memory_space<vmem>>
        %dma_start3A_691 = arith.constant 0 : i32
        %dma_start3A_692 = tpu.memref_slice %arg6[%add3A_684, %dma_start3A_691] : memref<250x80xi32, #tpu.memory_space<vmem>> -> memref<1x80xi32, #tpu.memory_space<vmem>>
        %dma_start3A_693 = tpu.memref_squeeze %dma_start3A_692 : memref<1x80xi32, #tpu.memory_space<vmem>> -> memref<80xi32, #tpu.memory_space<vmem>>
        %dma_start3A_694 = arith.constant 0 : i32
        %dma_start3A_695 = arith.constant 0 : i32
        %dma_start3A_696 = tpu.memref_slice %arg2[%dma_start3A_694, %dma_start3A_695] : memref<10000x64xf32, #tpu.memory_space<hbm>> -> memref<10000x64xf32, #tpu.memory_space<hbm>>
        tpu.enqueue_indirect_dma source(%dma_start3A_696 : memref<10000x64xf32, #tpu.memory_space<hbm>>) target(%dma_start3A_690 : memref<80x64xf32, #tpu.memory_space<vmem>>) offsets(%dma_start3A_693 : memref<80xi32, #tpu.memory_space<vmem>>) semaphore(%arg11 : memref<!tpu.dma_semaphore, #tpu.memory_space<semaphore_mem>>)
        %mul3A_697 = arith.constant 4 : i32
        %mul3A_698 = arith.muli %add3A_648, %mul3A_697 : i32
        %add3A_699 = arith.constant 3 : i32
        %add3A_700 = arith.addi %mul3A_698, %add3A_699 : i32
        %add3A_701 = arith.constant 3 : i32
        %add3A_702 = arith.addi %mul3A_478, %add3A_701 : i32
        %dma_start3A_703 = arith.constant 0 : i32
        %dma_start3A_704 = arith.constant 0 : i32
        %dma_start3A_705 = tpu.memref_slice %arg8[%add3A_702, %dma_start3A_703, %dma_start3A_704] : memref<8x80x64xf32, #tpu.memory_space<vmem>> -> memref<1x80x64xf32, #tpu.memory_space<vmem>>
        %dma_start3A_706 = tpu.memref_squeeze %dma_start3A_705 : memref<1x80x64xf32, #tpu.memory_space<vmem>> -> memref<80x64xf32, #tpu.memory_space<vmem>>
        %dma_start3A_707 = arith.constant 0 : i32
        %dma_start3A_708 = tpu.memref_slice %arg6[%add3A_700, %dma_start3A_707] : memref<250x80xi32, #tpu.memory_space<vmem>> -> memref<1x80xi32, #tpu.memory_space<vmem>>
        %dma_start3A_709 = tpu.memref_squeeze %dma_start3A_708 : memref<1x80xi32, #tpu.memory_space<vmem>> -> memref<80xi32, #tpu.memory_space<vmem>>
        %dma_start3A_710 = arith.constant 0 : i32
        %dma_start3A_711 = arith.constant 0 : i32
        %dma_start3A_712 = tpu.memref_slice %arg2[%dma_start3A_710, %dma_start3A_711] : memref<10000x64xf32, #tpu.memory_space<hbm>> -> memref<10000x64xf32, #tpu.memory_space<hbm>>
        tpu.enqueue_indirect_dma source(%dma_start3A_712 : memref<10000x64xf32, #tpu.memory_space<hbm>>) target(%dma_start3A_706 : memref<80x64xf32, #tpu.memory_space<vmem>>) offsets(%dma_start3A_709 : memref<80xi32, #tpu.memory_space<vmem>>) semaphore(%arg11 : memref<!tpu.dma_semaphore, #tpu.memory_space<semaphore_mem>>)
        %scan3A_713 = arith.constant 0 : i32
        scf.yield %scan3A_713 : i32
      }
      %scan3A_126 = arith.constant 60 : i32
      %dma_wait3A = arith.constant 0 : i32
      %dma_wait3A_127 = arith.constant 0 : i32
      %dma_wait3A_128 = arith.constant 0 : i32
      %dma_wait3A_129 = arith.constant 0 : i32
      %dma_wait3A_130 = tpu.memref_slice %arg8[%dma_wait3A_127, %dma_wait3A_128, %dma_wait3A_129] : memref<8x80x64xf32, #tpu.memory_space<vmem>> -> memref<1x80x64xf32, #tpu.memory_space<vmem>>
      %dma_wait3A_131 = tpu.memref_squeeze %dma_wait3A_130 : memref<1x80x64xf32, #tpu.memory_space<vmem>> -> memref<80x64xf32, #tpu.memory_space<vmem>>
      %dma_wait3A_132 = arith.constant 0 : i32
      %dma_wait3A_133 = tpu.memref_slice %arg6[%dma_wait3A, %dma_wait3A_132] : memref<250x80xi32, #tpu.memory_space<vmem>> -> memref<1x80xi32, #tpu.memory_space<vmem>>
      %dma_wait3A_134 = tpu.memref_squeeze %dma_wait3A_133 : memref<1x80xi32, #tpu.memory_space<vmem>> -> memref<80xi32, #tpu.memory_space<vmem>>
      %dma_wait3A_135 = arith.constant 0 : i32
      %dma_wait3A_136 = arith.constant 0 : i32
      %dma_wait3A_137 = tpu.memref_slice %arg2[%dma_wait3A_135, %dma_wait3A_136] : memref<10000x64xf32, #tpu.memory_space<hbm>> -> memref<10000x64xf32, #tpu.memory_space<hbm>>
      tpu.wait_indirect_dma semaphore(%arg11 : memref<!tpu.dma_semaphore, #tpu.memory_space<semaphore_mem>>) src(%dma_wait3A_137 : memref<10000x64xf32, #tpu.memory_space<hbm>>) dst(%dma_wait3A_131 : memref<80x64xf32, #tpu.memory_space<vmem>>)
      %dma_wait3A_138 = arith.constant 0 : i32
      %dma_wait3A_139 = arith.constant 1 : i32
      %dma_wait3A_140 = arith.constant 0 : i32
      %dma_wait3A_141 = arith.constant 0 : i32
      %dma_wait3A_142 = tpu.memref_slice %arg8[%dma_wait3A_139, %dma_wait3A_140, %dma_wait3A_141] : memref<8x80x64xf32, #tpu.memory_space<vmem>> -> memref<1x80x64xf32, #tpu.memory_space<vmem>>
      %dma_wait3A_143 = tpu.memref_squeeze %dma_wait3A_142 : memref<1x80x64xf32, #tpu.memory_space<vmem>> -> memref<80x64xf32, #tpu.memory_space<vmem>>
      %dma_wait3A_144 = arith.constant 0 : i32
      %dma_wait3A_145 = tpu.memref_slice %arg6[%dma_wait3A_138, %dma_wait3A_144] : memref<250x80xi32, #tpu.memory_space<vmem>> -> memref<1x80xi32, #tpu.memory_space<vmem>>
      %dma_wait3A_146 = tpu.memref_squeeze %dma_wait3A_145 : memref<1x80xi32, #tpu.memory_space<vmem>> -> memref<80xi32, #tpu.memory_space<vmem>>
      %dma_wait3A_147 = arith.constant 0 : i32
      %dma_wait3A_148 = arith.constant 0 : i32
      %dma_wait3A_149 = tpu.memref_slice %arg2[%dma_wait3A_147, %dma_wait3A_148] : memref<10000x64xf32, #tpu.memory_space<hbm>> -> memref<10000x64xf32, #tpu.memory_space<hbm>>
      tpu.wait_indirect_dma semaphore(%arg11 : memref<!tpu.dma_semaphore, #tpu.memory_space<semaphore_mem>>) src(%dma_wait3A_149 : memref<10000x64xf32, #tpu.memory_space<hbm>>) dst(%dma_wait3A_143 : memref<80x64xf32, #tpu.memory_space<vmem>>)
      %dma_wait3A_150 = arith.constant 0 : i32
      %dma_wait3A_151 = arith.constant 2 : i32
      %dma_wait3A_152 = arith.constant 0 : i32
      %dma_wait3A_153 = arith.constant 0 : i32
      %dma_wait3A_154 = tpu.memref_slice %arg8[%dma_wait3A_151, %dma_wait3A_152, %dma_wait3A_153] : memref<8x80x64xf32, #tpu.memory_space<vmem>> -> memref<1x80x64xf32, #tpu.memory_space<vmem>>
      %dma_wait3A_155 = tpu.memref_squeeze %dma_wait3A_154 : memref<1x80x64xf32, #tpu.memory_space<vmem>> -> memref<80x64xf32, #tpu.memory_space<vmem>>
      %dma_wait3A_156 = arith.constant 0 : i32
      %dma_wait3A_157 = tpu.memref_slice %arg6[%dma_wait3A_150, %dma_wait3A_156] : memref<250x80xi32, #tpu.memory_space<vmem>> -> memref<1x80xi32, #tpu.memory_space<vmem>>
      %dma_wait3A_158 = tpu.memref_squeeze %dma_wait3A_157 : memref<1x80xi32, #tpu.memory_space<vmem>> -> memref<80xi32, #tpu.memory_space<vmem>>
      %dma_wait3A_159 = arith.constant 0 : i32
      %dma_wait3A_160 = arith.constant 0 : i32
      %dma_wait3A_161 = tpu.memref_slice %arg2[%dma_wait3A_159, %dma_wait3A_160] : memref<10000x64xf32, #tpu.memory_space<hbm>> -> memref<10000x64xf32, #tpu.memory_space<hbm>>
      tpu.wait_indirect_dma semaphore(%arg11 : memref<!tpu.dma_semaphore, #tpu.memory_space<semaphore_mem>>) src(%dma_wait3A_161 : memref<10000x64xf32, #tpu.memory_space<hbm>>) dst(%dma_wait3A_155 : memref<80x64xf32, #tpu.memory_space<vmem>>)
      %dma_wait3A_162 = arith.constant 0 : i32
      %dma_wait3A_163 = arith.constant 3 : i32
      %dma_wait3A_164 = arith.constant 0 : i32
      %dma_wait3A_165 = arith.constant 0 : i32
      %dma_wait3A_166 = tpu.memref_slice %arg8[%dma_wait3A_163, %dma_wait3A_164, %dma_wait3A_165] : memref<8x80x64xf32, #tpu.memory_space<vmem>> -> memref<1x80x64xf32, #tpu.memory_space<vmem>>
      %dma_wait3A_167 = tpu.memref_squeeze %dma_wait3A_166 : memref<1x80x64xf32, #tpu.memory_space<vmem>> -> memref<80x64xf32, #tpu.memory_space<vmem>>
      %dma_wait3A_168 = arith.constant 0 : i32
      %dma_wait3A_169 = tpu.memref_slice %arg6[%dma_wait3A_162, %dma_wait3A_168] : memref<250x80xi32, #tpu.memory_space<vmem>> -> memref<1x80xi32, #tpu.memory_space<vmem>>
      %dma_wait3A_170 = tpu.memref_squeeze %dma_wait3A_169 : memref<1x80xi32, #tpu.memory_space<vmem>> -> memref<80xi32, #tpu.memory_space<vmem>>
      %dma_wait3A_171 = arith.constant 0 : i32
      %dma_wait3A_172 = arith.constant 0 : i32
      %dma_wait3A_173 = tpu.memref_slice %arg2[%dma_wait3A_171, %dma_wait3A_172] : memref<10000x64xf32, #tpu.memory_space<hbm>> -> memref<10000x64xf32, #tpu.memory_space<hbm>>
      tpu.wait_indirect_dma semaphore(%arg11 : memref<!tpu.dma_semaphore, #tpu.memory_space<semaphore_mem>>) src(%dma_wait3A_173 : memref<10000x64xf32, #tpu.memory_space<hbm>>) dst(%dma_wait3A_167 : memref<80x64xf32, #tpu.memory_space<vmem>>)
      %dma_start3A_174 = arith.constant 0 : i32
      %dma_start3A_175 = arith.constant 240 : i32
      %dma_start3A_176 = arith.constant 0 : i32
      %dma_start3A_177 = arith.constant 0 : i32
      %dma_start3A_178 = tpu.memref_slice %arg8[%dma_start3A_174, %dma_start3A_176, %dma_start3A_177] : memref<8x80x64xf32, #tpu.memory_space<vmem>> -> memref<1x80x64xf32, #tpu.memory_space<vmem>>
      %dma_start3A_179 = tpu.memref_squeeze %dma_start3A_178 : memref<1x80x64xf32, #tpu.memory_space<vmem>> -> memref<80x64xf32, #tpu.memory_space<vmem>>
      %dma_start3A_180 = arith.constant 0 : i32
      %dma_start3A_181 = tpu.memref_slice %arg7[%dma_start3A_175, %dma_start3A_180] : memref<250x80xi32, #tpu.memory_space<vmem>> -> memref<1x80xi32, #tpu.memory_space<vmem>>
      %dma_start3A_182 = tpu.memref_squeeze %dma_start3A_181 : memref<1x80xi32, #tpu.memory_space<vmem>> -> memref<80xi32, #tpu.memory_space<vmem>>
      %dma_start3A_183 = arith.constant 0 : i32
      %dma_start3A_184 = arith.constant 0 : i32
      %dma_start3A_185 = tpu.memref_slice %arg10[%dma_start3A_183, %dma_start3A_184] : memref<10240x64xf32, #tpu.memory_space<vmem_shared>> -> memref<10240x64xf32, #tpu.memory_space<vmem_shared>>
      tpu.enqueue_indirect_dma source(%dma_start3A_179 : memref<80x64xf32, #tpu.memory_space<vmem>>) target(%dma_start3A_185 : memref<10240x64xf32, #tpu.memory_space<vmem_shared>>) offsets(%dma_start3A_182 : memref<80xi32, #tpu.memory_space<vmem>>) semaphore(%arg12 : memref<!tpu.dma_semaphore, #tpu.memory_space<semaphore_mem>>) {add = true}
      %dma_start3A_186 = arith.constant 1 : i32
      %dma_start3A_187 = arith.constant 241 : i32
      %dma_start3A_188 = arith.constant 0 : i32
      %dma_start3A_189 = arith.constant 0 : i32
      %dma_start3A_190 = tpu.memref_slice %arg8[%dma_start3A_186, %dma_start3A_188, %dma_start3A_189] : memref<8x80x64xf32, #tpu.memory_space<vmem>> -> memref<1x80x64xf32, #tpu.memory_space<vmem>>
      %dma_start3A_191 = tpu.memref_squeeze %dma_start3A_190 : memref<1x80x64xf32, #tpu.memory_space<vmem>> -> memref<80x64xf32, #tpu.memory_space<vmem>>
      %dma_start3A_192 = arith.constant 0 : i32
      %dma_start3A_193 = tpu.memref_slice %arg7[%dma_start3A_187, %dma_start3A_192] : memref<250x80xi32, #tpu.memory_space<vmem>> -> memref<1x80xi32, #tpu.memory_space<vmem>>
      %dma_start3A_194 = tpu.memref_squeeze %dma_start3A_193 : memref<1x80xi32, #tpu.memory_space<vmem>> -> memref<80xi32, #tpu.memory_space<vmem>>
      %dma_start3A_195 = arith.constant 0 : i32
      %dma_start3A_196 = arith.constant 0 : i32
      %dma_start3A_197 = tpu.memref_slice %arg10[%dma_start3A_195, %dma_start3A_196] : memref<10240x64xf32, #tpu.memory_space<vmem_shared>> -> memref<10240x64xf32, #tpu.memory_space<vmem_shared>>
      tpu.enqueue_indirect_dma source(%dma_start3A_191 : memref<80x64xf32, #tpu.memory_space<vmem>>) target(%dma_start3A_197 : memref<10240x64xf32, #tpu.memory_space<vmem_shared>>) offsets(%dma_start3A_194 : memref<80xi32, #tpu.memory_space<vmem>>) semaphore(%arg12 : memref<!tpu.dma_semaphore, #tpu.memory_space<semaphore_mem>>) {add = true}
      %dma_start3A_198 = arith.constant 2 : i32
      %dma_start3A_199 = arith.constant 242 : i32
      %dma_start3A_200 = arith.constant 0 : i32
      %dma_start3A_201 = arith.constant 0 : i32
      %dma_start3A_202 = tpu.memref_slice %arg8[%dma_start3A_198, %dma_start3A_200, %dma_start3A_201] : memref<8x80x64xf32, #tpu.memory_space<vmem>> -> memref<1x80x64xf32, #tpu.memory_space<vmem>>
      %dma_start3A_203 = tpu.memref_squeeze %dma_start3A_202 : memref<1x80x64xf32, #tpu.memory_space<vmem>> -> memref<80x64xf32, #tpu.memory_space<vmem>>
      %dma_start3A_204 = arith.constant 0 : i32
      %dma_start3A_205 = tpu.memref_slice %arg7[%dma_start3A_199, %dma_start3A_204] : memref<250x80xi32, #tpu.memory_space<vmem>> -> memref<1x80xi32, #tpu.memory_space<vmem>>
      %dma_start3A_206 = tpu.memref_squeeze %dma_start3A_205 : memref<1x80xi32, #tpu.memory_space<vmem>> -> memref<80xi32, #tpu.memory_space<vmem>>
      %dma_start3A_207 = arith.constant 0 : i32
      %dma_start3A_208 = arith.constant 0 : i32
      %dma_start3A_209 = tpu.memref_slice %arg10[%dma_start3A_207, %dma_start3A_208] : memref<10240x64xf32, #tpu.memory_space<vmem_shared>> -> memref<10240x64xf32, #tpu.memory_space<vmem_shared>>
      tpu.enqueue_indirect_dma source(%dma_start3A_203 : memref<80x64xf32, #tpu.memory_space<vmem>>) target(%dma_start3A_209 : memref<10240x64xf32, #tpu.memory_space<vmem_shared>>) offsets(%dma_start3A_206 : memref<80xi32, #tpu.memory_space<vmem>>) semaphore(%arg12 : memref<!tpu.dma_semaphore, #tpu.memory_space<semaphore_mem>>) {add = true}
      %dma_start3A_210 = arith.constant 3 : i32
      %dma_start3A_211 = arith.constant 243 : i32
      %dma_start3A_212 = arith.constant 0 : i32
      %dma_start3A_213 = arith.constant 0 : i32
      %dma_start3A_214 = tpu.memref_slice %arg8[%dma_start3A_210, %dma_start3A_212, %dma_start3A_213] : memref<8x80x64xf32, #tpu.memory_space<vmem>> -> memref<1x80x64xf32, #tpu.memory_space<vmem>>
      %dma_start3A_215 = tpu.memref_squeeze %dma_start3A_214 : memref<1x80x64xf32, #tpu.memory_space<vmem>> -> memref<80x64xf32, #tpu.memory_space<vmem>>
      %dma_start3A_216 = arith.constant 0 : i32
      %dma_start3A_217 = tpu.memref_slice %arg7[%dma_start3A_211, %dma_start3A_216] : memref<250x80xi32, #tpu.memory_space<vmem>> -> memref<1x80xi32, #tpu.memory_space<vmem>>
      %dma_start3A_218 = tpu.memref_squeeze %dma_start3A_217 : memref<1x80xi32, #tpu.memory_space<vmem>> -> memref<80xi32, #tpu.memory_space<vmem>>
      %dma_start3A_219 = arith.constant 0 : i32
      %dma_start3A_220 = arith.constant 0 : i32
      %dma_start3A_221 = tpu.memref_slice %arg10[%dma_start3A_219, %dma_start3A_220] : memref<10240x64xf32, #tpu.memory_space<vmem_shared>> -> memref<10240x64xf32, #tpu.memory_space<vmem_shared>>
      tpu.enqueue_indirect_dma source(%dma_start3A_215 : memref<80x64xf32, #tpu.memory_space<vmem>>) target(%dma_start3A_221 : memref<10240x64xf32, #tpu.memory_space<vmem_shared>>) offsets(%dma_start3A_218 : memref<80xi32, #tpu.memory_space<vmem>>) semaphore(%arg12 : memref<!tpu.dma_semaphore, #tpu.memory_space<semaphore_mem>>) {add = true}
      %dma_wait3A_222 = arith.constant 0 : i32
      %dma_wait3A_223 = arith.constant 0 : i32
      %dma_wait3A_224 = arith.constant 0 : i32
      %dma_wait3A_225 = arith.constant 0 : i32
      %dma_wait3A_226 = tpu.memref_slice %arg8[%dma_wait3A_222, %dma_wait3A_224, %dma_wait3A_225] : memref<8x80x64xf32, #tpu.memory_space<vmem>> -> memref<1x80x64xf32, #tpu.memory_space<vmem>>
      %dma_wait3A_227 = tpu.memref_squeeze %dma_wait3A_226 : memref<1x80x64xf32, #tpu.memory_space<vmem>> -> memref<80x64xf32, #tpu.memory_space<vmem>>
      %dma_wait3A_228 = arith.constant 0 : i32
      %dma_wait3A_229 = tpu.memref_slice %arg7[%dma_wait3A_223, %dma_wait3A_228] : memref<250x80xi32, #tpu.memory_space<vmem>> -> memref<1x80xi32, #tpu.memory_space<vmem>>
      %dma_wait3A_230 = tpu.memref_squeeze %dma_wait3A_229 : memref<1x80xi32, #tpu.memory_space<vmem>> -> memref<80xi32, #tpu.memory_space<vmem>>
      %dma_wait3A_231 = arith.constant 0 : i32
      %dma_wait3A_232 = arith.constant 0 : i32
      %dma_wait3A_233 = tpu.memref_slice %arg10[%dma_wait3A_231, %dma_wait3A_232] : memref<10240x64xf32, #tpu.memory_space<vmem_shared>> -> memref<10240x64xf32, #tpu.memory_space<vmem_shared>>
      tpu.wait_indirect_dma semaphore(%arg12 : memref<!tpu.dma_semaphore, #tpu.memory_space<semaphore_mem>>) src(%dma_wait3A_227 : memref<80x64xf32, #tpu.memory_space<vmem>>) dst(%dma_wait3A_233 : memref<10240x64xf32, #tpu.memory_space<vmem_shared>>)
      %dma_wait3A_234 = arith.constant 1 : i32
      %dma_wait3A_235 = arith.constant 0 : i32
      %dma_wait3A_236 = arith.constant 0 : i32
      %dma_wait3A_237 = arith.constant 0 : i32
      %dma_wait3A_238 = tpu.memref_slice %arg8[%dma_wait3A_234, %dma_wait3A_236, %dma_wait3A_237] : memref<8x80x64xf32, #tpu.memory_space<vmem>> -> memref<1x80x64xf32, #tpu.memory_space<vmem>>
      %dma_wait3A_239 = tpu.memref_squeeze %dma_wait3A_238 : memref<1x80x64xf32, #tpu.memory_space<vmem>> -> memref<80x64xf32, #tpu.memory_space<vmem>>
      %dma_wait3A_240 = arith.constant 0 : i32
      %dma_wait3A_241 = tpu.memref_slice %arg7[%dma_wait3A_235, %dma_wait3A_240] : memref<250x80xi32, #tpu.memory_space<vmem>> -> memref<1x80xi32, #tpu.memory_space<vmem>>
      %dma_wait3A_242 = tpu.memref_squeeze %dma_wait3A_241 : memref<1x80xi32, #tpu.memory_space<vmem>> -> memref<80xi32, #tpu.memory_space<vmem>>
      %dma_wait3A_243 = arith.constant 0 : i32
      %dma_wait3A_244 = arith.constant 0 : i32
      %dma_wait3A_245 = tpu.memref_slice %arg10[%dma_wait3A_243, %dma_wait3A_244] : memref<10240x64xf32, #tpu.memory_space<vmem_shared>> -> memref<10240x64xf32, #tpu.memory_space<vmem_shared>>
      tpu.wait_indirect_dma semaphore(%arg12 : memref<!tpu.dma_semaphore, #tpu.memory_space<semaphore_mem>>) src(%dma_wait3A_239 : memref<80x64xf32, #tpu.memory_space<vmem>>) dst(%dma_wait3A_245 : memref<10240x64xf32, #tpu.memory_space<vmem_shared>>)
      %dma_wait3A_246 = arith.constant 2 : i32
      %dma_wait3A_247 = arith.constant 0 : i32
      %dma_wait3A_248 = arith.constant 0 : i32
      %dma_wait3A_249 = arith.constant 0 : i32
      %dma_wait3A_250 = tpu.memref_slice %arg8[%dma_wait3A_246, %dma_wait3A_248, %dma_wait3A_249] : memref<8x80x64xf32, #tpu.memory_space<vmem>> -> memref<1x80x64xf32, #tpu.memory_space<vmem>>
      %dma_wait3A_251 = tpu.memref_squeeze %dma_wait3A_250 : memref<1x80x64xf32, #tpu.memory_space<vmem>> -> memref<80x64xf32, #tpu.memory_space<vmem>>
      %dma_wait3A_252 = arith.constant 0 : i32
      %dma_wait3A_253 = tpu.memref_slice %arg7[%dma_wait3A_247, %dma_wait3A_252] : memref<250x80xi32, #tpu.memory_space<vmem>> -> memref<1x80xi32, #tpu.memory_space<vmem>>
      %dma_wait3A_254 = tpu.memref_squeeze %dma_wait3A_253 : memref<1x80xi32, #tpu.memory_space<vmem>> -> memref<80xi32, #tpu.memory_space<vmem>>
      %dma_wait3A_255 = arith.constant 0 : i32
      %dma_wait3A_256 = arith.constant 0 : i32
      %dma_wait3A_257 = tpu.memref_slice %arg10[%dma_wait3A_255, %dma_wait3A_256] : memref<10240x64xf32, #tpu.memory_space<vmem_shared>> -> memref<10240x64xf32, #tpu.memory_space<vmem_shared>>
      tpu.wait_indirect_dma semaphore(%arg12 : memref<!tpu.dma_semaphore, #tpu.memory_space<semaphore_mem>>) src(%dma_wait3A_251 : memref<80x64xf32, #tpu.memory_space<vmem>>) dst(%dma_wait3A_257 : memref<10240x64xf32, #tpu.memory_space<vmem_shared>>)
      %dma_wait3A_258 = arith.constant 3 : i32
      %dma_wait3A_259 = arith.constant 0 : i32
      %dma_wait3A_260 = arith.constant 0 : i32
      %dma_wait3A_261 = arith.constant 0 : i32
      %dma_wait3A_262 = tpu.memref_slice %arg8[%dma_wait3A_258, %dma_wait3A_260, %dma_wait3A_261] : memref<8x80x64xf32, #tpu.memory_space<vmem>> -> memref<1x80x64xf32, #tpu.memory_space<vmem>>
      %dma_wait3A_263 = tpu.memref_squeeze %dma_wait3A_262 : memref<1x80x64xf32, #tpu.memory_space<vmem>> -> memref<80x64xf32, #tpu.memory_space<vmem>>
      %dma_wait3A_264 = arith.constant 0 : i32
      %dma_wait3A_265 = tpu.memref_slice %arg7[%dma_wait3A_259, %dma_wait3A_264] : memref<250x80xi32, #tpu.memory_space<vmem>> -> memref<1x80xi32, #tpu.memory_space<vmem>>
      %dma_wait3A_266 = tpu.memref_squeeze %dma_wait3A_265 : memref<1x80xi32, #tpu.memory_space<vmem>> -> memref<80xi32, #tpu.memory_space<vmem>>
      %dma_wait3A_267 = arith.constant 0 : i32
      %dma_wait3A_268 = arith.constant 0 : i32
      %dma_wait3A_269 = tpu.memref_slice %arg10[%dma_wait3A_267, %dma_wait3A_268] : memref<10240x64xf32, #tpu.memory_space<vmem_shared>> -> memref<10240x64xf32, #tpu.memory_space<vmem_shared>>
      tpu.wait_indirect_dma semaphore(%arg12 : memref<!tpu.dma_semaphore, #tpu.memory_space<semaphore_mem>>) src(%dma_wait3A_263 : memref<80x64xf32, #tpu.memory_space<vmem>>) dst(%dma_wait3A_269 : memref<10240x64xf32, #tpu.memory_space<vmem_shared>>)
      %dma_wait3A_270 = arith.constant 0 : i32
      %dma_wait3A_271 = arith.constant 4 : i32
      %dma_wait3A_272 = arith.constant 0 : i32
      %dma_wait3A_273 = arith.constant 0 : i32
      %dma_wait3A_274 = tpu.memref_slice %arg8[%dma_wait3A_271, %dma_wait3A_272, %dma_wait3A_273] : memref<8x80x64xf32, #tpu.memory_space<vmem>> -> memref<1x80x64xf32, #tpu.memory_space<vmem>>
      %dma_wait3A_275 = tpu.memref_squeeze %dma_wait3A_274 : memref<1x80x64xf32, #tpu.memory_space<vmem>> -> memref<80x64xf32, #tpu.memory_space<vmem>>
      %dma_wait3A_276 = arith.constant 0 : i32
      %dma_wait3A_277 = tpu.memref_slice %arg6[%dma_wait3A_270, %dma_wait3A_276] : memref<250x80xi32, #tpu.memory_space<vmem>> -> memref<1x80xi32, #tpu.memory_space<vmem>>
      %dma_wait3A_278 = tpu.memref_squeeze %dma_wait3A_277 : memref<1x80xi32, #tpu.memory_space<vmem>> -> memref<80xi32, #tpu.memory_space<vmem>>
      %dma_wait3A_279 = arith.constant 0 : i32
      %dma_wait3A_280 = arith.constant 0 : i32
      %dma_wait3A_281 = tpu.memref_slice %arg2[%dma_wait3A_279, %dma_wait3A_280] : memref<10000x64xf32, #tpu.memory_space<hbm>> -> memref<10000x64xf32, #tpu.memory_space<hbm>>
      tpu.wait_indirect_dma semaphore(%arg11 : memref<!tpu.dma_semaphore, #tpu.memory_space<semaphore_mem>>) src(%dma_wait3A_281 : memref<10000x64xf32, #tpu.memory_space<hbm>>) dst(%dma_wait3A_275 : memref<80x64xf32, #tpu.memory_space<vmem>>)
      %dma_wait3A_282 = arith.constant 0 : i32
      %dma_wait3A_283 = arith.constant 5 : i32
      %dma_wait3A_284 = arith.constant 0 : i32
      %dma_wait3A_285 = arith.constant 0 : i32
      %dma_wait3A_286 = tpu.memref_slice %arg8[%dma_wait3A_283, %dma_wait3A_284, %dma_wait3A_285] : memref<8x80x64xf32, #tpu.memory_space<vmem>> -> memref<1x80x64xf32, #tpu.memory_space<vmem>>
      %dma_wait3A_287 = tpu.memref_squeeze %dma_wait3A_286 : memref<1x80x64xf32, #tpu.memory_space<vmem>> -> memref<80x64xf32, #tpu.memory_space<vmem>>
      %dma_wait3A_288 = arith.constant 0 : i32
      %dma_wait3A_289 = tpu.memref_slice %arg6[%dma_wait3A_282, %dma_wait3A_288] : memref<250x80xi32, #tpu.memory_space<vmem>> -> memref<1x80xi32, #tpu.memory_space<vmem>>
      %dma_wait3A_290 = tpu.memref_squeeze %dma_wait3A_289 : memref<1x80xi32, #tpu.memory_space<vmem>> -> memref<80xi32, #tpu.memory_space<vmem>>
      %dma_wait3A_291 = arith.constant 0 : i32
      %dma_wait3A_292 = arith.constant 0 : i32
      %dma_wait3A_293 = tpu.memref_slice %arg2[%dma_wait3A_291, %dma_wait3A_292] : memref<10000x64xf32, #tpu.memory_space<hbm>> -> memref<10000x64xf32, #tpu.memory_space<hbm>>
      tpu.wait_indirect_dma semaphore(%arg11 : memref<!tpu.dma_semaphore, #tpu.memory_space<semaphore_mem>>) src(%dma_wait3A_293 : memref<10000x64xf32, #tpu.memory_space<hbm>>) dst(%dma_wait3A_287 : memref<80x64xf32, #tpu.memory_space<vmem>>)
      %dma_wait3A_294 = arith.constant 0 : i32
      %dma_wait3A_295 = arith.constant 6 : i32
      %dma_wait3A_296 = arith.constant 0 : i32
      %dma_wait3A_297 = arith.constant 0 : i32
      %dma_wait3A_298 = tpu.memref_slice %arg8[%dma_wait3A_295, %dma_wait3A_296, %dma_wait3A_297] : memref<8x80x64xf32, #tpu.memory_space<vmem>> -> memref<1x80x64xf32, #tpu.memory_space<vmem>>
      %dma_wait3A_299 = tpu.memref_squeeze %dma_wait3A_298 : memref<1x80x64xf32, #tpu.memory_space<vmem>> -> memref<80x64xf32, #tpu.memory_space<vmem>>
      %dma_wait3A_300 = arith.constant 0 : i32
      %dma_wait3A_301 = tpu.memref_slice %arg6[%dma_wait3A_294, %dma_wait3A_300] : memref<250x80xi32, #tpu.memory_space<vmem>> -> memref<1x80xi32, #tpu.memory_space<vmem>>
      %dma_wait3A_302 = tpu.memref_squeeze %dma_wait3A_301 : memref<1x80xi32, #tpu.memory_space<vmem>> -> memref<80xi32, #tpu.memory_space<vmem>>
      %dma_wait3A_303 = arith.constant 0 : i32
      %dma_wait3A_304 = arith.constant 0 : i32
      %dma_wait3A_305 = tpu.memref_slice %arg2[%dma_wait3A_303, %dma_wait3A_304] : memref<10000x64xf32, #tpu.memory_space<hbm>> -> memref<10000x64xf32, #tpu.memory_space<hbm>>
      tpu.wait_indirect_dma semaphore(%arg11 : memref<!tpu.dma_semaphore, #tpu.memory_space<semaphore_mem>>) src(%dma_wait3A_305 : memref<10000x64xf32, #tpu.memory_space<hbm>>) dst(%dma_wait3A_299 : memref<80x64xf32, #tpu.memory_space<vmem>>)
      %dma_wait3A_306 = arith.constant 0 : i32
      %dma_wait3A_307 = arith.constant 7 : i32
      %dma_wait3A_308 = arith.constant 0 : i32
      %dma_wait3A_309 = arith.constant 0 : i32
      %dma_wait3A_310 = tpu.memref_slice %arg8[%dma_wait3A_307, %dma_wait3A_308, %dma_wait3A_309] : memref<8x80x64xf32, #tpu.memory_space<vmem>> -> memref<1x80x64xf32, #tpu.memory_space<vmem>>
      %dma_wait3A_311 = tpu.memref_squeeze %dma_wait3A_310 : memref<1x80x64xf32, #tpu.memory_space<vmem>> -> memref<80x64xf32, #tpu.memory_space<vmem>>
      %dma_wait3A_312 = arith.constant 0 : i32
      %dma_wait3A_313 = tpu.memref_slice %arg6[%dma_wait3A_306, %dma_wait3A_312] : memref<250x80xi32, #tpu.memory_space<vmem>> -> memref<1x80xi32, #tpu.memory_space<vmem>>
      %dma_wait3A_314 = tpu.memref_squeeze %dma_wait3A_313 : memref<1x80xi32, #tpu.memory_space<vmem>> -> memref<80xi32, #tpu.memory_space<vmem>>
      %dma_wait3A_315 = arith.constant 0 : i32
      %dma_wait3A_316 = arith.constant 0 : i32
      %dma_wait3A_317 = tpu.memref_slice %arg2[%dma_wait3A_315, %dma_wait3A_316] : memref<10000x64xf32, #tpu.memory_space<hbm>> -> memref<10000x64xf32, #tpu.memory_space<hbm>>
      tpu.wait_indirect_dma semaphore(%arg11 : memref<!tpu.dma_semaphore, #tpu.memory_space<semaphore_mem>>) src(%dma_wait3A_317 : memref<10000x64xf32, #tpu.memory_space<hbm>>) dst(%dma_wait3A_311 : memref<80x64xf32, #tpu.memory_space<vmem>>)
      %dma_start3A_318 = arith.constant 4 : i32
      %dma_start3A_319 = arith.constant 244 : i32
      %dma_start3A_320 = arith.constant 0 : i32
      %dma_start3A_321 = arith.constant 0 : i32
      %dma_start3A_322 = tpu.memref_slice %arg8[%dma_start3A_318, %dma_start3A_320, %dma_start3A_321] : memref<8x80x64xf32, #tpu.memory_space<vmem>> -> memref<1x80x64xf32, #tpu.memory_space<vmem>>
      %dma_start3A_323 = tpu.memref_squeeze %dma_start3A_322 : memref<1x80x64xf32, #tpu.memory_space<vmem>> -> memref<80x64xf32, #tpu.memory_space<vmem>>
      %dma_start3A_324 = arith.constant 0 : i32
      %dma_start3A_325 = tpu.memref_slice %arg7[%dma_start3A_319, %dma_start3A_324] : memref<250x80xi32, #tpu.memory_space<vmem>> -> memref<1x80xi32, #tpu.memory_space<vmem>>
      %dma_start3A_326 = tpu.memref_squeeze %dma_start3A_325 : memref<1x80xi32, #tpu.memory_space<vmem>> -> memref<80xi32, #tpu.memory_space<vmem>>
      %dma_start3A_327 = arith.constant 0 : i32
      %dma_start3A_328 = arith.constant 0 : i32
      %dma_start3A_329 = tpu.memref_slice %arg10[%dma_start3A_327, %dma_start3A_328] : memref<10240x64xf32, #tpu.memory_space<vmem_shared>> -> memref<10240x64xf32, #tpu.memory_space<vmem_shared>>
      tpu.enqueue_indirect_dma source(%dma_start3A_323 : memref<80x64xf32, #tpu.memory_space<vmem>>) target(%dma_start3A_329 : memref<10240x64xf32, #tpu.memory_space<vmem_shared>>) offsets(%dma_start3A_326 : memref<80xi32, #tpu.memory_space<vmem>>) semaphore(%arg12 : memref<!tpu.dma_semaphore, #tpu.memory_space<semaphore_mem>>) {add = true}
      %dma_start3A_330 = arith.constant 5 : i32
      %dma_start3A_331 = arith.constant 245 : i32
      %dma_start3A_332 = arith.constant 0 : i32
      %dma_start3A_333 = arith.constant 0 : i32
      %dma_start3A_334 = tpu.memref_slice %arg8[%dma_start3A_330, %dma_start3A_332, %dma_start3A_333] : memref<8x80x64xf32, #tpu.memory_space<vmem>> -> memref<1x80x64xf32, #tpu.memory_space<vmem>>
      %dma_start3A_335 = tpu.memref_squeeze %dma_start3A_334 : memref<1x80x64xf32, #tpu.memory_space<vmem>> -> memref<80x64xf32, #tpu.memory_space<vmem>>
      %dma_start3A_336 = arith.constant 0 : i32
      %dma_start3A_337 = tpu.memref_slice %arg7[%dma_start3A_331, %dma_start3A_336] : memref<250x80xi32, #tpu.memory_space<vmem>> -> memref<1x80xi32, #tpu.memory_space<vmem>>
      %dma_start3A_338 = tpu.memref_squeeze %dma_start3A_337 : memref<1x80xi32, #tpu.memory_space<vmem>> -> memref<80xi32, #tpu.memory_space<vmem>>
      %dma_start3A_339 = arith.constant 0 : i32
      %dma_start3A_340 = arith.constant 0 : i32
      %dma_start3A_341 = tpu.memref_slice %arg10[%dma_start3A_339, %dma_start3A_340] : memref<10240x64xf32, #tpu.memory_space<vmem_shared>> -> memref<10240x64xf32, #tpu.memory_space<vmem_shared>>
      tpu.enqueue_indirect_dma source(%dma_start3A_335 : memref<80x64xf32, #tpu.memory_space<vmem>>) target(%dma_start3A_341 : memref<10240x64xf32, #tpu.memory_space<vmem_shared>>) offsets(%dma_start3A_338 : memref<80xi32, #tpu.memory_space<vmem>>) semaphore(%arg12 : memref<!tpu.dma_semaphore, #tpu.memory_space<semaphore_mem>>) {add = true}
      %dma_start3A_342 = arith.constant 6 : i32
      %dma_start3A_343 = arith.constant 246 : i32
      %dma_start3A_344 = arith.constant 0 : i32
      %dma_start3A_345 = arith.constant 0 : i32
      %dma_start3A_346 = tpu.memref_slice %arg8[%dma_start3A_342, %dma_start3A_344, %dma_start3A_345] : memref<8x80x64xf32, #tpu.memory_space<vmem>> -> memref<1x80x64xf32, #tpu.memory_space<vmem>>
      %dma_start3A_347 = tpu.memref_squeeze %dma_start3A_346 : memref<1x80x64xf32, #tpu.memory_space<vmem>> -> memref<80x64xf32, #tpu.memory_space<vmem>>
      %dma_start3A_348 = arith.constant 0 : i32
      %dma_start3A_349 = tpu.memref_slice %arg7[%dma_start3A_343, %dma_start3A_348] : memref<250x80xi32, #tpu.memory_space<vmem>> -> memref<1x80xi32, #tpu.memory_space<vmem>>
      %dma_start3A_350 = tpu.memref_squeeze %dma_start3A_349 : memref<1x80xi32, #tpu.memory_space<vmem>> -> memref<80xi32, #tpu.memory_space<vmem>>
      %dma_start3A_351 = arith.constant 0 : i32
      %dma_start3A_352 = arith.constant 0 : i32
      %dma_start3A_353 = tpu.memref_slice %arg10[%dma_start3A_351, %dma_start3A_352] : memref<10240x64xf32, #tpu.memory_space<vmem_shared>> -> memref<10240x64xf32, #tpu.memory_space<vmem_shared>>
      tpu.enqueue_indirect_dma source(%dma_start3A_347 : memref<80x64xf32, #tpu.memory_space<vmem>>) target(%dma_start3A_353 : memref<10240x64xf32, #tpu.memory_space<vmem_shared>>) offsets(%dma_start3A_350 : memref<80xi32, #tpu.memory_space<vmem>>) semaphore(%arg12 : memref<!tpu.dma_semaphore, #tpu.memory_space<semaphore_mem>>) {add = true}
      %dma_start3A_354 = arith.constant 7 : i32
      %dma_start3A_355 = arith.constant 247 : i32
      %dma_start3A_356 = arith.constant 0 : i32
      %dma_start3A_357 = arith.constant 0 : i32
      %dma_start3A_358 = tpu.memref_slice %arg8[%dma_start3A_354, %dma_start3A_356, %dma_start3A_357] : memref<8x80x64xf32, #tpu.memory_space<vmem>> -> memref<1x80x64xf32, #tpu.memory_space<vmem>>
      %dma_start3A_359 = tpu.memref_squeeze %dma_start3A_358 : memref<1x80x64xf32, #tpu.memory_space<vmem>> -> memref<80x64xf32, #tpu.memory_space<vmem>>
      %dma_start3A_360 = arith.constant 0 : i32
      %dma_start3A_361 = tpu.memref_slice %arg7[%dma_start3A_355, %dma_start3A_360] : memref<250x80xi32, #tpu.memory_space<vmem>> -> memref<1x80xi32, #tpu.memory_space<vmem>>
      %dma_start3A_362 = tpu.memref_squeeze %dma_start3A_361 : memref<1x80xi32, #tpu.memory_space<vmem>> -> memref<80xi32, #tpu.memory_space<vmem>>
      %dma_start3A_363 = arith.constant 0 : i32
      %dma_start3A_364 = arith.constant 0 : i32
      %dma_start3A_365 = tpu.memref_slice %arg10[%dma_start3A_363, %dma_start3A_364] : memref<10240x64xf32, #tpu.memory_space<vmem_shared>> -> memref<10240x64xf32, #tpu.memory_space<vmem_shared>>
      tpu.enqueue_indirect_dma source(%dma_start3A_359 : memref<80x64xf32, #tpu.memory_space<vmem>>) target(%dma_start3A_365 : memref<10240x64xf32, #tpu.memory_space<vmem_shared>>) offsets(%dma_start3A_362 : memref<80xi32, #tpu.memory_space<vmem>>) semaphore(%arg12 : memref<!tpu.dma_semaphore, #tpu.memory_space<semaphore_mem>>) {add = true}
      %dma_wait3A_366 = arith.constant 4 : i32
      %dma_wait3A_367 = arith.constant 0 : i32
      %dma_wait3A_368 = arith.constant 0 : i32
      %dma_wait3A_369 = arith.constant 0 : i32
      %dma_wait3A_370 = tpu.memref_slice %arg8[%dma_wait3A_366, %dma_wait3A_368, %dma_wait3A_369] : memref<8x80x64xf32, #tpu.memory_space<vmem>> -> memref<1x80x64xf32, #tpu.memory_space<vmem>>
      %dma_wait3A_371 = tpu.memref_squeeze %dma_wait3A_370 : memref<1x80x64xf32, #tpu.memory_space<vmem>> -> memref<80x64xf32, #tpu.memory_space<vmem>>
      %dma_wait3A_372 = arith.constant 0 : i32
      %dma_wait3A_373 = tpu.memref_slice %arg7[%dma_wait3A_367, %dma_wait3A_372] : memref<250x80xi32, #tpu.memory_space<vmem>> -> memref<1x80xi32, #tpu.memory_space<vmem>>
      %dma_wait3A_374 = tpu.memref_squeeze %dma_wait3A_373 : memref<1x80xi32, #tpu.memory_space<vmem>> -> memref<80xi32, #tpu.memory_space<vmem>>
      %dma_wait3A_375 = arith.constant 0 : i32
      %dma_wait3A_376 = arith.constant 0 : i32
      %dma_wait3A_377 = tpu.memref_slice %arg10[%dma_wait3A_375, %dma_wait3A_376] : memref<10240x64xf32, #tpu.memory_space<vmem_shared>> -> memref<10240x64xf32, #tpu.memory_space<vmem_shared>>
      tpu.wait_indirect_dma semaphore(%arg12 : memref<!tpu.dma_semaphore, #tpu.memory_space<semaphore_mem>>) src(%dma_wait3A_371 : memref<80x64xf32, #tpu.memory_space<vmem>>) dst(%dma_wait3A_377 : memref<10240x64xf32, #tpu.memory_space<vmem_shared>>)
      %dma_wait3A_378 = arith.constant 5 : i32
      %dma_wait3A_379 = arith.constant 0 : i32
      %dma_wait3A_380 = arith.constant 0 : i32
      %dma_wait3A_381 = arith.constant 0 : i32
      %dma_wait3A_382 = tpu.memref_slice %arg8[%dma_wait3A_378, %dma_wait3A_380, %dma_wait3A_381] : memref<8x80x64xf32, #tpu.memory_space<vmem>> -> memref<1x80x64xf32, #tpu.memory_space<vmem>>
      %dma_wait3A_383 = tpu.memref_squeeze %dma_wait3A_382 : memref<1x80x64xf32, #tpu.memory_space<vmem>> -> memref<80x64xf32, #tpu.memory_space<vmem>>
      %dma_wait3A_384 = arith.constant 0 : i32
      %dma_wait3A_385 = tpu.memref_slice %arg7[%dma_wait3A_379, %dma_wait3A_384] : memref<250x80xi32, #tpu.memory_space<vmem>> -> memref<1x80xi32, #tpu.memory_space<vmem>>
      %dma_wait3A_386 = tpu.memref_squeeze %dma_wait3A_385 : memref<1x80xi32, #tpu.memory_space<vmem>> -> memref<80xi32, #tpu.memory_space<vmem>>
      %dma_wait3A_387 = arith.constant 0 : i32
      %dma_wait3A_388 = arith.constant 0 : i32
      %dma_wait3A_389 = tpu.memref_slice %arg10[%dma_wait3A_387, %dma_wait3A_388] : memref<10240x64xf32, #tpu.memory_space<vmem_shared>> -> memref<10240x64xf32, #tpu.memory_space<vmem_shared>>
      tpu.wait_indirect_dma semaphore(%arg12 : memref<!tpu.dma_semaphore, #tpu.memory_space<semaphore_mem>>) src(%dma_wait3A_383 : memref<80x64xf32, #tpu.memory_space<vmem>>) dst(%dma_wait3A_389 : memref<10240x64xf32, #tpu.memory_space<vmem_shared>>)
      %dma_wait3A_390 = arith.constant 6 : i32
      %dma_wait3A_391 = arith.constant 0 : i32
      %dma_wait3A_392 = arith.constant 0 : i32
      %dma_wait3A_393 = arith.constant 0 : i32
      %dma_wait3A_394 = tpu.memref_slice %arg8[%dma_wait3A_390, %dma_wait3A_392, %dma_wait3A_393] : memref<8x80x64xf32, #tpu.memory_space<vmem>> -> memref<1x80x64xf32, #tpu.memory_space<vmem>>
      %dma_wait3A_395 = tpu.memref_squeeze %dma_wait3A_394 : memref<1x80x64xf32, #tpu.memory_space<vmem>> -> memref<80x64xf32, #tpu.memory_space<vmem>>
      %dma_wait3A_396 = arith.constant 0 : i32
      %dma_wait3A_397 = tpu.memref_slice %arg7[%dma_wait3A_391, %dma_wait3A_396] : memref<250x80xi32, #tpu.memory_space<vmem>> -> memref<1x80xi32, #tpu.memory_space<vmem>>
      %dma_wait3A_398 = tpu.memref_squeeze %dma_wait3A_397 : memref<1x80xi32, #tpu.memory_space<vmem>> -> memref<80xi32, #tpu.memory_space<vmem>>
      %dma_wait3A_399 = arith.constant 0 : i32
      %dma_wait3A_400 = arith.constant 0 : i32
      %dma_wait3A_401 = tpu.memref_slice %arg10[%dma_wait3A_399, %dma_wait3A_400] : memref<10240x64xf32, #tpu.memory_space<vmem_shared>> -> memref<10240x64xf32, #tpu.memory_space<vmem_shared>>
      tpu.wait_indirect_dma semaphore(%arg12 : memref<!tpu.dma_semaphore, #tpu.memory_space<semaphore_mem>>) src(%dma_wait3A_395 : memref<80x64xf32, #tpu.memory_space<vmem>>) dst(%dma_wait3A_401 : memref<10240x64xf32, #tpu.memory_space<vmem_shared>>)
      %dma_wait3A_402 = arith.constant 7 : i32
      %dma_wait3A_403 = arith.constant 0 : i32
      %dma_wait3A_404 = arith.constant 0 : i32
      %dma_wait3A_405 = arith.constant 0 : i32
      %dma_wait3A_406 = tpu.memref_slice %arg8[%dma_wait3A_402, %dma_wait3A_404, %dma_wait3A_405] : memref<8x80x64xf32, #tpu.memory_space<vmem>> -> memref<1x80x64xf32, #tpu.memory_space<vmem>>
      %dma_wait3A_407 = tpu.memref_squeeze %dma_wait3A_406 : memref<1x80x64xf32, #tpu.memory_space<vmem>> -> memref<80x64xf32, #tpu.memory_space<vmem>>
      %dma_wait3A_408 = arith.constant 0 : i32
      %dma_wait3A_409 = tpu.memref_slice %arg7[%dma_wait3A_403, %dma_wait3A_408] : memref<250x80xi32, #tpu.memory_space<vmem>> -> memref<1x80xi32, #tpu.memory_space<vmem>>
      %dma_wait3A_410 = tpu.memref_squeeze %dma_wait3A_409 : memref<1x80xi32, #tpu.memory_space<vmem>> -> memref<80xi32, #tpu.memory_space<vmem>>
      %dma_wait3A_411 = arith.constant 0 : i32
      %dma_wait3A_412 = arith.constant 0 : i32
      %dma_wait3A_413 = tpu.memref_slice %arg10[%dma_wait3A_411, %dma_wait3A_412] : memref<10240x64xf32, #tpu.memory_space<vmem_shared>> -> memref<10240x64xf32, #tpu.memory_space<vmem_shared>>
      tpu.wait_indirect_dma semaphore(%arg12 : memref<!tpu.dma_semaphore, #tpu.memory_space<semaphore_mem>>) src(%dma_wait3A_407 : memref<80x64xf32, #tpu.memory_space<vmem>>) dst(%dma_wait3A_413 : memref<10240x64xf32, #tpu.memory_space<vmem_shared>>)
      %dma_start3A_414 = arith.constant 248 : i32
      %dma_start3A_415 = arith.constant 0 : i32
      %dma_start3A_416 = arith.constant 0 : i32
      %dma_start3A_417 = arith.constant 0 : i32
      %dma_start3A_418 = tpu.memref_slice %arg8[%dma_start3A_415, %dma_start3A_416, %dma_start3A_417] : memref<8x80x64xf32, #tpu.memory_space<vmem>> -> memref<1x80x64xf32, #tpu.memory_space<vmem>>
      %dma_start3A_419 = tpu.memref_squeeze %dma_start3A_418 : memref<1x80x64xf32, #tpu.memory_space<vmem>> -> memref<80x64xf32, #tpu.memory_space<vmem>>
      %dma_start3A_420 = arith.constant 0 : i32
      %dma_start3A_421 = tpu.memref_slice %arg6[%dma_start3A_414, %dma_start3A_420] : memref<250x80xi32, #tpu.memory_space<vmem>> -> memref<1x80xi32, #tpu.memory_space<vmem>>
      %dma_start3A_422 = tpu.memref_squeeze %dma_start3A_421 : memref<1x80xi32, #tpu.memory_space<vmem>> -> memref<80xi32, #tpu.memory_space<vmem>>
      %dma_start3A_423 = arith.constant 0 : i32
      %dma_start3A_424 = arith.constant 0 : i32
      %dma_start3A_425 = tpu.memref_slice %arg2[%dma_start3A_423, %dma_start3A_424] : memref<10000x64xf32, #tpu.memory_space<hbm>> -> memref<10000x64xf32, #tpu.memory_space<hbm>>
      tpu.enqueue_indirect_dma source(%dma_start3A_425 : memref<10000x64xf32, #tpu.memory_space<hbm>>) target(%dma_start3A_419 : memref<80x64xf32, #tpu.memory_space<vmem>>) offsets(%dma_start3A_422 : memref<80xi32, #tpu.memory_space<vmem>>) semaphore(%arg11 : memref<!tpu.dma_semaphore, #tpu.memory_space<semaphore_mem>>)
      %dma_wait3A_426 = arith.constant 248 : i32
      %dma_wait3A_427 = arith.constant 0 : i32
      %dma_wait3A_428 = arith.constant 0 : i32
      %dma_wait3A_429 = arith.constant 0 : i32
      %dma_wait3A_430 = tpu.memref_slice %arg8[%dma_wait3A_427, %dma_wait3A_428, %dma_wait3A_429] : memref<8x80x64xf32, #tpu.memory_space<vmem>> -> memref<1x80x64xf32, #tpu.memory_space<vmem>>
      %dma_wait3A_431 = tpu.memref_squeeze %dma_wait3A_430 : memref<1x80x64xf32, #tpu.memory_space<vmem>> -> memref<80x64xf32, #tpu.memory_space<vmem>>
      %dma_wait3A_432 = arith.constant 0 : i32
      %dma_wait3A_433 = tpu.memref_slice %arg6[%dma_wait3A_426, %dma_wait3A_432] : memref<250x80xi32, #tpu.memory_space<vmem>> -> memref<1x80xi32, #tpu.memory_space<vmem>>
      %dma_wait3A_434 = tpu.memref_squeeze %dma_wait3A_433 : memref<1x80xi32, #tpu.memory_space<vmem>> -> memref<80xi32, #tpu.memory_space<vmem>>
      %dma_wait3A_435 = arith.constant 0 : i32
      %dma_wait3A_436 = arith.constant 0 : i32
      %dma_wait3A_437 = tpu.memref_slice %arg2[%dma_wait3A_435, %dma_wait3A_436] : memref<10000x64xf32, #tpu.memory_space<hbm>> -> memref<10000x64xf32, #tpu.memory_space<hbm>>
      tpu.wait_indirect_dma semaphore(%arg11 : memref<!tpu.dma_semaphore, #tpu.memory_space<semaphore_mem>>) src(%dma_wait3A_437 : memref<10000x64xf32, #tpu.memory_space<hbm>>) dst(%dma_wait3A_431 : memref<80x64xf32, #tpu.memory_space<vmem>>)
      %run_scoped3A_438 = arith.constant 0 : i32
      %run_scoped3A_439 = arith.constant 248 : i32
      "tpu.region"() ({
        %run_scoped3A_466 = tpu.sem_alloc : memref<!tpu.dma_semaphore, #tpu.memory_space<semaphore_mem>>
        %dma_start3A_467 = arith.constant 0 : i32
        %dma_start3A_468 = arith.constant 0 : i32
        %dma_start3A_469 = tpu.memref_slice %arg8[%run_scoped3A_438, %dma_start3A_467, %dma_start3A_468] : memref<8x80x64xf32, #tpu.memory_space<vmem>> -> memref<1x80x64xf32, #tpu.memory_space<vmem>>
        %dma_start3A_470 = tpu.memref_squeeze %dma_start3A_469 : memref<1x80x64xf32, #tpu.memory_space<vmem>> -> memref<80x64xf32, #tpu.memory_space<vmem>>
        %dma_start3A_471 = arith.constant 0 : i32
        %dma_start3A_472 = tpu.memref_slice %arg7[%run_scoped3A_439, %dma_start3A_471] : memref<250x80xi32, #tpu.memory_space<vmem>> -> memref<1x80xi32, #tpu.memory_space<vmem>>
        %dma_start3A_473 = tpu.memref_squeeze %dma_start3A_472 : memref<1x80xi32, #tpu.memory_space<vmem>> -> memref<80xi32, #tpu.memory_space<vmem>>
        %dma_start3A_474 = arith.constant 0 : i32
        %dma_start3A_475 = arith.constant 0 : i32
        %dma_start3A_476 = tpu.memref_slice %arg10[%dma_start3A_474, %dma_start3A_475] : memref<10240x64xf32, #tpu.memory_space<vmem_shared>> -> memref<10240x64xf32, #tpu.memory_space<vmem_shared>>
        tpu.enqueue_indirect_dma source(%dma_start3A_470 : memref<80x64xf32, #tpu.memory_space<vmem>>) target(%dma_start3A_476 : memref<10240x64xf32, #tpu.memory_space<vmem_shared>>) offsets(%dma_start3A_473 : memref<80xi32, #tpu.memory_space<vmem>>) semaphore(%run_scoped3A_466 : memref<!tpu.dma_semaphore, #tpu.memory_space<semaphore_mem>>) {add = true}
        %dma_wait3A_477 = arith.constant 0 : i32
        %dma_wait3A_478 = arith.constant 0 : i32
        %dma_wait3A_479 = tpu.memref_slice %arg8[%run_scoped3A_438, %dma_wait3A_477, %dma_wait3A_478] : memref<8x80x64xf32, #tpu.memory_space<vmem>> -> memref<1x80x64xf32, #tpu.memory_space<vmem>>
        %dma_wait3A_480 = tpu.memref_squeeze %dma_wait3A_479 : memref<1x80x64xf32, #tpu.memory_space<vmem>> -> memref<80x64xf32, #tpu.memory_space<vmem>>
        %dma_wait3A_481 = arith.constant 0 : i32
        %dma_wait3A_482 = tpu.memref_slice %arg7[%run_scoped3A_439, %dma_wait3A_481] : memref<250x80xi32, #tpu.memory_space<vmem>> -> memref<1x80xi32, #tpu.memory_space<vmem>>
        %dma_wait3A_483 = tpu.memref_squeeze %dma_wait3A_482 : memref<1x80xi32, #tpu.memory_space<vmem>> -> memref<80xi32, #tpu.memory_space<vmem>>
        %dma_wait3A_484 = arith.constant 0 : i32
        %dma_wait3A_485 = arith.constant 0 : i32
        %dma_wait3A_486 = tpu.memref_slice %arg10[%dma_wait3A_484, %dma_wait3A_485] : memref<10240x64xf32, #tpu.memory_space<vmem_shared>> -> memref<10240x64xf32, #tpu.memory_space<vmem_shared>>
        tpu.wait_indirect_dma semaphore(%run_scoped3A_466 : memref<!tpu.dma_semaphore, #tpu.memory_space<semaphore_mem>>) src(%dma_wait3A_480 : memref<80x64xf32, #tpu.memory_space<vmem>>) dst(%dma_wait3A_486 : memref<10240x64xf32, #tpu.memory_space<vmem_shared>>)
        tpu.yield
      }) : () -> ()
      %dma_start3A_440 = arith.constant 249 : i32
      %dma_start3A_441 = arith.constant 0 : i32
      %dma_start3A_442 = arith.constant 0 : i32
      %dma_start3A_443 = arith.constant 0 : i32
      %dma_start3A_444 = tpu.memref_slice %arg8[%dma_start3A_441, %dma_start3A_442, %dma_start3A_443] : memref<8x80x64xf32, #tpu.memory_space<vmem>> -> memref<1x80x64xf32, #tpu.memory_space<vmem>>
      %dma_start3A_445 = tpu.memref_squeeze %dma_start3A_444 : memref<1x80x64xf32, #tpu.memory_space<vmem>> -> memref<80x64xf32, #tpu.memory_space<vmem>>
      %dma_start3A_446 = arith.constant 0 : i32
      %dma_start3A_447 = tpu.memref_slice %arg6[%dma_start3A_440, %dma_start3A_446] : memref<250x80xi32, #tpu.memory_space<vmem>> -> memref<1x80xi32, #tpu.memory_space<vmem>>
      %dma_start3A_448 = tpu.memref_squeeze %dma_start3A_447 : memref<1x80xi32, #tpu.memory_space<vmem>> -> memref<80xi32, #tpu.memory_space<vmem>>
      %dma_start3A_449 = arith.constant 0 : i32
      %dma_start3A_450 = arith.constant 0 : i32
      %dma_start3A_451 = tpu.memref_slice %arg2[%dma_start3A_449, %dma_start3A_450] : memref<10000x64xf32, #tpu.memory_space<hbm>> -> memref<10000x64xf32, #tpu.memory_space<hbm>>
      tpu.enqueue_indirect_dma source(%dma_start3A_451 : memref<10000x64xf32, #tpu.memory_space<hbm>>) target(%dma_start3A_445 : memref<80x64xf32, #tpu.memory_space<vmem>>) offsets(%dma_start3A_448 : memref<80xi32, #tpu.memory_space<vmem>>) semaphore(%arg11 : memref<!tpu.dma_semaphore, #tpu.memory_space<semaphore_mem>>)
      %dma_wait3A_452 = arith.constant 249 : i32
      %dma_wait3A_453 = arith.constant 0 : i32
      %dma_wait3A_454 = arith.constant 0 : i32
      %dma_wait3A_455 = arith.constant 0 : i32
      %dma_wait3A_456 = tpu.memref_slice %arg8[%dma_wait3A_453, %dma_wait3A_454, %dma_wait3A_455] : memref<8x80x64xf32, #tpu.memory_space<vmem>> -> memref<1x80x64xf32, #tpu.memory_space<vmem>>
      %dma_wait3A_457 = tpu.memref_squeeze %dma_wait3A_456 : memref<1x80x64xf32, #tpu.memory_space<vmem>> -> memref<80x64xf32, #tpu.memory_space<vmem>>
      %dma_wait3A_458 = arith.constant 0 : i32
      %dma_wait3A_459 = tpu.memref_slice %arg6[%dma_wait3A_452, %dma_wait3A_458] : memref<250x80xi32, #tpu.memory_space<vmem>> -> memref<1x80xi32, #tpu.memory_space<vmem>>
      %dma_wait3A_460 = tpu.memref_squeeze %dma_wait3A_459 : memref<1x80xi32, #tpu.memory_space<vmem>> -> memref<80xi32, #tpu.memory_space<vmem>>
      %dma_wait3A_461 = arith.constant 0 : i32
      %dma_wait3A_462 = arith.constant 0 : i32
      %dma_wait3A_463 = tpu.memref_slice %arg2[%dma_wait3A_461, %dma_wait3A_462] : memref<10000x64xf32, #tpu.memory_space<hbm>> -> memref<10000x64xf32, #tpu.memory_space<hbm>>
      tpu.wait_indirect_dma semaphore(%arg11 : memref<!tpu.dma_semaphore, #tpu.memory_space<semaphore_mem>>) src(%dma_wait3A_463 : memref<10000x64xf32, #tpu.memory_space<hbm>>) dst(%dma_wait3A_457 : memref<80x64xf32, #tpu.memory_space<vmem>>)
      %run_scoped3A_464 = arith.constant 0 : i32
      %run_scoped3A_465 = arith.constant 249 : i32
      "tpu.region"() ({
        %run_scoped3A_466 = tpu.sem_alloc : memref<!tpu.dma_semaphore, #tpu.memory_space<semaphore_mem>>
        %dma_start3A_467 = arith.constant 0 : i32
        %dma_start3A_468 = arith.constant 0 : i32
        %dma_start3A_469 = tpu.memref_slice %arg8[%run_scoped3A_464, %dma_start3A_467, %dma_start3A_468] : memref<8x80x64xf32, #tpu.memory_space<vmem>> -> memref<1x80x64xf32, #tpu.memory_space<vmem>>
        %dma_start3A_470 = tpu.memref_squeeze %dma_start3A_469 : memref<1x80x64xf32, #tpu.memory_space<vmem>> -> memref<80x64xf32, #tpu.memory_space<vmem>>
        %dma_start3A_471 = arith.constant 0 : i32
        %dma_start3A_472 = tpu.memref_slice %arg7[%run_scoped3A_465, %dma_start3A_471] : memref<250x80xi32, #tpu.memory_space<vmem>> -> memref<1x80xi32, #tpu.memory_space<vmem>>
        %dma_start3A_473 = tpu.memref_squeeze %dma_start3A_472 : memref<1x80xi32, #tpu.memory_space<vmem>> -> memref<80xi32, #tpu.memory_space<vmem>>
        %dma_start3A_474 = arith.constant 0 : i32
        %dma_start3A_475 = arith.constant 0 : i32
        %dma_start3A_476 = tpu.memref_slice %arg10[%dma_start3A_474, %dma_start3A_475] : memref<10240x64xf32, #tpu.memory_space<vmem_shared>> -> memref<10240x64xf32, #tpu.memory_space<vmem_shared>>
        tpu.enqueue_indirect_dma source(%dma_start3A_470 : memref<80x64xf32, #tpu.memory_space<vmem>>) target(%dma_start3A_476 : memref<10240x64xf32, #tpu.memory_space<vmem_shared>>) offsets(%dma_start3A_473 : memref<80xi32, #tpu.memory_space<vmem>>) semaphore(%run_scoped3A_466 : memref<!tpu.dma_semaphore, #tpu.memory_space<semaphore_mem>>) {add = true}
        %dma_wait3A_477 = arith.constant 0 : i32
        %dma_wait3A_478 = arith.constant 0 : i32
        %dma_wait3A_479 = tpu.memref_slice %arg8[%run_scoped3A_464, %dma_wait3A_477, %dma_wait3A_478] : memref<8x80x64xf32, #tpu.memory_space<vmem>> -> memref<1x80x64xf32, #tpu.memory_space<vmem>>
        %dma_wait3A_480 = tpu.memref_squeeze %dma_wait3A_479 : memref<1x80x64xf32, #tpu.memory_space<vmem>> -> memref<80x64xf32, #tpu.memory_space<vmem>>
        %dma_wait3A_481 = arith.constant 0 : i32
        %dma_wait3A_482 = tpu.memref_slice %arg7[%run_scoped3A_465, %dma_wait3A_481] : memref<250x80xi32, #tpu.memory_space<vmem>> -> memref<1x80xi32, #tpu.memory_space<vmem>>
        %dma_wait3A_483 = tpu.memref_squeeze %dma_wait3A_482 : memref<1x80xi32, #tpu.memory_space<vmem>> -> memref<80xi32, #tpu.memory_space<vmem>>
        %dma_wait3A_484 = arith.constant 0 : i32
        %dma_wait3A_485 = arith.constant 0 : i32
        %dma_wait3A_486 = tpu.memref_slice %arg10[%dma_wait3A_484, %dma_wait3A_485] : memref<10240x64xf32, #tpu.memory_space<vmem_shared>> -> memref<10240x64xf32, #tpu.memory_space<vmem_shared>>
        tpu.wait_indirect_dma semaphore(%run_scoped3A_466 : memref<!tpu.dma_semaphore, #tpu.memory_space<semaphore_mem>>) src(%dma_wait3A_480 : memref<80x64xf32, #tpu.memory_space<vmem>>) dst(%dma_wait3A_486 : memref<10240x64xf32, #tpu.memory_space<vmem_shared>>)
        tpu.yield
      }) : () -> ()
    } else {
    }
    %eq3A_16 = arith.constant 1 : i32
    %eq3A_17 = arith.cmpi eq, %arg0, %eq3A_16 : i32
    %convert_element_type3A_18 = arith.extui %eq3A_17 : i1 to i32
    %cond3A_19 = arith.constant 0 : i32
    %cond3A_20 = arith.cmpi ne, %convert_element_type3A_18, %cond3A_19 : i32
    scf.if %cond3A_20 {
      %dma_start3A = arith.constant 0 : i32
      %dma_start3A_25 = arith.constant 0 : i32
      %dma_start3A_26 = arith.constant 0 : i32
      %dma_start3A_27 = arith.constant 0 : i32
      %dma_start3A_28 = tpu.memref_slice %arg8[%dma_start3A_25, %dma_start3A_26, %dma_start3A_27] : memref<8x80x64xf32, #tpu.memory_space<vmem>> -> memref<1x80x64xf32, #tpu.memory_space<vmem>>
      %dma_start3A_29 = tpu.memref_squeeze %dma_start3A_28 : memref<1x80x64xf32, #tpu.memory_space<vmem>> -> memref<80x64xf32, #tpu.memory_space<vmem>>
      %dma_start3A_30 = arith.constant 0 : i32
      %dma_start3A_31 = tpu.memref_slice %arg6[%dma_start3A, %dma_start3A_30] : memref<250x80xi32, #tpu.memory_space<vmem>> -> memref<1x80xi32, #tpu.memory_space<vmem>>
      %dma_start3A_32 = tpu.memref_squeeze %dma_start3A_31 : memref<1x80xi32, #tpu.memory_space<vmem>> -> memref<80xi32, #tpu.memory_space<vmem>>
      %dma_start3A_33 = arith.constant 0 : i32
      %dma_start3A_34 = arith.constant 0 : i32
      %dma_start3A_35 = tpu.memref_slice %arg3[%dma_start3A_33, %dma_start3A_34] : memref<10000x64xf32, #tpu.memory_space<hbm>> -> memref<10000x64xf32, #tpu.memory_space<hbm>>
      tpu.enqueue_indirect_dma source(%dma_start3A_35 : memref<10000x64xf32, #tpu.memory_space<hbm>>) target(%dma_start3A_29 : memref<80x64xf32, #tpu.memory_space<vmem>>) offsets(%dma_start3A_32 : memref<80xi32, #tpu.memory_space<vmem>>) semaphore(%arg11 : memref<!tpu.dma_semaphore, #tpu.memory_space<semaphore_mem>>)
      %dma_start3A_36 = arith.constant 1 : i32
      %dma_start3A_37 = arith.constant 1 : i32
      %dma_start3A_38 = arith.constant 0 : i32
      %dma_start3A_39 = arith.constant 0 : i32
      %dma_start3A_40 = tpu.memref_slice %arg8[%dma_start3A_37, %dma_start3A_38, %dma_start3A_39] : memref<8x80x64xf32, #tpu.memory_space<vmem>> -> memref<1x80x64xf32, #tpu.memory_space<vmem>>
      %dma_start3A_41 = tpu.memref_squeeze %dma_start3A_40 : memref<1x80x64xf32, #tpu.memory_space<vmem>> -> memref<80x64xf32, #tpu.memory_space<vmem>>
      %dma_start3A_42 = arith.constant 0 : i32
      %dma_start3A_43 = tpu.memref_slice %arg6[%dma_start3A_36, %dma_start3A_42] : memref<250x80xi32, #tpu.memory_space<vmem>> -> memref<1x80xi32, #tpu.memory_space<vmem>>
      %dma_start3A_44 = tpu.memref_squeeze %dma_start3A_43 : memref<1x80xi32, #tpu.memory_space<vmem>> -> memref<80xi32, #tpu.memory_space<vmem>>
      %dma_start3A_45 = arith.constant 0 : i32
      %dma_start3A_46 = arith.constant 0 : i32
      %dma_start3A_47 = tpu.memref_slice %arg3[%dma_start3A_45, %dma_start3A_46] : memref<10000x64xf32, #tpu.memory_space<hbm>> -> memref<10000x64xf32, #tpu.memory_space<hbm>>
      tpu.enqueue_indirect_dma source(%dma_start3A_47 : memref<10000x64xf32, #tpu.memory_space<hbm>>) target(%dma_start3A_41 : memref<80x64xf32, #tpu.memory_space<vmem>>) offsets(%dma_start3A_44 : memref<80xi32, #tpu.memory_space<vmem>>) semaphore(%arg11 : memref<!tpu.dma_semaphore, #tpu.memory_space<semaphore_mem>>)
      %dma_start3A_48 = arith.constant 2 : i32
      %dma_start3A_49 = arith.constant 2 : i32
      %dma_start3A_50 = arith.constant 0 : i32
      %dma_start3A_51 = arith.constant 0 : i32
      %dma_start3A_52 = tpu.memref_slice %arg8[%dma_start3A_49, %dma_start3A_50, %dma_start3A_51] : memref<8x80x64xf32, #tpu.memory_space<vmem>> -> memref<1x80x64xf32, #tpu.memory_space<vmem>>
      %dma_start3A_53 = tpu.memref_squeeze %dma_start3A_52 : memref<1x80x64xf32, #tpu.memory_space<vmem>> -> memref<80x64xf32, #tpu.memory_space<vmem>>
      %dma_start3A_54 = arith.constant 0 : i32
      %dma_start3A_55 = tpu.memref_slice %arg6[%dma_start3A_48, %dma_start3A_54] : memref<250x80xi32, #tpu.memory_space<vmem>> -> memref<1x80xi32, #tpu.memory_space<vmem>>
      %dma_start3A_56 = tpu.memref_squeeze %dma_start3A_55 : memref<1x80xi32, #tpu.memory_space<vmem>> -> memref<80xi32, #tpu.memory_space<vmem>>
      %dma_start3A_57 = arith.constant 0 : i32
      %dma_start3A_58 = arith.constant 0 : i32
      %dma_start3A_59 = tpu.memref_slice %arg3[%dma_start3A_57, %dma_start3A_58] : memref<10000x64xf32, #tpu.memory_space<hbm>> -> memref<10000x64xf32, #tpu.memory_space<hbm>>
      tpu.enqueue_indirect_dma source(%dma_start3A_59 : memref<10000x64xf32, #tpu.memory_space<hbm>>) target(%dma_start3A_53 : memref<80x64xf32, #tpu.memory_space<vmem>>) offsets(%dma_start3A_56 : memref<80xi32, #tpu.memory_space<vmem>>) semaphore(%arg11 : memref<!tpu.dma_semaphore, #tpu.memory_space<semaphore_mem>>)
      %dma_start3A_60 = arith.constant 3 : i32
      %dma_start3A_61 = arith.constant 3 : i32
      %dma_start3A_62 = arith.constant 0 : i32
      %dma_start3A_63 = arith.constant 0 : i32
      %dma_start3A_64 = tpu.memref_slice %arg8[%dma_start3A_61, %dma_start3A_62, %dma_start3A_63] : memref<8x80x64xf32, #tpu.memory_space<vmem>> -> memref<1x80x64xf32, #tpu.memory_space<vmem>>
      %dma_start3A_65 = tpu.memref_squeeze %dma_start3A_64 : memref<1x80x64xf32, #tpu.memory_space<vmem>> -> memref<80x64xf32, #tpu.memory_space<vmem>>
      %dma_start3A_66 = arith.constant 0 : i32
      %dma_start3A_67 = tpu.memref_slice %arg6[%dma_start3A_60, %dma_start3A_66] : memref<250x80xi32, #tpu.memory_space<vmem>> -> memref<1x80xi32, #tpu.memory_space<vmem>>
      %dma_start3A_68 = tpu.memref_squeeze %dma_start3A_67 : memref<1x80xi32, #tpu.memory_space<vmem>> -> memref<80xi32, #tpu.memory_space<vmem>>
      %dma_start3A_69 = arith.constant 0 : i32
      %dma_start3A_70 = arith.constant 0 : i32
      %dma_start3A_71 = tpu.memref_slice %arg3[%dma_start3A_69, %dma_start3A_70] : memref<10000x64xf32, #tpu.memory_space<hbm>> -> memref<10000x64xf32, #tpu.memory_space<hbm>>
      tpu.enqueue_indirect_dma source(%dma_start3A_71 : memref<10000x64xf32, #tpu.memory_space<hbm>>) target(%dma_start3A_65 : memref<80x64xf32, #tpu.memory_space<vmem>>) offsets(%dma_start3A_68 : memref<80xi32, #tpu.memory_space<vmem>>) semaphore(%arg11 : memref<!tpu.dma_semaphore, #tpu.memory_space<semaphore_mem>>)
      %dma_start3A_72 = arith.constant 4 : i32
      %dma_start3A_73 = arith.constant 4 : i32
      %dma_start3A_74 = arith.constant 0 : i32
      %dma_start3A_75 = arith.constant 0 : i32
      %dma_start3A_76 = tpu.memref_slice %arg8[%dma_start3A_73, %dma_start3A_74, %dma_start3A_75] : memref<8x80x64xf32, #tpu.memory_space<vmem>> -> memref<1x80x64xf32, #tpu.memory_space<vmem>>
      %dma_start3A_77 = tpu.memref_squeeze %dma_start3A_76 : memref<1x80x64xf32, #tpu.memory_space<vmem>> -> memref<80x64xf32, #tpu.memory_space<vmem>>
      %dma_start3A_78 = arith.constant 0 : i32
      %dma_start3A_79 = tpu.memref_slice %arg6[%dma_start3A_72, %dma_start3A_78] : memref<250x80xi32, #tpu.memory_space<vmem>> -> memref<1x80xi32, #tpu.memory_space<vmem>>
      %dma_start3A_80 = tpu.memref_squeeze %dma_start3A_79 : memref<1x80xi32, #tpu.memory_space<vmem>> -> memref<80xi32, #tpu.memory_space<vmem>>
      %dma_start3A_81 = arith.constant 0 : i32
      %dma_start3A_82 = arith.constant 0 : i32
      %dma_start3A_83 = tpu.memref_slice %arg3[%dma_start3A_81, %dma_start3A_82] : memref<10000x64xf32, #tpu.memory_space<hbm>> -> memref<10000x64xf32, #tpu.memory_space<hbm>>
      tpu.enqueue_indirect_dma source(%dma_start3A_83 : memref<10000x64xf32, #tpu.memory_space<hbm>>) target(%dma_start3A_77 : memref<80x64xf32, #tpu.memory_space<vmem>>) offsets(%dma_start3A_80 : memref<80xi32, #tpu.memory_space<vmem>>) semaphore(%arg11 : memref<!tpu.dma_semaphore, #tpu.memory_space<semaphore_mem>>)
      %dma_start3A_84 = arith.constant 5 : i32
      %dma_start3A_85 = arith.constant 5 : i32
      %dma_start3A_86 = arith.constant 0 : i32
      %dma_start3A_87 = arith.constant 0 : i32
      %dma_start3A_88 = tpu.memref_slice %arg8[%dma_start3A_85, %dma_start3A_86, %dma_start3A_87] : memref<8x80x64xf32, #tpu.memory_space<vmem>> -> memref<1x80x64xf32, #tpu.memory_space<vmem>>
      %dma_start3A_89 = tpu.memref_squeeze %dma_start3A_88 : memref<1x80x64xf32, #tpu.memory_space<vmem>> -> memref<80x64xf32, #tpu.memory_space<vmem>>
      %dma_start3A_90 = arith.constant 0 : i32
      %dma_start3A_91 = tpu.memref_slice %arg6[%dma_start3A_84, %dma_start3A_90] : memref<250x80xi32, #tpu.memory_space<vmem>> -> memref<1x80xi32, #tpu.memory_space<vmem>>
      %dma_start3A_92 = tpu.memref_squeeze %dma_start3A_91 : memref<1x80xi32, #tpu.memory_space<vmem>> -> memref<80xi32, #tpu.memory_space<vmem>>
      %dma_start3A_93 = arith.constant 0 : i32
      %dma_start3A_94 = arith.constant 0 : i32
      %dma_start3A_95 = tpu.memref_slice %arg3[%dma_start3A_93, %dma_start3A_94] : memref<10000x64xf32, #tpu.memory_space<hbm>> -> memref<10000x64xf32, #tpu.memory_space<hbm>>
      tpu.enqueue_indirect_dma source(%dma_start3A_95 : memref<10000x64xf32, #tpu.memory_space<hbm>>) target(%dma_start3A_89 : memref<80x64xf32, #tpu.memory_space<vmem>>) offsets(%dma_start3A_92 : memref<80xi32, #tpu.memory_space<vmem>>) semaphore(%arg11 : memref<!tpu.dma_semaphore, #tpu.memory_space<semaphore_mem>>)
      %dma_start3A_96 = arith.constant 6 : i32
      %dma_start3A_97 = arith.constant 6 : i32
      %dma_start3A_98 = arith.constant 0 : i32
      %dma_start3A_99 = arith.constant 0 : i32
      %dma_start3A_100 = tpu.memref_slice %arg8[%dma_start3A_97, %dma_start3A_98, %dma_start3A_99] : memref<8x80x64xf32, #tpu.memory_space<vmem>> -> memref<1x80x64xf32, #tpu.memory_space<vmem>>
      %dma_start3A_101 = tpu.memref_squeeze %dma_start3A_100 : memref<1x80x64xf32, #tpu.memory_space<vmem>> -> memref<80x64xf32, #tpu.memory_space<vmem>>
      %dma_start3A_102 = arith.constant 0 : i32
      %dma_start3A_103 = tpu.memref_slice %arg6[%dma_start3A_96, %dma_start3A_102] : memref<250x80xi32, #tpu.memory_space<vmem>> -> memref<1x80xi32, #tpu.memory_space<vmem>>
      %dma_start3A_104 = tpu.memref_squeeze %dma_start3A_103 : memref<1x80xi32, #tpu.memory_space<vmem>> -> memref<80xi32, #tpu.memory_space<vmem>>
      %dma_start3A_105 = arith.constant 0 : i32
      %dma_start3A_106 = arith.constant 0 : i32
      %dma_start3A_107 = tpu.memref_slice %arg3[%dma_start3A_105, %dma_start3A_106] : memref<10000x64xf32, #tpu.memory_space<hbm>> -> memref<10000x64xf32, #tpu.memory_space<hbm>>
      tpu.enqueue_indirect_dma source(%dma_start3A_107 : memref<10000x64xf32, #tpu.memory_space<hbm>>) target(%dma_start3A_101 : memref<80x64xf32, #tpu.memory_space<vmem>>) offsets(%dma_start3A_104 : memref<80xi32, #tpu.memory_space<vmem>>) semaphore(%arg11 : memref<!tpu.dma_semaphore, #tpu.memory_space<semaphore_mem>>)
      %dma_start3A_108 = arith.constant 7 : i32
      %dma_start3A_109 = arith.constant 7 : i32
      %dma_start3A_110 = arith.constant 0 : i32
      %dma_start3A_111 = arith.constant 0 : i32
      %dma_start3A_112 = tpu.memref_slice %arg8[%dma_start3A_109, %dma_start3A_110, %dma_start3A_111] : memref<8x80x64xf32, #tpu.memory_space<vmem>> -> memref<1x80x64xf32, #tpu.memory_space<vmem>>
      %dma_start3A_113 = tpu.memref_squeeze %dma_start3A_112 : memref<1x80x64xf32, #tpu.memory_space<vmem>> -> memref<80x64xf32, #tpu.memory_space<vmem>>
      %dma_start3A_114 = arith.constant 0 : i32
      %dma_start3A_115 = tpu.memref_slice %arg6[%dma_start3A_108, %dma_start3A_114] : memref<250x80xi32, #tpu.memory_space<vmem>> -> memref<1x80xi32, #tpu.memory_space<vmem>>
      %dma_start3A_116 = tpu.memref_squeeze %dma_start3A_115 : memref<1x80xi32, #tpu.memory_space<vmem>> -> memref<80xi32, #tpu.memory_space<vmem>>
      %dma_start3A_117 = arith.constant 0 : i32
      %dma_start3A_118 = arith.constant 0 : i32
      %dma_start3A_119 = tpu.memref_slice %arg3[%dma_start3A_117, %dma_start3A_118] : memref<10000x64xf32, #tpu.memory_space<hbm>> -> memref<10000x64xf32, #tpu.memory_space<hbm>>
      tpu.enqueue_indirect_dma source(%dma_start3A_119 : memref<10000x64xf32, #tpu.memory_space<hbm>>) target(%dma_start3A_113 : memref<80x64xf32, #tpu.memory_space<vmem>>) offsets(%dma_start3A_116 : memref<80xi32, #tpu.memory_space<vmem>>) semaphore(%arg11 : memref<!tpu.dma_semaphore, #tpu.memory_space<semaphore_mem>>)
      %scan3A_120 = arith.constant 0 : i32
      %scan3A_121 = arith.constant 0 : i32
      %scan3A_122 = arith.constant 60 : i32
      %scan3A_123 = arith.addi %scan3A_121, %scan3A_122 : i32
      %scan3A_124 = arith.constant 1 : i32
      %scan3A_125 = scf.for %scan3A_466 = %scan3A_121 to %scan3A_123 step %scan3A_124 iter_args(%scan3A_467 = %scan3A_120) -> (i32)  : i32 {
        %jit3A = arith.constant 2 : i32
        %eq3A_468 = arith.constant 0 : i32
        %eq3A_469 = arith.cmpi eq, %jit3A, %eq3A_468 : i32
        %jit3A_470 = arith.constant 1 : i32
        %select_n3A = arith.select %eq3A_469, %jit3A_470, %jit3A : i32
        %rem3A = arith.remsi %scan3A_466, %select_n3A : i32
        %ne3A = arith.constant 0 : i32
        %ne3A_471 = arith.cmpi ne, %rem3A, %ne3A : i32
        %lt3A = arith.constant 0 : i32
        %lt3A_472 = arith.cmpi slt, %rem3A, %lt3A : i32
        %lt3A_473 = arith.constant 0 : i32
        %lt3A_474 = arith.cmpi slt, %select_n3A, %lt3A_473 : i32
        %ne3A_475 = arith.xori %lt3A_472, %lt3A_474 : i1
        %and3A = arith.andi %ne3A_475, %ne3A_471 : i1
        %add3A = arith.addi %rem3A, %select_n3A : i32
        %select_n3A_476 = arith.select %and3A, %add3A, %rem3A : i32
        %mul3A_477 = arith.constant 4 : i32
        %mul3A_478 = arith.muli %select_n3A_476, %mul3A_477 : i32
        %add3A_479 = arith.constant 0 : i32
        %add3A_480 = arith.addi %mul3A_478, %add3A_479 : i32
        %dma_wait3A_481 = arith.constant 0 : i32
        %dma_wait3A_482 = arith.constant 0 : i32
        %dma_wait3A_483 = arith.constant 0 : i32
        %dma_wait3A_484 = tpu.memref_slice %arg8[%add3A_480, %dma_wait3A_482, %dma_wait3A_483] : memref<8x80x64xf32, #tpu.memory_space<vmem>> -> memref<1x80x64xf32, #tpu.memory_space<vmem>>
        %dma_wait3A_485 = tpu.memref_squeeze %dma_wait3A_484 : memref<1x80x64xf32, #tpu.memory_space<vmem>> -> memref<80x64xf32, #tpu.memory_space<vmem>>
        %dma_wait3A_486 = arith.constant 0 : i32
        %dma_wait3A_487 = tpu.memref_slice %arg6[%dma_wait3A_481, %dma_wait3A_486] : memref<250x80xi32, #tpu.memory_space<vmem>> -> memref<1x80xi32, #tpu.memory_space<vmem>>
        %dma_wait3A_488 = tpu.memref_squeeze %dma_wait3A_487 : memref<1x80xi32, #tpu.memory_space<vmem>> -> memref<80xi32, #tpu.memory_space<vmem>>
        %dma_wait3A_489 = arith.constant 0 : i32
        %dma_wait3A_490 = arith.constant 0 : i32
        %dma_wait3A_491 = tpu.memref_slice %arg3[%dma_wait3A_489, %dma_wait3A_490] : memref<10000x64xf32, #tpu.memory_space<hbm>> -> memref<10000x64xf32, #tpu.memory_space<hbm>>
        tpu.wait_indirect_dma semaphore(%arg11 : memref<!tpu.dma_semaphore, #tpu.memory_space<semaphore_mem>>) src(%dma_wait3A_491 : memref<10000x64xf32, #tpu.memory_space<hbm>>) dst(%dma_wait3A_485 : memref<80x64xf32, #tpu.memory_space<vmem>>)
        %add3A_492 = arith.constant 1 : i32
        %add3A_493 = arith.addi %mul3A_478, %add3A_492 : i32
        %dma_wait3A_494 = arith.constant 0 : i32
        %dma_wait3A_495 = arith.constant 0 : i32
        %dma_wait3A_496 = arith.constant 0 : i32
        %dma_wait3A_497 = tpu.memref_slice %arg8[%add3A_493, %dma_wait3A_495, %dma_wait3A_496] : memref<8x80x64xf32, #tpu.memory_space<vmem>> -> memref<1x80x64xf32, #tpu.memory_space<vmem>>
        %dma_wait3A_498 = tpu.memref_squeeze %dma_wait3A_497 : memref<1x80x64xf32, #tpu.memory_space<vmem>> -> memref<80x64xf32, #tpu.memory_space<vmem>>
        %dma_wait3A_499 = arith.constant 0 : i32
        %dma_wait3A_500 = tpu.memref_slice %arg6[%dma_wait3A_494, %dma_wait3A_499] : memref<250x80xi32, #tpu.memory_space<vmem>> -> memref<1x80xi32, #tpu.memory_space<vmem>>
        %dma_wait3A_501 = tpu.memref_squeeze %dma_wait3A_500 : memref<1x80xi32, #tpu.memory_space<vmem>> -> memref<80xi32, #tpu.memory_space<vmem>>
        %dma_wait3A_502 = arith.constant 0 : i32
        %dma_wait3A_503 = arith.constant 0 : i32
        %dma_wait3A_504 = tpu.memref_slice %arg3[%dma_wait3A_502, %dma_wait3A_503] : memref<10000x64xf32, #tpu.memory_space<hbm>> -> memref<10000x64xf32, #tpu.memory_space<hbm>>
        tpu.wait_indirect_dma semaphore(%arg11 : memref<!tpu.dma_semaphore, #tpu.memory_space<semaphore_mem>>) src(%dma_wait3A_504 : memref<10000x64xf32, #tpu.memory_space<hbm>>) dst(%dma_wait3A_498 : memref<80x64xf32, #tpu.memory_space<vmem>>)
        %add3A_505 = arith.constant 2 : i32
        %add3A_506 = arith.addi %mul3A_478, %add3A_505 : i32
        %dma_wait3A_507 = arith.constant 0 : i32
        %dma_wait3A_508 = arith.constant 0 : i32
        %dma_wait3A_509 = arith.constant 0 : i32
        %dma_wait3A_510 = tpu.memref_slice %arg8[%add3A_506, %dma_wait3A_508, %dma_wait3A_509] : memref<8x80x64xf32, #tpu.memory_space<vmem>> -> memref<1x80x64xf32, #tpu.memory_space<vmem>>
        %dma_wait3A_511 = tpu.memref_squeeze %dma_wait3A_510 : memref<1x80x64xf32, #tpu.memory_space<vmem>> -> memref<80x64xf32, #tpu.memory_space<vmem>>
        %dma_wait3A_512 = arith.constant 0 : i32
        %dma_wait3A_513 = tpu.memref_slice %arg6[%dma_wait3A_507, %dma_wait3A_512] : memref<250x80xi32, #tpu.memory_space<vmem>> -> memref<1x80xi32, #tpu.memory_space<vmem>>
        %dma_wait3A_514 = tpu.memref_squeeze %dma_wait3A_513 : memref<1x80xi32, #tpu.memory_space<vmem>> -> memref<80xi32, #tpu.memory_space<vmem>>
        %dma_wait3A_515 = arith.constant 0 : i32
        %dma_wait3A_516 = arith.constant 0 : i32
        %dma_wait3A_517 = tpu.memref_slice %arg3[%dma_wait3A_515, %dma_wait3A_516] : memref<10000x64xf32, #tpu.memory_space<hbm>> -> memref<10000x64xf32, #tpu.memory_space<hbm>>
        tpu.wait_indirect_dma semaphore(%arg11 : memref<!tpu.dma_semaphore, #tpu.memory_space<semaphore_mem>>) src(%dma_wait3A_517 : memref<10000x64xf32, #tpu.memory_space<hbm>>) dst(%dma_wait3A_511 : memref<80x64xf32, #tpu.memory_space<vmem>>)
        %add3A_518 = arith.constant 3 : i32
        %add3A_519 = arith.addi %mul3A_478, %add3A_518 : i32
        %dma_wait3A_520 = arith.constant 0 : i32
        %dma_wait3A_521 = arith.constant 0 : i32
        %dma_wait3A_522 = arith.constant 0 : i32
        %dma_wait3A_523 = tpu.memref_slice %arg8[%add3A_519, %dma_wait3A_521, %dma_wait3A_522] : memref<8x80x64xf32, #tpu.memory_space<vmem>> -> memref<1x80x64xf32, #tpu.memory_space<vmem>>
        %dma_wait3A_524 = tpu.memref_squeeze %dma_wait3A_523 : memref<1x80x64xf32, #tpu.memory_space<vmem>> -> memref<80x64xf32, #tpu.memory_space<vmem>>
        %dma_wait3A_525 = arith.constant 0 : i32
        %dma_wait3A_526 = tpu.memref_slice %arg6[%dma_wait3A_520, %dma_wait3A_525] : memref<250x80xi32, #tpu.memory_space<vmem>> -> memref<1x80xi32, #tpu.memory_space<vmem>>
        %dma_wait3A_527 = tpu.memref_squeeze %dma_wait3A_526 : memref<1x80xi32, #tpu.memory_space<vmem>> -> memref<80xi32, #tpu.memory_space<vmem>>
        %dma_wait3A_528 = arith.constant 0 : i32
        %dma_wait3A_529 = arith.constant 0 : i32
        %dma_wait3A_530 = tpu.memref_slice %arg3[%dma_wait3A_528, %dma_wait3A_529] : memref<10000x64xf32, #tpu.memory_space<hbm>> -> memref<10000x64xf32, #tpu.memory_space<hbm>>
        tpu.wait_indirect_dma semaphore(%arg11 : memref<!tpu.dma_semaphore, #tpu.memory_space<semaphore_mem>>) src(%dma_wait3A_530 : memref<10000x64xf32, #tpu.memory_space<hbm>>) dst(%dma_wait3A_524 : memref<80x64xf32, #tpu.memory_space<vmem>>)
        %add3A_531 = arith.constant 0 : i32
        %add3A_532 = arith.addi %mul3A_478, %add3A_531 : i32
        %mul3A_533 = arith.constant 4 : i32
        %mul3A_534 = arith.muli %scan3A_466, %mul3A_533 : i32
        %add3A_535 = arith.constant 0 : i32
        %add3A_536 = arith.addi %mul3A_534, %add3A_535 : i32
        %dma_start3A_537 = arith.constant 0 : i32
        %dma_start3A_538 = arith.constant 0 : i32
        %dma_start3A_539 = tpu.memref_slice %arg8[%add3A_532, %dma_start3A_537, %dma_start3A_538] : memref<8x80x64xf32, #tpu.memory_space<vmem>> -> memref<1x80x64xf32, #tpu.memory_space<vmem>>
        %dma_start3A_540 = tpu.memref_squeeze %dma_start3A_539 : memref<1x80x64xf32, #tpu.memory_space<vmem>> -> memref<80x64xf32, #tpu.memory_space<vmem>>
        %dma_start3A_541 = arith.constant 0 : i32
        %dma_start3A_542 = tpu.memref_slice %arg7[%add3A_536, %dma_start3A_541] : memref<250x80xi32, #tpu.memory_space<vmem>> -> memref<1x80xi32, #tpu.memory_space<vmem>>
        %dma_start3A_543 = tpu.memref_squeeze %dma_start3A_542 : memref<1x80xi32, #tpu.memory_space<vmem>> -> memref<80xi32, #tpu.memory_space<vmem>>
        %dma_start3A_544 = arith.constant 0 : i32
        %dma_start3A_545 = arith.constant 0 : i32
        %dma_start3A_546 = tpu.memref_slice %arg10[%dma_start3A_544, %dma_start3A_545] : memref<10240x64xf32, #tpu.memory_space<vmem_shared>> -> memref<10240x64xf32, #tpu.memory_space<vmem_shared>>
        tpu.enqueue_indirect_dma source(%dma_start3A_540 : memref<80x64xf32, #tpu.memory_space<vmem>>) target(%dma_start3A_546 : memref<10240x64xf32, #tpu.memory_space<vmem_shared>>) offsets(%dma_start3A_543 : memref<80xi32, #tpu.memory_space<vmem>>) semaphore(%arg12 : memref<!tpu.dma_semaphore, #tpu.memory_space<semaphore_mem>>) {add = true}
        %add3A_547 = arith.constant 1 : i32
        %add3A_548 = arith.addi %mul3A_478, %add3A_547 : i32
        %mul3A_549 = arith.constant 4 : i32
        %mul3A_550 = arith.muli %scan3A_466, %mul3A_549 : i32
        %add3A_551 = arith.constant 1 : i32
        %add3A_552 = arith.addi %mul3A_550, %add3A_551 : i32
        %dma_start3A_553 = arith.constant 0 : i32
        %dma_start3A_554 = arith.constant 0 : i32
        %dma_start3A_555 = tpu.memref_slice %arg8[%add3A_548, %dma_start3A_553, %dma_start3A_554] : memref<8x80x64xf32, #tpu.memory_space<vmem>> -> memref<1x80x64xf32, #tpu.memory_space<vmem>>
        %dma_start3A_556 = tpu.memref_squeeze %dma_start3A_555 : memref<1x80x64xf32, #tpu.memory_space<vmem>> -> memref<80x64xf32, #tpu.memory_space<vmem>>
        %dma_start3A_557 = arith.constant 0 : i32
        %dma_start3A_558 = tpu.memref_slice %arg7[%add3A_552, %dma_start3A_557] : memref<250x80xi32, #tpu.memory_space<vmem>> -> memref<1x80xi32, #tpu.memory_space<vmem>>
        %dma_start3A_559 = tpu.memref_squeeze %dma_start3A_558 : memref<1x80xi32, #tpu.memory_space<vmem>> -> memref<80xi32, #tpu.memory_space<vmem>>
        %dma_start3A_560 = arith.constant 0 : i32
        %dma_start3A_561 = arith.constant 0 : i32
        %dma_start3A_562 = tpu.memref_slice %arg10[%dma_start3A_560, %dma_start3A_561] : memref<10240x64xf32, #tpu.memory_space<vmem_shared>> -> memref<10240x64xf32, #tpu.memory_space<vmem_shared>>
        tpu.enqueue_indirect_dma source(%dma_start3A_556 : memref<80x64xf32, #tpu.memory_space<vmem>>) target(%dma_start3A_562 : memref<10240x64xf32, #tpu.memory_space<vmem_shared>>) offsets(%dma_start3A_559 : memref<80xi32, #tpu.memory_space<vmem>>) semaphore(%arg12 : memref<!tpu.dma_semaphore, #tpu.memory_space<semaphore_mem>>) {add = true}
        %add3A_563 = arith.constant 2 : i32
        %add3A_564 = arith.addi %mul3A_478, %add3A_563 : i32
        %mul3A_565 = arith.constant 4 : i32
        %mul3A_566 = arith.muli %scan3A_466, %mul3A_565 : i32
        %add3A_567 = arith.constant 2 : i32
        %add3A_568 = arith.addi %mul3A_566, %add3A_567 : i32
        %dma_start3A_569 = arith.constant 0 : i32
        %dma_start3A_570 = arith.constant 0 : i32
        %dma_start3A_571 = tpu.memref_slice %arg8[%add3A_564, %dma_start3A_569, %dma_start3A_570] : memref<8x80x64xf32, #tpu.memory_space<vmem>> -> memref<1x80x64xf32, #tpu.memory_space<vmem>>
        %dma_start3A_572 = tpu.memref_squeeze %dma_start3A_571 : memref<1x80x64xf32, #tpu.memory_space<vmem>> -> memref<80x64xf32, #tpu.memory_space<vmem>>
        %dma_start3A_573 = arith.constant 0 : i32
        %dma_start3A_574 = tpu.memref_slice %arg7[%add3A_568, %dma_start3A_573] : memref<250x80xi32, #tpu.memory_space<vmem>> -> memref<1x80xi32, #tpu.memory_space<vmem>>
        %dma_start3A_575 = tpu.memref_squeeze %dma_start3A_574 : memref<1x80xi32, #tpu.memory_space<vmem>> -> memref<80xi32, #tpu.memory_space<vmem>>
        %dma_start3A_576 = arith.constant 0 : i32
        %dma_start3A_577 = arith.constant 0 : i32
        %dma_start3A_578 = tpu.memref_slice %arg10[%dma_start3A_576, %dma_start3A_577] : memref<10240x64xf32, #tpu.memory_space<vmem_shared>> -> memref<10240x64xf32, #tpu.memory_space<vmem_shared>>
        tpu.enqueue_indirect_dma source(%dma_start3A_572 : memref<80x64xf32, #tpu.memory_space<vmem>>) target(%dma_start3A_578 : memref<10240x64xf32, #tpu.memory_space<vmem_shared>>) offsets(%dma_start3A_575 : memref<80xi32, #tpu.memory_space<vmem>>) semaphore(%arg12 : memref<!tpu.dma_semaphore, #tpu.memory_space<semaphore_mem>>) {add = true}
        %add3A_579 = arith.constant 3 : i32
        %add3A_580 = arith.addi %mul3A_478, %add3A_579 : i32
        %mul3A_581 = arith.constant 4 : i32
        %mul3A_582 = arith.muli %scan3A_466, %mul3A_581 : i32
        %add3A_583 = arith.constant 3 : i32
        %add3A_584 = arith.addi %mul3A_582, %add3A_583 : i32
        %dma_start3A_585 = arith.constant 0 : i32
        %dma_start3A_586 = arith.constant 0 : i32
        %dma_start3A_587 = tpu.memref_slice %arg8[%add3A_580, %dma_start3A_585, %dma_start3A_586] : memref<8x80x64xf32, #tpu.memory_space<vmem>> -> memref<1x80x64xf32, #tpu.memory_space<vmem>>
        %dma_start3A_588 = tpu.memref_squeeze %dma_start3A_587 : memref<1x80x64xf32, #tpu.memory_space<vmem>> -> memref<80x64xf32, #tpu.memory_space<vmem>>
        %dma_start3A_589 = arith.constant 0 : i32
        %dma_start3A_590 = tpu.memref_slice %arg7[%add3A_584, %dma_start3A_589] : memref<250x80xi32, #tpu.memory_space<vmem>> -> memref<1x80xi32, #tpu.memory_space<vmem>>
        %dma_start3A_591 = tpu.memref_squeeze %dma_start3A_590 : memref<1x80xi32, #tpu.memory_space<vmem>> -> memref<80xi32, #tpu.memory_space<vmem>>
        %dma_start3A_592 = arith.constant 0 : i32
        %dma_start3A_593 = arith.constant 0 : i32
        %dma_start3A_594 = tpu.memref_slice %arg10[%dma_start3A_592, %dma_start3A_593] : memref<10240x64xf32, #tpu.memory_space<vmem_shared>> -> memref<10240x64xf32, #tpu.memory_space<vmem_shared>>
        tpu.enqueue_indirect_dma source(%dma_start3A_588 : memref<80x64xf32, #tpu.memory_space<vmem>>) target(%dma_start3A_594 : memref<10240x64xf32, #tpu.memory_space<vmem_shared>>) offsets(%dma_start3A_591 : memref<80xi32, #tpu.memory_space<vmem>>) semaphore(%arg12 : memref<!tpu.dma_semaphore, #tpu.memory_space<semaphore_mem>>) {add = true}
        %add3A_595 = arith.constant 0 : i32
        %add3A_596 = arith.addi %mul3A_478, %add3A_595 : i32
        %dma_wait3A_597 = arith.constant 0 : i32
        %dma_wait3A_598 = arith.constant 0 : i32
        %dma_wait3A_599 = arith.constant 0 : i32
        %dma_wait3A_600 = tpu.memref_slice %arg8[%add3A_596, %dma_wait3A_598, %dma_wait3A_599] : memref<8x80x64xf32, #tpu.memory_space<vmem>> -> memref<1x80x64xf32, #tpu.memory_space<vmem>>
        %dma_wait3A_601 = tpu.memref_squeeze %dma_wait3A_600 : memref<1x80x64xf32, #tpu.memory_space<vmem>> -> memref<80x64xf32, #tpu.memory_space<vmem>>
        %dma_wait3A_602 = arith.constant 0 : i32
        %dma_wait3A_603 = tpu.memref_slice %arg7[%dma_wait3A_597, %dma_wait3A_602] : memref<250x80xi32, #tpu.memory_space<vmem>> -> memref<1x80xi32, #tpu.memory_space<vmem>>
        %dma_wait3A_604 = tpu.memref_squeeze %dma_wait3A_603 : memref<1x80xi32, #tpu.memory_space<vmem>> -> memref<80xi32, #tpu.memory_space<vmem>>
        %dma_wait3A_605 = arith.constant 0 : i32
        %dma_wait3A_606 = arith.constant 0 : i32
        %dma_wait3A_607 = tpu.memref_slice %arg10[%dma_wait3A_605, %dma_wait3A_606] : memref<10240x64xf32, #tpu.memory_space<vmem_shared>> -> memref<10240x64xf32, #tpu.memory_space<vmem_shared>>
        tpu.wait_indirect_dma semaphore(%arg12 : memref<!tpu.dma_semaphore, #tpu.memory_space<semaphore_mem>>) src(%dma_wait3A_601 : memref<80x64xf32, #tpu.memory_space<vmem>>) dst(%dma_wait3A_607 : memref<10240x64xf32, #tpu.memory_space<vmem_shared>>)
        %add3A_608 = arith.constant 1 : i32
        %add3A_609 = arith.addi %mul3A_478, %add3A_608 : i32
        %dma_wait3A_610 = arith.constant 0 : i32
        %dma_wait3A_611 = arith.constant 0 : i32
        %dma_wait3A_612 = arith.constant 0 : i32
        %dma_wait3A_613 = tpu.memref_slice %arg8[%add3A_609, %dma_wait3A_611, %dma_wait3A_612] : memref<8x80x64xf32, #tpu.memory_space<vmem>> -> memref<1x80x64xf32, #tpu.memory_space<vmem>>
        %dma_wait3A_614 = tpu.memref_squeeze %dma_wait3A_613 : memref<1x80x64xf32, #tpu.memory_space<vmem>> -> memref<80x64xf32, #tpu.memory_space<vmem>>
        %dma_wait3A_615 = arith.constant 0 : i32
        %dma_wait3A_616 = tpu.memref_slice %arg7[%dma_wait3A_610, %dma_wait3A_615] : memref<250x80xi32, #tpu.memory_space<vmem>> -> memref<1x80xi32, #tpu.memory_space<vmem>>
        %dma_wait3A_617 = tpu.memref_squeeze %dma_wait3A_616 : memref<1x80xi32, #tpu.memory_space<vmem>> -> memref<80xi32, #tpu.memory_space<vmem>>
        %dma_wait3A_618 = arith.constant 0 : i32
        %dma_wait3A_619 = arith.constant 0 : i32
        %dma_wait3A_620 = tpu.memref_slice %arg10[%dma_wait3A_618, %dma_wait3A_619] : memref<10240x64xf32, #tpu.memory_space<vmem_shared>> -> memref<10240x64xf32, #tpu.memory_space<vmem_shared>>
        tpu.wait_indirect_dma semaphore(%arg12 : memref<!tpu.dma_semaphore, #tpu.memory_space<semaphore_mem>>) src(%dma_wait3A_614 : memref<80x64xf32, #tpu.memory_space<vmem>>) dst(%dma_wait3A_620 : memref<10240x64xf32, #tpu.memory_space<vmem_shared>>)
        %add3A_621 = arith.constant 2 : i32
        %add3A_622 = arith.addi %mul3A_478, %add3A_621 : i32
        %dma_wait3A_623 = arith.constant 0 : i32
        %dma_wait3A_624 = arith.constant 0 : i32
        %dma_wait3A_625 = arith.constant 0 : i32
        %dma_wait3A_626 = tpu.memref_slice %arg8[%add3A_622, %dma_wait3A_624, %dma_wait3A_625] : memref<8x80x64xf32, #tpu.memory_space<vmem>> -> memref<1x80x64xf32, #tpu.memory_space<vmem>>
        %dma_wait3A_627 = tpu.memref_squeeze %dma_wait3A_626 : memref<1x80x64xf32, #tpu.memory_space<vmem>> -> memref<80x64xf32, #tpu.memory_space<vmem>>
        %dma_wait3A_628 = arith.constant 0 : i32
        %dma_wait3A_629 = tpu.memref_slice %arg7[%dma_wait3A_623, %dma_wait3A_628] : memref<250x80xi32, #tpu.memory_space<vmem>> -> memref<1x80xi32, #tpu.memory_space<vmem>>
        %dma_wait3A_630 = tpu.memref_squeeze %dma_wait3A_629 : memref<1x80xi32, #tpu.memory_space<vmem>> -> memref<80xi32, #tpu.memory_space<vmem>>
        %dma_wait3A_631 = arith.constant 0 : i32
        %dma_wait3A_632 = arith.constant 0 : i32
        %dma_wait3A_633 = tpu.memref_slice %arg10[%dma_wait3A_631, %dma_wait3A_632] : memref<10240x64xf32, #tpu.memory_space<vmem_shared>> -> memref<10240x64xf32, #tpu.memory_space<vmem_shared>>
        tpu.wait_indirect_dma semaphore(%arg12 : memref<!tpu.dma_semaphore, #tpu.memory_space<semaphore_mem>>) src(%dma_wait3A_627 : memref<80x64xf32, #tpu.memory_space<vmem>>) dst(%dma_wait3A_633 : memref<10240x64xf32, #tpu.memory_space<vmem_shared>>)
        %add3A_634 = arith.constant 3 : i32
        %add3A_635 = arith.addi %mul3A_478, %add3A_634 : i32
        %dma_wait3A_636 = arith.constant 0 : i32
        %dma_wait3A_637 = arith.constant 0 : i32
        %dma_wait3A_638 = arith.constant 0 : i32
        %dma_wait3A_639 = tpu.memref_slice %arg8[%add3A_635, %dma_wait3A_637, %dma_wait3A_638] : memref<8x80x64xf32, #tpu.memory_space<vmem>> -> memref<1x80x64xf32, #tpu.memory_space<vmem>>
        %dma_wait3A_640 = tpu.memref_squeeze %dma_wait3A_639 : memref<1x80x64xf32, #tpu.memory_space<vmem>> -> memref<80x64xf32, #tpu.memory_space<vmem>>
        %dma_wait3A_641 = arith.constant 0 : i32
        %dma_wait3A_642 = tpu.memref_slice %arg7[%dma_wait3A_636, %dma_wait3A_641] : memref<250x80xi32, #tpu.memory_space<vmem>> -> memref<1x80xi32, #tpu.memory_space<vmem>>
        %dma_wait3A_643 = tpu.memref_squeeze %dma_wait3A_642 : memref<1x80xi32, #tpu.memory_space<vmem>> -> memref<80xi32, #tpu.memory_space<vmem>>
        %dma_wait3A_644 = arith.constant 0 : i32
        %dma_wait3A_645 = arith.constant 0 : i32
        %dma_wait3A_646 = tpu.memref_slice %arg10[%dma_wait3A_644, %dma_wait3A_645] : memref<10240x64xf32, #tpu.memory_space<vmem_shared>> -> memref<10240x64xf32, #tpu.memory_space<vmem_shared>>
        tpu.wait_indirect_dma semaphore(%arg12 : memref<!tpu.dma_semaphore, #tpu.memory_space<semaphore_mem>>) src(%dma_wait3A_640 : memref<80x64xf32, #tpu.memory_space<vmem>>) dst(%dma_wait3A_646 : memref<10240x64xf32, #tpu.memory_space<vmem_shared>>)
        %add3A_647 = arith.constant 2 : i32
        %add3A_648 = arith.addi %scan3A_466, %add3A_647 : i32
        %mul3A_649 = arith.constant 4 : i32
        %mul3A_650 = arith.muli %add3A_648, %mul3A_649 : i32
        %add3A_651 = arith.constant 0 : i32
        %add3A_652 = arith.addi %mul3A_650, %add3A_651 : i32
        %add3A_653 = arith.constant 0 : i32
        %add3A_654 = arith.addi %mul3A_478, %add3A_653 : i32
        %dma_start3A_655 = arith.constant 0 : i32
        %dma_start3A_656 = arith.constant 0 : i32
        %dma_start3A_657 = tpu.memref_slice %arg8[%add3A_654, %dma_start3A_655, %dma_start3A_656] : memref<8x80x64xf32, #tpu.memory_space<vmem>> -> memref<1x80x64xf32, #tpu.memory_space<vmem>>
        %dma_start3A_658 = tpu.memref_squeeze %dma_start3A_657 : memref<1x80x64xf32, #tpu.memory_space<vmem>> -> memref<80x64xf32, #tpu.memory_space<vmem>>
        %dma_start3A_659 = arith.constant 0 : i32
        %dma_start3A_660 = tpu.memref_slice %arg6[%add3A_652, %dma_start3A_659] : memref<250x80xi32, #tpu.memory_space<vmem>> -> memref<1x80xi32, #tpu.memory_space<vmem>>
        %dma_start3A_661 = tpu.memref_squeeze %dma_start3A_660 : memref<1x80xi32, #tpu.memory_space<vmem>> -> memref<80xi32, #tpu.memory_space<vmem>>
        %dma_start3A_662 = arith.constant 0 : i32
        %dma_start3A_663 = arith.constant 0 : i32
        %dma_start3A_664 = tpu.memref_slice %arg3[%dma_start3A_662, %dma_start3A_663] : memref<10000x64xf32, #tpu.memory_space<hbm>> -> memref<10000x64xf32, #tpu.memory_space<hbm>>
        tpu.enqueue_indirect_dma source(%dma_start3A_664 : memref<10000x64xf32, #tpu.memory_space<hbm>>) target(%dma_start3A_658 : memref<80x64xf32, #tpu.memory_space<vmem>>) offsets(%dma_start3A_661 : memref<80xi32, #tpu.memory_space<vmem>>) semaphore(%arg11 : memref<!tpu.dma_semaphore, #tpu.memory_space<semaphore_mem>>)
        %mul3A_665 = arith.constant 4 : i32
        %mul3A_666 = arith.muli %add3A_648, %mul3A_665 : i32
        %add3A_667 = arith.constant 1 : i32
        %add3A_668 = arith.addi %mul3A_666, %add3A_667 : i32
        %add3A_669 = arith.constant 1 : i32
        %add3A_670 = arith.addi %mul3A_478, %add3A_669 : i32
        %dma_start3A_671 = arith.constant 0 : i32
        %dma_start3A_672 = arith.constant 0 : i32
        %dma_start3A_673 = tpu.memref_slice %arg8[%add3A_670, %dma_start3A_671, %dma_start3A_672] : memref<8x80x64xf32, #tpu.memory_space<vmem>> -> memref<1x80x64xf32, #tpu.memory_space<vmem>>
        %dma_start3A_674 = tpu.memref_squeeze %dma_start3A_673 : memref<1x80x64xf32, #tpu.memory_space<vmem>> -> memref<80x64xf32, #tpu.memory_space<vmem>>
        %dma_start3A_675 = arith.constant 0 : i32
        %dma_start3A_676 = tpu.memref_slice %arg6[%add3A_668, %dma_start3A_675] : memref<250x80xi32, #tpu.memory_space<vmem>> -> memref<1x80xi32, #tpu.memory_space<vmem>>
        %dma_start3A_677 = tpu.memref_squeeze %dma_start3A_676 : memref<1x80xi32, #tpu.memory_space<vmem>> -> memref<80xi32, #tpu.memory_space<vmem>>
        %dma_start3A_678 = arith.constant 0 : i32
        %dma_start3A_679 = arith.constant 0 : i32
        %dma_start3A_680 = tpu.memref_slice %arg3[%dma_start3A_678, %dma_start3A_679] : memref<10000x64xf32, #tpu.memory_space<hbm>> -> memref<10000x64xf32, #tpu.memory_space<hbm>>
        tpu.enqueue_indirect_dma source(%dma_start3A_680 : memref<10000x64xf32, #tpu.memory_space<hbm>>) target(%dma_start3A_674 : memref<80x64xf32, #tpu.memory_space<vmem>>) offsets(%dma_start3A_677 : memref<80xi32, #tpu.memory_space<vmem>>) semaphore(%arg11 : memref<!tpu.dma_semaphore, #tpu.memory_space<semaphore_mem>>)
        %mul3A_681 = arith.constant 4 : i32
        %mul3A_682 = arith.muli %add3A_648, %mul3A_681 : i32
        %add3A_683 = arith.constant 2 : i32
        %add3A_684 = arith.addi %mul3A_682, %add3A_683 : i32
        %add3A_685 = arith.constant 2 : i32
        %add3A_686 = arith.addi %mul3A_478, %add3A_685 : i32
        %dma_start3A_687 = arith.constant 0 : i32
        %dma_start3A_688 = arith.constant 0 : i32
        %dma_start3A_689 = tpu.memref_slice %arg8[%add3A_686, %dma_start3A_687, %dma_start3A_688] : memref<8x80x64xf32, #tpu.memory_space<vmem>> -> memref<1x80x64xf32, #tpu.memory_space<vmem>>
        %dma_start3A_690 = tpu.memref_squeeze %dma_start3A_689 : memref<1x80x64xf32, #tpu.memory_space<vmem>> -> memref<80x64xf32, #tpu.memory_space<vmem>>
        %dma_start3A_691 = arith.constant 0 : i32
        %dma_start3A_692 = tpu.memref_slice %arg6[%add3A_684, %dma_start3A_691] : memref<250x80xi32, #tpu.memory_space<vmem>> -> memref<1x80xi32, #tpu.memory_space<vmem>>
        %dma_start3A_693 = tpu.memref_squeeze %dma_start3A_692 : memref<1x80xi32, #tpu.memory_space<vmem>> -> memref<80xi32, #tpu.memory_space<vmem>>
        %dma_start3A_694 = arith.constant 0 : i32
        %dma_start3A_695 = arith.constant 0 : i32
        %dma_start3A_696 = tpu.memref_slice %arg3[%dma_start3A_694, %dma_start3A_695] : memref<10000x64xf32, #tpu.memory_space<hbm>> -> memref<10000x64xf32, #tpu.memory_space<hbm>>
        tpu.enqueue_indirect_dma source(%dma_start3A_696 : memref<10000x64xf32, #tpu.memory_space<hbm>>) target(%dma_start3A_690 : memref<80x64xf32, #tpu.memory_space<vmem>>) offsets(%dma_start3A_693 : memref<80xi32, #tpu.memory_space<vmem>>) semaphore(%arg11 : memref<!tpu.dma_semaphore, #tpu.memory_space<semaphore_mem>>)
        %mul3A_697 = arith.constant 4 : i32
        %mul3A_698 = arith.muli %add3A_648, %mul3A_697 : i32
        %add3A_699 = arith.constant 3 : i32
        %add3A_700 = arith.addi %mul3A_698, %add3A_699 : i32
        %add3A_701 = arith.constant 3 : i32
        %add3A_702 = arith.addi %mul3A_478, %add3A_701 : i32
        %dma_start3A_703 = arith.constant 0 : i32
        %dma_start3A_704 = arith.constant 0 : i32
        %dma_start3A_705 = tpu.memref_slice %arg8[%add3A_702, %dma_start3A_703, %dma_start3A_704] : memref<8x80x64xf32, #tpu.memory_space<vmem>> -> memref<1x80x64xf32, #tpu.memory_space<vmem>>
        %dma_start3A_706 = tpu.memref_squeeze %dma_start3A_705 : memref<1x80x64xf32, #tpu.memory_space<vmem>> -> memref<80x64xf32, #tpu.memory_space<vmem>>
        %dma_start3A_707 = arith.constant 0 : i32
        %dma_start3A_708 = tpu.memref_slice %arg6[%add3A_700, %dma_start3A_707] : memref<250x80xi32, #tpu.memory_space<vmem>> -> memref<1x80xi32, #tpu.memory_space<vmem>>
        %dma_start3A_709 = tpu.memref_squeeze %dma_start3A_708 : memref<1x80xi32, #tpu.memory_space<vmem>> -> memref<80xi32, #tpu.memory_space<vmem>>
        %dma_start3A_710 = arith.constant 0 : i32
        %dma_start3A_711 = arith.constant 0 : i32
        %dma_start3A_712 = tpu.memref_slice %arg3[%dma_start3A_710, %dma_start3A_711] : memref<10000x64xf32, #tpu.memory_space<hbm>> -> memref<10000x64xf32, #tpu.memory_space<hbm>>
        tpu.enqueue_indirect_dma source(%dma_start3A_712 : memref<10000x64xf32, #tpu.memory_space<hbm>>) target(%dma_start3A_706 : memref<80x64xf32, #tpu.memory_space<vmem>>) offsets(%dma_start3A_709 : memref<80xi32, #tpu.memory_space<vmem>>) semaphore(%arg11 : memref<!tpu.dma_semaphore, #tpu.memory_space<semaphore_mem>>)
        %scan3A_713 = arith.constant 0 : i32
        scf.yield %scan3A_713 : i32
      }
      %scan3A_126 = arith.constant 60 : i32
      %dma_wait3A = arith.constant 0 : i32
      %dma_wait3A_127 = arith.constant 0 : i32
      %dma_wait3A_128 = arith.constant 0 : i32
      %dma_wait3A_129 = arith.constant 0 : i32
      %dma_wait3A_130 = tpu.memref_slice %arg8[%dma_wait3A_127, %dma_wait3A_128, %dma_wait3A_129] : memref<8x80x64xf32, #tpu.memory_space<vmem>> -> memref<1x80x64xf32, #tpu.memory_space<vmem>>
      %dma_wait3A_131 = tpu.memref_squeeze %dma_wait3A_130 : memref<1x80x64xf32, #tpu.memory_space<vmem>> -> memref<80x64xf32, #tpu.memory_space<vmem>>
      %dma_wait3A_132 = arith.constant 0 : i32
      %dma_wait3A_133 = tpu.memref_slice %arg6[%dma_wait3A, %dma_wait3A_132] : memref<250x80xi32, #tpu.memory_space<vmem>> -> memref<1x80xi32, #tpu.memory_space<vmem>>
      %dma_wait3A_134 = tpu.memref_squeeze %dma_wait3A_133 : memref<1x80xi32, #tpu.memory_space<vmem>> -> memref<80xi32, #tpu.memory_space<vmem>>
      %dma_wait3A_135 = arith.constant 0 : i32
      %dma_wait3A_136 = arith.constant 0 : i32
      %dma_wait3A_137 = tpu.memref_slice %arg3[%dma_wait3A_135, %dma_wait3A_136] : memref<10000x64xf32, #tpu.memory_space<hbm>> -> memref<10000x64xf32, #tpu.memory_space<hbm>>
      tpu.wait_indirect_dma semaphore(%arg11 : memref<!tpu.dma_semaphore, #tpu.memory_space<semaphore_mem>>) src(%dma_wait3A_137 : memref<10000x64xf32, #tpu.memory_space<hbm>>) dst(%dma_wait3A_131 : memref<80x64xf32, #tpu.memory_space<vmem>>)
      %dma_wait3A_138 = arith.constant 0 : i32
      %dma_wait3A_139 = arith.constant 1 : i32
      %dma_wait3A_140 = arith.constant 0 : i32
      %dma_wait3A_141 = arith.constant 0 : i32
      %dma_wait3A_142 = tpu.memref_slice %arg8[%dma_wait3A_139, %dma_wait3A_140, %dma_wait3A_141] : memref<8x80x64xf32, #tpu.memory_space<vmem>> -> memref<1x80x64xf32, #tpu.memory_space<vmem>>
      %dma_wait3A_143 = tpu.memref_squeeze %dma_wait3A_142 : memref<1x80x64xf32, #tpu.memory_space<vmem>> -> memref<80x64xf32, #tpu.memory_space<vmem>>
      %dma_wait3A_144 = arith.constant 0 : i32
      %dma_wait3A_145 = tpu.memref_slice %arg6[%dma_wait3A_138, %dma_wait3A_144] : memref<250x80xi32, #tpu.memory_space<vmem>> -> memref<1x80xi32, #tpu.memory_space<vmem>>
      %dma_wait3A_146 = tpu.memref_squeeze %dma_wait3A_145 : memref<1x80xi32, #tpu.memory_space<vmem>> -> memref<80xi32, #tpu.memory_space<vmem>>
      %dma_wait3A_147 = arith.constant 0 : i32
      %dma_wait3A_148 = arith.constant 0 : i32
      %dma_wait3A_149 = tpu.memref_slice %arg3[%dma_wait3A_147, %dma_wait3A_148] : memref<10000x64xf32, #tpu.memory_space<hbm>> -> memref<10000x64xf32, #tpu.memory_space<hbm>>
      tpu.wait_indirect_dma semaphore(%arg11 : memref<!tpu.dma_semaphore, #tpu.memory_space<semaphore_mem>>) src(%dma_wait3A_149 : memref<10000x64xf32, #tpu.memory_space<hbm>>) dst(%dma_wait3A_143 : memref<80x64xf32, #tpu.memory_space<vmem>>)
      %dma_wait3A_150 = arith.constant 0 : i32
      %dma_wait3A_151 = arith.constant 2 : i32
      %dma_wait3A_152 = arith.constant 0 : i32
      %dma_wait3A_153 = arith.constant 0 : i32
      %dma_wait3A_154 = tpu.memref_slice %arg8[%dma_wait3A_151, %dma_wait3A_152, %dma_wait3A_153] : memref<8x80x64xf32, #tpu.memory_space<vmem>> -> memref<1x80x64xf32, #tpu.memory_space<vmem>>
      %dma_wait3A_155 = tpu.memref_squeeze %dma_wait3A_154 : memref<1x80x64xf32, #tpu.memory_space<vmem>> -> memref<80x64xf32, #tpu.memory_space<vmem>>
      %dma_wait3A_156 = arith.constant 0 : i32
      %dma_wait3A_157 = tpu.memref_slice %arg6[%dma_wait3A_150, %dma_wait3A_156] : memref<250x80xi32, #tpu.memory_space<vmem>> -> memref<1x80xi32, #tpu.memory_space<vmem>>
      %dma_wait3A_158 = tpu.memref_squeeze %dma_wait3A_157 : memref<1x80xi32, #tpu.memory_space<vmem>> -> memref<80xi32, #tpu.memory_space<vmem>>
      %dma_wait3A_159 = arith.constant 0 : i32
      %dma_wait3A_160 = arith.constant 0 : i32
      %dma_wait3A_161 = tpu.memref_slice %arg3[%dma_wait3A_159, %dma_wait3A_160] : memref<10000x64xf32, #tpu.memory_space<hbm>> -> memref<10000x64xf32, #tpu.memory_space<hbm>>
      tpu.wait_indirect_dma semaphore(%arg11 : memref<!tpu.dma_semaphore, #tpu.memory_space<semaphore_mem>>) src(%dma_wait3A_161 : memref<10000x64xf32, #tpu.memory_space<hbm>>) dst(%dma_wait3A_155 : memref<80x64xf32, #tpu.memory_space<vmem>>)
      %dma_wait3A_162 = arith.constant 0 : i32
      %dma_wait3A_163 = arith.constant 3 : i32
      %dma_wait3A_164 = arith.constant 0 : i32
      %dma_wait3A_165 = arith.constant 0 : i32
      %dma_wait3A_166 = tpu.memref_slice %arg8[%dma_wait3A_163, %dma_wait3A_164, %dma_wait3A_165] : memref<8x80x64xf32, #tpu.memory_space<vmem>> -> memref<1x80x64xf32, #tpu.memory_space<vmem>>
      %dma_wait3A_167 = tpu.memref_squeeze %dma_wait3A_166 : memref<1x80x64xf32, #tpu.memory_space<vmem>> -> memref<80x64xf32, #tpu.memory_space<vmem>>
      %dma_wait3A_168 = arith.constant 0 : i32
      %dma_wait3A_169 = tpu.memref_slice %arg6[%dma_wait3A_162, %dma_wait3A_168] : memref<250x80xi32, #tpu.memory_space<vmem>> -> memref<1x80xi32, #tpu.memory_space<vmem>>
      %dma_wait3A_170 = tpu.memref_squeeze %dma_wait3A_169 : memref<1x80xi32, #tpu.memory_space<vmem>> -> memref<80xi32, #tpu.memory_space<vmem>>
      %dma_wait3A_171 = arith.constant 0 : i32
      %dma_wait3A_172 = arith.constant 0 : i32
      %dma_wait3A_173 = tpu.memref_slice %arg3[%dma_wait3A_171, %dma_wait3A_172] : memref<10000x64xf32, #tpu.memory_space<hbm>> -> memref<10000x64xf32, #tpu.memory_space<hbm>>
      tpu.wait_indirect_dma semaphore(%arg11 : memref<!tpu.dma_semaphore, #tpu.memory_space<semaphore_mem>>) src(%dma_wait3A_173 : memref<10000x64xf32, #tpu.memory_space<hbm>>) dst(%dma_wait3A_167 : memref<80x64xf32, #tpu.memory_space<vmem>>)
      %dma_start3A_174 = arith.constant 0 : i32
      %dma_start3A_175 = arith.constant 240 : i32
      %dma_start3A_176 = arith.constant 0 : i32
      %dma_start3A_177 = arith.constant 0 : i32
      %dma_start3A_178 = tpu.memref_slice %arg8[%dma_start3A_174, %dma_start3A_176, %dma_start3A_177] : memref<8x80x64xf32, #tpu.memory_space<vmem>> -> memref<1x80x64xf32, #tpu.memory_space<vmem>>
      %dma_start3A_179 = tpu.memref_squeeze %dma_start3A_178 : memref<1x80x64xf32, #tpu.memory_space<vmem>> -> memref<80x64xf32, #tpu.memory_space<vmem>>
      %dma_start3A_180 = arith.constant 0 : i32
      %dma_start3A_181 = tpu.memref_slice %arg7[%dma_start3A_175, %dma_start3A_180] : memref<250x80xi32, #tpu.memory_space<vmem>> -> memref<1x80xi32, #tpu.memory_space<vmem>>
      %dma_start3A_182 = tpu.memref_squeeze %dma_start3A_181 : memref<1x80xi32, #tpu.memory_space<vmem>> -> memref<80xi32, #tpu.memory_space<vmem>>
      %dma_start3A_183 = arith.constant 0 : i32
      %dma_start3A_184 = arith.constant 0 : i32
      %dma_start3A_185 = tpu.memref_slice %arg10[%dma_start3A_183, %dma_start3A_184] : memref<10240x64xf32, #tpu.memory_space<vmem_shared>> -> memref<10240x64xf32, #tpu.memory_space<vmem_shared>>
      tpu.enqueue_indirect_dma source(%dma_start3A_179 : memref<80x64xf32, #tpu.memory_space<vmem>>) target(%dma_start3A_185 : memref<10240x64xf32, #tpu.memory_space<vmem_shared>>) offsets(%dma_start3A_182 : memref<80xi32, #tpu.memory_space<vmem>>) semaphore(%arg12 : memref<!tpu.dma_semaphore, #tpu.memory_space<semaphore_mem>>) {add = true}
      %dma_start3A_186 = arith.constant 1 : i32
      %dma_start3A_187 = arith.constant 241 : i32
      %dma_start3A_188 = arith.constant 0 : i32
      %dma_start3A_189 = arith.constant 0 : i32
      %dma_start3A_190 = tpu.memref_slice %arg8[%dma_start3A_186, %dma_start3A_188, %dma_start3A_189] : memref<8x80x64xf32, #tpu.memory_space<vmem>> -> memref<1x80x64xf32, #tpu.memory_space<vmem>>
      %dma_start3A_191 = tpu.memref_squeeze %dma_start3A_190 : memref<1x80x64xf32, #tpu.memory_space<vmem>> -> memref<80x64xf32, #tpu.memory_space<vmem>>
      %dma_start3A_192 = arith.constant 0 : i32
      %dma_start3A_193 = tpu.memref_slice %arg7[%dma_start3A_187, %dma_start3A_192] : memref<250x80xi32, #tpu.memory_space<vmem>> -> memref<1x80xi32, #tpu.memory_space<vmem>>
      %dma_start3A_194 = tpu.memref_squeeze %dma_start3A_193 : memref<1x80xi32, #tpu.memory_space<vmem>> -> memref<80xi32, #tpu.memory_space<vmem>>
      %dma_start3A_195 = arith.constant 0 : i32
      %dma_start3A_196 = arith.constant 0 : i32
      %dma_start3A_197 = tpu.memref_slice %arg10[%dma_start3A_195, %dma_start3A_196] : memref<10240x64xf32, #tpu.memory_space<vmem_shared>> -> memref<10240x64xf32, #tpu.memory_space<vmem_shared>>
      tpu.enqueue_indirect_dma source(%dma_start3A_191 : memref<80x64xf32, #tpu.memory_space<vmem>>) target(%dma_start3A_197 : memref<10240x64xf32, #tpu.memory_space<vmem_shared>>) offsets(%dma_start3A_194 : memref<80xi32, #tpu.memory_space<vmem>>) semaphore(%arg12 : memref<!tpu.dma_semaphore, #tpu.memory_space<semaphore_mem>>) {add = true}
      %dma_start3A_198 = arith.constant 2 : i32
      %dma_start3A_199 = arith.constant 242 : i32
      %dma_start3A_200 = arith.constant 0 : i32
      %dma_start3A_201 = arith.constant 0 : i32
      %dma_start3A_202 = tpu.memref_slice %arg8[%dma_start3A_198, %dma_start3A_200, %dma_start3A_201] : memref<8x80x64xf32, #tpu.memory_space<vmem>> -> memref<1x80x64xf32, #tpu.memory_space<vmem>>
      %dma_start3A_203 = tpu.memref_squeeze %dma_start3A_202 : memref<1x80x64xf32, #tpu.memory_space<vmem>> -> memref<80x64xf32, #tpu.memory_space<vmem>>
      %dma_start3A_204 = arith.constant 0 : i32
      %dma_start3A_205 = tpu.memref_slice %arg7[%dma_start3A_199, %dma_start3A_204] : memref<250x80xi32, #tpu.memory_space<vmem>> -> memref<1x80xi32, #tpu.memory_space<vmem>>
      %dma_start3A_206 = tpu.memref_squeeze %dma_start3A_205 : memref<1x80xi32, #tpu.memory_space<vmem>> -> memref<80xi32, #tpu.memory_space<vmem>>
      %dma_start3A_207 = arith.constant 0 : i32
      %dma_start3A_208 = arith.constant 0 : i32
      %dma_start3A_209 = tpu.memref_slice %arg10[%dma_start3A_207, %dma_start3A_208] : memref<10240x64xf32, #tpu.memory_space<vmem_shared>> -> memref<10240x64xf32, #tpu.memory_space<vmem_shared>>
      tpu.enqueue_indirect_dma source(%dma_start3A_203 : memref<80x64xf32, #tpu.memory_space<vmem>>) target(%dma_start3A_209 : memref<10240x64xf32, #tpu.memory_space<vmem_shared>>) offsets(%dma_start3A_206 : memref<80xi32, #tpu.memory_space<vmem>>) semaphore(%arg12 : memref<!tpu.dma_semaphore, #tpu.memory_space<semaphore_mem>>) {add = true}
      %dma_start3A_210 = arith.constant 3 : i32
      %dma_start3A_211 = arith.constant 243 : i32
      %dma_start3A_212 = arith.constant 0 : i32
      %dma_start3A_213 = arith.constant 0 : i32
      %dma_start3A_214 = tpu.memref_slice %arg8[%dma_start3A_210, %dma_start3A_212, %dma_start3A_213] : memref<8x80x64xf32, #tpu.memory_space<vmem>> -> memref<1x80x64xf32, #tpu.memory_space<vmem>>
      %dma_start3A_215 = tpu.memref_squeeze %dma_start3A_214 : memref<1x80x64xf32, #tpu.memory_space<vmem>> -> memref<80x64xf32, #tpu.memory_space<vmem>>
      %dma_start3A_216 = arith.constant 0 : i32
      %dma_start3A_217 = tpu.memref_slice %arg7[%dma_start3A_211, %dma_start3A_216] : memref<250x80xi32, #tpu.memory_space<vmem>> -> memref<1x80xi32, #tpu.memory_space<vmem>>
      %dma_start3A_218 = tpu.memref_squeeze %dma_start3A_217 : memref<1x80xi32, #tpu.memory_space<vmem>> -> memref<80xi32, #tpu.memory_space<vmem>>
      %dma_start3A_219 = arith.constant 0 : i32
      %dma_start3A_220 = arith.constant 0 : i32
      %dma_start3A_221 = tpu.memref_slice %arg10[%dma_start3A_219, %dma_start3A_220] : memref<10240x64xf32, #tpu.memory_space<vmem_shared>> -> memref<10240x64xf32, #tpu.memory_space<vmem_shared>>
      tpu.enqueue_indirect_dma source(%dma_start3A_215 : memref<80x64xf32, #tpu.memory_space<vmem>>) target(%dma_start3A_221 : memref<10240x64xf32, #tpu.memory_space<vmem_shared>>) offsets(%dma_start3A_218 : memref<80xi32, #tpu.memory_space<vmem>>) semaphore(%arg12 : memref<!tpu.dma_semaphore, #tpu.memory_space<semaphore_mem>>) {add = true}
      %dma_wait3A_222 = arith.constant 0 : i32
      %dma_wait3A_223 = arith.constant 0 : i32
      %dma_wait3A_224 = arith.constant 0 : i32
      %dma_wait3A_225 = arith.constant 0 : i32
      %dma_wait3A_226 = tpu.memref_slice %arg8[%dma_wait3A_222, %dma_wait3A_224, %dma_wait3A_225] : memref<8x80x64xf32, #tpu.memory_space<vmem>> -> memref<1x80x64xf32, #tpu.memory_space<vmem>>
      %dma_wait3A_227 = tpu.memref_squeeze %dma_wait3A_226 : memref<1x80x64xf32, #tpu.memory_space<vmem>> -> memref<80x64xf32, #tpu.memory_space<vmem>>
      %dma_wait3A_228 = arith.constant 0 : i32
      %dma_wait3A_229 = tpu.memref_slice %arg7[%dma_wait3A_223, %dma_wait3A_228] : memref<250x80xi32, #tpu.memory_space<vmem>> -> memref<1x80xi32, #tpu.memory_space<vmem>>
      %dma_wait3A_230 = tpu.memref_squeeze %dma_wait3A_229 : memref<1x80xi32, #tpu.memory_space<vmem>> -> memref<80xi32, #tpu.memory_space<vmem>>
      %dma_wait3A_231 = arith.constant 0 : i32
      %dma_wait3A_232 = arith.constant 0 : i32
      %dma_wait3A_233 = tpu.memref_slice %arg10[%dma_wait3A_231, %dma_wait3A_232] : memref<10240x64xf32, #tpu.memory_space<vmem_shared>> -> memref<10240x64xf32, #tpu.memory_space<vmem_shared>>
      tpu.wait_indirect_dma semaphore(%arg12 : memref<!tpu.dma_semaphore, #tpu.memory_space<semaphore_mem>>) src(%dma_wait3A_227 : memref<80x64xf32, #tpu.memory_space<vmem>>) dst(%dma_wait3A_233 : memref<10240x64xf32, #tpu.memory_space<vmem_shared>>)
      %dma_wait3A_234 = arith.constant 1 : i32
      %dma_wait3A_235 = arith.constant 0 : i32
      %dma_wait3A_236 = arith.constant 0 : i32
      %dma_wait3A_237 = arith.constant 0 : i32
      %dma_wait3A_238 = tpu.memref_slice %arg8[%dma_wait3A_234, %dma_wait3A_236, %dma_wait3A_237] : memref<8x80x64xf32, #tpu.memory_space<vmem>> -> memref<1x80x64xf32, #tpu.memory_space<vmem>>
      %dma_wait3A_239 = tpu.memref_squeeze %dma_wait3A_238 : memref<1x80x64xf32, #tpu.memory_space<vmem>> -> memref<80x64xf32, #tpu.memory_space<vmem>>
      %dma_wait3A_240 = arith.constant 0 : i32
      %dma_wait3A_241 = tpu.memref_slice %arg7[%dma_wait3A_235, %dma_wait3A_240] : memref<250x80xi32, #tpu.memory_space<vmem>> -> memref<1x80xi32, #tpu.memory_space<vmem>>
      %dma_wait3A_242 = tpu.memref_squeeze %dma_wait3A_241 : memref<1x80xi32, #tpu.memory_space<vmem>> -> memref<80xi32, #tpu.memory_space<vmem>>
      %dma_wait3A_243 = arith.constant 0 : i32
      %dma_wait3A_244 = arith.constant 0 : i32
      %dma_wait3A_245 = tpu.memref_slice %arg10[%dma_wait3A_243, %dma_wait3A_244] : memref<10240x64xf32, #tpu.memory_space<vmem_shared>> -> memref<10240x64xf32, #tpu.memory_space<vmem_shared>>
      tpu.wait_indirect_dma semaphore(%arg12 : memref<!tpu.dma_semaphore, #tpu.memory_space<semaphore_mem>>) src(%dma_wait3A_239 : memref<80x64xf32, #tpu.memory_space<vmem>>) dst(%dma_wait3A_245 : memref<10240x64xf32, #tpu.memory_space<vmem_shared>>)
      %dma_wait3A_246 = arith.constant 2 : i32
      %dma_wait3A_247 = arith.constant 0 : i32
      %dma_wait3A_248 = arith.constant 0 : i32
      %dma_wait3A_249 = arith.constant 0 : i32
      %dma_wait3A_250 = tpu.memref_slice %arg8[%dma_wait3A_246, %dma_wait3A_248, %dma_wait3A_249] : memref<8x80x64xf32, #tpu.memory_space<vmem>> -> memref<1x80x64xf32, #tpu.memory_space<vmem>>
      %dma_wait3A_251 = tpu.memref_squeeze %dma_wait3A_250 : memref<1x80x64xf32, #tpu.memory_space<vmem>> -> memref<80x64xf32, #tpu.memory_space<vmem>>
      %dma_wait3A_252 = arith.constant 0 : i32
      %dma_wait3A_253 = tpu.memref_slice %arg7[%dma_wait3A_247, %dma_wait3A_252] : memref<250x80xi32, #tpu.memory_space<vmem>> -> memref<1x80xi32, #tpu.memory_space<vmem>>
      %dma_wait3A_254 = tpu.memref_squeeze %dma_wait3A_253 : memref<1x80xi32, #tpu.memory_space<vmem>> -> memref<80xi32, #tpu.memory_space<vmem>>
      %dma_wait3A_255 = arith.constant 0 : i32
      %dma_wait3A_256 = arith.constant 0 : i32
      %dma_wait3A_257 = tpu.memref_slice %arg10[%dma_wait3A_255, %dma_wait3A_256] : memref<10240x64xf32, #tpu.memory_space<vmem_shared>> -> memref<10240x64xf32, #tpu.memory_space<vmem_shared>>
      tpu.wait_indirect_dma semaphore(%arg12 : memref<!tpu.dma_semaphore, #tpu.memory_space<semaphore_mem>>) src(%dma_wait3A_251 : memref<80x64xf32, #tpu.memory_space<vmem>>) dst(%dma_wait3A_257 : memref<10240x64xf32, #tpu.memory_space<vmem_shared>>)
      %dma_wait3A_258 = arith.constant 3 : i32
      %dma_wait3A_259 = arith.constant 0 : i32
      %dma_wait3A_260 = arith.constant 0 : i32
      %dma_wait3A_261 = arith.constant 0 : i32
      %dma_wait3A_262 = tpu.memref_slice %arg8[%dma_wait3A_258, %dma_wait3A_260, %dma_wait3A_261] : memref<8x80x64xf32, #tpu.memory_space<vmem>> -> memref<1x80x64xf32, #tpu.memory_space<vmem>>
      %dma_wait3A_263 = tpu.memref_squeeze %dma_wait3A_262 : memref<1x80x64xf32, #tpu.memory_space<vmem>> -> memref<80x64xf32, #tpu.memory_space<vmem>>
      %dma_wait3A_264 = arith.constant 0 : i32
      %dma_wait3A_265 = tpu.memref_slice %arg7[%dma_wait3A_259, %dma_wait3A_264] : memref<250x80xi32, #tpu.memory_space<vmem>> -> memref<1x80xi32, #tpu.memory_space<vmem>>
      %dma_wait3A_266 = tpu.memref_squeeze %dma_wait3A_265 : memref<1x80xi32, #tpu.memory_space<vmem>> -> memref<80xi32, #tpu.memory_space<vmem>>
      %dma_wait3A_267 = arith.constant 0 : i32
      %dma_wait3A_268 = arith.constant 0 : i32
      %dma_wait3A_269 = tpu.memref_slice %arg10[%dma_wait3A_267, %dma_wait3A_268] : memref<10240x64xf32, #tpu.memory_space<vmem_shared>> -> memref<10240x64xf32, #tpu.memory_space<vmem_shared>>
      tpu.wait_indirect_dma semaphore(%arg12 : memref<!tpu.dma_semaphore, #tpu.memory_space<semaphore_mem>>) src(%dma_wait3A_263 : memref<80x64xf32, #tpu.memory_space<vmem>>) dst(%dma_wait3A_269 : memref<10240x64xf32, #tpu.memory_space<vmem_shared>>)
      %dma_wait3A_270 = arith.constant 0 : i32
      %dma_wait3A_271 = arith.constant 4 : i32
      %dma_wait3A_272 = arith.constant 0 : i32
      %dma_wait3A_273 = arith.constant 0 : i32
      %dma_wait3A_274 = tpu.memref_slice %arg8[%dma_wait3A_271, %dma_wait3A_272, %dma_wait3A_273] : memref<8x80x64xf32, #tpu.memory_space<vmem>> -> memref<1x80x64xf32, #tpu.memory_space<vmem>>
      %dma_wait3A_275 = tpu.memref_squeeze %dma_wait3A_274 : memref<1x80x64xf32, #tpu.memory_space<vmem>> -> memref<80x64xf32, #tpu.memory_space<vmem>>
      %dma_wait3A_276 = arith.constant 0 : i32
      %dma_wait3A_277 = tpu.memref_slice %arg6[%dma_wait3A_270, %dma_wait3A_276] : memref<250x80xi32, #tpu.memory_space<vmem>> -> memref<1x80xi32, #tpu.memory_space<vmem>>
      %dma_wait3A_278 = tpu.memref_squeeze %dma_wait3A_277 : memref<1x80xi32, #tpu.memory_space<vmem>> -> memref<80xi32, #tpu.memory_space<vmem>>
      %dma_wait3A_279 = arith.constant 0 : i32
      %dma_wait3A_280 = arith.constant 0 : i32
      %dma_wait3A_281 = tpu.memref_slice %arg3[%dma_wait3A_279, %dma_wait3A_280] : memref<10000x64xf32, #tpu.memory_space<hbm>> -> memref<10000x64xf32, #tpu.memory_space<hbm>>
      tpu.wait_indirect_dma semaphore(%arg11 : memref<!tpu.dma_semaphore, #tpu.memory_space<semaphore_mem>>) src(%dma_wait3A_281 : memref<10000x64xf32, #tpu.memory_space<hbm>>) dst(%dma_wait3A_275 : memref<80x64xf32, #tpu.memory_space<vmem>>)
      %dma_wait3A_282 = arith.constant 0 : i32
      %dma_wait3A_283 = arith.constant 5 : i32
      %dma_wait3A_284 = arith.constant 0 : i32
      %dma_wait3A_285 = arith.constant 0 : i32
      %dma_wait3A_286 = tpu.memref_slice %arg8[%dma_wait3A_283, %dma_wait3A_284, %dma_wait3A_285] : memref<8x80x64xf32, #tpu.memory_space<vmem>> -> memref<1x80x64xf32, #tpu.memory_space<vmem>>
      %dma_wait3A_287 = tpu.memref_squeeze %dma_wait3A_286 : memref<1x80x64xf32, #tpu.memory_space<vmem>> -> memref<80x64xf32, #tpu.memory_space<vmem>>
      %dma_wait3A_288 = arith.constant 0 : i32
      %dma_wait3A_289 = tpu.memref_slice %arg6[%dma_wait3A_282, %dma_wait3A_288] : memref<250x80xi32, #tpu.memory_space<vmem>> -> memref<1x80xi32, #tpu.memory_space<vmem>>
      %dma_wait3A_290 = tpu.memref_squeeze %dma_wait3A_289 : memref<1x80xi32, #tpu.memory_space<vmem>> -> memref<80xi32, #tpu.memory_space<vmem>>
      %dma_wait3A_291 = arith.constant 0 : i32
      %dma_wait3A_292 = arith.constant 0 : i32
      %dma_wait3A_293 = tpu.memref_slice %arg3[%dma_wait3A_291, %dma_wait3A_292] : memref<10000x64xf32, #tpu.memory_space<hbm>> -> memref<10000x64xf32, #tpu.memory_space<hbm>>
      tpu.wait_indirect_dma semaphore(%arg11 : memref<!tpu.dma_semaphore, #tpu.memory_space<semaphore_mem>>) src(%dma_wait3A_293 : memref<10000x64xf32, #tpu.memory_space<hbm>>) dst(%dma_wait3A_287 : memref<80x64xf32, #tpu.memory_space<vmem>>)
      %dma_wait3A_294 = arith.constant 0 : i32
      %dma_wait3A_295 = arith.constant 6 : i32
      %dma_wait3A_296 = arith.constant 0 : i32
      %dma_wait3A_297 = arith.constant 0 : i32
      %dma_wait3A_298 = tpu.memref_slice %arg8[%dma_wait3A_295, %dma_wait3A_296, %dma_wait3A_297] : memref<8x80x64xf32, #tpu.memory_space<vmem>> -> memref<1x80x64xf32, #tpu.memory_space<vmem>>
      %dma_wait3A_299 = tpu.memref_squeeze %dma_wait3A_298 : memref<1x80x64xf32, #tpu.memory_space<vmem>> -> memref<80x64xf32, #tpu.memory_space<vmem>>
      %dma_wait3A_300 = arith.constant 0 : i32
      %dma_wait3A_301 = tpu.memref_slice %arg6[%dma_wait3A_294, %dma_wait3A_300] : memref<250x80xi32, #tpu.memory_space<vmem>> -> memref<1x80xi32, #tpu.memory_space<vmem>>
      %dma_wait3A_302 = tpu.memref_squeeze %dma_wait3A_301 : memref<1x80xi32, #tpu.memory_space<vmem>> -> memref<80xi32, #tpu.memory_space<vmem>>
      %dma_wait3A_303 = arith.constant 0 : i32
      %dma_wait3A_304 = arith.constant 0 : i32
      %dma_wait3A_305 = tpu.memref_slice %arg3[%dma_wait3A_303, %dma_wait3A_304] : memref<10000x64xf32, #tpu.memory_space<hbm>> -> memref<10000x64xf32, #tpu.memory_space<hbm>>
      tpu.wait_indirect_dma semaphore(%arg11 : memref<!tpu.dma_semaphore, #tpu.memory_space<semaphore_mem>>) src(%dma_wait3A_305 : memref<10000x64xf32, #tpu.memory_space<hbm>>) dst(%dma_wait3A_299 : memref<80x64xf32, #tpu.memory_space<vmem>>)
      %dma_wait3A_306 = arith.constant 0 : i32
      %dma_wait3A_307 = arith.constant 7 : i32
      %dma_wait3A_308 = arith.constant 0 : i32
      %dma_wait3A_309 = arith.constant 0 : i32
      %dma_wait3A_310 = tpu.memref_slice %arg8[%dma_wait3A_307, %dma_wait3A_308, %dma_wait3A_309] : memref<8x80x64xf32, #tpu.memory_space<vmem>> -> memref<1x80x64xf32, #tpu.memory_space<vmem>>
      %dma_wait3A_311 = tpu.memref_squeeze %dma_wait3A_310 : memref<1x80x64xf32, #tpu.memory_space<vmem>> -> memref<80x64xf32, #tpu.memory_space<vmem>>
      %dma_wait3A_312 = arith.constant 0 : i32
      %dma_wait3A_313 = tpu.memref_slice %arg6[%dma_wait3A_306, %dma_wait3A_312] : memref<250x80xi32, #tpu.memory_space<vmem>> -> memref<1x80xi32, #tpu.memory_space<vmem>>
      %dma_wait3A_314 = tpu.memref_squeeze %dma_wait3A_313 : memref<1x80xi32, #tpu.memory_space<vmem>> -> memref<80xi32, #tpu.memory_space<vmem>>
      %dma_wait3A_315 = arith.constant 0 : i32
      %dma_wait3A_316 = arith.constant 0 : i32
      %dma_wait3A_317 = tpu.memref_slice %arg3[%dma_wait3A_315, %dma_wait3A_316] : memref<10000x64xf32, #tpu.memory_space<hbm>> -> memref<10000x64xf32, #tpu.memory_space<hbm>>
      tpu.wait_indirect_dma semaphore(%arg11 : memref<!tpu.dma_semaphore, #tpu.memory_space<semaphore_mem>>) src(%dma_wait3A_317 : memref<10000x64xf32, #tpu.memory_space<hbm>>) dst(%dma_wait3A_311 : memref<80x64xf32, #tpu.memory_space<vmem>>)
      %dma_start3A_318 = arith.constant 4 : i32
      %dma_start3A_319 = arith.constant 244 : i32
      %dma_start3A_320 = arith.constant 0 : i32
      %dma_start3A_321 = arith.constant 0 : i32
      %dma_start3A_322 = tpu.memref_slice %arg8[%dma_start3A_318, %dma_start3A_320, %dma_start3A_321] : memref<8x80x64xf32, #tpu.memory_space<vmem>> -> memref<1x80x64xf32, #tpu.memory_space<vmem>>
      %dma_start3A_323 = tpu.memref_squeeze %dma_start3A_322 : memref<1x80x64xf32, #tpu.memory_space<vmem>> -> memref<80x64xf32, #tpu.memory_space<vmem>>
      %dma_start3A_324 = arith.constant 0 : i32
      %dma_start3A_325 = tpu.memref_slice %arg7[%dma_start3A_319, %dma_start3A_324] : memref<250x80xi32, #tpu.memory_space<vmem>> -> memref<1x80xi32, #tpu.memory_space<vmem>>
      %dma_start3A_326 = tpu.memref_squeeze %dma_start3A_325 : memref<1x80xi32, #tpu.memory_space<vmem>> -> memref<80xi32, #tpu.memory_space<vmem>>
      %dma_start3A_327 = arith.constant 0 : i32
      %dma_start3A_328 = arith.constant 0 : i32
      %dma_start3A_329 = tpu.memref_slice %arg10[%dma_start3A_327, %dma_start3A_328] : memref<10240x64xf32, #tpu.memory_space<vmem_shared>> -> memref<10240x64xf32, #tpu.memory_space<vmem_shared>>
      tpu.enqueue_indirect_dma source(%dma_start3A_323 : memref<80x64xf32, #tpu.memory_space<vmem>>) target(%dma_start3A_329 : memref<10240x64xf32, #tpu.memory_space<vmem_shared>>) offsets(%dma_start3A_326 : memref<80xi32, #tpu.memory_space<vmem>>) semaphore(%arg12 : memref<!tpu.dma_semaphore, #tpu.memory_space<semaphore_mem>>) {add = true}
      %dma_start3A_330 = arith.constant 5 : i32
      %dma_start3A_331 = arith.constant 245 : i32
      %dma_start3A_332 = arith.constant 0 : i32
      %dma_start3A_333 = arith.constant 0 : i32
      %dma_start3A_334 = tpu.memref_slice %arg8[%dma_start3A_330, %dma_start3A_332, %dma_start3A_333] : memref<8x80x64xf32, #tpu.memory_space<vmem>> -> memref<1x80x64xf32, #tpu.memory_space<vmem>>
      %dma_start3A_335 = tpu.memref_squeeze %dma_start3A_334 : memref<1x80x64xf32, #tpu.memory_space<vmem>> -> memref<80x64xf32, #tpu.memory_space<vmem>>
      %dma_start3A_336 = arith.constant 0 : i32
      %dma_start3A_337 = tpu.memref_slice %arg7[%dma_start3A_331, %dma_start3A_336] : memref<250x80xi32, #tpu.memory_space<vmem>> -> memref<1x80xi32, #tpu.memory_space<vmem>>
      %dma_start3A_338 = tpu.memref_squeeze %dma_start3A_337 : memref<1x80xi32, #tpu.memory_space<vmem>> -> memref<80xi32, #tpu.memory_space<vmem>>
      %dma_start3A_339 = arith.constant 0 : i32
      %dma_start3A_340 = arith.constant 0 : i32
      %dma_start3A_341 = tpu.memref_slice %arg10[%dma_start3A_339, %dma_start3A_340] : memref<10240x64xf32, #tpu.memory_space<vmem_shared>> -> memref<10240x64xf32, #tpu.memory_space<vmem_shared>>
      tpu.enqueue_indirect_dma source(%dma_start3A_335 : memref<80x64xf32, #tpu.memory_space<vmem>>) target(%dma_start3A_341 : memref<10240x64xf32, #tpu.memory_space<vmem_shared>>) offsets(%dma_start3A_338 : memref<80xi32, #tpu.memory_space<vmem>>) semaphore(%arg12 : memref<!tpu.dma_semaphore, #tpu.memory_space<semaphore_mem>>) {add = true}
      %dma_start3A_342 = arith.constant 6 : i32
      %dma_start3A_343 = arith.constant 246 : i32
      %dma_start3A_344 = arith.constant 0 : i32
      %dma_start3A_345 = arith.constant 0 : i32
      %dma_start3A_346 = tpu.memref_slice %arg8[%dma_start3A_342, %dma_start3A_344, %dma_start3A_345] : memref<8x80x64xf32, #tpu.memory_space<vmem>> -> memref<1x80x64xf32, #tpu.memory_space<vmem>>
      %dma_start3A_347 = tpu.memref_squeeze %dma_start3A_346 : memref<1x80x64xf32, #tpu.memory_space<vmem>> -> memref<80x64xf32, #tpu.memory_space<vmem>>
      %dma_start3A_348 = arith.constant 0 : i32
      %dma_start3A_349 = tpu.memref_slice %arg7[%dma_start3A_343, %dma_start3A_348] : memref<250x80xi32, #tpu.memory_space<vmem>> -> memref<1x80xi32, #tpu.memory_space<vmem>>
      %dma_start3A_350 = tpu.memref_squeeze %dma_start3A_349 : memref<1x80xi32, #tpu.memory_space<vmem>> -> memref<80xi32, #tpu.memory_space<vmem>>
      %dma_start3A_351 = arith.constant 0 : i32
      %dma_start3A_352 = arith.constant 0 : i32
      %dma_start3A_353 = tpu.memref_slice %arg10[%dma_start3A_351, %dma_start3A_352] : memref<10240x64xf32, #tpu.memory_space<vmem_shared>> -> memref<10240x64xf32, #tpu.memory_space<vmem_shared>>
      tpu.enqueue_indirect_dma source(%dma_start3A_347 : memref<80x64xf32, #tpu.memory_space<vmem>>) target(%dma_start3A_353 : memref<10240x64xf32, #tpu.memory_space<vmem_shared>>) offsets(%dma_start3A_350 : memref<80xi32, #tpu.memory_space<vmem>>) semaphore(%arg12 : memref<!tpu.dma_semaphore, #tpu.memory_space<semaphore_mem>>) {add = true}
      %dma_start3A_354 = arith.constant 7 : i32
      %dma_start3A_355 = arith.constant 247 : i32
      %dma_start3A_356 = arith.constant 0 : i32
      %dma_start3A_357 = arith.constant 0 : i32
      %dma_start3A_358 = tpu.memref_slice %arg8[%dma_start3A_354, %dma_start3A_356, %dma_start3A_357] : memref<8x80x64xf32, #tpu.memory_space<vmem>> -> memref<1x80x64xf32, #tpu.memory_space<vmem>>
      %dma_start3A_359 = tpu.memref_squeeze %dma_start3A_358 : memref<1x80x64xf32, #tpu.memory_space<vmem>> -> memref<80x64xf32, #tpu.memory_space<vmem>>
      %dma_start3A_360 = arith.constant 0 : i32
      %dma_start3A_361 = tpu.memref_slice %arg7[%dma_start3A_355, %dma_start3A_360] : memref<250x80xi32, #tpu.memory_space<vmem>> -> memref<1x80xi32, #tpu.memory_space<vmem>>
      %dma_start3A_362 = tpu.memref_squeeze %dma_start3A_361 : memref<1x80xi32, #tpu.memory_space<vmem>> -> memref<80xi32, #tpu.memory_space<vmem>>
      %dma_start3A_363 = arith.constant 0 : i32
      %dma_start3A_364 = arith.constant 0 : i32
      %dma_start3A_365 = tpu.memref_slice %arg10[%dma_start3A_363, %dma_start3A_364] : memref<10240x64xf32, #tpu.memory_space<vmem_shared>> -> memref<10240x64xf32, #tpu.memory_space<vmem_shared>>
      tpu.enqueue_indirect_dma source(%dma_start3A_359 : memref<80x64xf32, #tpu.memory_space<vmem>>) target(%dma_start3A_365 : memref<10240x64xf32, #tpu.memory_space<vmem_shared>>) offsets(%dma_start3A_362 : memref<80xi32, #tpu.memory_space<vmem>>) semaphore(%arg12 : memref<!tpu.dma_semaphore, #tpu.memory_space<semaphore_mem>>) {add = true}
      %dma_wait3A_366 = arith.constant 4 : i32
      %dma_wait3A_367 = arith.constant 0 : i32
      %dma_wait3A_368 = arith.constant 0 : i32
      %dma_wait3A_369 = arith.constant 0 : i32
      %dma_wait3A_370 = tpu.memref_slice %arg8[%dma_wait3A_366, %dma_wait3A_368, %dma_wait3A_369] : memref<8x80x64xf32, #tpu.memory_space<vmem>> -> memref<1x80x64xf32, #tpu.memory_space<vmem>>
      %dma_wait3A_371 = tpu.memref_squeeze %dma_wait3A_370 : memref<1x80x64xf32, #tpu.memory_space<vmem>> -> memref<80x64xf32, #tpu.memory_space<vmem>>
      %dma_wait3A_372 = arith.constant 0 : i32
      %dma_wait3A_373 = tpu.memref_slice %arg7[%dma_wait3A_367, %dma_wait3A_372] : memref<250x80xi32, #tpu.memory_space<vmem>> -> memref<1x80xi32, #tpu.memory_space<vmem>>
      %dma_wait3A_374 = tpu.memref_squeeze %dma_wait3A_373 : memref<1x80xi32, #tpu.memory_space<vmem>> -> memref<80xi32, #tpu.memory_space<vmem>>
      %dma_wait3A_375 = arith.constant 0 : i32
      %dma_wait3A_376 = arith.constant 0 : i32
      %dma_wait3A_377 = tpu.memref_slice %arg10[%dma_wait3A_375, %dma_wait3A_376] : memref<10240x64xf32, #tpu.memory_space<vmem_shared>> -> memref<10240x64xf32, #tpu.memory_space<vmem_shared>>
      tpu.wait_indirect_dma semaphore(%arg12 : memref<!tpu.dma_semaphore, #tpu.memory_space<semaphore_mem>>) src(%dma_wait3A_371 : memref<80x64xf32, #tpu.memory_space<vmem>>) dst(%dma_wait3A_377 : memref<10240x64xf32, #tpu.memory_space<vmem_shared>>)
      %dma_wait3A_378 = arith.constant 5 : i32
      %dma_wait3A_379 = arith.constant 0 : i32
      %dma_wait3A_380 = arith.constant 0 : i32
      %dma_wait3A_381 = arith.constant 0 : i32
      %dma_wait3A_382 = tpu.memref_slice %arg8[%dma_wait3A_378, %dma_wait3A_380, %dma_wait3A_381] : memref<8x80x64xf32, #tpu.memory_space<vmem>> -> memref<1x80x64xf32, #tpu.memory_space<vmem>>
      %dma_wait3A_383 = tpu.memref_squeeze %dma_wait3A_382 : memref<1x80x64xf32, #tpu.memory_space<vmem>> -> memref<80x64xf32, #tpu.memory_space<vmem>>
      %dma_wait3A_384 = arith.constant 0 : i32
      %dma_wait3A_385 = tpu.memref_slice %arg7[%dma_wait3A_379, %dma_wait3A_384] : memref<250x80xi32, #tpu.memory_space<vmem>> -> memref<1x80xi32, #tpu.memory_space<vmem>>
      %dma_wait3A_386 = tpu.memref_squeeze %dma_wait3A_385 : memref<1x80xi32, #tpu.memory_space<vmem>> -> memref<80xi32, #tpu.memory_space<vmem>>
      %dma_wait3A_387 = arith.constant 0 : i32
      %dma_wait3A_388 = arith.constant 0 : i32
      %dma_wait3A_389 = tpu.memref_slice %arg10[%dma_wait3A_387, %dma_wait3A_388] : memref<10240x64xf32, #tpu.memory_space<vmem_shared>> -> memref<10240x64xf32, #tpu.memory_space<vmem_shared>>
      tpu.wait_indirect_dma semaphore(%arg12 : memref<!tpu.dma_semaphore, #tpu.memory_space<semaphore_mem>>) src(%dma_wait3A_383 : memref<80x64xf32, #tpu.memory_space<vmem>>) dst(%dma_wait3A_389 : memref<10240x64xf32, #tpu.memory_space<vmem_shared>>)
      %dma_wait3A_390 = arith.constant 6 : i32
      %dma_wait3A_391 = arith.constant 0 : i32
      %dma_wait3A_392 = arith.constant 0 : i32
      %dma_wait3A_393 = arith.constant 0 : i32
      %dma_wait3A_394 = tpu.memref_slice %arg8[%dma_wait3A_390, %dma_wait3A_392, %dma_wait3A_393] : memref<8x80x64xf32, #tpu.memory_space<vmem>> -> memref<1x80x64xf32, #tpu.memory_space<vmem>>
      %dma_wait3A_395 = tpu.memref_squeeze %dma_wait3A_394 : memref<1x80x64xf32, #tpu.memory_space<vmem>> -> memref<80x64xf32, #tpu.memory_space<vmem>>
      %dma_wait3A_396 = arith.constant 0 : i32
      %dma_wait3A_397 = tpu.memref_slice %arg7[%dma_wait3A_391, %dma_wait3A_396] : memref<250x80xi32, #tpu.memory_space<vmem>> -> memref<1x80xi32, #tpu.memory_space<vmem>>
      %dma_wait3A_398 = tpu.memref_squeeze %dma_wait3A_397 : memref<1x80xi32, #tpu.memory_space<vmem>> -> memref<80xi32, #tpu.memory_space<vmem>>
      %dma_wait3A_399 = arith.constant 0 : i32
      %dma_wait3A_400 = arith.constant 0 : i32
      %dma_wait3A_401 = tpu.memref_slice %arg10[%dma_wait3A_399, %dma_wait3A_400] : memref<10240x64xf32, #tpu.memory_space<vmem_shared>> -> memref<10240x64xf32, #tpu.memory_space<vmem_shared>>
      tpu.wait_indirect_dma semaphore(%arg12 : memref<!tpu.dma_semaphore, #tpu.memory_space<semaphore_mem>>) src(%dma_wait3A_395 : memref<80x64xf32, #tpu.memory_space<vmem>>) dst(%dma_wait3A_401 : memref<10240x64xf32, #tpu.memory_space<vmem_shared>>)
      %dma_wait3A_402 = arith.constant 7 : i32
      %dma_wait3A_403 = arith.constant 0 : i32
      %dma_wait3A_404 = arith.constant 0 : i32
      %dma_wait3A_405 = arith.constant 0 : i32
      %dma_wait3A_406 = tpu.memref_slice %arg8[%dma_wait3A_402, %dma_wait3A_404, %dma_wait3A_405] : memref<8x80x64xf32, #tpu.memory_space<vmem>> -> memref<1x80x64xf32, #tpu.memory_space<vmem>>
      %dma_wait3A_407 = tpu.memref_squeeze %dma_wait3A_406 : memref<1x80x64xf32, #tpu.memory_space<vmem>> -> memref<80x64xf32, #tpu.memory_space<vmem>>
      %dma_wait3A_408 = arith.constant 0 : i32
      %dma_wait3A_409 = tpu.memref_slice %arg7[%dma_wait3A_403, %dma_wait3A_408] : memref<250x80xi32, #tpu.memory_space<vmem>> -> memref<1x80xi32, #tpu.memory_space<vmem>>
      %dma_wait3A_410 = tpu.memref_squeeze %dma_wait3A_409 : memref<1x80xi32, #tpu.memory_space<vmem>> -> memref<80xi32, #tpu.memory_space<vmem>>
      %dma_wait3A_411 = arith.constant 0 : i32
      %dma_wait3A_412 = arith.constant 0 : i32
      %dma_wait3A_413 = tpu.memref_slice %arg10[%dma_wait3A_411, %dma_wait3A_412] : memref<10240x64xf32, #tpu.memory_space<vmem_shared>> -> memref<10240x64xf32, #tpu.memory_space<vmem_shared>>
      tpu.wait_indirect_dma semaphore(%arg12 : memref<!tpu.dma_semaphore, #tpu.memory_space<semaphore_mem>>) src(%dma_wait3A_407 : memref<80x64xf32, #tpu.memory_space<vmem>>) dst(%dma_wait3A_413 : memref<10240x64xf32, #tpu.memory_space<vmem_shared>>)
      %dma_start3A_414 = arith.constant 248 : i32
      %dma_start3A_415 = arith.constant 0 : i32
      %dma_start3A_416 = arith.constant 0 : i32
      %dma_start3A_417 = arith.constant 0 : i32
      %dma_start3A_418 = tpu.memref_slice %arg8[%dma_start3A_415, %dma_start3A_416, %dma_start3A_417] : memref<8x80x64xf32, #tpu.memory_space<vmem>> -> memref<1x80x64xf32, #tpu.memory_space<vmem>>
      %dma_start3A_419 = tpu.memref_squeeze %dma_start3A_418 : memref<1x80x64xf32, #tpu.memory_space<vmem>> -> memref<80x64xf32, #tpu.memory_space<vmem>>
      %dma_start3A_420 = arith.constant 0 : i32
      %dma_start3A_421 = tpu.memref_slice %arg6[%dma_start3A_414, %dma_start3A_420] : memref<250x80xi32, #tpu.memory_space<vmem>> -> memref<1x80xi32, #tpu.memory_space<vmem>>
      %dma_start3A_422 = tpu.memref_squeeze %dma_start3A_421 : memref<1x80xi32, #tpu.memory_space<vmem>> -> memref<80xi32, #tpu.memory_space<vmem>>
      %dma_start3A_423 = arith.constant 0 : i32
      %dma_start3A_424 = arith.constant 0 : i32
      %dma_start3A_425 = tpu.memref_slice %arg3[%dma_start3A_423, %dma_start3A_424] : memref<10000x64xf32, #tpu.memory_space<hbm>> -> memref<10000x64xf32, #tpu.memory_space<hbm>>
      tpu.enqueue_indirect_dma source(%dma_start3A_425 : memref<10000x64xf32, #tpu.memory_space<hbm>>) target(%dma_start3A_419 : memref<80x64xf32, #tpu.memory_space<vmem>>) offsets(%dma_start3A_422 : memref<80xi32, #tpu.memory_space<vmem>>) semaphore(%arg11 : memref<!tpu.dma_semaphore, #tpu.memory_space<semaphore_mem>>)
      %dma_wait3A_426 = arith.constant 248 : i32
      %dma_wait3A_427 = arith.constant 0 : i32
      %dma_wait3A_428 = arith.constant 0 : i32
      %dma_wait3A_429 = arith.constant 0 : i32
      %dma_wait3A_430 = tpu.memref_slice %arg8[%dma_wait3A_427, %dma_wait3A_428, %dma_wait3A_429] : memref<8x80x64xf32, #tpu.memory_space<vmem>> -> memref<1x80x64xf32, #tpu.memory_space<vmem>>
      %dma_wait3A_431 = tpu.memref_squeeze %dma_wait3A_430 : memref<1x80x64xf32, #tpu.memory_space<vmem>> -> memref<80x64xf32, #tpu.memory_space<vmem>>
      %dma_wait3A_432 = arith.constant 0 : i32
      %dma_wait3A_433 = tpu.memref_slice %arg6[%dma_wait3A_426, %dma_wait3A_432] : memref<250x80xi32, #tpu.memory_space<vmem>> -> memref<1x80xi32, #tpu.memory_space<vmem>>
      %dma_wait3A_434 = tpu.memref_squeeze %dma_wait3A_433 : memref<1x80xi32, #tpu.memory_space<vmem>> -> memref<80xi32, #tpu.memory_space<vmem>>
      %dma_wait3A_435 = arith.constant 0 : i32
      %dma_wait3A_436 = arith.constant 0 : i32
      %dma_wait3A_437 = tpu.memref_slice %arg3[%dma_wait3A_435, %dma_wait3A_436] : memref<10000x64xf32, #tpu.memory_space<hbm>> -> memref<10000x64xf32, #tpu.memory_space<hbm>>
      tpu.wait_indirect_dma semaphore(%arg11 : memref<!tpu.dma_semaphore, #tpu.memory_space<semaphore_mem>>) src(%dma_wait3A_437 : memref<10000x64xf32, #tpu.memory_space<hbm>>) dst(%dma_wait3A_431 : memref<80x64xf32, #tpu.memory_space<vmem>>)
      %run_scoped3A_438 = arith.constant 0 : i32
      %run_scoped3A_439 = arith.constant 248 : i32
      "tpu.region"() ({
        %run_scoped3A_466 = tpu.sem_alloc : memref<!tpu.dma_semaphore, #tpu.memory_space<semaphore_mem>>
        %dma_start3A_467 = arith.constant 0 : i32
        %dma_start3A_468 = arith.constant 0 : i32
        %dma_start3A_469 = tpu.memref_slice %arg8[%run_scoped3A_438, %dma_start3A_467, %dma_start3A_468] : memref<8x80x64xf32, #tpu.memory_space<vmem>> -> memref<1x80x64xf32, #tpu.memory_space<vmem>>
        %dma_start3A_470 = tpu.memref_squeeze %dma_start3A_469 : memref<1x80x64xf32, #tpu.memory_space<vmem>> -> memref<80x64xf32, #tpu.memory_space<vmem>>
        %dma_start3A_471 = arith.constant 0 : i32
        %dma_start3A_472 = tpu.memref_slice %arg7[%run_scoped3A_439, %dma_start3A_471] : memref<250x80xi32, #tpu.memory_space<vmem>> -> memref<1x80xi32, #tpu.memory_space<vmem>>
        %dma_start3A_473 = tpu.memref_squeeze %dma_start3A_472 : memref<1x80xi32, #tpu.memory_space<vmem>> -> memref<80xi32, #tpu.memory_space<vmem>>
        %dma_start3A_474 = arith.constant 0 : i32
        %dma_start3A_475 = arith.constant 0 : i32
        %dma_start3A_476 = tpu.memref_slice %arg10[%dma_start3A_474, %dma_start3A_475] : memref<10240x64xf32, #tpu.memory_space<vmem_shared>> -> memref<10240x64xf32, #tpu.memory_space<vmem_shared>>
        tpu.enqueue_indirect_dma source(%dma_start3A_470 : memref<80x64xf32, #tpu.memory_space<vmem>>) target(%dma_start3A_476 : memref<10240x64xf32, #tpu.memory_space<vmem_shared>>) offsets(%dma_start3A_473 : memref<80xi32, #tpu.memory_space<vmem>>) semaphore(%run_scoped3A_466 : memref<!tpu.dma_semaphore, #tpu.memory_space<semaphore_mem>>) {add = true}
        %dma_wait3A_477 = arith.constant 0 : i32
        %dma_wait3A_478 = arith.constant 0 : i32
        %dma_wait3A_479 = tpu.memref_slice %arg8[%run_scoped3A_438, %dma_wait3A_477, %dma_wait3A_478] : memref<8x80x64xf32, #tpu.memory_space<vmem>> -> memref<1x80x64xf32, #tpu.memory_space<vmem>>
        %dma_wait3A_480 = tpu.memref_squeeze %dma_wait3A_479 : memref<1x80x64xf32, #tpu.memory_space<vmem>> -> memref<80x64xf32, #tpu.memory_space<vmem>>
        %dma_wait3A_481 = arith.constant 0 : i32
        %dma_wait3A_482 = tpu.memref_slice %arg7[%run_scoped3A_439, %dma_wait3A_481] : memref<250x80xi32, #tpu.memory_space<vmem>> -> memref<1x80xi32, #tpu.memory_space<vmem>>
        %dma_wait3A_483 = tpu.memref_squeeze %dma_wait3A_482 : memref<1x80xi32, #tpu.memory_space<vmem>> -> memref<80xi32, #tpu.memory_space<vmem>>
        %dma_wait3A_484 = arith.constant 0 : i32
        %dma_wait3A_485 = arith.constant 0 : i32
        %dma_wait3A_486 = tpu.memref_slice %arg10[%dma_wait3A_484, %dma_wait3A_485] : memref<10240x64xf32, #tpu.memory_space<vmem_shared>> -> memref<10240x64xf32, #tpu.memory_space<vmem_shared>>
        tpu.wait_indirect_dma semaphore(%run_scoped3A_466 : memref<!tpu.dma_semaphore, #tpu.memory_space<semaphore_mem>>) src(%dma_wait3A_480 : memref<80x64xf32, #tpu.memory_space<vmem>>) dst(%dma_wait3A_486 : memref<10240x64xf32, #tpu.memory_space<vmem_shared>>)
        tpu.yield
      }) : () -> ()
      %dma_start3A_440 = arith.constant 249 : i32
      %dma_start3A_441 = arith.constant 0 : i32
      %dma_start3A_442 = arith.constant 0 : i32
      %dma_start3A_443 = arith.constant 0 : i32
      %dma_start3A_444 = tpu.memref_slice %arg8[%dma_start3A_441, %dma_start3A_442, %dma_start3A_443] : memref<8x80x64xf32, #tpu.memory_space<vmem>> -> memref<1x80x64xf32, #tpu.memory_space<vmem>>
      %dma_start3A_445 = tpu.memref_squeeze %dma_start3A_444 : memref<1x80x64xf32, #tpu.memory_space<vmem>> -> memref<80x64xf32, #tpu.memory_space<vmem>>
      %dma_start3A_446 = arith.constant 0 : i32
      %dma_start3A_447 = tpu.memref_slice %arg6[%dma_start3A_440, %dma_start3A_446] : memref<250x80xi32, #tpu.memory_space<vmem>> -> memref<1x80xi32, #tpu.memory_space<vmem>>
      %dma_start3A_448 = tpu.memref_squeeze %dma_start3A_447 : memref<1x80xi32, #tpu.memory_space<vmem>> -> memref<80xi32, #tpu.memory_space<vmem>>
      %dma_start3A_449 = arith.constant 0 : i32
      %dma_start3A_450 = arith.constant 0 : i32
      %dma_start3A_451 = tpu.memref_slice %arg3[%dma_start3A_449, %dma_start3A_450] : memref<10000x64xf32, #tpu.memory_space<hbm>> -> memref<10000x64xf32, #tpu.memory_space<hbm>>
      tpu.enqueue_indirect_dma source(%dma_start3A_451 : memref<10000x64xf32, #tpu.memory_space<hbm>>) target(%dma_start3A_445 : memref<80x64xf32, #tpu.memory_space<vmem>>) offsets(%dma_start3A_448 : memref<80xi32, #tpu.memory_space<vmem>>) semaphore(%arg11 : memref<!tpu.dma_semaphore, #tpu.memory_space<semaphore_mem>>)
      %dma_wait3A_452 = arith.constant 249 : i32
      %dma_wait3A_453 = arith.constant 0 : i32
      %dma_wait3A_454 = arith.constant 0 : i32
      %dma_wait3A_455 = arith.constant 0 : i32
      %dma_wait3A_456 = tpu.memref_slice %arg8[%dma_wait3A_453, %dma_wait3A_454, %dma_wait3A_455] : memref<8x80x64xf32, #tpu.memory_space<vmem>> -> memref<1x80x64xf32, #tpu.memory_space<vmem>>
      %dma_wait3A_457 = tpu.memref_squeeze %dma_wait3A_456 : memref<1x80x64xf32, #tpu.memory_space<vmem>> -> memref<80x64xf32, #tpu.memory_space<vmem>>
      %dma_wait3A_458 = arith.constant 0 : i32
      %dma_wait3A_459 = tpu.memref_slice %arg6[%dma_wait3A_452, %dma_wait3A_458] : memref<250x80xi32, #tpu.memory_space<vmem>> -> memref<1x80xi32, #tpu.memory_space<vmem>>
      %dma_wait3A_460 = tpu.memref_squeeze %dma_wait3A_459 : memref<1x80xi32, #tpu.memory_space<vmem>> -> memref<80xi32, #tpu.memory_space<vmem>>
      %dma_wait3A_461 = arith.constant 0 : i32
      %dma_wait3A_462 = arith.constant 0 : i32
      %dma_wait3A_463 = tpu.memref_slice %arg3[%dma_wait3A_461, %dma_wait3A_462] : memref<10000x64xf32, #tpu.memory_space<hbm>> -> memref<10000x64xf32, #tpu.memory_space<hbm>>
      tpu.wait_indirect_dma semaphore(%arg11 : memref<!tpu.dma_semaphore, #tpu.memory_space<semaphore_mem>>) src(%dma_wait3A_463 : memref<10000x64xf32, #tpu.memory_space<hbm>>) dst(%dma_wait3A_457 : memref<80x64xf32, #tpu.memory_space<vmem>>)
      %run_scoped3A_464 = arith.constant 0 : i32
      %run_scoped3A_465 = arith.constant 249 : i32
      "tpu.region"() ({
        %run_scoped3A_466 = tpu.sem_alloc : memref<!tpu.dma_semaphore, #tpu.memory_space<semaphore_mem>>
        %dma_start3A_467 = arith.constant 0 : i32
        %dma_start3A_468 = arith.constant 0 : i32
        %dma_start3A_469 = tpu.memref_slice %arg8[%run_scoped3A_464, %dma_start3A_467, %dma_start3A_468] : memref<8x80x64xf32, #tpu.memory_space<vmem>> -> memref<1x80x64xf32, #tpu.memory_space<vmem>>
        %dma_start3A_470 = tpu.memref_squeeze %dma_start3A_469 : memref<1x80x64xf32, #tpu.memory_space<vmem>> -> memref<80x64xf32, #tpu.memory_space<vmem>>
        %dma_start3A_471 = arith.constant 0 : i32
        %dma_start3A_472 = tpu.memref_slice %arg7[%run_scoped3A_465, %dma_start3A_471] : memref<250x80xi32, #tpu.memory_space<vmem>> -> memref<1x80xi32, #tpu.memory_space<vmem>>
        %dma_start3A_473 = tpu.memref_squeeze %dma_start3A_472 : memref<1x80xi32, #tpu.memory_space<vmem>> -> memref<80xi32, #tpu.memory_space<vmem>>
        %dma_start3A_474 = arith.constant 0 : i32
        %dma_start3A_475 = arith.constant 0 : i32
        %dma_start3A_476 = tpu.memref_slice %arg10[%dma_start3A_474, %dma_start3A_475] : memref<10240x64xf32, #tpu.memory_space<vmem_shared>> -> memref<10240x64xf32, #tpu.memory_space<vmem_shared>>
        tpu.enqueue_indirect_dma source(%dma_start3A_470 : memref<80x64xf32, #tpu.memory_space<vmem>>) target(%dma_start3A_476 : memref<10240x64xf32, #tpu.memory_space<vmem_shared>>) offsets(%dma_start3A_473 : memref<80xi32, #tpu.memory_space<vmem>>) semaphore(%run_scoped3A_466 : memref<!tpu.dma_semaphore, #tpu.memory_space<semaphore_mem>>) {add = true}
        %dma_wait3A_477 = arith.constant 0 : i32
        %dma_wait3A_478 = arith.constant 0 : i32
        %dma_wait3A_479 = tpu.memref_slice %arg8[%run_scoped3A_464, %dma_wait3A_477, %dma_wait3A_478] : memref<8x80x64xf32, #tpu.memory_space<vmem>> -> memref<1x80x64xf32, #tpu.memory_space<vmem>>
        %dma_wait3A_480 = tpu.memref_squeeze %dma_wait3A_479 : memref<1x80x64xf32, #tpu.memory_space<vmem>> -> memref<80x64xf32, #tpu.memory_space<vmem>>
        %dma_wait3A_481 = arith.constant 0 : i32
        %dma_wait3A_482 = tpu.memref_slice %arg7[%run_scoped3A_465, %dma_wait3A_481] : memref<250x80xi32, #tpu.memory_space<vmem>> -> memref<1x80xi32, #tpu.memory_space<vmem>>
        %dma_wait3A_483 = tpu.memref_squeeze %dma_wait3A_482 : memref<1x80xi32, #tpu.memory_space<vmem>> -> memref<80xi32, #tpu.memory_space<vmem>>
        %dma_wait3A_484 = arith.constant 0 : i32
        %dma_wait3A_485 = arith.constant 0 : i32
        %dma_wait3A_486 = tpu.memref_slice %arg10[%dma_wait3A_484, %dma_wait3A_485] : memref<10240x64xf32, #tpu.memory_space<vmem_shared>> -> memref<10240x64xf32, #tpu.memory_space<vmem_shared>>
        tpu.wait_indirect_dma semaphore(%run_scoped3A_466 : memref<!tpu.dma_semaphore, #tpu.memory_space<semaphore_mem>>) src(%dma_wait3A_480 : memref<80x64xf32, #tpu.memory_space<vmem>>) dst(%dma_wait3A_486 : memref<10240x64xf32, #tpu.memory_space<vmem_shared>>)
        tpu.yield
      }) : () -> ()
    } else {
    }
    %barrier3A_21 = arith.constant 0 : index
    tpu.barrier barrier_id(%barrier3A_21)
    %mul3A = arith.constant 640 : i32
    %mul3A_22 = arith.muli %arg1, %mul3A : i32
    %mul3A_23 = arith.constant 640 : i32
    %mul3A_24 = arith.muli %arg1, %mul3A_23 : i32
    "tpu.region"() ({
      %run_scoped3A_25 = tpu.sem_alloc : memref<!tpu.dma_semaphore, #tpu.memory_space<semaphore_mem>>
      %dma_start3A = arith.constant 0 : i32
      %dma_start3A_26 = tpu.memref_slice %arg5[%arg0, %mul3A_24, %dma_start3A] : memref<2x10240x64xf32, #tpu.memory_space<hbm>> -> memref<1x640x64xf32, #tpu.memory_space<hbm>>
      %dma_start3A_27 = tpu.memref_squeeze %dma_start3A_26 : memref<1x640x64xf32, #tpu.memory_space<hbm>> -> memref<640x64xf32, #tpu.memory_space<hbm>>
      %dma_start3A_28 = arith.constant 0 : i32
      %dma_start3A_29 = tpu.memref_slice %arg10[%mul3A_22, %dma_start3A_28] : memref<10240x64xf32, #tpu.memory_space<vmem_shared>> -> memref<640x64xf32, #tpu.memory_space<vmem_shared>>
      tpu.enqueue_dma source(%dma_start3A_29 : memref<640x64xf32, #tpu.memory_space<vmem_shared>>) target(%dma_start3A_27 : memref<640x64xf32, #tpu.memory_space<hbm>>) target_semaphore(%run_scoped3A_25 : memref<!tpu.dma_semaphore, #tpu.memory_space<semaphore_mem>>)
      %dma_wait3A = arith.constant 0 : i32
      %dma_wait3A_30 = tpu.memref_slice %arg5[%arg0, %mul3A_24, %dma_wait3A] : memref<2x10240x64xf32, #tpu.memory_space<hbm>> -> memref<1x640x64xf32, #tpu.memory_space<hbm>>
      %dma_wait3A_31 = tpu.memref_squeeze %dma_wait3A_30 : memref<1x640x64xf32, #tpu.memory_space<hbm>> -> memref<640x64xf32, #tpu.memory_space<hbm>>
      %dma_wait3A_32 = arith.constant 0 : i32
      %dma_wait3A_33 = tpu.memref_slice %arg10[%mul3A_22, %dma_wait3A_32] : memref<10240x64xf32, #tpu.memory_space<vmem_shared>> -> memref<640x64xf32, #tpu.memory_space<vmem_shared>>
      tpu.wait_dma2 semaphore(%run_scoped3A_25 : memref<!tpu.dma_semaphore, #tpu.memory_space<semaphore_mem>>) src(%dma_wait3A_33 : memref<640x64xf32, #tpu.memory_space<vmem_shared>>) dst(%dma_wait3A_31 : memref<640x64xf32, #tpu.memory_space<hbm>>)
      tpu.yield
    }) : () -> ()
    return
  }
}

#map = affine_map<(d0, d1) -> (0, 0)>
#map1 = affine_map<(d0, d1) -> (0, 0, 0, 0)>
#map2 = affine_map<(d0, d1) -> (0, 0, 0)>
module attributes {stable_mosaic.version = 14 : i64} {
  func.func @_scatter_kernel(%arg0: i32, %arg1: i32, %arg2: memref<10000x64xf32, #tpu.memory_space<hbm>>, %arg3: memref<10000x64xf32, #tpu.memory_space<hbm>>, %arg4: memref<2x16x250x80xi32, #tpu.memory_space<hbm>>, %arg5: memref<2x10240x64xf32, #tpu.memory_space<hbm>>, %arg6: memref<250x80xi32, #tpu.memory_space<vmem>>, %arg7: memref<250x80xi32, #tpu.memory_space<vmem>>, %arg8: memref<8x80x64xf32, #tpu.memory_space<vmem>>, %arg9: memref<80x64xf32, #tpu.memory_space<vmem>>, %arg10: memref<10240x64xf32, #tpu.memory_space<vmem_shared>>, %arg11: memref<!tpu.dma_semaphore, #tpu.memory_space<semaphore_mem>>, %arg12: memref<!tpu.dma_semaphore, #tpu.memory_space<semaphore_mem>>) attributes {dimension_semantics = [#tpu.dimension_semantics<core_parallel>, #tpu.dimension_semantics<subcore_parallel>], iteration_bounds = array<i64: 2, 16>, scalar_prefetch = 0 : i64, scratch_operands = 7 : i64, tpu.core_type = #tpu.core_type<sc_vector_subcore>, window_params = [{transform_indices = #map}, {transform_indices = #map}, {transform_indices = #map1}, {transform_indices = #map2}]} {
    %scan3A = arith.constant 0 : i32
    %scan3A_0 = arith.constant 0 : i32
    %scan3A_1 = arith.constant 80 : i32
    %scan3A_2 = arith.addi %scan3A_0, %scan3A_1 : i32
    %scan3A_3 = arith.constant 1 : i32
    %scan3A_4 = scf.for %scan3A_25 = %scan3A_0 to %scan3A_2 step %scan3A_3 iter_args(%scan3A_26 = %scan3A) -> (i32)  : i32 {
      %broadcast_in_dim3A = arith.constant 0.000000e+00 : f32
      %broadcast_in_dim3A_27 = vector.broadcast %broadcast_in_dim3A : f32 to vector<16xf32>
      %swap3A = arith.index_cast %scan3A_25 : i32 to index
      %swap3A_28 = arith.constant 0 : index
      %swap3A_29 = tpu.vector_load %arg9[%swap3A, %swap3A_28] {strides = array<i32>} : memref<80x64xf32, #tpu.memory_space<vmem>>, vector<1x16xf32>,
      %swap3A_30 = vector.shape_cast %swap3A_29 : vector<1x16xf32> to vector<16xf32>
      %swap3A_31 = vector.shape_cast %broadcast_in_dim3A_27 : vector<16xf32> to vector<1x16xf32>
      tpu.vector_store %arg9[%swap3A, %swap3A_28], %swap3A_31 {strides = array<i32>} : memref<80x64xf32, #tpu.memory_space<vmem>>, vector<1x16xf32>,
      %broadcast_in_dim3A_32 = arith.constant 0.000000e+00 : f32
      %broadcast_in_dim3A_33 = vector.broadcast %broadcast_in_dim3A_32 : f32 to vector<16xf32>
      %swap3A_34 = arith.index_cast %scan3A_25 : i32 to index
      %swap3A_35 = arith.constant 16 : index
      %swap3A_36 = tpu.vector_load %arg9[%swap3A_34, %swap3A_35] {strides = array<i32>} : memref<80x64xf32, #tpu.memory_space<vmem>>, vector<1x16xf32>,
      %swap3A_37 = vector.shape_cast %swap3A_36 : vector<1x16xf32> to vector<16xf32>
      %swap3A_38 = vector.shape_cast %broadcast_in_dim3A_33 : vector<16xf32> to vector<1x16xf32>
      tpu.vector_store %arg9[%swap3A_34, %swap3A_35], %swap3A_38 {strides = array<i32>} : memref<80x64xf32, #tpu.memory_space<vmem>>, vector<1x16xf32>,
      %broadcast_in_dim3A_39 = arith.constant 0.000000e+00 : f32
      %broadcast_in_dim3A_40 = vector.broadcast %broadcast_in_dim3A_39 : f32 to vector<16xf32>
      %swap3A_41 = arith.index_cast %scan3A_25 : i32 to index
      %swap3A_42 = arith.constant 32 : index
      %swap3A_43 = tpu.vector_load %arg9[%swap3A_41, %swap3A_42] {strides = array<i32>} : memref<80x64xf32, #tpu.memory_space<vmem>>, vector<1x16xf32>,
      %swap3A_44 = vector.shape_cast %swap3A_43 : vector<1x16xf32> to vector<16xf32>
      %swap3A_45 = vector.shape_cast %broadcast_in_dim3A_40 : vector<16xf32> to vector<1x16xf32>
      tpu.vector_store %arg9[%swap3A_41, %swap3A_42], %swap3A_45 {strides = array<i32>} : memref<80x64xf32, #tpu.memory_space<vmem>>, vector<1x16xf32>,
      %broadcast_in_dim3A_46 = arith.constant 0.000000e+00 : f32
      %broadcast_in_dim3A_47 = vector.broadcast %broadcast_in_dim3A_46 : f32 to vector<16xf32>
      %swap3A_48 = arith.index_cast %scan3A_25 : i32 to index
      %swap3A_49 = arith.constant 48 : index
      %swap3A_50 = tpu.vector_load %arg9[%swap3A_48, %swap3A_49] {strides = array<i32>} : memref<80x64xf32, #tpu.memory_space<vmem>>, vector<1x16xf32>,
      %swap3A_51 = vector.shape_cast %swap3A_50 : vector<1x16xf32> to vector<16xf32>
      %swap3A_52 = vector.shape_cast %broadcast_in_dim3A_47 : vector<16xf32> to vector<1x16xf32>
      tpu.vector_store %arg9[%swap3A_48, %swap3A_49], %swap3A_52 {strides = array<i32>} : memref<80x64xf32, #tpu.memory_space<vmem>>, vector<1x16xf32>,
      %scan3A_53 = arith.constant 0 : i32
      scf.yield %scan3A_53 : i32
    }
    %scan3A_5 = arith.constant 80 : i32
    %scan3A_6 = arith.constant 0 : i32
    %scan3A_7 = arith.constant 0 : i32
    %scan3A_8 = arith.constant 8 : i32
    %scan3A_9 = arith.addi %scan3A_7, %scan3A_8 : i32
    %scan3A_10 = arith.constant 1 : i32
    %scan3A_11 = scf.for %scan3A_25 = %scan3A_7 to %scan3A_9 step %scan3A_10 iter_args(%scan3A_26 = %scan3A_6) -> (i32)  : i32 {
      %mul3A_27 = arith.constant 640 : i32
      %mul3A_28 = arith.muli %arg1, %mul3A_27 : i32
      %mul3A_29 = arith.constant 80 : i32
      %mul3A_30 = arith.muli %scan3A_25, %mul3A_29 : i32
      %add3A = arith.addi %mul3A_28, %mul3A_30 : i32
      "tpu.region"() ({
        %run_scoped3A_32 = tpu.sem_alloc : memref<!tpu.dma_semaphore, #tpu.memory_space<semaphore_mem>>
        %dma_start3A = arith.constant 0 : i32
        %dma_start3A_33 = tpu.memref_slice %arg10[%add3A, %dma_start3A] : memref<10240x64xf32, #tpu.memory_space<vmem_shared>> -> memref<80x64xf32, #tpu.memory_space<vmem_shared>>
        %dma_start3A_34 = arith.constant 0 : i32
        %dma_start3A_35 = tpu.memref_slice %arg10[%add3A, %dma_start3A_34] : memref<10240x64xf32, #tpu.memory_space<vmem_shared>> -> memref<80x64xf32, #tpu.memory_space<vmem_shared>>
        tpu.enqueue_dma source(%arg9 : memref<80x64xf32, #tpu.memory_space<vmem>>) target(%dma_start3A_35 : memref<80x64xf32, #tpu.memory_space<vmem_shared>>) target_semaphore(%run_scoped3A_32 : memref<!tpu.dma_semaphore, #tpu.memory_space<semaphore_mem>>)
        %dma_wait3A = arith.constant 0 : i32
        %dma_wait3A_36 = tpu.memref_slice %arg10[%add3A, %dma_wait3A] : memref<10240x64xf32, #tpu.memory_space<vmem_shared>> -> memref<80x64xf32, #tpu.memory_space<vmem_shared>>
        %dma_wait3A_37 = arith.constant 0 : i32
        %dma_wait3A_38 = tpu.memref_slice %arg10[%add3A, %dma_wait3A_37] : memref<10240x64xf32, #tpu.memory_space<vmem_shared>> -> memref<80x64xf32, #tpu.memory_space<vmem_shared>>
        tpu.wait_dma2 semaphore(%run_scoped3A_32 : memref<!tpu.dma_semaphore, #tpu.memory_space<semaphore_mem>>) src(%arg9 : memref<80x64xf32, #tpu.memory_space<vmem>>) dst(%dma_wait3A_38 : memref<80x64xf32, #tpu.memory_space<vmem_shared>>)
        tpu.yield
      }) : () -> ()
      %scan3A_31 = arith.constant 0 : i32
      scf.yield %scan3A_31 : i32
    }
    %scan3A_12 = arith.constant 8 : i32
    %run_scoped3A = arith.constant 0 : i32
    "tpu.region"() ({
      %run_scoped3A_25 = tpu.sem_alloc : memref<!tpu.dma_semaphore, #tpu.memory_space<semaphore_mem>>
      %dma_start3A = arith.constant 0 : i32
      %dma_start3A_26 = arith.constant 0 : i32
      %dma_start3A_27 = tpu.memref_slice %arg4[%run_scoped3A, %arg1, %dma_start3A, %dma_start3A_26] : memref<2x16x250x80xi32, #tpu.memory_space<hbm>> -> memref<1x1x250x80xi32, #tpu.memory_space<hbm>>
      %dma_start3A_28 = tpu.memref_squeeze %dma_start3A_27 : memref<1x1x250x80xi32, #tpu.memory_space<hbm>> -> memref<250x80xi32, #tpu.memory_space<hbm>>
      %dma_start3A_29 = arith.constant 0 : i32
      %dma_start3A_30 = arith.constant 0 : i32
      %dma_start3A_31 = tpu.memref_slice %arg4[%run_scoped3A, %arg1, %dma_start3A_29, %dma_start3A_30] : memref<2x16x250x80xi32, #tpu.memory_space<hbm>> -> memref<1x1x250x80xi32, #tpu.memory_space<hbm>>
      %dma_start3A_32 = tpu.memref_squeeze %dma_start3A_31 : memref<1x1x250x80xi32, #tpu.memory_space<hbm>> -> memref<250x80xi32, #tpu.memory_space<hbm>>
      tpu.enqueue_dma source(%dma_start3A_32 : memref<250x80xi32, #tpu.memory_space<hbm>>) target(%arg6 : memref<250x80xi32, #tpu.memory_space<vmem>>) target_semaphore(%run_scoped3A_25 : memref<!tpu.dma_semaphore, #tpu.memory_space<semaphore_mem>>)
      %dma_wait3A = arith.constant 0 : i32
      %dma_wait3A_33 = arith.constant 0 : i32
      %dma_wait3A_34 = tpu.memref_slice %arg4[%run_scoped3A, %arg1, %dma_wait3A, %dma_wait3A_33] : memref<2x16x250x80xi32, #tpu.memory_space<hbm>> -> memref<1x1x250x80xi32, #tpu.memory_space<hbm>>
      %dma_wait3A_35 = tpu.memref_squeeze %dma_wait3A_34 : memref<1x1x250x80xi32, #tpu.memory_space<hbm>> -> memref<250x80xi32, #tpu.memory_space<hbm>>
      %dma_wait3A_36 = arith.constant 0 : i32
      %dma_wait3A_37 = arith.constant 0 : i32
      %dma_wait3A_38 = tpu.memref_slice %arg4[%run_scoped3A, %arg1, %dma_wait3A_36, %dma_wait3A_37] : memref<2x16x250x80xi32, #tpu.memory_space<hbm>> -> memref<1x1x250x80xi32, #tpu.memory_space<hbm>>
      %dma_wait3A_39 = tpu.memref_squeeze %dma_wait3A_38 : memref<1x1x250x80xi32, #tpu.memory_space<hbm>> -> memref<250x80xi32, #tpu.memory_space<hbm>>
      tpu.wait_dma2 semaphore(%run_scoped3A_25 : memref<!tpu.dma_semaphore, #tpu.memory_space<semaphore_mem>>) src(%dma_wait3A_39 : memref<250x80xi32, #tpu.memory_space<hbm>>) dst(%arg6 : memref<250x80xi32, #tpu.memory_space<vmem>>)
      tpu.yield
    }) : () -> ()
    %run_scoped3A_13 = arith.constant 1 : i32
    "tpu.region"() ({
      %run_scoped3A_25 = tpu.sem_alloc : memref<!tpu.dma_semaphore, #tpu.memory_space<semaphore_mem>>
      %dma_start3A = arith.constant 0 : i32
      %dma_start3A_26 = arith.constant 0 : i32
      %dma_start3A_27 = tpu.memref_slice %arg4[%run_scoped3A_13, %arg1, %dma_start3A, %dma_start3A_26] : memref<2x16x250x80xi32, #tpu.memory_space<hbm>> -> memref<1x1x250x80xi32, #tpu.memory_space<hbm>>
      %dma_start3A_28 = tpu.memref_squeeze %dma_start3A_27 : memref<1x1x250x80xi32, #tpu.memory_space<hbm>> -> memref<250x80xi32, #tpu.memory_space<hbm>>
      %dma_start3A_29 = arith.constant 0 : i32
      %dma_start3A_30 = arith.constant 0 : i32
      %dma_start3A_31 = tpu.memref_slice %arg4[%run_scoped3A_13, %arg1, %dma_start3A_29, %dma_start3A_30] : memref<2x16x250x80xi32, #tpu.memory_space<hbm>> -> memref<1x1x250x80xi32, #tpu.memory_space<hbm>>
      %dma_start3A_32 = tpu.memref_squeeze %dma_start3A_31 : memref<1x1x250x80xi32, #tpu.memory_space<hbm>> -> memref<250x80xi32, #tpu.memory_space<hbm>>
      tpu.enqueue_dma source(%dma_start3A_32 : memref<250x80xi32, #tpu.memory_space<hbm>>) target(%arg7 : memref<250x80xi32, #tpu.memory_space<vmem>>) target_semaphore(%run_scoped3A_25 : memref<!tpu.dma_semaphore, #tpu.memory_space<semaphore_mem>>)
      %dma_wait3A = arith.constant 0 : i32
      %dma_wait3A_33 = arith.constant 0 : i32
      %dma_wait3A_34 = tpu.memref_slice %arg4[%run_scoped3A_13, %arg1, %dma_wait3A, %dma_wait3A_33] : memref<2x16x250x80xi32, #tpu.memory_space<hbm>> -> memref<1x1x250x80xi32, #tpu.memory_space<hbm>>
      %dma_wait3A_35 = tpu.memref_squeeze %dma_wait3A_34 : memref<1x1x250x80xi32, #tpu.memory_space<hbm>> -> memref<250x80xi32, #tpu.memory_space<hbm>>
      %dma_wait3A_36 = arith.constant 0 : i32
      %dma_wait3A_37 = arith.constant 0 : i32
      %dma_wait3A_38 = tpu.memref_slice %arg4[%run_scoped3A_13, %arg1, %dma_wait3A_36, %dma_wait3A_37] : memref<2x16x250x80xi32, #tpu.memory_space<hbm>> -> memref<1x1x250x80xi32, #tpu.memory_space<hbm>>
      %dma_wait3A_39 = tpu.memref_squeeze %dma_wait3A_38 : memref<1x1x250x80xi32, #tpu.memory_space<hbm>> -> memref<250x80xi32, #tpu.memory_space<hbm>>
      tpu.wait_dma2 semaphore(%run_scoped3A_25 : memref<!tpu.dma_semaphore, #tpu.memory_space<semaphore_mem>>) src(%dma_wait3A_39 : memref<250x80xi32, #tpu.memory_space<hbm>>) dst(%arg7 : memref<250x80xi32, #tpu.memory_space<vmem>>)
      tpu.yield
    }) : () -> ()
    %barrier3A = arith.constant 0 : index
    tpu.barrier barrier_id(%barrier3A)
    %eq3A = arith.constant 0 : i32
    %eq3A_14 = arith.cmpi eq, %arg0, %eq3A : i32
    %convert_element_type3A = arith.extui %eq3A_14 : i1 to i32
    %cond3A = arith.constant 0 : i32
    %cond3A_15 = arith.cmpi ne, %convert_element_type3A, %cond3A : i32
    scf.if %cond3A_15 {
      %dma_start3A = arith.constant 0 : i32
      %dma_start3A_25 = arith.constant 0 : i32
      %dma_start3A_26 = arith.constant 0 : i32
      %dma_start3A_27 = arith.constant 0 : i32
      %dma_start3A_28 = tpu.memref_slice %arg8[%dma_start3A_25, %dma_start3A_26, %dma_start3A_27] : memref<8x80x64xf32, #tpu.memory_space<vmem>> -> memref<1x80x64xf32, #tpu.memory_space<vmem>>
      %dma_start3A_29 = tpu.memref_squeeze %dma_start3A_28 : memref<1x80x64xf32, #tpu.memory_space<vmem>> -> memref<80x64xf32, #tpu.memory_space<vmem>>
      %dma_start3A_30 = arith.constant 0 : i32
      %dma_start3A_31 = tpu.memref_slice %arg6[%dma_start3A, %dma_start3A_30] : memref<250x80xi32, #tpu.memory_space<vmem>> -> memref<1x80xi32, #tpu.memory_space<vmem>>
      %dma_start3A_32 = tpu.memref_squeeze %dma_start3A_31 : memref<1x80xi32, #tpu.memory_space<vmem>> -> memref<80xi32, #tpu.memory_space<vmem>>
      %dma_start3A_33 = arith.constant 0 : i32
      %dma_start3A_34 = arith.constant 0 : i32
      %dma_start3A_35 = tpu.memref_slice %arg2[%dma_start3A_33, %dma_start3A_34] : memref<10000x64xf32, #tpu.memory_space<hbm>> -> memref<10000x64xf32, #tpu.memory_space<hbm>>
      tpu.enqueue_indirect_dma source(%dma_start3A_35 : memref<10000x64xf32, #tpu.memory_space<hbm>>) target(%dma_start3A_29 : memref<80x64xf32, #tpu.memory_space<vmem>>) offsets(%dma_start3A_32 : memref<80xi32, #tpu.memory_space<vmem>>) semaphore(%arg11 : memref<!tpu.dma_semaphore, #tpu.memory_space<semaphore_mem>>)
      %dma_start3A_36 = arith.constant 1 : i32
      %dma_start3A_37 = arith.constant 1 : i32
      %dma_start3A_38 = arith.constant 0 : i32
      %dma_start3A_39 = arith.constant 0 : i32
      %dma_start3A_40 = tpu.memref_slice %arg8[%dma_start3A_37, %dma_start3A_38, %dma_start3A_39] : memref<8x80x64xf32, #tpu.memory_space<vmem>> -> memref<1x80x64xf32, #tpu.memory_space<vmem>>
      %dma_start3A_41 = tpu.memref_squeeze %dma_start3A_40 : memref<1x80x64xf32, #tpu.memory_space<vmem>> -> memref<80x64xf32, #tpu.memory_space<vmem>>
      %dma_start3A_42 = arith.constant 0 : i32
      %dma_start3A_43 = tpu.memref_slice %arg6[%dma_start3A_36, %dma_start3A_42] : memref<250x80xi32, #tpu.memory_space<vmem>> -> memref<1x80xi32, #tpu.memory_space<vmem>>
      %dma_start3A_44 = tpu.memref_squeeze %dma_start3A_43 : memref<1x80xi32, #tpu.memory_space<vmem>> -> memref<80xi32, #tpu.memory_space<vmem>>
      %dma_start3A_45 = arith.constant 0 : i32
      %dma_start3A_46 = arith.constant 0 : i32
      %dma_start3A_47 = tpu.memref_slice %arg2[%dma_start3A_45, %dma_start3A_46] : memref<10000x64xf32, #tpu.memory_space<hbm>> -> memref<10000x64xf32, #tpu.memory_space<hbm>>
      tpu.enqueue_indirect_dma source(%dma_start3A_47 : memref<10000x64xf32, #tpu.memory_space<hbm>>) target(%dma_start3A_41 : memref<80x64xf32, #tpu.memory_space<vmem>>) offsets(%dma_start3A_44 : memref<80xi32, #tpu.memory_space<vmem>>) semaphore(%arg11 : memref<!tpu.dma_semaphore, #tpu.memory_space<semaphore_mem>>)
      %dma_start3A_48 = arith.constant 2 : i32
      %dma_start3A_49 = arith.constant 2 : i32
      %dma_start3A_50 = arith.constant 0 : i32
      %dma_start3A_51 = arith.constant 0 : i32
      %dma_start3A_52 = tpu.memref_slice %arg8[%dma_start3A_49, %dma_start3A_50, %dma_start3A_51] : memref<8x80x64xf32, #tpu.memory_space<vmem>> -> memref<1x80x64xf32, #tpu.memory_space<vmem>>
      %dma_start3A_53 = tpu.memref_squeeze %dma_start3A_52 : memref<1x80x64xf32, #tpu.memory_space<vmem>> -> memref<80x64xf32, #tpu.memory_space<vmem>>
      %dma_start3A_54 = arith.constant 0 : i32
      %dma_start3A_55 = tpu.memref_slice %arg6[%dma_start3A_48, %dma_start3A_54] : memref<250x80xi32, #tpu.memory_space<vmem>> -> memref<1x80xi32, #tpu.memory_space<vmem>>
      %dma_start3A_56 = tpu.memref_squeeze %dma_start3A_55 : memref<1x80xi32, #tpu.memory_space<vmem>> -> memref<80xi32, #tpu.memory_space<vmem>>
      %dma_start3A_57 = arith.constant 0 : i32
      %dma_start3A_58 = arith.constant 0 : i32
      %dma_start3A_59 = tpu.memref_slice %arg2[%dma_start3A_57, %dma_start3A_58] : memref<10000x64xf32, #tpu.memory_space<hbm>> -> memref<10000x64xf32, #tpu.memory_space<hbm>>
      tpu.enqueue_indirect_dma source(%dma_start3A_59 : memref<10000x64xf32, #tpu.memory_space<hbm>>) target(%dma_start3A_53 : memref<80x64xf32, #tpu.memory_space<vmem>>) offsets(%dma_start3A_56 : memref<80xi32, #tpu.memory_space<vmem>>) semaphore(%arg11 : memref<!tpu.dma_semaphore, #tpu.memory_space<semaphore_mem>>)
      %dma_start3A_60 = arith.constant 3 : i32
      %dma_start3A_61 = arith.constant 3 : i32
      %dma_start3A_62 = arith.constant 0 : i32
      %dma_start3A_63 = arith.constant 0 : i32
      %dma_start3A_64 = tpu.memref_slice %arg8[%dma_start3A_61, %dma_start3A_62, %dma_start3A_63] : memref<8x80x64xf32, #tpu.memory_space<vmem>> -> memref<1x80x64xf32, #tpu.memory_space<vmem>>
      %dma_start3A_65 = tpu.memref_squeeze %dma_start3A_64 : memref<1x80x64xf32, #tpu.memory_space<vmem>> -> memref<80x64xf32, #tpu.memory_space<vmem>>
      %dma_start3A_66 = arith.constant 0 : i32
      %dma_start3A_67 = tpu.memref_slice %arg6[%dma_start3A_60, %dma_start3A_66] : memref<250x80xi32, #tpu.memory_space<vmem>> -> memref<1x80xi32, #tpu.memory_space<vmem>>
      %dma_start3A_68 = tpu.memref_squeeze %dma_start3A_67 : memref<1x80xi32, #tpu.memory_space<vmem>> -> memref<80xi32, #tpu.memory_space<vmem>>
      %dma_start3A_69 = arith.constant 0 : i32
      %dma_start3A_70 = arith.constant 0 : i32
      %dma_start3A_71 = tpu.memref_slice %arg2[%dma_start3A_69, %dma_start3A_70] : memref<10000x64xf32, #tpu.memory_space<hbm>> -> memref<10000x64xf32, #tpu.memory_space<hbm>>
      tpu.enqueue_indirect_dma source(%dma_start3A_71 : memref<10000x64xf32, #tpu.memory_space<hbm>>) target(%dma_start3A_65 : memref<80x64xf32, #tpu.memory_space<vmem>>) offsets(%dma_start3A_68 : memref<80xi32, #tpu.memory_space<vmem>>) semaphore(%arg11 : memref<!tpu.dma_semaphore, #tpu.memory_space<semaphore_mem>>)
      %dma_start3A_72 = arith.constant 4 : i32
      %dma_start3A_73 = arith.constant 4 : i32
      %dma_start3A_74 = arith.constant 0 : i32
      %dma_start3A_75 = arith.constant 0 : i32
      %dma_start3A_76 = tpu.memref_slice %arg8[%dma_start3A_73, %dma_start3A_74, %dma_start3A_75] : memref<8x80x64xf32, #tpu.memory_space<vmem>> -> memref<1x80x64xf32, #tpu.memory_space<vmem>>
      %dma_start3A_77 = tpu.memref_squeeze %dma_start3A_76 : memref<1x80x64xf32, #tpu.memory_space<vmem>> -> memref<80x64xf32, #tpu.memory_space<vmem>>
      %dma_start3A_78 = arith.constant 0 : i32
      %dma_start3A_79 = tpu.memref_slice %arg6[%dma_start3A_72, %dma_start3A_78] : memref<250x80xi32, #tpu.memory_space<vmem>> -> memref<1x80xi32, #tpu.memory_space<vmem>>
      %dma_start3A_80 = tpu.memref_squeeze %dma_start3A_79 : memref<1x80xi32, #tpu.memory_space<vmem>> -> memref<80xi32, #tpu.memory_space<vmem>>
      %dma_start3A_81 = arith.constant 0 : i32
      %dma_start3A_82 = arith.constant 0 : i32
      %dma_start3A_83 = tpu.memref_slice %arg2[%dma_start3A_81, %dma_start3A_82] : memref<10000x64xf32, #tpu.memory_space<hbm>> -> memref<10000x64xf32, #tpu.memory_space<hbm>>
      tpu.enqueue_indirect_dma source(%dma_start3A_83 : memref<10000x64xf32, #tpu.memory_space<hbm>>) target(%dma_start3A_77 : memref<80x64xf32, #tpu.memory_space<vmem>>) offsets(%dma_start3A_80 : memref<80xi32, #tpu.memory_space<vmem>>) semaphore(%arg11 : memref<!tpu.dma_semaphore, #tpu.memory_space<semaphore_mem>>)
      %dma_start3A_84 = arith.constant 5 : i32
      %dma_start3A_85 = arith.constant 5 : i32
      %dma_start3A_86 = arith.constant 0 : i32
      %dma_start3A_87 = arith.constant 0 : i32
      %dma_start3A_88 = tpu.memref_slice %arg8[%dma_start3A_85, %dma_start3A_86, %dma_start3A_87] : memref<8x80x64xf32, #tpu.memory_space<vmem>> -> memref<1x80x64xf32, #tpu.memory_space<vmem>>
      %dma_start3A_89 = tpu.memref_squeeze %dma_start3A_88 : memref<1x80x64xf32, #tpu.memory_space<vmem>> -> memref<80x64xf32, #tpu.memory_space<vmem>>
      %dma_start3A_90 = arith.constant 0 : i32
      %dma_start3A_91 = tpu.memref_slice %arg6[%dma_start3A_84, %dma_start3A_90] : memref<250x80xi32, #tpu.memory_space<vmem>> -> memref<1x80xi32, #tpu.memory_space<vmem>>
      %dma_start3A_92 = tpu.memref_squeeze %dma_start3A_91 : memref<1x80xi32, #tpu.memory_space<vmem>> -> memref<80xi32, #tpu.memory_space<vmem>>
      %dma_start3A_93 = arith.constant 0 : i32
      %dma_start3A_94 = arith.constant 0 : i32
      %dma_start3A_95 = tpu.memref_slice %arg2[%dma_start3A_93, %dma_start3A_94] : memref<10000x64xf32, #tpu.memory_space<hbm>> -> memref<10000x64xf32, #tpu.memory_space<hbm>>
      tpu.enqueue_indirect_dma source(%dma_start3A_95 : memref<10000x64xf32, #tpu.memory_space<hbm>>) target(%dma_start3A_89 : memref<80x64xf32, #tpu.memory_space<vmem>>) offsets(%dma_start3A_92 : memref<80xi32, #tpu.memory_space<vmem>>) semaphore(%arg11 : memref<!tpu.dma_semaphore, #tpu.memory_space<semaphore_mem>>)
      %dma_start3A_96 = arith.constant 6 : i32
      %dma_start3A_97 = arith.constant 6 : i32
      %dma_start3A_98 = arith.constant 0 : i32
      %dma_start3A_99 = arith.constant 0 : i32
      %dma_start3A_100 = tpu.memref_slice %arg8[%dma_start3A_97, %dma_start3A_98, %dma_start3A_99] : memref<8x80x64xf32, #tpu.memory_space<vmem>> -> memref<1x80x64xf32, #tpu.memory_space<vmem>>
      %dma_start3A_101 = tpu.memref_squeeze %dma_start3A_100 : memref<1x80x64xf32, #tpu.memory_space<vmem>> -> memref<80x64xf32, #tpu.memory_space<vmem>>
      %dma_start3A_102 = arith.constant 0 : i32
      %dma_start3A_103 = tpu.memref_slice %arg6[%dma_start3A_96, %dma_start3A_102] : memref<250x80xi32, #tpu.memory_space<vmem>> -> memref<1x80xi32, #tpu.memory_space<vmem>>
      %dma_start3A_104 = tpu.memref_squeeze %dma_start3A_103 : memref<1x80xi32, #tpu.memory_space<vmem>> -> memref<80xi32, #tpu.memory_space<vmem>>
      %dma_start3A_105 = arith.constant 0 : i32
      %dma_start3A_106 = arith.constant 0 : i32
      %dma_start3A_107 = tpu.memref_slice %arg2[%dma_start3A_105, %dma_start3A_106] : memref<10000x64xf32, #tpu.memory_space<hbm>> -> memref<10000x64xf32, #tpu.memory_space<hbm>>
      tpu.enqueue_indirect_dma source(%dma_start3A_107 : memref<10000x64xf32, #tpu.memory_space<hbm>>) target(%dma_start3A_101 : memref<80x64xf32, #tpu.memory_space<vmem>>) offsets(%dma_start3A_104 : memref<80xi32, #tpu.memory_space<vmem>>) semaphore(%arg11 : memref<!tpu.dma_semaphore, #tpu.memory_space<semaphore_mem>>)
      %dma_start3A_108 = arith.constant 7 : i32
      %dma_start3A_109 = arith.constant 7 : i32
      %dma_start3A_110 = arith.constant 0 : i32
      %dma_start3A_111 = arith.constant 0 : i32
      %dma_start3A_112 = tpu.memref_slice %arg8[%dma_start3A_109, %dma_start3A_110, %dma_start3A_111] : memref<8x80x64xf32, #tpu.memory_space<vmem>> -> memref<1x80x64xf32, #tpu.memory_space<vmem>>
      %dma_start3A_113 = tpu.memref_squeeze %dma_start3A_112 : memref<1x80x64xf32, #tpu.memory_space<vmem>> -> memref<80x64xf32, #tpu.memory_space<vmem>>
      %dma_start3A_114 = arith.constant 0 : i32
      %dma_start3A_115 = tpu.memref_slice %arg6[%dma_start3A_108, %dma_start3A_114] : memref<250x80xi32, #tpu.memory_space<vmem>> -> memref<1x80xi32, #tpu.memory_space<vmem>>
      %dma_start3A_116 = tpu.memref_squeeze %dma_start3A_115 : memref<1x80xi32, #tpu.memory_space<vmem>> -> memref<80xi32, #tpu.memory_space<vmem>>
      %dma_start3A_117 = arith.constant 0 : i32
      %dma_start3A_118 = arith.constant 0 : i32
      %dma_start3A_119 = tpu.memref_slice %arg2[%dma_start3A_117, %dma_start3A_118] : memref<10000x64xf32, #tpu.memory_space<hbm>> -> memref<10000x64xf32, #tpu.memory_space<hbm>>
      tpu.enqueue_indirect_dma source(%dma_start3A_119 : memref<10000x64xf32, #tpu.memory_space<hbm>>) target(%dma_start3A_113 : memref<80x64xf32, #tpu.memory_space<vmem>>) offsets(%dma_start3A_116 : memref<80xi32, #tpu.memory_space<vmem>>) semaphore(%arg11 : memref<!tpu.dma_semaphore, #tpu.memory_space<semaphore_mem>>)
      %scan3A_120 = arith.constant 0 : i32
      %scan3A_121 = arith.constant 0 : i32
      %scan3A_122 = arith.constant 60 : i32
      %scan3A_123 = arith.addi %scan3A_121, %scan3A_122 : i32
      %scan3A_124 = arith.constant 1 : i32
      %scan3A_125 = scf.for %scan3A_466 = %scan3A_121 to %scan3A_123 step %scan3A_124 iter_args(%scan3A_467 = %scan3A_120) -> (i32)  : i32 {
        %jit3A = arith.constant 2 : i32
        %eq3A_468 = arith.constant 0 : i32
        %eq3A_469 = arith.cmpi eq, %jit3A, %eq3A_468 : i32
        %jit3A_470 = arith.constant 1 : i32
        %select_n3A = arith.select %eq3A_469, %jit3A_470, %jit3A : i32
        %rem3A = arith.remsi %scan3A_466, %select_n3A : i32
        %ne3A = arith.constant 0 : i32
        %ne3A_471 = arith.cmpi ne, %rem3A, %ne3A : i32
        %lt3A = arith.constant 0 : i32
        %lt3A_472 = arith.cmpi slt, %rem3A, %lt3A : i32
        %lt3A_473 = arith.constant 0 : i32
        %lt3A_474 = arith.cmpi slt, %select_n3A, %lt3A_473 : i32
        %ne3A_475 = arith.xori %lt3A_472, %lt3A_474 : i1
        %and3A = arith.andi %ne3A_475, %ne3A_471 : i1
        %add3A = arith.addi %rem3A, %select_n3A : i32
        %select_n3A_476 = arith.select %and3A, %add3A, %rem3A : i32
        %mul3A_477 = arith.constant 4 : i32
        %mul3A_478 = arith.muli %select_n3A_476, %mul3A_477 : i32
        %add3A_479 = arith.constant 0 : i32
        %add3A_480 = arith.addi %mul3A_478, %add3A_479 : i32
        %dma_wait3A_481 = arith.constant 0 : i32
        %dma_wait3A_482 = arith.constant 0 : i32
        %dma_wait3A_483 = arith.constant 0 : i32
        %dma_wait3A_484 = tpu.memref_slice %arg8[%add3A_480, %dma_wait3A_482, %dma_wait3A_483] : memref<8x80x64xf32, #tpu.memory_space<vmem>> -> memref<1x80x64xf32, #tpu.memory_space<vmem>>
        %dma_wait3A_485 = tpu.memref_squeeze %dma_wait3A_484 : memref<1x80x64xf32, #tpu.memory_space<vmem>> -> memref<80x64xf32, #tpu.memory_space<vmem>>
        %dma_wait3A_486 = arith.constant 0 : i32
        %dma_wait3A_487 = tpu.memref_slice %arg6[%dma_wait3A_481, %dma_wait3A_486] : memref<250x80xi32, #tpu.memory_space<vmem>> -> memref<1x80xi32, #tpu.memory_space<vmem>>
        %dma_wait3A_488 = tpu.memref_squeeze %dma_wait3A_487 : memref<1x80xi32, #tpu.memory_space<vmem>> -> memref<80xi32, #tpu.memory_space<vmem>>
        %dma_wait3A_489 = arith.constant 0 : i32
        %dma_wait3A_490 = arith.constant 0 : i32
        %dma_wait3A_491 = tpu.memref_slice %arg2[%dma_wait3A_489, %dma_wait3A_490] : memref<10000x64xf32, #tpu.memory_space<hbm>> -> memref<10000x64xf32, #tpu.memory_space<hbm>>
        tpu.wait_indirect_dma semaphore(%arg11 : memref<!tpu.dma_semaphore, #tpu.memory_space<semaphore_mem>>) src(%dma_wait3A_491 : memref<10000x64xf32, #tpu.memory_space<hbm>>) dst(%dma_wait3A_485 : memref<80x64xf32, #tpu.memory_space<vmem>>)
        %add3A_492 = arith.constant 1 : i32
        %add3A_493 = arith.addi %mul3A_478, %add3A_492 : i32
        %dma_wait3A_494 = arith.constant 0 : i32
        %dma_wait3A_495 = arith.constant 0 : i32
        %dma_wait3A_496 = arith.constant 0 : i32
        %dma_wait3A_497 = tpu.memref_slice %arg8[%add3A_493, %dma_wait3A_495, %dma_wait3A_496] : memref<8x80x64xf32, #tpu.memory_space<vmem>> -> memref<1x80x64xf32, #tpu.memory_space<vmem>>
        %dma_wait3A_498 = tpu.memref_squeeze %dma_wait3A_497 : memref<1x80x64xf32, #tpu.memory_space<vmem>> -> memref<80x64xf32, #tpu.memory_space<vmem>>
        %dma_wait3A_499 = arith.constant 0 : i32
        %dma_wait3A_500 = tpu.memref_slice %arg6[%dma_wait3A_494, %dma_wait3A_499] : memref<250x80xi32, #tpu.memory_space<vmem>> -> memref<1x80xi32, #tpu.memory_space<vmem>>
        %dma_wait3A_501 = tpu.memref_squeeze %dma_wait3A_500 : memref<1x80xi32, #tpu.memory_space<vmem>> -> memref<80xi32, #tpu.memory_space<vmem>>
        %dma_wait3A_502 = arith.constant 0 : i32
        %dma_wait3A_503 = arith.constant 0 : i32
        %dma_wait3A_504 = tpu.memref_slice %arg2[%dma_wait3A_502, %dma_wait3A_503] : memref<10000x64xf32, #tpu.memory_space<hbm>> -> memref<10000x64xf32, #tpu.memory_space<hbm>>
        tpu.wait_indirect_dma semaphore(%arg11 : memref<!tpu.dma_semaphore, #tpu.memory_space<semaphore_mem>>) src(%dma_wait3A_504 : memref<10000x64xf32, #tpu.memory_space<hbm>>) dst(%dma_wait3A_498 : memref<80x64xf32, #tpu.memory_space<vmem>>)
        %add3A_505 = arith.constant 2 : i32
        %add3A_506 = arith.addi %mul3A_478, %add3A_505 : i32
        %dma_wait3A_507 = arith.constant 0 : i32
        %dma_wait3A_508 = arith.constant 0 : i32
        %dma_wait3A_509 = arith.constant 0 : i32
        %dma_wait3A_510 = tpu.memref_slice %arg8[%add3A_506, %dma_wait3A_508, %dma_wait3A_509] : memref<8x80x64xf32, #tpu.memory_space<vmem>> -> memref<1x80x64xf32, #tpu.memory_space<vmem>>
        %dma_wait3A_511 = tpu.memref_squeeze %dma_wait3A_510 : memref<1x80x64xf32, #tpu.memory_space<vmem>> -> memref<80x64xf32, #tpu.memory_space<vmem>>
        %dma_wait3A_512 = arith.constant 0 : i32
        %dma_wait3A_513 = tpu.memref_slice %arg6[%dma_wait3A_507, %dma_wait3A_512] : memref<250x80xi32, #tpu.memory_space<vmem>> -> memref<1x80xi32, #tpu.memory_space<vmem>>
        %dma_wait3A_514 = tpu.memref_squeeze %dma_wait3A_513 : memref<1x80xi32, #tpu.memory_space<vmem>> -> memref<80xi32, #tpu.memory_space<vmem>>
        %dma_wait3A_515 = arith.constant 0 : i32
        %dma_wait3A_516 = arith.constant 0 : i32
        %dma_wait3A_517 = tpu.memref_slice %arg2[%dma_wait3A_515, %dma_wait3A_516] : memref<10000x64xf32, #tpu.memory_space<hbm>> -> memref<10000x64xf32, #tpu.memory_space<hbm>>
        tpu.wait_indirect_dma semaphore(%arg11 : memref<!tpu.dma_semaphore, #tpu.memory_space<semaphore_mem>>) src(%dma_wait3A_517 : memref<10000x64xf32, #tpu.memory_space<hbm>>) dst(%dma_wait3A_511 : memref<80x64xf32, #tpu.memory_space<vmem>>)
        %add3A_518 = arith.constant 3 : i32
        %add3A_519 = arith.addi %mul3A_478, %add3A_518 : i32
        %dma_wait3A_520 = arith.constant 0 : i32
        %dma_wait3A_521 = arith.constant 0 : i32
        %dma_wait3A_522 = arith.constant 0 : i32
        %dma_wait3A_523 = tpu.memref_slice %arg8[%add3A_519, %dma_wait3A_521, %dma_wait3A_522] : memref<8x80x64xf32, #tpu.memory_space<vmem>> -> memref<1x80x64xf32, #tpu.memory_space<vmem>>
        %dma_wait3A_524 = tpu.memref_squeeze %dma_wait3A_523 : memref<1x80x64xf32, #tpu.memory_space<vmem>> -> memref<80x64xf32, #tpu.memory_space<vmem>>
        %dma_wait3A_525 = arith.constant 0 : i32
        %dma_wait3A_526 = tpu.memref_slice %arg6[%dma_wait3A_520, %dma_wait3A_525] : memref<250x80xi32, #tpu.memory_space<vmem>> -> memref<1x80xi32, #tpu.memory_space<vmem>>
        %dma_wait3A_527 = tpu.memref_squeeze %dma_wait3A_526 : memref<1x80xi32, #tpu.memory_space<vmem>> -> memref<80xi32, #tpu.memory_space<vmem>>
        %dma_wait3A_528 = arith.constant 0 : i32
        %dma_wait3A_529 = arith.constant 0 : i32
        %dma_wait3A_530 = tpu.memref_slice %arg2[%dma_wait3A_528, %dma_wait3A_529] : memref<10000x64xf32, #tpu.memory_space<hbm>> -> memref<10000x64xf32, #tpu.memory_space<hbm>>
        tpu.wait_indirect_dma semaphore(%arg11 : memref<!tpu.dma_semaphore, #tpu.memory_space<semaphore_mem>>) src(%dma_wait3A_530 : memref<10000x64xf32, #tpu.memory_space<hbm>>) dst(%dma_wait3A_524 : memref<80x64xf32, #tpu.memory_space<vmem>>)
        %add3A_531 = arith.constant 0 : i32
        %add3A_532 = arith.addi %mul3A_478, %add3A_531 : i32
        %mul3A_533 = arith.constant 4 : i32
        %mul3A_534 = arith.muli %scan3A_466, %mul3A_533 : i32
        %add3A_535 = arith.constant 0 : i32
        %add3A_536 = arith.addi %mul3A_534, %add3A_535 : i32
        %dma_start3A_537 = arith.constant 0 : i32
        %dma_start3A_538 = arith.constant 0 : i32
        %dma_start3A_539 = tpu.memref_slice %arg8[%add3A_532, %dma_start3A_537, %dma_start3A_538] : memref<8x80x64xf32, #tpu.memory_space<vmem>> -> memref<1x80x64xf32, #tpu.memory_space<vmem>>
        %dma_start3A_540 = tpu.memref_squeeze %dma_start3A_539 : memref<1x80x64xf32, #tpu.memory_space<vmem>> -> memref<80x64xf32, #tpu.memory_space<vmem>>
        %dma_start3A_541 = arith.constant 0 : i32
        %dma_start3A_542 = tpu.memref_slice %arg7[%add3A_536, %dma_start3A_541] : memref<250x80xi32, #tpu.memory_space<vmem>> -> memref<1x80xi32, #tpu.memory_space<vmem>>
        %dma_start3A_543 = tpu.memref_squeeze %dma_start3A_542 : memref<1x80xi32, #tpu.memory_space<vmem>> -> memref<80xi32, #tpu.memory_space<vmem>>
        %dma_start3A_544 = arith.constant 0 : i32
        %dma_start3A_545 = arith.constant 0 : i32
        %dma_start3A_546 = tpu.memref_slice %arg10[%dma_start3A_544, %dma_start3A_545] : memref<10240x64xf32, #tpu.memory_space<vmem_shared>> -> memref<10240x64xf32, #tpu.memory_space<vmem_shared>>
        tpu.enqueue_indirect_dma source(%dma_start3A_540 : memref<80x64xf32, #tpu.memory_space<vmem>>) target(%dma_start3A_546 : memref<10240x64xf32, #tpu.memory_space<vmem_shared>>) offsets(%dma_start3A_543 : memref<80xi32, #tpu.memory_space<vmem>>) semaphore(%arg12 : memref<!tpu.dma_semaphore, #tpu.memory_space<semaphore_mem>>) {add = true}
        %add3A_547 = arith.constant 1 : i32
        %add3A_548 = arith.addi %mul3A_478, %add3A_547 : i32
        %mul3A_549 = arith.constant 4 : i32
        %mul3A_550 = arith.muli %scan3A_466, %mul3A_549 : i32
        %add3A_551 = arith.constant 1 : i32
        %add3A_552 = arith.addi %mul3A_550, %add3A_551 : i32
        %dma_start3A_553 = arith.constant 0 : i32
        %dma_start3A_554 = arith.constant 0 : i32
        %dma_start3A_555 = tpu.memref_slice %arg8[%add3A_548, %dma_start3A_553, %dma_start3A_554] : memref<8x80x64xf32, #tpu.memory_space<vmem>> -> memref<1x80x64xf32, #tpu.memory_space<vmem>>
        %dma_start3A_556 = tpu.memref_squeeze %dma_start3A_555 : memref<1x80x64xf32, #tpu.memory_space<vmem>> -> memref<80x64xf32, #tpu.memory_space<vmem>>
        %dma_start3A_557 = arith.constant 0 : i32
        %dma_start3A_558 = tpu.memref_slice %arg7[%add3A_552, %dma_start3A_557] : memref<250x80xi32, #tpu.memory_space<vmem>> -> memref<1x80xi32, #tpu.memory_space<vmem>>
        %dma_start3A_559 = tpu.memref_squeeze %dma_start3A_558 : memref<1x80xi32, #tpu.memory_space<vmem>> -> memref<80xi32, #tpu.memory_space<vmem>>
        %dma_start3A_560 = arith.constant 0 : i32
        %dma_start3A_561 = arith.constant 0 : i32
        %dma_start3A_562 = tpu.memref_slice %arg10[%dma_start3A_560, %dma_start3A_561] : memref<10240x64xf32, #tpu.memory_space<vmem_shared>> -> memref<10240x64xf32, #tpu.memory_space<vmem_shared>>
        tpu.enqueue_indirect_dma source(%dma_start3A_556 : memref<80x64xf32, #tpu.memory_space<vmem>>) target(%dma_start3A_562 : memref<10240x64xf32, #tpu.memory_space<vmem_shared>>) offsets(%dma_start3A_559 : memref<80xi32, #tpu.memory_space<vmem>>) semaphore(%arg12 : memref<!tpu.dma_semaphore, #tpu.memory_space<semaphore_mem>>) {add = true}
        %add3A_563 = arith.constant 2 : i32
        %add3A_564 = arith.addi %mul3A_478, %add3A_563 : i32
        %mul3A_565 = arith.constant 4 : i32
        %mul3A_566 = arith.muli %scan3A_466, %mul3A_565 : i32
        %add3A_567 = arith.constant 2 : i32
        %add3A_568 = arith.addi %mul3A_566, %add3A_567 : i32
        %dma_start3A_569 = arith.constant 0 : i32
        %dma_start3A_570 = arith.constant 0 : i32
        %dma_start3A_571 = tpu.memref_slice %arg8[%add3A_564, %dma_start3A_569, %dma_start3A_570] : memref<8x80x64xf32, #tpu.memory_space<vmem>> -> memref<1x80x64xf32, #tpu.memory_space<vmem>>
        %dma_start3A_572 = tpu.memref_squeeze %dma_start3A_571 : memref<1x80x64xf32, #tpu.memory_space<vmem>> -> memref<80x64xf32, #tpu.memory_space<vmem>>
        %dma_start3A_573 = arith.constant 0 : i32
        %dma_start3A_574 = tpu.memref_slice %arg7[%add3A_568, %dma_start3A_573] : memref<250x80xi32, #tpu.memory_space<vmem>> -> memref<1x80xi32, #tpu.memory_space<vmem>>
        %dma_start3A_575 = tpu.memref_squeeze %dma_start3A_574 : memref<1x80xi32, #tpu.memory_space<vmem>> -> memref<80xi32, #tpu.memory_space<vmem>>
        %dma_start3A_576 = arith.constant 0 : i32
        %dma_start3A_577 = arith.constant 0 : i32
        %dma_start3A_578 = tpu.memref_slice %arg10[%dma_start3A_576, %dma_start3A_577] : memref<10240x64xf32, #tpu.memory_space<vmem_shared>> -> memref<10240x64xf32, #tpu.memory_space<vmem_shared>>
        tpu.enqueue_indirect_dma source(%dma_start3A_572 : memref<80x64xf32, #tpu.memory_space<vmem>>) target(%dma_start3A_578 : memref<10240x64xf32, #tpu.memory_space<vmem_shared>>) offsets(%dma_start3A_575 : memref<80xi32, #tpu.memory_space<vmem>>) semaphore(%arg12 : memref<!tpu.dma_semaphore, #tpu.memory_space<semaphore_mem>>) {add = true}
        %add3A_579 = arith.constant 3 : i32
        %add3A_580 = arith.addi %mul3A_478, %add3A_579 : i32
        %mul3A_581 = arith.constant 4 : i32
        %mul3A_582 = arith.muli %scan3A_466, %mul3A_581 : i32
        %add3A_583 = arith.constant 3 : i32
        %add3A_584 = arith.addi %mul3A_582, %add3A_583 : i32
        %dma_start3A_585 = arith.constant 0 : i32
        %dma_start3A_586 = arith.constant 0 : i32
        %dma_start3A_587 = tpu.memref_slice %arg8[%add3A_580, %dma_start3A_585, %dma_start3A_586] : memref<8x80x64xf32, #tpu.memory_space<vmem>> -> memref<1x80x64xf32, #tpu.memory_space<vmem>>
        %dma_start3A_588 = tpu.memref_squeeze %dma_start3A_587 : memref<1x80x64xf32, #tpu.memory_space<vmem>> -> memref<80x64xf32, #tpu.memory_space<vmem>>
        %dma_start3A_589 = arith.constant 0 : i32
        %dma_start3A_590 = tpu.memref_slice %arg7[%add3A_584, %dma_start3A_589] : memref<250x80xi32, #tpu.memory_space<vmem>> -> memref<1x80xi32, #tpu.memory_space<vmem>>
        %dma_start3A_591 = tpu.memref_squeeze %dma_start3A_590 : memref<1x80xi32, #tpu.memory_space<vmem>> -> memref<80xi32, #tpu.memory_space<vmem>>
        %dma_start3A_592 = arith.constant 0 : i32
        %dma_start3A_593 = arith.constant 0 : i32
        %dma_start3A_594 = tpu.memref_slice %arg10[%dma_start3A_592, %dma_start3A_593] : memref<10240x64xf32, #tpu.memory_space<vmem_shared>> -> memref<10240x64xf32, #tpu.memory_space<vmem_shared>>
        tpu.enqueue_indirect_dma source(%dma_start3A_588 : memref<80x64xf32, #tpu.memory_space<vmem>>) target(%dma_start3A_594 : memref<10240x64xf32, #tpu.memory_space<vmem_shared>>) offsets(%dma_start3A_591 : memref<80xi32, #tpu.memory_space<vmem>>) semaphore(%arg12 : memref<!tpu.dma_semaphore, #tpu.memory_space<semaphore_mem>>) {add = true}
        %add3A_595 = arith.constant 0 : i32
        %add3A_596 = arith.addi %mul3A_478, %add3A_595 : i32
        %dma_wait3A_597 = arith.constant 0 : i32
        %dma_wait3A_598 = arith.constant 0 : i32
        %dma_wait3A_599 = arith.constant 0 : i32
        %dma_wait3A_600 = tpu.memref_slice %arg8[%add3A_596, %dma_wait3A_598, %dma_wait3A_599] : memref<8x80x64xf32, #tpu.memory_space<vmem>> -> memref<1x80x64xf32, #tpu.memory_space<vmem>>
        %dma_wait3A_601 = tpu.memref_squeeze %dma_wait3A_600 : memref<1x80x64xf32, #tpu.memory_space<vmem>> -> memref<80x64xf32, #tpu.memory_space<vmem>>
        %dma_wait3A_602 = arith.constant 0 : i32
        %dma_wait3A_603 = tpu.memref_slice %arg7[%dma_wait3A_597, %dma_wait3A_602] : memref<250x80xi32, #tpu.memory_space<vmem>> -> memref<1x80xi32, #tpu.memory_space<vmem>>
        %dma_wait3A_604 = tpu.memref_squeeze %dma_wait3A_603 : memref<1x80xi32, #tpu.memory_space<vmem>> -> memref<80xi32, #tpu.memory_space<vmem>>
        %dma_wait3A_605 = arith.constant 0 : i32
        %dma_wait3A_606 = arith.constant 0 : i32
        %dma_wait3A_607 = tpu.memref_slice %arg10[%dma_wait3A_605, %dma_wait3A_606] : memref<10240x64xf32, #tpu.memory_space<vmem_shared>> -> memref<10240x64xf32, #tpu.memory_space<vmem_shared>>
        tpu.wait_indirect_dma semaphore(%arg12 : memref<!tpu.dma_semaphore, #tpu.memory_space<semaphore_mem>>) src(%dma_wait3A_601 : memref<80x64xf32, #tpu.memory_space<vmem>>) dst(%dma_wait3A_607 : memref<10240x64xf32, #tpu.memory_space<vmem_shared>>)
        %add3A_608 = arith.constant 1 : i32
        %add3A_609 = arith.addi %mul3A_478, %add3A_608 : i32
        %dma_wait3A_610 = arith.constant 0 : i32
        %dma_wait3A_611 = arith.constant 0 : i32
        %dma_wait3A_612 = arith.constant 0 : i32
        %dma_wait3A_613 = tpu.memref_slice %arg8[%add3A_609, %dma_wait3A_611, %dma_wait3A_612] : memref<8x80x64xf32, #tpu.memory_space<vmem>> -> memref<1x80x64xf32, #tpu.memory_space<vmem>>
        %dma_wait3A_614 = tpu.memref_squeeze %dma_wait3A_613 : memref<1x80x64xf32, #tpu.memory_space<vmem>> -> memref<80x64xf32, #tpu.memory_space<vmem>>
        %dma_wait3A_615 = arith.constant 0 : i32
        %dma_wait3A_616 = tpu.memref_slice %arg7[%dma_wait3A_610, %dma_wait3A_615] : memref<250x80xi32, #tpu.memory_space<vmem>> -> memref<1x80xi32, #tpu.memory_space<vmem>>
        %dma_wait3A_617 = tpu.memref_squeeze %dma_wait3A_616 : memref<1x80xi32, #tpu.memory_space<vmem>> -> memref<80xi32, #tpu.memory_space<vmem>>
        %dma_wait3A_618 = arith.constant 0 : i32
        %dma_wait3A_619 = arith.constant 0 : i32
        %dma_wait3A_620 = tpu.memref_slice %arg10[%dma_wait3A_618, %dma_wait3A_619] : memref<10240x64xf32, #tpu.memory_space<vmem_shared>> -> memref<10240x64xf32, #tpu.memory_space<vmem_shared>>
        tpu.wait_indirect_dma semaphore(%arg12 : memref<!tpu.dma_semaphore, #tpu.memory_space<semaphore_mem>>) src(%dma_wait3A_614 : memref<80x64xf32, #tpu.memory_space<vmem>>) dst(%dma_wait3A_620 : memref<10240x64xf32, #tpu.memory_space<vmem_shared>>)
        %add3A_621 = arith.constant 2 : i32
        %add3A_622 = arith.addi %mul3A_478, %add3A_621 : i32
        %dma_wait3A_623 = arith.constant 0 : i32
        %dma_wait3A_624 = arith.constant 0 : i32
        %dma_wait3A_625 = arith.constant 0 : i32
        %dma_wait3A_626 = tpu.memref_slice %arg8[%add3A_622, %dma_wait3A_624, %dma_wait3A_625] : memref<8x80x64xf32, #tpu.memory_space<vmem>> -> memref<1x80x64xf32, #tpu.memory_space<vmem>>
        %dma_wait3A_627 = tpu.memref_squeeze %dma_wait3A_626 : memref<1x80x64xf32, #tpu.memory_space<vmem>> -> memref<80x64xf32, #tpu.memory_space<vmem>>
        %dma_wait3A_628 = arith.constant 0 : i32
        %dma_wait3A_629 = tpu.memref_slice %arg7[%dma_wait3A_623, %dma_wait3A_628] : memref<250x80xi32, #tpu.memory_space<vmem>> -> memref<1x80xi32, #tpu.memory_space<vmem>>
        %dma_wait3A_630 = tpu.memref_squeeze %dma_wait3A_629 : memref<1x80xi32, #tpu.memory_space<vmem>> -> memref<80xi32, #tpu.memory_space<vmem>>
        %dma_wait3A_631 = arith.constant 0 : i32
        %dma_wait3A_632 = arith.constant 0 : i32
        %dma_wait3A_633 = tpu.memref_slice %arg10[%dma_wait3A_631, %dma_wait3A_632] : memref<10240x64xf32, #tpu.memory_space<vmem_shared>> -> memref<10240x64xf32, #tpu.memory_space<vmem_shared>>
        tpu.wait_indirect_dma semaphore(%arg12 : memref<!tpu.dma_semaphore, #tpu.memory_space<semaphore_mem>>) src(%dma_wait3A_627 : memref<80x64xf32, #tpu.memory_space<vmem>>) dst(%dma_wait3A_633 : memref<10240x64xf32, #tpu.memory_space<vmem_shared>>)
        %add3A_634 = arith.constant 3 : i32
        %add3A_635 = arith.addi %mul3A_478, %add3A_634 : i32
        %dma_wait3A_636 = arith.constant 0 : i32
        %dma_wait3A_637 = arith.constant 0 : i32
        %dma_wait3A_638 = arith.constant 0 : i32
        %dma_wait3A_639 = tpu.memref_slice %arg8[%add3A_635, %dma_wait3A_637, %dma_wait3A_638] : memref<8x80x64xf32, #tpu.memory_space<vmem>> -> memref<1x80x64xf32, #tpu.memory_space<vmem>>
        %dma_wait3A_640 = tpu.memref_squeeze %dma_wait3A_639 : memref<1x80x64xf32, #tpu.memory_space<vmem>> -> memref<80x64xf32, #tpu.memory_space<vmem>>
        %dma_wait3A_641 = arith.constant 0 : i32
        %dma_wait3A_642 = tpu.memref_slice %arg7[%dma_wait3A_636, %dma_wait3A_641] : memref<250x80xi32, #tpu.memory_space<vmem>> -> memref<1x80xi32, #tpu.memory_space<vmem>>
        %dma_wait3A_643 = tpu.memref_squeeze %dma_wait3A_642 : memref<1x80xi32, #tpu.memory_space<vmem>> -> memref<80xi32, #tpu.memory_space<vmem>>
        %dma_wait3A_644 = arith.constant 0 : i32
        %dma_wait3A_645 = arith.constant 0 : i32
        %dma_wait3A_646 = tpu.memref_slice %arg10[%dma_wait3A_644, %dma_wait3A_645] : memref<10240x64xf32, #tpu.memory_space<vmem_shared>> -> memref<10240x64xf32, #tpu.memory_space<vmem_shared>>
        tpu.wait_indirect_dma semaphore(%arg12 : memref<!tpu.dma_semaphore, #tpu.memory_space<semaphore_mem>>) src(%dma_wait3A_640 : memref<80x64xf32, #tpu.memory_space<vmem>>) dst(%dma_wait3A_646 : memref<10240x64xf32, #tpu.memory_space<vmem_shared>>)
        %add3A_647 = arith.constant 2 : i32
        %add3A_648 = arith.addi %scan3A_466, %add3A_647 : i32
        %mul3A_649 = arith.constant 4 : i32
        %mul3A_650 = arith.muli %add3A_648, %mul3A_649 : i32
        %add3A_651 = arith.constant 0 : i32
        %add3A_652 = arith.addi %mul3A_650, %add3A_651 : i32
        %add3A_653 = arith.constant 0 : i32
        %add3A_654 = arith.addi %mul3A_478, %add3A_653 : i32
        %dma_start3A_655 = arith.constant 0 : i32
        %dma_start3A_656 = arith.constant 0 : i32
        %dma_start3A_657 = tpu.memref_slice %arg8[%add3A_654, %dma_start3A_655, %dma_start3A_656] : memref<8x80x64xf32, #tpu.memory_space<vmem>> -> memref<1x80x64xf32, #tpu.memory_space<vmem>>
        %dma_start3A_658 = tpu.memref_squeeze %dma_start3A_657 : memref<1x80x64xf32, #tpu.memory_space<vmem>> -> memref<80x64xf32, #tpu.memory_space<vmem>>
        %dma_start3A_659 = arith.constant 0 : i32
        %dma_start3A_660 = tpu.memref_slice %arg6[%add3A_652, %dma_start3A_659] : memref<250x80xi32, #tpu.memory_space<vmem>> -> memref<1x80xi32, #tpu.memory_space<vmem>>
        %dma_start3A_661 = tpu.memref_squeeze %dma_start3A_660 : memref<1x80xi32, #tpu.memory_space<vmem>> -> memref<80xi32, #tpu.memory_space<vmem>>
        %dma_start3A_662 = arith.constant 0 : i32
        %dma_start3A_663 = arith.constant 0 : i32
        %dma_start3A_664 = tpu.memref_slice %arg2[%dma_start3A_662, %dma_start3A_663] : memref<10000x64xf32, #tpu.memory_space<hbm>> -> memref<10000x64xf32, #tpu.memory_space<hbm>>
        tpu.enqueue_indirect_dma source(%dma_start3A_664 : memref<10000x64xf32, #tpu.memory_space<hbm>>) target(%dma_start3A_658 : memref<80x64xf32, #tpu.memory_space<vmem>>) offsets(%dma_start3A_661 : memref<80xi32, #tpu.memory_space<vmem>>) semaphore(%arg11 : memref<!tpu.dma_semaphore, #tpu.memory_space<semaphore_mem>>)
        %mul3A_665 = arith.constant 4 : i32
        %mul3A_666 = arith.muli %add3A_648, %mul3A_665 : i32
        %add3A_667 = arith.constant 1 : i32
        %add3A_668 = arith.addi %mul3A_666, %add3A_667 : i32
        %add3A_669 = arith.constant 1 : i32
        %add3A_670 = arith.addi %mul3A_478, %add3A_669 : i32
        %dma_start3A_671 = arith.constant 0 : i32
        %dma_start3A_672 = arith.constant 0 : i32
        %dma_start3A_673 = tpu.memref_slice %arg8[%add3A_670, %dma_start3A_671, %dma_start3A_672] : memref<8x80x64xf32, #tpu.memory_space<vmem>> -> memref<1x80x64xf32, #tpu.memory_space<vmem>>
        %dma_start3A_674 = tpu.memref_squeeze %dma_start3A_673 : memref<1x80x64xf32, #tpu.memory_space<vmem>> -> memref<80x64xf32, #tpu.memory_space<vmem>>
        %dma_start3A_675 = arith.constant 0 : i32
        %dma_start3A_676 = tpu.memref_slice %arg6[%add3A_668, %dma_start3A_675] : memref<250x80xi32, #tpu.memory_space<vmem>> -> memref<1x80xi32, #tpu.memory_space<vmem>>
        %dma_start3A_677 = tpu.memref_squeeze %dma_start3A_676 : memref<1x80xi32, #tpu.memory_space<vmem>> -> memref<80xi32, #tpu.memory_space<vmem>>
        %dma_start3A_678 = arith.constant 0 : i32
        %dma_start3A_679 = arith.constant 0 : i32
        %dma_start3A_680 = tpu.memref_slice %arg2[%dma_start3A_678, %dma_start3A_679] : memref<10000x64xf32, #tpu.memory_space<hbm>> -> memref<10000x64xf32, #tpu.memory_space<hbm>>
        tpu.enqueue_indirect_dma source(%dma_start3A_680 : memref<10000x64xf32, #tpu.memory_space<hbm>>) target(%dma_start3A_674 : memref<80x64xf32, #tpu.memory_space<vmem>>) offsets(%dma_start3A_677 : memref<80xi32, #tpu.memory_space<vmem>>) semaphore(%arg11 : memref<!tpu.dma_semaphore, #tpu.memory_space<semaphore_mem>>)
        %mul3A_681 = arith.constant 4 : i32
        %mul3A_682 = arith.muli %add3A_648, %mul3A_681 : i32
        %add3A_683 = arith.constant 2 : i32
        %add3A_684 = arith.addi %mul3A_682, %add3A_683 : i32
        %add3A_685 = arith.constant 2 : i32
        %add3A_686 = arith.addi %mul3A_478, %add3A_685 : i32
        %dma_start3A_687 = arith.constant 0 : i32
        %dma_start3A_688 = arith.constant 0 : i32
        %dma_start3A_689 = tpu.memref_slice %arg8[%add3A_686, %dma_start3A_687, %dma_start3A_688] : memref<8x80x64xf32, #tpu.memory_space<vmem>> -> memref<1x80x64xf32, #tpu.memory_space<vmem>>
        %dma_start3A_690 = tpu.memref_squeeze %dma_start3A_689 : memref<1x80x64xf32, #tpu.memory_space<vmem>> -> memref<80x64xf32, #tpu.memory_space<vmem>>
        %dma_start3A_691 = arith.constant 0 : i32
        %dma_start3A_692 = tpu.memref_slice %arg6[%add3A_684, %dma_start3A_691] : memref<250x80xi32, #tpu.memory_space<vmem>> -> memref<1x80xi32, #tpu.memory_space<vmem>>
        %dma_start3A_693 = tpu.memref_squeeze %dma_start3A_692 : memref<1x80xi32, #tpu.memory_space<vmem>> -> memref<80xi32, #tpu.memory_space<vmem>>
        %dma_start3A_694 = arith.constant 0 : i32
        %dma_start3A_695 = arith.constant 0 : i32
        %dma_start3A_696 = tpu.memref_slice %arg2[%dma_start3A_694, %dma_start3A_695] : memref<10000x64xf32, #tpu.memory_space<hbm>> -> memref<10000x64xf32, #tpu.memory_space<hbm>>
        tpu.enqueue_indirect_dma source(%dma_start3A_696 : memref<10000x64xf32, #tpu.memory_space<hbm>>) target(%dma_start3A_690 : memref<80x64xf32, #tpu.memory_space<vmem>>) offsets(%dma_start3A_693 : memref<80xi32, #tpu.memory_space<vmem>>) semaphore(%arg11 : memref<!tpu.dma_semaphore, #tpu.memory_space<semaphore_mem>>)
        %mul3A_697 = arith.constant 4 : i32
        %mul3A_698 = arith.muli %add3A_648, %mul3A_697 : i32
        %add3A_699 = arith.constant 3 : i32
        %add3A_700 = arith.addi %mul3A_698, %add3A_699 : i32
        %add3A_701 = arith.constant 3 : i32
        %add3A_702 = arith.addi %mul3A_478, %add3A_701 : i32
        %dma_start3A_703 = arith.constant 0 : i32
        %dma_start3A_704 = arith.constant 0 : i32
        %dma_start3A_705 = tpu.memref_slice %arg8[%add3A_702, %dma_start3A_703, %dma_start3A_704] : memref<8x80x64xf32, #tpu.memory_space<vmem>> -> memref<1x80x64xf32, #tpu.memory_space<vmem>>
        %dma_start3A_706 = tpu.memref_squeeze %dma_start3A_705 : memref<1x80x64xf32, #tpu.memory_space<vmem>> -> memref<80x64xf32, #tpu.memory_space<vmem>>
        %dma_start3A_707 = arith.constant 0 : i32
        %dma_start3A_708 = tpu.memref_slice %arg6[%add3A_700, %dma_start3A_707] : memref<250x80xi32, #tpu.memory_space<vmem>> -> memref<1x80xi32, #tpu.memory_space<vmem>>
        %dma_start3A_709 = tpu.memref_squeeze %dma_start3A_708 : memref<1x80xi32, #tpu.memory_space<vmem>> -> memref<80xi32, #tpu.memory_space<vmem>>
        %dma_start3A_710 = arith.constant 0 : i32
        %dma_start3A_711 = arith.constant 0 : i32
        %dma_start3A_712 = tpu.memref_slice %arg2[%dma_start3A_710, %dma_start3A_711] : memref<10000x64xf32, #tpu.memory_space<hbm>> -> memref<10000x64xf32, #tpu.memory_space<hbm>>
        tpu.enqueue_indirect_dma source(%dma_start3A_712 : memref<10000x64xf32, #tpu.memory_space<hbm>>) target(%dma_start3A_706 : memref<80x64xf32, #tpu.memory_space<vmem>>) offsets(%dma_start3A_709 : memref<80xi32, #tpu.memory_space<vmem>>) semaphore(%arg11 : memref<!tpu.dma_semaphore, #tpu.memory_space<semaphore_mem>>)
        %scan3A_713 = arith.constant 0 : i32
        scf.yield %scan3A_713 : i32
      }
      %scan3A_126 = arith.constant 60 : i32
      %dma_wait3A = arith.constant 0 : i32
      %dma_wait3A_127 = arith.constant 0 : i32
      %dma_wait3A_128 = arith.constant 0 : i32
      %dma_wait3A_129 = arith.constant 0 : i32
      %dma_wait3A_130 = tpu.memref_slice %arg8[%dma_wait3A_127, %dma_wait3A_128, %dma_wait3A_129] : memref<8x80x64xf32, #tpu.memory_space<vmem>> -> memref<1x80x64xf32, #tpu.memory_space<vmem>>
      %dma_wait3A_131 = tpu.memref_squeeze %dma_wait3A_130 : memref<1x80x64xf32, #tpu.memory_space<vmem>> -> memref<80x64xf32, #tpu.memory_space<vmem>>
      %dma_wait3A_132 = arith.constant 0 : i32
      %dma_wait3A_133 = tpu.memref_slice %arg6[%dma_wait3A, %dma_wait3A_132] : memref<250x80xi32, #tpu.memory_space<vmem>> -> memref<1x80xi32, #tpu.memory_space<vmem>>
      %dma_wait3A_134 = tpu.memref_squeeze %dma_wait3A_133 : memref<1x80xi32, #tpu.memory_space<vmem>> -> memref<80xi32, #tpu.memory_space<vmem>>
      %dma_wait3A_135 = arith.constant 0 : i32
      %dma_wait3A_136 = arith.constant 0 : i32
      %dma_wait3A_137 = tpu.memref_slice %arg2[%dma_wait3A_135, %dma_wait3A_136] : memref<10000x64xf32, #tpu.memory_space<hbm>> -> memref<10000x64xf32, #tpu.memory_space<hbm>>
      tpu.wait_indirect_dma semaphore(%arg11 : memref<!tpu.dma_semaphore, #tpu.memory_space<semaphore_mem>>) src(%dma_wait3A_137 : memref<10000x64xf32, #tpu.memory_space<hbm>>) dst(%dma_wait3A_131 : memref<80x64xf32, #tpu.memory_space<vmem>>)
      %dma_wait3A_138 = arith.constant 0 : i32
      %dma_wait3A_139 = arith.constant 1 : i32
      %dma_wait3A_140 = arith.constant 0 : i32
      %dma_wait3A_141 = arith.constant 0 : i32
      %dma_wait3A_142 = tpu.memref_slice %arg8[%dma_wait3A_139, %dma_wait3A_140, %dma_wait3A_141] : memref<8x80x64xf32, #tpu.memory_space<vmem>> -> memref<1x80x64xf32, #tpu.memory_space<vmem>>
      %dma_wait3A_143 = tpu.memref_squeeze %dma_wait3A_142 : memref<1x80x64xf32, #tpu.memory_space<vmem>> -> memref<80x64xf32, #tpu.memory_space<vmem>>
      %dma_wait3A_144 = arith.constant 0 : i32
      %dma_wait3A_145 = tpu.memref_slice %arg6[%dma_wait3A_138, %dma_wait3A_144] : memref<250x80xi32, #tpu.memory_space<vmem>> -> memref<1x80xi32, #tpu.memory_space<vmem>>
      %dma_wait3A_146 = tpu.memref_squeeze %dma_wait3A_145 : memref<1x80xi32, #tpu.memory_space<vmem>> -> memref<80xi32, #tpu.memory_space<vmem>>
      %dma_wait3A_147 = arith.constant 0 : i32
      %dma_wait3A_148 = arith.constant 0 : i32
      %dma_wait3A_149 = tpu.memref_slice %arg2[%dma_wait3A_147, %dma_wait3A_148] : memref<10000x64xf32, #tpu.memory_space<hbm>> -> memref<10000x64xf32, #tpu.memory_space<hbm>>
      tpu.wait_indirect_dma semaphore(%arg11 : memref<!tpu.dma_semaphore, #tpu.memory_space<semaphore_mem>>) src(%dma_wait3A_149 : memref<10000x64xf32, #tpu.memory_space<hbm>>) dst(%dma_wait3A_143 : memref<80x64xf32, #tpu.memory_space<vmem>>)
      %dma_wait3A_150 = arith.constant 0 : i32
      %dma_wait3A_151 = arith.constant 2 : i32
      %dma_wait3A_152 = arith.constant 0 : i32
      %dma_wait3A_153 = arith.constant 0 : i32
      %dma_wait3A_154 = tpu.memref_slice %arg8[%dma_wait3A_151, %dma_wait3A_152, %dma_wait3A_153] : memref<8x80x64xf32, #tpu.memory_space<vmem>> -> memref<1x80x64xf32, #tpu.memory_space<vmem>>
      %dma_wait3A_155 = tpu.memref_squeeze %dma_wait3A_154 : memref<1x80x64xf32, #tpu.memory_space<vmem>> -> memref<80x64xf32, #tpu.memory_space<vmem>>
      %dma_wait3A_156 = arith.constant 0 : i32
      %dma_wait3A_157 = tpu.memref_slice %arg6[%dma_wait3A_150, %dma_wait3A_156] : memref<250x80xi32, #tpu.memory_space<vmem>> -> memref<1x80xi32, #tpu.memory_space<vmem>>
      %dma_wait3A_158 = tpu.memref_squeeze %dma_wait3A_157 : memref<1x80xi32, #tpu.memory_space<vmem>> -> memref<80xi32, #tpu.memory_space<vmem>>
      %dma_wait3A_159 = arith.constant 0 : i32
      %dma_wait3A_160 = arith.constant 0 : i32
      %dma_wait3A_161 = tpu.memref_slice %arg2[%dma_wait3A_159, %dma_wait3A_160] : memref<10000x64xf32, #tpu.memory_space<hbm>> -> memref<10000x64xf32, #tpu.memory_space<hbm>>
      tpu.wait_indirect_dma semaphore(%arg11 : memref<!tpu.dma_semaphore, #tpu.memory_space<semaphore_mem>>) src(%dma_wait3A_161 : memref<10000x64xf32, #tpu.memory_space<hbm>>) dst(%dma_wait3A_155 : memref<80x64xf32, #tpu.memory_space<vmem>>)
      %dma_wait3A_162 = arith.constant 0 : i32
      %dma_wait3A_163 = arith.constant 3 : i32
      %dma_wait3A_164 = arith.constant 0 : i32
      %dma_wait3A_165 = arith.constant 0 : i32
      %dma_wait3A_166 = tpu.memref_slice %arg8[%dma_wait3A_163, %dma_wait3A_164, %dma_wait3A_165] : memref<8x80x64xf32, #tpu.memory_space<vmem>> -> memref<1x80x64xf32, #tpu.memory_space<vmem>>
      %dma_wait3A_167 = tpu.memref_squeeze %dma_wait3A_166 : memref<1x80x64xf32, #tpu.memory_space<vmem>> -> memref<80x64xf32, #tpu.memory_space<vmem>>
      %dma_wait3A_168 = arith.constant 0 : i32
      %dma_wait3A_169 = tpu.memref_slice %arg6[%dma_wait3A_162, %dma_wait3A_168] : memref<250x80xi32, #tpu.memory_space<vmem>> -> memref<1x80xi32, #tpu.memory_space<vmem>>
      %dma_wait3A_170 = tpu.memref_squeeze %dma_wait3A_169 : memref<1x80xi32, #tpu.memory_space<vmem>> -> memref<80xi32, #tpu.memory_space<vmem>>
      %dma_wait3A_171 = arith.constant 0 : i32
      %dma_wait3A_172 = arith.constant 0 : i32
      %dma_wait3A_173 = tpu.memref_slice %arg2[%dma_wait3A_171, %dma_wait3A_172] : memref<10000x64xf32, #tpu.memory_space<hbm>> -> memref<10000x64xf32, #tpu.memory_space<hbm>>
      tpu.wait_indirect_dma semaphore(%arg11 : memref<!tpu.dma_semaphore, #tpu.memory_space<semaphore_mem>>) src(%dma_wait3A_173 : memref<10000x64xf32, #tpu.memory_space<hbm>>) dst(%dma_wait3A_167 : memref<80x64xf32, #tpu.memory_space<vmem>>)
      %dma_start3A_174 = arith.constant 0 : i32
      %dma_start3A_175 = arith.constant 240 : i32
      %dma_start3A_176 = arith.constant 0 : i32
      %dma_start3A_177 = arith.constant 0 : i32
      %dma_start3A_178 = tpu.memref_slice %arg8[%dma_start3A_174, %dma_start3A_176, %dma_start3A_177] : memref<8x80x64xf32, #tpu.memory_space<vmem>> -> memref<1x80x64xf32, #tpu.memory_space<vmem>>
      %dma_start3A_179 = tpu.memref_squeeze %dma_start3A_178 : memref<1x80x64xf32, #tpu.memory_space<vmem>> -> memref<80x64xf32, #tpu.memory_space<vmem>>
      %dma_start3A_180 = arith.constant 0 : i32
      %dma_start3A_181 = tpu.memref_slice %arg7[%dma_start3A_175, %dma_start3A_180] : memref<250x80xi32, #tpu.memory_space<vmem>> -> memref<1x80xi32, #tpu.memory_space<vmem>>
      %dma_start3A_182 = tpu.memref_squeeze %dma_start3A_181 : memref<1x80xi32, #tpu.memory_space<vmem>> -> memref<80xi32, #tpu.memory_space<vmem>>
      %dma_start3A_183 = arith.constant 0 : i32
      %dma_start3A_184 = arith.constant 0 : i32
      %dma_start3A_185 = tpu.memref_slice %arg10[%dma_start3A_183, %dma_start3A_184] : memref<10240x64xf32, #tpu.memory_space<vmem_shared>> -> memref<10240x64xf32, #tpu.memory_space<vmem_shared>>
      tpu.enqueue_indirect_dma source(%dma_start3A_179 : memref<80x64xf32, #tpu.memory_space<vmem>>) target(%dma_start3A_185 : memref<10240x64xf32, #tpu.memory_space<vmem_shared>>) offsets(%dma_start3A_182 : memref<80xi32, #tpu.memory_space<vmem>>) semaphore(%arg12 : memref<!tpu.dma_semaphore, #tpu.memory_space<semaphore_mem>>) {add = true}
      %dma_start3A_186 = arith.constant 1 : i32
      %dma_start3A_187 = arith.constant 241 : i32
      %dma_start3A_188 = arith.constant 0 : i32
      %dma_start3A_189 = arith.constant 0 : i32
      %dma_start3A_190 = tpu.memref_slice %arg8[%dma_start3A_186, %dma_start3A_188, %dma_start3A_189] : memref<8x80x64xf32, #tpu.memory_space<vmem>> -> memref<1x80x64xf32, #tpu.memory_space<vmem>>
      %dma_start3A_191 = tpu.memref_squeeze %dma_start3A_190 : memref<1x80x64xf32, #tpu.memory_space<vmem>> -> memref<80x64xf32, #tpu.memory_space<vmem>>
      %dma_start3A_192 = arith.constant 0 : i32
      %dma_start3A_193 = tpu.memref_slice %arg7[%dma_start3A_187, %dma_start3A_192] : memref<250x80xi32, #tpu.memory_space<vmem>> -> memref<1x80xi32, #tpu.memory_space<vmem>>
      %dma_start3A_194 = tpu.memref_squeeze %dma_start3A_193 : memref<1x80xi32, #tpu.memory_space<vmem>> -> memref<80xi32, #tpu.memory_space<vmem>>
      %dma_start3A_195 = arith.constant 0 : i32
      %dma_start3A_196 = arith.constant 0 : i32
      %dma_start3A_197 = tpu.memref_slice %arg10[%dma_start3A_195, %dma_start3A_196] : memref<10240x64xf32, #tpu.memory_space<vmem_shared>> -> memref<10240x64xf32, #tpu.memory_space<vmem_shared>>
      tpu.enqueue_indirect_dma source(%dma_start3A_191 : memref<80x64xf32, #tpu.memory_space<vmem>>) target(%dma_start3A_197 : memref<10240x64xf32, #tpu.memory_space<vmem_shared>>) offsets(%dma_start3A_194 : memref<80xi32, #tpu.memory_space<vmem>>) semaphore(%arg12 : memref<!tpu.dma_semaphore, #tpu.memory_space<semaphore_mem>>) {add = true}
      %dma_start3A_198 = arith.constant 2 : i32
      %dma_start3A_199 = arith.constant 242 : i32
      %dma_start3A_200 = arith.constant 0 : i32
      %dma_start3A_201 = arith.constant 0 : i32
      %dma_start3A_202 = tpu.memref_slice %arg8[%dma_start3A_198, %dma_start3A_200, %dma_start3A_201] : memref<8x80x64xf32, #tpu.memory_space<vmem>> -> memref<1x80x64xf32, #tpu.memory_space<vmem>>
      %dma_start3A_203 = tpu.memref_squeeze %dma_start3A_202 : memref<1x80x64xf32, #tpu.memory_space<vmem>> -> memref<80x64xf32, #tpu.memory_space<vmem>>
      %dma_start3A_204 = arith.constant 0 : i32
      %dma_start3A_205 = tpu.memref_slice %arg7[%dma_start3A_199, %dma_start3A_204] : memref<250x80xi32, #tpu.memory_space<vmem>> -> memref<1x80xi32, #tpu.memory_space<vmem>>
      %dma_start3A_206 = tpu.memref_squeeze %dma_start3A_205 : memref<1x80xi32, #tpu.memory_space<vmem>> -> memref<80xi32, #tpu.memory_space<vmem>>
      %dma_start3A_207 = arith.constant 0 : i32
      %dma_start3A_208 = arith.constant 0 : i32
      %dma_start3A_209 = tpu.memref_slice %arg10[%dma_start3A_207, %dma_start3A_208] : memref<10240x64xf32, #tpu.memory_space<vmem_shared>> -> memref<10240x64xf32, #tpu.memory_space<vmem_shared>>
      tpu.enqueue_indirect_dma source(%dma_start3A_203 : memref<80x64xf32, #tpu.memory_space<vmem>>) target(%dma_start3A_209 : memref<10240x64xf32, #tpu.memory_space<vmem_shared>>) offsets(%dma_start3A_206 : memref<80xi32, #tpu.memory_space<vmem>>) semaphore(%arg12 : memref<!tpu.dma_semaphore, #tpu.memory_space<semaphore_mem>>) {add = true}
      %dma_start3A_210 = arith.constant 3 : i32
      %dma_start3A_211 = arith.constant 243 : i32
      %dma_start3A_212 = arith.constant 0 : i32
      %dma_start3A_213 = arith.constant 0 : i32
      %dma_start3A_214 = tpu.memref_slice %arg8[%dma_start3A_210, %dma_start3A_212, %dma_start3A_213] : memref<8x80x64xf32, #tpu.memory_space<vmem>> -> memref<1x80x64xf32, #tpu.memory_space<vmem>>
      %dma_start3A_215 = tpu.memref_squeeze %dma_start3A_214 : memref<1x80x64xf32, #tpu.memory_space<vmem>> -> memref<80x64xf32, #tpu.memory_space<vmem>>
      %dma_start3A_216 = arith.constant 0 : i32
      %dma_start3A_217 = tpu.memref_slice %arg7[%dma_start3A_211, %dma_start3A_216] : memref<250x80xi32, #tpu.memory_space<vmem>> -> memref<1x80xi32, #tpu.memory_space<vmem>>
      %dma_start3A_218 = tpu.memref_squeeze %dma_start3A_217 : memref<1x80xi32, #tpu.memory_space<vmem>> -> memref<80xi32, #tpu.memory_space<vmem>>
      %dma_start3A_219 = arith.constant 0 : i32
      %dma_start3A_220 = arith.constant 0 : i32
      %dma_start3A_221 = tpu.memref_slice %arg10[%dma_start3A_219, %dma_start3A_220] : memref<10240x64xf32, #tpu.memory_space<vmem_shared>> -> memref<10240x64xf32, #tpu.memory_space<vmem_shared>>
      tpu.enqueue_indirect_dma source(%dma_start3A_215 : memref<80x64xf32, #tpu.memory_space<vmem>>) target(%dma_start3A_221 : memref<10240x64xf32, #tpu.memory_space<vmem_shared>>) offsets(%dma_start3A_218 : memref<80xi32, #tpu.memory_space<vmem>>) semaphore(%arg12 : memref<!tpu.dma_semaphore, #tpu.memory_space<semaphore_mem>>) {add = true}
      %dma_wait3A_222 = arith.constant 0 : i32
      %dma_wait3A_223 = arith.constant 0 : i32
      %dma_wait3A_224 = arith.constant 0 : i32
      %dma_wait3A_225 = arith.constant 0 : i32
      %dma_wait3A_226 = tpu.memref_slice %arg8[%dma_wait3A_222, %dma_wait3A_224, %dma_wait3A_225] : memref<8x80x64xf32, #tpu.memory_space<vmem>> -> memref<1x80x64xf32, #tpu.memory_space<vmem>>
      %dma_wait3A_227 = tpu.memref_squeeze %dma_wait3A_226 : memref<1x80x64xf32, #tpu.memory_space<vmem>> -> memref<80x64xf32, #tpu.memory_space<vmem>>
      %dma_wait3A_228 = arith.constant 0 : i32
      %dma_wait3A_229 = tpu.memref_slice %arg7[%dma_wait3A_223, %dma_wait3A_228] : memref<250x80xi32, #tpu.memory_space<vmem>> -> memref<1x80xi32, #tpu.memory_space<vmem>>
      %dma_wait3A_230 = tpu.memref_squeeze %dma_wait3A_229 : memref<1x80xi32, #tpu.memory_space<vmem>> -> memref<80xi32, #tpu.memory_space<vmem>>
      %dma_wait3A_231 = arith.constant 0 : i32
      %dma_wait3A_232 = arith.constant 0 : i32
      %dma_wait3A_233 = tpu.memref_slice %arg10[%dma_wait3A_231, %dma_wait3A_232] : memref<10240x64xf32, #tpu.memory_space<vmem_shared>> -> memref<10240x64xf32, #tpu.memory_space<vmem_shared>>
      tpu.wait_indirect_dma semaphore(%arg12 : memref<!tpu.dma_semaphore, #tpu.memory_space<semaphore_mem>>) src(%dma_wait3A_227 : memref<80x64xf32, #tpu.memory_space<vmem>>) dst(%dma_wait3A_233 : memref<10240x64xf32, #tpu.memory_space<vmem_shared>>)
      %dma_wait3A_234 = arith.constant 1 : i32
      %dma_wait3A_235 = arith.constant 0 : i32
      %dma_wait3A_236 = arith.constant 0 : i32
      %dma_wait3A_237 = arith.constant 0 : i32
      %dma_wait3A_238 = tpu.memref_slice %arg8[%dma_wait3A_234, %dma_wait3A_236, %dma_wait3A_237] : memref<8x80x64xf32, #tpu.memory_space<vmem>> -> memref<1x80x64xf32, #tpu.memory_space<vmem>>
      %dma_wait3A_239 = tpu.memref_squeeze %dma_wait3A_238 : memref<1x80x64xf32, #tpu.memory_space<vmem>> -> memref<80x64xf32, #tpu.memory_space<vmem>>
      %dma_wait3A_240 = arith.constant 0 : i32
      %dma_wait3A_241 = tpu.memref_slice %arg7[%dma_wait3A_235, %dma_wait3A_240] : memref<250x80xi32, #tpu.memory_space<vmem>> -> memref<1x80xi32, #tpu.memory_space<vmem>>
      %dma_wait3A_242 = tpu.memref_squeeze %dma_wait3A_241 : memref<1x80xi32, #tpu.memory_space<vmem>> -> memref<80xi32, #tpu.memory_space<vmem>>
      %dma_wait3A_243 = arith.constant 0 : i32
      %dma_wait3A_244 = arith.constant 0 : i32
      %dma_wait3A_245 = tpu.memref_slice %arg10[%dma_wait3A_243, %dma_wait3A_244] : memref<10240x64xf32, #tpu.memory_space<vmem_shared>> -> memref<10240x64xf32, #tpu.memory_space<vmem_shared>>
      tpu.wait_indirect_dma semaphore(%arg12 : memref<!tpu.dma_semaphore, #tpu.memory_space<semaphore_mem>>) src(%dma_wait3A_239 : memref<80x64xf32, #tpu.memory_space<vmem>>) dst(%dma_wait3A_245 : memref<10240x64xf32, #tpu.memory_space<vmem_shared>>)
      %dma_wait3A_246 = arith.constant 2 : i32
      %dma_wait3A_247 = arith.constant 0 : i32
      %dma_wait3A_248 = arith.constant 0 : i32
      %dma_wait3A_249 = arith.constant 0 : i32
      %dma_wait3A_250 = tpu.memref_slice %arg8[%dma_wait3A_246, %dma_wait3A_248, %dma_wait3A_249] : memref<8x80x64xf32, #tpu.memory_space<vmem>> -> memref<1x80x64xf32, #tpu.memory_space<vmem>>
      %dma_wait3A_251 = tpu.memref_squeeze %dma_wait3A_250 : memref<1x80x64xf32, #tpu.memory_space<vmem>> -> memref<80x64xf32, #tpu.memory_space<vmem>>
      %dma_wait3A_252 = arith.constant 0 : i32
      %dma_wait3A_253 = tpu.memref_slice %arg7[%dma_wait3A_247, %dma_wait3A_252] : memref<250x80xi32, #tpu.memory_space<vmem>> -> memref<1x80xi32, #tpu.memory_space<vmem>>
      %dma_wait3A_254 = tpu.memref_squeeze %dma_wait3A_253 : memref<1x80xi32, #tpu.memory_space<vmem>> -> memref<80xi32, #tpu.memory_space<vmem>>
      %dma_wait3A_255 = arith.constant 0 : i32
      %dma_wait3A_256 = arith.constant 0 : i32
      %dma_wait3A_257 = tpu.memref_slice %arg10[%dma_wait3A_255, %dma_wait3A_256] : memref<10240x64xf32, #tpu.memory_space<vmem_shared>> -> memref<10240x64xf32, #tpu.memory_space<vmem_shared>>
      tpu.wait_indirect_dma semaphore(%arg12 : memref<!tpu.dma_semaphore, #tpu.memory_space<semaphore_mem>>) src(%dma_wait3A_251 : memref<80x64xf32, #tpu.memory_space<vmem>>) dst(%dma_wait3A_257 : memref<10240x64xf32, #tpu.memory_space<vmem_shared>>)
      %dma_wait3A_258 = arith.constant 3 : i32
      %dma_wait3A_259 = arith.constant 0 : i32
      %dma_wait3A_260 = arith.constant 0 : i32
      %dma_wait3A_261 = arith.constant 0 : i32
      %dma_wait3A_262 = tpu.memref_slice %arg8[%dma_wait3A_258, %dma_wait3A_260, %dma_wait3A_261] : memref<8x80x64xf32, #tpu.memory_space<vmem>> -> memref<1x80x64xf32, #tpu.memory_space<vmem>>
      %dma_wait3A_263 = tpu.memref_squeeze %dma_wait3A_262 : memref<1x80x64xf32, #tpu.memory_space<vmem>> -> memref<80x64xf32, #tpu.memory_space<vmem>>
      %dma_wait3A_264 = arith.constant 0 : i32
      %dma_wait3A_265 = tpu.memref_slice %arg7[%dma_wait3A_259, %dma_wait3A_264] : memref<250x80xi32, #tpu.memory_space<vmem>> -> memref<1x80xi32, #tpu.memory_space<vmem>>
      %dma_wait3A_266 = tpu.memref_squeeze %dma_wait3A_265 : memref<1x80xi32, #tpu.memory_space<vmem>> -> memref<80xi32, #tpu.memory_space<vmem>>
      %dma_wait3A_267 = arith.constant 0 : i32
      %dma_wait3A_268 = arith.constant 0 : i32
      %dma_wait3A_269 = tpu.memref_slice %arg10[%dma_wait3A_267, %dma_wait3A_268] : memref<10240x64xf32, #tpu.memory_space<vmem_shared>> -> memref<10240x64xf32, #tpu.memory_space<vmem_shared>>
      tpu.wait_indirect_dma semaphore(%arg12 : memref<!tpu.dma_semaphore, #tpu.memory_space<semaphore_mem>>) src(%dma_wait3A_263 : memref<80x64xf32, #tpu.memory_space<vmem>>) dst(%dma_wait3A_269 : memref<10240x64xf32, #tpu.memory_space<vmem_shared>>)
      %dma_wait3A_270 = arith.constant 0 : i32
      %dma_wait3A_271 = arith.constant 4 : i32
      %dma_wait3A_272 = arith.constant 0 : i32
      %dma_wait3A_273 = arith.constant 0 : i32
      %dma_wait3A_274 = tpu.memref_slice %arg8[%dma_wait3A_271, %dma_wait3A_272, %dma_wait3A_273] : memref<8x80x64xf32, #tpu.memory_space<vmem>> -> memref<1x80x64xf32, #tpu.memory_space<vmem>>
      %dma_wait3A_275 = tpu.memref_squeeze %dma_wait3A_274 : memref<1x80x64xf32, #tpu.memory_space<vmem>> -> memref<80x64xf32, #tpu.memory_space<vmem>>
      %dma_wait3A_276 = arith.constant 0 : i32
      %dma_wait3A_277 = tpu.memref_slice %arg6[%dma_wait3A_270, %dma_wait3A_276] : memref<250x80xi32, #tpu.memory_space<vmem>> -> memref<1x80xi32, #tpu.memory_space<vmem>>
      %dma_wait3A_278 = tpu.memref_squeeze %dma_wait3A_277 : memref<1x80xi32, #tpu.memory_space<vmem>> -> memref<80xi32, #tpu.memory_space<vmem>>
      %dma_wait3A_279 = arith.constant 0 : i32
      %dma_wait3A_280 = arith.constant 0 : i32
      %dma_wait3A_281 = tpu.memref_slice %arg2[%dma_wait3A_279, %dma_wait3A_280] : memref<10000x64xf32, #tpu.memory_space<hbm>> -> memref<10000x64xf32, #tpu.memory_space<hbm>>
      tpu.wait_indirect_dma semaphore(%arg11 : memref<!tpu.dma_semaphore, #tpu.memory_space<semaphore_mem>>) src(%dma_wait3A_281 : memref<10000x64xf32, #tpu.memory_space<hbm>>) dst(%dma_wait3A_275 : memref<80x64xf32, #tpu.memory_space<vmem>>)
      %dma_wait3A_282 = arith.constant 0 : i32
      %dma_wait3A_283 = arith.constant 5 : i32
      %dma_wait3A_284 = arith.constant 0 : i32
      %dma_wait3A_285 = arith.constant 0 : i32
      %dma_wait3A_286 = tpu.memref_slice %arg8[%dma_wait3A_283, %dma_wait3A_284, %dma_wait3A_285] : memref<8x80x64xf32, #tpu.memory_space<vmem>> -> memref<1x80x64xf32, #tpu.memory_space<vmem>>
      %dma_wait3A_287 = tpu.memref_squeeze %dma_wait3A_286 : memref<1x80x64xf32, #tpu.memory_space<vmem>> -> memref<80x64xf32, #tpu.memory_space<vmem>>
      %dma_wait3A_288 = arith.constant 0 : i32
      %dma_wait3A_289 = tpu.memref_slice %arg6[%dma_wait3A_282, %dma_wait3A_288] : memref<250x80xi32, #tpu.memory_space<vmem>> -> memref<1x80xi32, #tpu.memory_space<vmem>>
      %dma_wait3A_290 = tpu.memref_squeeze %dma_wait3A_289 : memref<1x80xi32, #tpu.memory_space<vmem>> -> memref<80xi32, #tpu.memory_space<vmem>>
      %dma_wait3A_291 = arith.constant 0 : i32
      %dma_wait3A_292 = arith.constant 0 : i32
      %dma_wait3A_293 = tpu.memref_slice %arg2[%dma_wait3A_291, %dma_wait3A_292] : memref<10000x64xf32, #tpu.memory_space<hbm>> -> memref<10000x64xf32, #tpu.memory_space<hbm>>
      tpu.wait_indirect_dma semaphore(%arg11 : memref<!tpu.dma_semaphore, #tpu.memory_space<semaphore_mem>>) src(%dma_wait3A_293 : memref<10000x64xf32, #tpu.memory_space<hbm>>) dst(%dma_wait3A_287 : memref<80x64xf32, #tpu.memory_space<vmem>>)
      %dma_wait3A_294 = arith.constant 0 : i32
      %dma_wait3A_295 = arith.constant 6 : i32
      %dma_wait3A_296 = arith.constant 0 : i32
      %dma_wait3A_297 = arith.constant 0 : i32
      %dma_wait3A_298 = tpu.memref_slice %arg8[%dma_wait3A_295, %dma_wait3A_296, %dma_wait3A_297] : memref<8x80x64xf32, #tpu.memory_space<vmem>> -> memref<1x80x64xf32, #tpu.memory_space<vmem>>
      %dma_wait3A_299 = tpu.memref_squeeze %dma_wait3A_298 : memref<1x80x64xf32, #tpu.memory_space<vmem>> -> memref<80x64xf32, #tpu.memory_space<vmem>>
      %dma_wait3A_300 = arith.constant 0 : i32
      %dma_wait3A_301 = tpu.memref_slice %arg6[%dma_wait3A_294, %dma_wait3A_300] : memref<250x80xi32, #tpu.memory_space<vmem>> -> memref<1x80xi32, #tpu.memory_space<vmem>>
      %dma_wait3A_302 = tpu.memref_squeeze %dma_wait3A_301 : memref<1x80xi32, #tpu.memory_space<vmem>> -> memref<80xi32, #tpu.memory_space<vmem>>
      %dma_wait3A_303 = arith.constant 0 : i32
      %dma_wait3A_304 = arith.constant 0 : i32
      %dma_wait3A_305 = tpu.memref_slice %arg2[%dma_wait3A_303, %dma_wait3A_304] : memref<10000x64xf32, #tpu.memory_space<hbm>> -> memref<10000x64xf32, #tpu.memory_space<hbm>>
      tpu.wait_indirect_dma semaphore(%arg11 : memref<!tpu.dma_semaphore, #tpu.memory_space<semaphore_mem>>) src(%dma_wait3A_305 : memref<10000x64xf32, #tpu.memory_space<hbm>>) dst(%dma_wait3A_299 : memref<80x64xf32, #tpu.memory_space<vmem>>)
      %dma_wait3A_306 = arith.constant 0 : i32
      %dma_wait3A_307 = arith.constant 7 : i32
      %dma_wait3A_308 = arith.constant 0 : i32
      %dma_wait3A_309 = arith.constant 0 : i32
      %dma_wait3A_310 = tpu.memref_slice %arg8[%dma_wait3A_307, %dma_wait3A_308, %dma_wait3A_309] : memref<8x80x64xf32, #tpu.memory_space<vmem>> -> memref<1x80x64xf32, #tpu.memory_space<vmem>>
      %dma_wait3A_311 = tpu.memref_squeeze %dma_wait3A_310 : memref<1x80x64xf32, #tpu.memory_space<vmem>> -> memref<80x64xf32, #tpu.memory_space<vmem>>
      %dma_wait3A_312 = arith.constant 0 : i32
      %dma_wait3A_313 = tpu.memref_slice %arg6[%dma_wait3A_306, %dma_wait3A_312] : memref<250x80xi32, #tpu.memory_space<vmem>> -> memref<1x80xi32, #tpu.memory_space<vmem>>
      %dma_wait3A_314 = tpu.memref_squeeze %dma_wait3A_313 : memref<1x80xi32, #tpu.memory_space<vmem>> -> memref<80xi32, #tpu.memory_space<vmem>>
      %dma_wait3A_315 = arith.constant 0 : i32
      %dma_wait3A_316 = arith.constant 0 : i32
      %dma_wait3A_317 = tpu.memref_slice %arg2[%dma_wait3A_315, %dma_wait3A_316] : memref<10000x64xf32, #tpu.memory_space<hbm>> -> memref<10000x64xf32, #tpu.memory_space<hbm>>
      tpu.wait_indirect_dma semaphore(%arg11 : memref<!tpu.dma_semaphore, #tpu.memory_space<semaphore_mem>>) src(%dma_wait3A_317 : memref<10000x64xf32, #tpu.memory_space<hbm>>) dst(%dma_wait3A_311 : memref<80x64xf32, #tpu.memory_space<vmem>>)
      %dma_start3A_318 = arith.constant 4 : i32
      %dma_start3A_319 = arith.constant 244 : i32
      %dma_start3A_320 = arith.constant 0 : i32
      %dma_start3A_321 = arith.constant 0 : i32
      %dma_start3A_322 = tpu.memref_slice %arg8[%dma_start3A_318, %dma_start3A_320, %dma_start3A_321] : memref<8x80x64xf32, #tpu.memory_space<vmem>> -> memref<1x80x64xf32, #tpu.memory_space<vmem>>
      %dma_start3A_323 = tpu.memref_squeeze %dma_start3A_322 : memref<1x80x64xf32, #tpu.memory_space<vmem>> -> memref<80x64xf32, #tpu.memory_space<vmem>>
      %dma_start3A_324 = arith.constant 0 : i32
      %dma_start3A_325 = tpu.memref_slice %arg7[%dma_start3A_319, %dma_start3A_324] : memref<250x80xi32, #tpu.memory_space<vmem>> -> memref<1x80xi32, #tpu.memory_space<vmem>>
      %dma_start3A_326 = tpu.memref_squeeze %dma_start3A_325 : memref<1x80xi32, #tpu.memory_space<vmem>> -> memref<80xi32, #tpu.memory_space<vmem>>
      %dma_start3A_327 = arith.constant 0 : i32
      %dma_start3A_328 = arith.constant 0 : i32
      %dma_start3A_329 = tpu.memref_slice %arg10[%dma_start3A_327, %dma_start3A_328] : memref<10240x64xf32, #tpu.memory_space<vmem_shared>> -> memref<10240x64xf32, #tpu.memory_space<vmem_shared>>
      tpu.enqueue_indirect_dma source(%dma_start3A_323 : memref<80x64xf32, #tpu.memory_space<vmem>>) target(%dma_start3A_329 : memref<10240x64xf32, #tpu.memory_space<vmem_shared>>) offsets(%dma_start3A_326 : memref<80xi32, #tpu.memory_space<vmem>>) semaphore(%arg12 : memref<!tpu.dma_semaphore, #tpu.memory_space<semaphore_mem>>) {add = true}
      %dma_start3A_330 = arith.constant 5 : i32
      %dma_start3A_331 = arith.constant 245 : i32
      %dma_start3A_332 = arith.constant 0 : i32
      %dma_start3A_333 = arith.constant 0 : i32
      %dma_start3A_334 = tpu.memref_slice %arg8[%dma_start3A_330, %dma_start3A_332, %dma_start3A_333] : memref<8x80x64xf32, #tpu.memory_space<vmem>> -> memref<1x80x64xf32, #tpu.memory_space<vmem>>
      %dma_start3A_335 = tpu.memref_squeeze %dma_start3A_334 : memref<1x80x64xf32, #tpu.memory_space<vmem>> -> memref<80x64xf32, #tpu.memory_space<vmem>>
      %dma_start3A_336 = arith.constant 0 : i32
      %dma_start3A_337 = tpu.memref_slice %arg7[%dma_start3A_331, %dma_start3A_336] : memref<250x80xi32, #tpu.memory_space<vmem>> -> memref<1x80xi32, #tpu.memory_space<vmem>>
      %dma_start3A_338 = tpu.memref_squeeze %dma_start3A_337 : memref<1x80xi32, #tpu.memory_space<vmem>> -> memref<80xi32, #tpu.memory_space<vmem>>
      %dma_start3A_339 = arith.constant 0 : i32
      %dma_start3A_340 = arith.constant 0 : i32
      %dma_start3A_341 = tpu.memref_slice %arg10[%dma_start3A_339, %dma_start3A_340] : memref<10240x64xf32, #tpu.memory_space<vmem_shared>> -> memref<10240x64xf32, #tpu.memory_space<vmem_shared>>
      tpu.enqueue_indirect_dma source(%dma_start3A_335 : memref<80x64xf32, #tpu.memory_space<vmem>>) target(%dma_start3A_341 : memref<10240x64xf32, #tpu.memory_space<vmem_shared>>) offsets(%dma_start3A_338 : memref<80xi32, #tpu.memory_space<vmem>>) semaphore(%arg12 : memref<!tpu.dma_semaphore, #tpu.memory_space<semaphore_mem>>) {add = true}
      %dma_start3A_342 = arith.constant 6 : i32
      %dma_start3A_343 = arith.constant 246 : i32
      %dma_start3A_344 = arith.constant 0 : i32
      %dma_start3A_345 = arith.constant 0 : i32
      %dma_start3A_346 = tpu.memref_slice %arg8[%dma_start3A_342, %dma_start3A_344, %dma_start3A_345] : memref<8x80x64xf32, #tpu.memory_space<vmem>> -> memref<1x80x64xf32, #tpu.memory_space<vmem>>
      %dma_start3A_347 = tpu.memref_squeeze %dma_start3A_346 : memref<1x80x64xf32, #tpu.memory_space<vmem>> -> memref<80x64xf32, #tpu.memory_space<vmem>>
      %dma_start3A_348 = arith.constant 0 : i32
      %dma_start3A_349 = tpu.memref_slice %arg7[%dma_start3A_343, %dma_start3A_348] : memref<250x80xi32, #tpu.memory_space<vmem>> -> memref<1x80xi32, #tpu.memory_space<vmem>>
      %dma_start3A_350 = tpu.memref_squeeze %dma_start3A_349 : memref<1x80xi32, #tpu.memory_space<vmem>> -> memref<80xi32, #tpu.memory_space<vmem>>
      %dma_start3A_351 = arith.constant 0 : i32
      %dma_start3A_352 = arith.constant 0 : i32
      %dma_start3A_353 = tpu.memref_slice %arg10[%dma_start3A_351, %dma_start3A_352] : memref<10240x64xf32, #tpu.memory_space<vmem_shared>> -> memref<10240x64xf32, #tpu.memory_space<vmem_shared>>
      tpu.enqueue_indirect_dma source(%dma_start3A_347 : memref<80x64xf32, #tpu.memory_space<vmem>>) target(%dma_start3A_353 : memref<10240x64xf32, #tpu.memory_space<vmem_shared>>) offsets(%dma_start3A_350 : memref<80xi32, #tpu.memory_space<vmem>>) semaphore(%arg12 : memref<!tpu.dma_semaphore, #tpu.memory_space<semaphore_mem>>) {add = true}
      %dma_start3A_354 = arith.constant 7 : i32
      %dma_start3A_355 = arith.constant 247 : i32
      %dma_start3A_356 = arith.constant 0 : i32
      %dma_start3A_357 = arith.constant 0 : i32
      %dma_start3A_358 = tpu.memref_slice %arg8[%dma_start3A_354, %dma_start3A_356, %dma_start3A_357] : memref<8x80x64xf32, #tpu.memory_space<vmem>> -> memref<1x80x64xf32, #tpu.memory_space<vmem>>
      %dma_start3A_359 = tpu.memref_squeeze %dma_start3A_358 : memref<1x80x64xf32, #tpu.memory_space<vmem>> -> memref<80x64xf32, #tpu.memory_space<vmem>>
      %dma_start3A_360 = arith.constant 0 : i32
      %dma_start3A_361 = tpu.memref_slice %arg7[%dma_start3A_355, %dma_start3A_360] : memref<250x80xi32, #tpu.memory_space<vmem>> -> memref<1x80xi32, #tpu.memory_space<vmem>>
      %dma_start3A_362 = tpu.memref_squeeze %dma_start3A_361 : memref<1x80xi32, #tpu.memory_space<vmem>> -> memref<80xi32, #tpu.memory_space<vmem>>
      %dma_start3A_363 = arith.constant 0 : i32
      %dma_start3A_364 = arith.constant 0 : i32
      %dma_start3A_365 = tpu.memref_slice %arg10[%dma_start3A_363, %dma_start3A_364] : memref<10240x64xf32, #tpu.memory_space<vmem_shared>> -> memref<10240x64xf32, #tpu.memory_space<vmem_shared>>
      tpu.enqueue_indirect_dma source(%dma_start3A_359 : memref<80x64xf32, #tpu.memory_space<vmem>>) target(%dma_start3A_365 : memref<10240x64xf32, #tpu.memory_space<vmem_shared>>) offsets(%dma_start3A_362 : memref<80xi32, #tpu.memory_space<vmem>>) semaphore(%arg12 : memref<!tpu.dma_semaphore, #tpu.memory_space<semaphore_mem>>) {add = true}
      %dma_wait3A_366 = arith.constant 4 : i32
      %dma_wait3A_367 = arith.constant 0 : i32
      %dma_wait3A_368 = arith.constant 0 : i32
      %dma_wait3A_369 = arith.constant 0 : i32
      %dma_wait3A_370 = tpu.memref_slice %arg8[%dma_wait3A_366, %dma_wait3A_368, %dma_wait3A_369] : memref<8x80x64xf32, #tpu.memory_space<vmem>> -> memref<1x80x64xf32, #tpu.memory_space<vmem>>
      %dma_wait3A_371 = tpu.memref_squeeze %dma_wait3A_370 : memref<1x80x64xf32, #tpu.memory_space<vmem>> -> memref<80x64xf32, #tpu.memory_space<vmem>>
      %dma_wait3A_372 = arith.constant 0 : i32
      %dma_wait3A_373 = tpu.memref_slice %arg7[%dma_wait3A_367, %dma_wait3A_372] : memref<250x80xi32, #tpu.memory_space<vmem>> -> memref<1x80xi32, #tpu.memory_space<vmem>>
      %dma_wait3A_374 = tpu.memref_squeeze %dma_wait3A_373 : memref<1x80xi32, #tpu.memory_space<vmem>> -> memref<80xi32, #tpu.memory_space<vmem>>
      %dma_wait3A_375 = arith.constant 0 : i32
      %dma_wait3A_376 = arith.constant 0 : i32
      %dma_wait3A_377 = tpu.memref_slice %arg10[%dma_wait3A_375, %dma_wait3A_376] : memref<10240x64xf32, #tpu.memory_space<vmem_shared>> -> memref<10240x64xf32, #tpu.memory_space<vmem_shared>>
      tpu.wait_indirect_dma semaphore(%arg12 : memref<!tpu.dma_semaphore, #tpu.memory_space<semaphore_mem>>) src(%dma_wait3A_371 : memref<80x64xf32, #tpu.memory_space<vmem>>) dst(%dma_wait3A_377 : memref<10240x64xf32, #tpu.memory_space<vmem_shared>>)
      %dma_wait3A_378 = arith.constant 5 : i32
      %dma_wait3A_379 = arith.constant 0 : i32
      %dma_wait3A_380 = arith.constant 0 : i32
      %dma_wait3A_381 = arith.constant 0 : i32
      %dma_wait3A_382 = tpu.memref_slice %arg8[%dma_wait3A_378, %dma_wait3A_380, %dma_wait3A_381] : memref<8x80x64xf32, #tpu.memory_space<vmem>> -> memref<1x80x64xf32, #tpu.memory_space<vmem>>
      %dma_wait3A_383 = tpu.memref_squeeze %dma_wait3A_382 : memref<1x80x64xf32, #tpu.memory_space<vmem>> -> memref<80x64xf32, #tpu.memory_space<vmem>>
      %dma_wait3A_384 = arith.constant 0 : i32
      %dma_wait3A_385 = tpu.memref_slice %arg7[%dma_wait3A_379, %dma_wait3A_384] : memref<250x80xi32, #tpu.memory_space<vmem>> -> memref<1x80xi32, #tpu.memory_space<vmem>>
      %dma_wait3A_386 = tpu.memref_squeeze %dma_wait3A_385 : memref<1x80xi32, #tpu.memory_space<vmem>> -> memref<80xi32, #tpu.memory_space<vmem>>
      %dma_wait3A_387 = arith.constant 0 : i32
      %dma_wait3A_388 = arith.constant 0 : i32
      %dma_wait3A_389 = tpu.memref_slice %arg10[%dma_wait3A_387, %dma_wait3A_388] : memref<10240x64xf32, #tpu.memory_space<vmem_shared>> -> memref<10240x64xf32, #tpu.memory_space<vmem_shared>>
      tpu.wait_indirect_dma semaphore(%arg12 : memref<!tpu.dma_semaphore, #tpu.memory_space<semaphore_mem>>) src(%dma_wait3A_383 : memref<80x64xf32, #tpu.memory_space<vmem>>) dst(%dma_wait3A_389 : memref<10240x64xf32, #tpu.memory_space<vmem_shared>>)
      %dma_wait3A_390 = arith.constant 6 : i32
      %dma_wait3A_391 = arith.constant 0 : i32
      %dma_wait3A_392 = arith.constant 0 : i32
      %dma_wait3A_393 = arith.constant 0 : i32
      %dma_wait3A_394 = tpu.memref_slice %arg8[%dma_wait3A_390, %dma_wait3A_392, %dma_wait3A_393] : memref<8x80x64xf32, #tpu.memory_space<vmem>> -> memref<1x80x64xf32, #tpu.memory_space<vmem>>
      %dma_wait3A_395 = tpu.memref_squeeze %dma_wait3A_394 : memref<1x80x64xf32, #tpu.memory_space<vmem>> -> memref<80x64xf32, #tpu.memory_space<vmem>>
      %dma_wait3A_396 = arith.constant 0 : i32
      %dma_wait3A_397 = tpu.memref_slice %arg7[%dma_wait3A_391, %dma_wait3A_396] : memref<250x80xi32, #tpu.memory_space<vmem>> -> memref<1x80xi32, #tpu.memory_space<vmem>>
      %dma_wait3A_398 = tpu.memref_squeeze %dma_wait3A_397 : memref<1x80xi32, #tpu.memory_space<vmem>> -> memref<80xi32, #tpu.memory_space<vmem>>
      %dma_wait3A_399 = arith.constant 0 : i32
      %dma_wait3A_400 = arith.constant 0 : i32
      %dma_wait3A_401 = tpu.memref_slice %arg10[%dma_wait3A_399, %dma_wait3A_400] : memref<10240x64xf32, #tpu.memory_space<vmem_shared>> -> memref<10240x64xf32, #tpu.memory_space<vmem_shared>>
      tpu.wait_indirect_dma semaphore(%arg12 : memref<!tpu.dma_semaphore, #tpu.memory_space<semaphore_mem>>) src(%dma_wait3A_395 : memref<80x64xf32, #tpu.memory_space<vmem>>) dst(%dma_wait3A_401 : memref<10240x64xf32, #tpu.memory_space<vmem_shared>>)
      %dma_wait3A_402 = arith.constant 7 : i32
      %dma_wait3A_403 = arith.constant 0 : i32
      %dma_wait3A_404 = arith.constant 0 : i32
      %dma_wait3A_405 = arith.constant 0 : i32
      %dma_wait3A_406 = tpu.memref_slice %arg8[%dma_wait3A_402, %dma_wait3A_404, %dma_wait3A_405] : memref<8x80x64xf32, #tpu.memory_space<vmem>> -> memref<1x80x64xf32, #tpu.memory_space<vmem>>
      %dma_wait3A_407 = tpu.memref_squeeze %dma_wait3A_406 : memref<1x80x64xf32, #tpu.memory_space<vmem>> -> memref<80x64xf32, #tpu.memory_space<vmem>>
      %dma_wait3A_408 = arith.constant 0 : i32
      %dma_wait3A_409 = tpu.memref_slice %arg7[%dma_wait3A_403, %dma_wait3A_408] : memref<250x80xi32, #tpu.memory_space<vmem>> -> memref<1x80xi32, #tpu.memory_space<vmem>>
      %dma_wait3A_410 = tpu.memref_squeeze %dma_wait3A_409 : memref<1x80xi32, #tpu.memory_space<vmem>> -> memref<80xi32, #tpu.memory_space<vmem>>
      %dma_wait3A_411 = arith.constant 0 : i32
      %dma_wait3A_412 = arith.constant 0 : i32
      %dma_wait3A_413 = tpu.memref_slice %arg10[%dma_wait3A_411, %dma_wait3A_412] : memref<10240x64xf32, #tpu.memory_space<vmem_shared>> -> memref<10240x64xf32, #tpu.memory_space<vmem_shared>>
      tpu.wait_indirect_dma semaphore(%arg12 : memref<!tpu.dma_semaphore, #tpu.memory_space<semaphore_mem>>) src(%dma_wait3A_407 : memref<80x64xf32, #tpu.memory_space<vmem>>) dst(%dma_wait3A_413 : memref<10240x64xf32, #tpu.memory_space<vmem_shared>>)
      %dma_start3A_414 = arith.constant 248 : i32
      %dma_start3A_415 = arith.constant 0 : i32
      %dma_start3A_416 = arith.constant 0 : i32
      %dma_start3A_417 = arith.constant 0 : i32
      %dma_start3A_418 = tpu.memref_slice %arg8[%dma_start3A_415, %dma_start3A_416, %dma_start3A_417] : memref<8x80x64xf32, #tpu.memory_space<vmem>> -> memref<1x80x64xf32, #tpu.memory_space<vmem>>
      %dma_start3A_419 = tpu.memref_squeeze %dma_start3A_418 : memref<1x80x64xf32, #tpu.memory_space<vmem>> -> memref<80x64xf32, #tpu.memory_space<vmem>>
      %dma_start3A_420 = arith.constant 0 : i32
      %dma_start3A_421 = tpu.memref_slice %arg6[%dma_start3A_414, %dma_start3A_420] : memref<250x80xi32, #tpu.memory_space<vmem>> -> memref<1x80xi32, #tpu.memory_space<vmem>>
      %dma_start3A_422 = tpu.memref_squeeze %dma_start3A_421 : memref<1x80xi32, #tpu.memory_space<vmem>> -> memref<80xi32, #tpu.memory_space<vmem>>
      %dma_start3A_423 = arith.constant 0 : i32
      %dma_start3A_424 = arith.constant 0 : i32
      %dma_start3A_425 = tpu.memref_slice %arg2[%dma_start3A_423, %dma_start3A_424] : memref<10000x64xf32, #tpu.memory_space<hbm>> -> memref<10000x64xf32, #tpu.memory_space<hbm>>
      tpu.enqueue_indirect_dma source(%dma_start3A_425 : memref<10000x64xf32, #tpu.memory_space<hbm>>) target(%dma_start3A_419 : memref<80x64xf32, #tpu.memory_space<vmem>>) offsets(%dma_start3A_422 : memref<80xi32, #tpu.memory_space<vmem>>) semaphore(%arg11 : memref<!tpu.dma_semaphore, #tpu.memory_space<semaphore_mem>>)
      %dma_wait3A_426 = arith.constant 248 : i32
      %dma_wait3A_427 = arith.constant 0 : i32
      %dma_wait3A_428 = arith.constant 0 : i32
      %dma_wait3A_429 = arith.constant 0 : i32
      %dma_wait3A_430 = tpu.memref_slice %arg8[%dma_wait3A_427, %dma_wait3A_428, %dma_wait3A_429] : memref<8x80x64xf32, #tpu.memory_space<vmem>> -> memref<1x80x64xf32, #tpu.memory_space<vmem>>
      %dma_wait3A_431 = tpu.memref_squeeze %dma_wait3A_430 : memref<1x80x64xf32, #tpu.memory_space<vmem>> -> memref<80x64xf32, #tpu.memory_space<vmem>>
      %dma_wait3A_432 = arith.constant 0 : i32
      %dma_wait3A_433 = tpu.memref_slice %arg6[%dma_wait3A_426, %dma_wait3A_432] : memref<250x80xi32, #tpu.memory_space<vmem>> -> memref<1x80xi32, #tpu.memory_space<vmem>>
      %dma_wait3A_434 = tpu.memref_squeeze %dma_wait3A_433 : memref<1x80xi32, #tpu.memory_space<vmem>> -> memref<80xi32, #tpu.memory_space<vmem>>
      %dma_wait3A_435 = arith.constant 0 : i32
      %dma_wait3A_436 = arith.constant 0 : i32
      %dma_wait3A_437 = tpu.memref_slice %arg2[%dma_wait3A_435, %dma_wait3A_436] : memref<10000x64xf32, #tpu.memory_space<hbm>> -> memref<10000x64xf32, #tpu.memory_space<hbm>>
      tpu.wait_indirect_dma semaphore(%arg11 : memref<!tpu.dma_semaphore, #tpu.memory_space<semaphore_mem>>) src(%dma_wait3A_437 : memref<10000x64xf32, #tpu.memory_space<hbm>>) dst(%dma_wait3A_431 : memref<80x64xf32, #tpu.memory_space<vmem>>)
      %run_scoped3A_438 = arith.constant 0 : i32
      %run_scoped3A_439 = arith.constant 248 : i32
      "tpu.region"() ({
        %run_scoped3A_466 = tpu.sem_alloc : memref<!tpu.dma_semaphore, #tpu.memory_space<semaphore_mem>>
        %dma_start3A_467 = arith.constant 0 : i32
        %dma_start3A_468 = arith.constant 0 : i32
        %dma_start3A_469 = tpu.memref_slice %arg8[%run_scoped3A_438, %dma_start3A_467, %dma_start3A_468] : memref<8x80x64xf32, #tpu.memory_space<vmem>> -> memref<1x80x64xf32, #tpu.memory_space<vmem>>
        %dma_start3A_470 = tpu.memref_squeeze %dma_start3A_469 : memref<1x80x64xf32, #tpu.memory_space<vmem>> -> memref<80x64xf32, #tpu.memory_space<vmem>>
        %dma_start3A_471 = arith.constant 0 : i32
        %dma_start3A_472 = tpu.memref_slice %arg7[%run_scoped3A_439, %dma_start3A_471] : memref<250x80xi32, #tpu.memory_space<vmem>> -> memref<1x80xi32, #tpu.memory_space<vmem>>
        %dma_start3A_473 = tpu.memref_squeeze %dma_start3A_472 : memref<1x80xi32, #tpu.memory_space<vmem>> -> memref<80xi32, #tpu.memory_space<vmem>>
        %dma_start3A_474 = arith.constant 0 : i32
        %dma_start3A_475 = arith.constant 0 : i32
        %dma_start3A_476 = tpu.memref_slice %arg10[%dma_start3A_474, %dma_start3A_475] : memref<10240x64xf32, #tpu.memory_space<vmem_shared>> -> memref<10240x64xf32, #tpu.memory_space<vmem_shared>>
        tpu.enqueue_indirect_dma source(%dma_start3A_470 : memref<80x64xf32, #tpu.memory_space<vmem>>) target(%dma_start3A_476 : memref<10240x64xf32, #tpu.memory_space<vmem_shared>>) offsets(%dma_start3A_473 : memref<80xi32, #tpu.memory_space<vmem>>) semaphore(%run_scoped3A_466 : memref<!tpu.dma_semaphore, #tpu.memory_space<semaphore_mem>>) {add = true}
        %dma_wait3A_477 = arith.constant 0 : i32
        %dma_wait3A_478 = arith.constant 0 : i32
        %dma_wait3A_479 = tpu.memref_slice %arg8[%run_scoped3A_438, %dma_wait3A_477, %dma_wait3A_478] : memref<8x80x64xf32, #tpu.memory_space<vmem>> -> memref<1x80x64xf32, #tpu.memory_space<vmem>>
        %dma_wait3A_480 = tpu.memref_squeeze %dma_wait3A_479 : memref<1x80x64xf32, #tpu.memory_space<vmem>> -> memref<80x64xf32, #tpu.memory_space<vmem>>
        %dma_wait3A_481 = arith.constant 0 : i32
        %dma_wait3A_482 = tpu.memref_slice %arg7[%run_scoped3A_439, %dma_wait3A_481] : memref<250x80xi32, #tpu.memory_space<vmem>> -> memref<1x80xi32, #tpu.memory_space<vmem>>
        %dma_wait3A_483 = tpu.memref_squeeze %dma_wait3A_482 : memref<1x80xi32, #tpu.memory_space<vmem>> -> memref<80xi32, #tpu.memory_space<vmem>>
        %dma_wait3A_484 = arith.constant 0 : i32
        %dma_wait3A_485 = arith.constant 0 : i32
        %dma_wait3A_486 = tpu.memref_slice %arg10[%dma_wait3A_484, %dma_wait3A_485] : memref<10240x64xf32, #tpu.memory_space<vmem_shared>> -> memref<10240x64xf32, #tpu.memory_space<vmem_shared>>
        tpu.wait_indirect_dma semaphore(%run_scoped3A_466 : memref<!tpu.dma_semaphore, #tpu.memory_space<semaphore_mem>>) src(%dma_wait3A_480 : memref<80x64xf32, #tpu.memory_space<vmem>>) dst(%dma_wait3A_486 : memref<10240x64xf32, #tpu.memory_space<vmem_shared>>)
        tpu.yield
      }) : () -> ()
      %dma_start3A_440 = arith.constant 249 : i32
      %dma_start3A_441 = arith.constant 0 : i32
      %dma_start3A_442 = arith.constant 0 : i32
      %dma_start3A_443 = arith.constant 0 : i32
      %dma_start3A_444 = tpu.memref_slice %arg8[%dma_start3A_441, %dma_start3A_442, %dma_start3A_443] : memref<8x80x64xf32, #tpu.memory_space<vmem>> -> memref<1x80x64xf32, #tpu.memory_space<vmem>>
      %dma_start3A_445 = tpu.memref_squeeze %dma_start3A_444 : memref<1x80x64xf32, #tpu.memory_space<vmem>> -> memref<80x64xf32, #tpu.memory_space<vmem>>
      %dma_start3A_446 = arith.constant 0 : i32
      %dma_start3A_447 = tpu.memref_slice %arg6[%dma_start3A_440, %dma_start3A_446] : memref<250x80xi32, #tpu.memory_space<vmem>> -> memref<1x80xi32, #tpu.memory_space<vmem>>
      %dma_start3A_448 = tpu.memref_squeeze %dma_start3A_447 : memref<1x80xi32, #tpu.memory_space<vmem>> -> memref<80xi32, #tpu.memory_space<vmem>>
      %dma_start3A_449 = arith.constant 0 : i32
      %dma_start3A_450 = arith.constant 0 : i32
      %dma_start3A_451 = tpu.memref_slice %arg2[%dma_start3A_449, %dma_start3A_450] : memref<10000x64xf32, #tpu.memory_space<hbm>> -> memref<10000x64xf32, #tpu.memory_space<hbm>>
      tpu.enqueue_indirect_dma source(%dma_start3A_451 : memref<10000x64xf32, #tpu.memory_space<hbm>>) target(%dma_start3A_445 : memref<80x64xf32, #tpu.memory_space<vmem>>) offsets(%dma_start3A_448 : memref<80xi32, #tpu.memory_space<vmem>>) semaphore(%arg11 : memref<!tpu.dma_semaphore, #tpu.memory_space<semaphore_mem>>)
      %dma_wait3A_452 = arith.constant 249 : i32
      %dma_wait3A_453 = arith.constant 0 : i32
      %dma_wait3A_454 = arith.constant 0 : i32
      %dma_wait3A_455 = arith.constant 0 : i32
      %dma_wait3A_456 = tpu.memref_slice %arg8[%dma_wait3A_453, %dma_wait3A_454, %dma_wait3A_455] : memref<8x80x64xf32, #tpu.memory_space<vmem>> -> memref<1x80x64xf32, #tpu.memory_space<vmem>>
      %dma_wait3A_457 = tpu.memref_squeeze %dma_wait3A_456 : memref<1x80x64xf32, #tpu.memory_space<vmem>> -> memref<80x64xf32, #tpu.memory_space<vmem>>
      %dma_wait3A_458 = arith.constant 0 : i32
      %dma_wait3A_459 = tpu.memref_slice %arg6[%dma_wait3A_452, %dma_wait3A_458] : memref<250x80xi32, #tpu.memory_space<vmem>> -> memref<1x80xi32, #tpu.memory_space<vmem>>
      %dma_wait3A_460 = tpu.memref_squeeze %dma_wait3A_459 : memref<1x80xi32, #tpu.memory_space<vmem>> -> memref<80xi32, #tpu.memory_space<vmem>>
      %dma_wait3A_461 = arith.constant 0 : i32
      %dma_wait3A_462 = arith.constant 0 : i32
      %dma_wait3A_463 = tpu.memref_slice %arg2[%dma_wait3A_461, %dma_wait3A_462] : memref<10000x64xf32, #tpu.memory_space<hbm>> -> memref<10000x64xf32, #tpu.memory_space<hbm>>
      tpu.wait_indirect_dma semaphore(%arg11 : memref<!tpu.dma_semaphore, #tpu.memory_space<semaphore_mem>>) src(%dma_wait3A_463 : memref<10000x64xf32, #tpu.memory_space<hbm>>) dst(%dma_wait3A_457 : memref<80x64xf32, #tpu.memory_space<vmem>>)
      %run_scoped3A_464 = arith.constant 0 : i32
      %run_scoped3A_465 = arith.constant 249 : i32
      "tpu.region"() ({
        %run_scoped3A_466 = tpu.sem_alloc : memref<!tpu.dma_semaphore, #tpu.memory_space<semaphore_mem>>
        %dma_start3A_467 = arith.constant 0 : i32
        %dma_start3A_468 = arith.constant 0 : i32
        %dma_start3A_469 = tpu.memref_slice %arg8[%run_scoped3A_464, %dma_start3A_467, %dma_start3A_468] : memref<8x80x64xf32, #tpu.memory_space<vmem>> -> memref<1x80x64xf32, #tpu.memory_space<vmem>>
        %dma_start3A_470 = tpu.memref_squeeze %dma_start3A_469 : memref<1x80x64xf32, #tpu.memory_space<vmem>> -> memref<80x64xf32, #tpu.memory_space<vmem>>
        %dma_start3A_471 = arith.constant 0 : i32
        %dma_start3A_472 = tpu.memref_slice %arg7[%run_scoped3A_465, %dma_start3A_471] : memref<250x80xi32, #tpu.memory_space<vmem>> -> memref<1x80xi32, #tpu.memory_space<vmem>>
        %dma_start3A_473 = tpu.memref_squeeze %dma_start3A_472 : memref<1x80xi32, #tpu.memory_space<vmem>> -> memref<80xi32, #tpu.memory_space<vmem>>
        %dma_start3A_474 = arith.constant 0 : i32
        %dma_start3A_475 = arith.constant 0 : i32
        %dma_start3A_476 = tpu.memref_slice %arg10[%dma_start3A_474, %dma_start3A_475] : memref<10240x64xf32, #tpu.memory_space<vmem_shared>> -> memref<10240x64xf32, #tpu.memory_space<vmem_shared>>
        tpu.enqueue_indirect_dma source(%dma_start3A_470 : memref<80x64xf32, #tpu.memory_space<vmem>>) target(%dma_start3A_476 : memref<10240x64xf32, #tpu.memory_space<vmem_shared>>) offsets(%dma_start3A_473 : memref<80xi32, #tpu.memory_space<vmem>>) semaphore(%run_scoped3A_466 : memref<!tpu.dma_semaphore, #tpu.memory_space<semaphore_mem>>) {add = true}
        %dma_wait3A_477 = arith.constant 0 : i32
        %dma_wait3A_478 = arith.constant 0 : i32
        %dma_wait3A_479 = tpu.memref_slice %arg8[%run_scoped3A_464, %dma_wait3A_477, %dma_wait3A_478] : memref<8x80x64xf32, #tpu.memory_space<vmem>> -> memref<1x80x64xf32, #tpu.memory_space<vmem>>
        %dma_wait3A_480 = tpu.memref_squeeze %dma_wait3A_479 : memref<1x80x64xf32, #tpu.memory_space<vmem>> -> memref<80x64xf32, #tpu.memory_space<vmem>>
        %dma_wait3A_481 = arith.constant 0 : i32
        %dma_wait3A_482 = tpu.memref_slice %arg7[%run_scoped3A_465, %dma_wait3A_481] : memref<250x80xi32, #tpu.memory_space<vmem>> -> memref<1x80xi32, #tpu.memory_space<vmem>>
        %dma_wait3A_483 = tpu.memref_squeeze %dma_wait3A_482 : memref<1x80xi32, #tpu.memory_space<vmem>> -> memref<80xi32, #tpu.memory_space<vmem>>
        %dma_wait3A_484 = arith.constant 0 : i32
        %dma_wait3A_485 = arith.constant 0 : i32
        %dma_wait3A_486 = tpu.memref_slice %arg10[%dma_wait3A_484, %dma_wait3A_485] : memref<10240x64xf32, #tpu.memory_space<vmem_shared>> -> memref<10240x64xf32, #tpu.memory_space<vmem_shared>>
        tpu.wait_indirect_dma semaphore(%run_scoped3A_466 : memref<!tpu.dma_semaphore, #tpu.memory_space<semaphore_mem>>) src(%dma_wait3A_480 : memref<80x64xf32, #tpu.memory_space<vmem>>) dst(%dma_wait3A_486 : memref<10240x64xf32, #tpu.memory_space<vmem_shared>>)
        tpu.yield
      }) : () -> ()
    } else {
    }
    %eq3A_16 = arith.constant 1 : i32
    %eq3A_17 = arith.cmpi eq, %arg0, %eq3A_16 : i32
    %convert_element_type3A_18 = arith.extui %eq3A_17 : i1 to i32
    %cond3A_19 = arith.constant 0 : i32
    %cond3A_20 = arith.cmpi ne, %convert_element_type3A_18, %cond3A_19 : i32
    scf.if %cond3A_20 {
      %dma_start3A = arith.constant 0 : i32
      %dma_start3A_25 = arith.constant 0 : i32
      %dma_start3A_26 = arith.constant 0 : i32
      %dma_start3A_27 = arith.constant 0 : i32
      %dma_start3A_28 = tpu.memref_slice %arg8[%dma_start3A_25, %dma_start3A_26, %dma_start3A_27] : memref<8x80x64xf32, #tpu.memory_space<vmem>> -> memref<1x80x64xf32, #tpu.memory_space<vmem>>
      %dma_start3A_29 = tpu.memref_squeeze %dma_start3A_28 : memref<1x80x64xf32, #tpu.memory_space<vmem>> -> memref<80x64xf32, #tpu.memory_space<vmem>>
      %dma_start3A_30 = arith.constant 0 : i32
      %dma_start3A_31 = tpu.memref_slice %arg6[%dma_start3A, %dma_start3A_30] : memref<250x80xi32, #tpu.memory_space<vmem>> -> memref<1x80xi32, #tpu.memory_space<vmem>>
      %dma_start3A_32 = tpu.memref_squeeze %dma_start3A_31 : memref<1x80xi32, #tpu.memory_space<vmem>> -> memref<80xi32, #tpu.memory_space<vmem>>
      %dma_start3A_33 = arith.constant 0 : i32
      %dma_start3A_34 = arith.constant 0 : i32
      %dma_start3A_35 = tpu.memref_slice %arg3[%dma_start3A_33, %dma_start3A_34] : memref<10000x64xf32, #tpu.memory_space<hbm>> -> memref<10000x64xf32, #tpu.memory_space<hbm>>
      tpu.enqueue_indirect_dma source(%dma_start3A_35 : memref<10000x64xf32, #tpu.memory_space<hbm>>) target(%dma_start3A_29 : memref<80x64xf32, #tpu.memory_space<vmem>>) offsets(%dma_start3A_32 : memref<80xi32, #tpu.memory_space<vmem>>) semaphore(%arg11 : memref<!tpu.dma_semaphore, #tpu.memory_space<semaphore_mem>>)
      %dma_start3A_36 = arith.constant 1 : i32
      %dma_start3A_37 = arith.constant 1 : i32
      %dma_start3A_38 = arith.constant 0 : i32
      %dma_start3A_39 = arith.constant 0 : i32
      %dma_start3A_40 = tpu.memref_slice %arg8[%dma_start3A_37, %dma_start3A_38, %dma_start3A_39] : memref<8x80x64xf32, #tpu.memory_space<vmem>> -> memref<1x80x64xf32, #tpu.memory_space<vmem>>
      %dma_start3A_41 = tpu.memref_squeeze %dma_start3A_40 : memref<1x80x64xf32, #tpu.memory_space<vmem>> -> memref<80x64xf32, #tpu.memory_space<vmem>>
      %dma_start3A_42 = arith.constant 0 : i32
      %dma_start3A_43 = tpu.memref_slice %arg6[%dma_start3A_36, %dma_start3A_42] : memref<250x80xi32, #tpu.memory_space<vmem>> -> memref<1x80xi32, #tpu.memory_space<vmem>>
      %dma_start3A_44 = tpu.memref_squeeze %dma_start3A_43 : memref<1x80xi32, #tpu.memory_space<vmem>> -> memref<80xi32, #tpu.memory_space<vmem>>
      %dma_start3A_45 = arith.constant 0 : i32
      %dma_start3A_46 = arith.constant 0 : i32
      %dma_start3A_47 = tpu.memref_slice %arg3[%dma_start3A_45, %dma_start3A_46] : memref<10000x64xf32, #tpu.memory_space<hbm>> -> memref<10000x64xf32, #tpu.memory_space<hbm>>
      tpu.enqueue_indirect_dma source(%dma_start3A_47 : memref<10000x64xf32, #tpu.memory_space<hbm>>) target(%dma_start3A_41 : memref<80x64xf32, #tpu.memory_space<vmem>>) offsets(%dma_start3A_44 : memref<80xi32, #tpu.memory_space<vmem>>) semaphore(%arg11 : memref<!tpu.dma_semaphore, #tpu.memory_space<semaphore_mem>>)
      %dma_start3A_48 = arith.constant 2 : i32
      %dma_start3A_49 = arith.constant 2 : i32
      %dma_start3A_50 = arith.constant 0 : i32
      %dma_start3A_51 = arith.constant 0 : i32
      %dma_start3A_52 = tpu.memref_slice %arg8[%dma_start3A_49, %dma_start3A_50, %dma_start3A_51] : memref<8x80x64xf32, #tpu.memory_space<vmem>> -> memref<1x80x64xf32, #tpu.memory_space<vmem>>
      %dma_start3A_53 = tpu.memref_squeeze %dma_start3A_52 : memref<1x80x64xf32, #tpu.memory_space<vmem>> -> memref<80x64xf32, #tpu.memory_space<vmem>>
      %dma_start3A_54 = arith.constant 0 : i32
      %dma_start3A_55 = tpu.memref_slice %arg6[%dma_start3A_48, %dma_start3A_54] : memref<250x80xi32, #tpu.memory_space<vmem>> -> memref<1x80xi32, #tpu.memory_space<vmem>>
      %dma_start3A_56 = tpu.memref_squeeze %dma_start3A_55 : memref<1x80xi32, #tpu.memory_space<vmem>> -> memref<80xi32, #tpu.memory_space<vmem>>
      %dma_start3A_57 = arith.constant 0 : i32
      %dma_start3A_58 = arith.constant 0 : i32
      %dma_start3A_59 = tpu.memref_slice %arg3[%dma_start3A_57, %dma_start3A_58] : memref<10000x64xf32, #tpu.memory_space<hbm>> -> memref<10000x64xf32, #tpu.memory_space<hbm>>
      tpu.enqueue_indirect_dma source(%dma_start3A_59 : memref<10000x64xf32, #tpu.memory_space<hbm>>) target(%dma_start3A_53 : memref<80x64xf32, #tpu.memory_space<vmem>>) offsets(%dma_start3A_56 : memref<80xi32, #tpu.memory_space<vmem>>) semaphore(%arg11 : memref<!tpu.dma_semaphore, #tpu.memory_space<semaphore_mem>>)
      %dma_start3A_60 = arith.constant 3 : i32
      %dma_start3A_61 = arith.constant 3 : i32
      %dma_start3A_62 = arith.constant 0 : i32
      %dma_start3A_63 = arith.constant 0 : i32
      %dma_start3A_64 = tpu.memref_slice %arg8[%dma_start3A_61, %dma_start3A_62, %dma_start3A_63] : memref<8x80x64xf32, #tpu.memory_space<vmem>> -> memref<1x80x64xf32, #tpu.memory_space<vmem>>
      %dma_start3A_65 = tpu.memref_squeeze %dma_start3A_64 : memref<1x80x64xf32, #tpu.memory_space<vmem>> -> memref<80x64xf32, #tpu.memory_space<vmem>>
      %dma_start3A_66 = arith.constant 0 : i32
      %dma_start3A_67 = tpu.memref_slice %arg6[%dma_start3A_60, %dma_start3A_66] : memref<250x80xi32, #tpu.memory_space<vmem>> -> memref<1x80xi32, #tpu.memory_space<vmem>>
      %dma_start3A_68 = tpu.memref_squeeze %dma_start3A_67 : memref<1x80xi32, #tpu.memory_space<vmem>> -> memref<80xi32, #tpu.memory_space<vmem>>
      %dma_start3A_69 = arith.constant 0 : i32
      %dma_start3A_70 = arith.constant 0 : i32
      %dma_start3A_71 = tpu.memref_slice %arg3[%dma_start3A_69, %dma_start3A_70] : memref<10000x64xf32, #tpu.memory_space<hbm>> -> memref<10000x64xf32, #tpu.memory_space<hbm>>
      tpu.enqueue_indirect_dma source(%dma_start3A_71 : memref<10000x64xf32, #tpu.memory_space<hbm>>) target(%dma_start3A_65 : memref<80x64xf32, #tpu.memory_space<vmem>>) offsets(%dma_start3A_68 : memref<80xi32, #tpu.memory_space<vmem>>) semaphore(%arg11 : memref<!tpu.dma_semaphore, #tpu.memory_space<semaphore_mem>>)
      %dma_start3A_72 = arith.constant 4 : i32
      %dma_start3A_73 = arith.constant 4 : i32
      %dma_start3A_74 = arith.constant 0 : i32
      %dma_start3A_75 = arith.constant 0 : i32
      %dma_start3A_76 = tpu.memref_slice %arg8[%dma_start3A_73, %dma_start3A_74, %dma_start3A_75] : memref<8x80x64xf32, #tpu.memory_space<vmem>> -> memref<1x80x64xf32, #tpu.memory_space<vmem>>
      %dma_start3A_77 = tpu.memref_squeeze %dma_start3A_76 : memref<1x80x64xf32, #tpu.memory_space<vmem>> -> memref<80x64xf32, #tpu.memory_space<vmem>>
      %dma_start3A_78 = arith.constant 0 : i32
      %dma_start3A_79 = tpu.memref_slice %arg6[%dma_start3A_72, %dma_start3A_78] : memref<250x80xi32, #tpu.memory_space<vmem>> -> memref<1x80xi32, #tpu.memory_space<vmem>>
      %dma_start3A_80 = tpu.memref_squeeze %dma_start3A_79 : memref<1x80xi32, #tpu.memory_space<vmem>> -> memref<80xi32, #tpu.memory_space<vmem>>
      %dma_start3A_81 = arith.constant 0 : i32
      %dma_start3A_82 = arith.constant 0 : i32
      %dma_start3A_83 = tpu.memref_slice %arg3[%dma_start3A_81, %dma_start3A_82] : memref<10000x64xf32, #tpu.memory_space<hbm>> -> memref<10000x64xf32, #tpu.memory_space<hbm>>
      tpu.enqueue_indirect_dma source(%dma_start3A_83 : memref<10000x64xf32, #tpu.memory_space<hbm>>) target(%dma_start3A_77 : memref<80x64xf32, #tpu.memory_space<vmem>>) offsets(%dma_start3A_80 : memref<80xi32, #tpu.memory_space<vmem>>) semaphore(%arg11 : memref<!tpu.dma_semaphore, #tpu.memory_space<semaphore_mem>>)
      %dma_start3A_84 = arith.constant 5 : i32
      %dma_start3A_85 = arith.constant 5 : i32
      %dma_start3A_86 = arith.constant 0 : i32
      %dma_start3A_87 = arith.constant 0 : i32
      %dma_start3A_88 = tpu.memref_slice %arg8[%dma_start3A_85, %dma_start3A_86, %dma_start3A_87] : memref<8x80x64xf32, #tpu.memory_space<vmem>> -> memref<1x80x64xf32, #tpu.memory_space<vmem>>
      %dma_start3A_89 = tpu.memref_squeeze %dma_start3A_88 : memref<1x80x64xf32, #tpu.memory_space<vmem>> -> memref<80x64xf32, #tpu.memory_space<vmem>>
      %dma_start3A_90 = arith.constant 0 : i32
      %dma_start3A_91 = tpu.memref_slice %arg6[%dma_start3A_84, %dma_start3A_90] : memref<250x80xi32, #tpu.memory_space<vmem>> -> memref<1x80xi32, #tpu.memory_space<vmem>>
      %dma_start3A_92 = tpu.memref_squeeze %dma_start3A_91 : memref<1x80xi32, #tpu.memory_space<vmem>> -> memref<80xi32, #tpu.memory_space<vmem>>
      %dma_start3A_93 = arith.constant 0 : i32
      %dma_start3A_94 = arith.constant 0 : i32
      %dma_start3A_95 = tpu.memref_slice %arg3[%dma_start3A_93, %dma_start3A_94] : memref<10000x64xf32, #tpu.memory_space<hbm>> -> memref<10000x64xf32, #tpu.memory_space<hbm>>
      tpu.enqueue_indirect_dma source(%dma_start3A_95 : memref<10000x64xf32, #tpu.memory_space<hbm>>) target(%dma_start3A_89 : memref<80x64xf32, #tpu.memory_space<vmem>>) offsets(%dma_start3A_92 : memref<80xi32, #tpu.memory_space<vmem>>) semaphore(%arg11 : memref<!tpu.dma_semaphore, #tpu.memory_space<semaphore_mem>>)
      %dma_start3A_96 = arith.constant 6 : i32
      %dma_start3A_97 = arith.constant 6 : i32
      %dma_start3A_98 = arith.constant 0 : i32
      %dma_start3A_99 = arith.constant 0 : i32
      %dma_start3A_100 = tpu.memref_slice %arg8[%dma_start3A_97, %dma_start3A_98, %dma_start3A_99] : memref<8x80x64xf32, #tpu.memory_space<vmem>> -> memref<1x80x64xf32, #tpu.memory_space<vmem>>
      %dma_start3A_101 = tpu.memref_squeeze %dma_start3A_100 : memref<1x80x64xf32, #tpu.memory_space<vmem>> -> memref<80x64xf32, #tpu.memory_space<vmem>>
      %dma_start3A_102 = arith.constant 0 : i32
      %dma_start3A_103 = tpu.memref_slice %arg6[%dma_start3A_96, %dma_start3A_102] : memref<250x80xi32, #tpu.memory_space<vmem>> -> memref<1x80xi32, #tpu.memory_space<vmem>>
      %dma_start3A_104 = tpu.memref_squeeze %dma_start3A_103 : memref<1x80xi32, #tpu.memory_space<vmem>> -> memref<80xi32, #tpu.memory_space<vmem>>
      %dma_start3A_105 = arith.constant 0 : i32
      %dma_start3A_106 = arith.constant 0 : i32
      %dma_start3A_107 = tpu.memref_slice %arg3[%dma_start3A_105, %dma_start3A_106] : memref<10000x64xf32, #tpu.memory_space<hbm>> -> memref<10000x64xf32, #tpu.memory_space<hbm>>
      tpu.enqueue_indirect_dma source(%dma_start3A_107 : memref<10000x64xf32, #tpu.memory_space<hbm>>) target(%dma_start3A_101 : memref<80x64xf32, #tpu.memory_space<vmem>>) offsets(%dma_start3A_104 : memref<80xi32, #tpu.memory_space<vmem>>) semaphore(%arg11 : memref<!tpu.dma_semaphore, #tpu.memory_space<semaphore_mem>>)
      %dma_start3A_108 = arith.constant 7 : i32
      %dma_start3A_109 = arith.constant 7 : i32
      %dma_start3A_110 = arith.constant 0 : i32
      %dma_start3A_111 = arith.constant 0 : i32
      %dma_start3A_112 = tpu.memref_slice %arg8[%dma_start3A_109, %dma_start3A_110, %dma_start3A_111] : memref<8x80x64xf32, #tpu.memory_space<vmem>> -> memref<1x80x64xf32, #tpu.memory_space<vmem>>
      %dma_start3A_113 = tpu.memref_squeeze %dma_start3A_112 : memref<1x80x64xf32, #tpu.memory_space<vmem>> -> memref<80x64xf32, #tpu.memory_space<vmem>>
      %dma_start3A_114 = arith.constant 0 : i32
      %dma_start3A_115 = tpu.memref_slice %arg6[%dma_start3A_108, %dma_start3A_114] : memref<250x80xi32, #tpu.memory_space<vmem>> -> memref<1x80xi32, #tpu.memory_space<vmem>>
      %dma_start3A_116 = tpu.memref_squeeze %dma_start3A_115 : memref<1x80xi32, #tpu.memory_space<vmem>> -> memref<80xi32, #tpu.memory_space<vmem>>
      %dma_start3A_117 = arith.constant 0 : i32
      %dma_start3A_118 = arith.constant 0 : i32
      %dma_start3A_119 = tpu.memref_slice %arg3[%dma_start3A_117, %dma_start3A_118] : memref<10000x64xf32, #tpu.memory_space<hbm>> -> memref<10000x64xf32, #tpu.memory_space<hbm>>
      tpu.enqueue_indirect_dma source(%dma_start3A_119 : memref<10000x64xf32, #tpu.memory_space<hbm>>) target(%dma_start3A_113 : memref<80x64xf32, #tpu.memory_space<vmem>>) offsets(%dma_start3A_116 : memref<80xi32, #tpu.memory_space<vmem>>) semaphore(%arg11 : memref<!tpu.dma_semaphore, #tpu.memory_space<semaphore_mem>>)
      %scan3A_120 = arith.constant 0 : i32
      %scan3A_121 = arith.constant 0 : i32
      %scan3A_122 = arith.constant 60 : i32
      %scan3A_123 = arith.addi %scan3A_121, %scan3A_122 : i32
      %scan3A_124 = arith.constant 1 : i32
      %scan3A_125 = scf.for %scan3A_466 = %scan3A_121 to %scan3A_123 step %scan3A_124 iter_args(%scan3A_467 = %scan3A_120) -> (i32)  : i32 {
        %jit3A = arith.constant 2 : i32
        %eq3A_468 = arith.constant 0 : i32
        %eq3A_469 = arith.cmpi eq, %jit3A, %eq3A_468 : i32
        %jit3A_470 = arith.constant 1 : i32
        %select_n3A = arith.select %eq3A_469, %jit3A_470, %jit3A : i32
        %rem3A = arith.remsi %scan3A_466, %select_n3A : i32
        %ne3A = arith.constant 0 : i32
        %ne3A_471 = arith.cmpi ne, %rem3A, %ne3A : i32
        %lt3A = arith.constant 0 : i32
        %lt3A_472 = arith.cmpi slt, %rem3A, %lt3A : i32
        %lt3A_473 = arith.constant 0 : i32
        %lt3A_474 = arith.cmpi slt, %select_n3A, %lt3A_473 : i32
        %ne3A_475 = arith.xori %lt3A_472, %lt3A_474 : i1
        %and3A = arith.andi %ne3A_475, %ne3A_471 : i1
        %add3A = arith.addi %rem3A, %select_n3A : i32
        %select_n3A_476 = arith.select %and3A, %add3A, %rem3A : i32
        %mul3A_477 = arith.constant 4 : i32
        %mul3A_478 = arith.muli %select_n3A_476, %mul3A_477 : i32
        %add3A_479 = arith.constant 0 : i32
        %add3A_480 = arith.addi %mul3A_478, %add3A_479 : i32
        %dma_wait3A_481 = arith.constant 0 : i32
        %dma_wait3A_482 = arith.constant 0 : i32
        %dma_wait3A_483 = arith.constant 0 : i32
        %dma_wait3A_484 = tpu.memref_slice %arg8[%add3A_480, %dma_wait3A_482, %dma_wait3A_483] : memref<8x80x64xf32, #tpu.memory_space<vmem>> -> memref<1x80x64xf32, #tpu.memory_space<vmem>>
        %dma_wait3A_485 = tpu.memref_squeeze %dma_wait3A_484 : memref<1x80x64xf32, #tpu.memory_space<vmem>> -> memref<80x64xf32, #tpu.memory_space<vmem>>
        %dma_wait3A_486 = arith.constant 0 : i32
        %dma_wait3A_487 = tpu.memref_slice %arg6[%dma_wait3A_481, %dma_wait3A_486] : memref<250x80xi32, #tpu.memory_space<vmem>> -> memref<1x80xi32, #tpu.memory_space<vmem>>
        %dma_wait3A_488 = tpu.memref_squeeze %dma_wait3A_487 : memref<1x80xi32, #tpu.memory_space<vmem>> -> memref<80xi32, #tpu.memory_space<vmem>>
        %dma_wait3A_489 = arith.constant 0 : i32
        %dma_wait3A_490 = arith.constant 0 : i32
        %dma_wait3A_491 = tpu.memref_slice %arg3[%dma_wait3A_489, %dma_wait3A_490] : memref<10000x64xf32, #tpu.memory_space<hbm>> -> memref<10000x64xf32, #tpu.memory_space<hbm>>
        tpu.wait_indirect_dma semaphore(%arg11 : memref<!tpu.dma_semaphore, #tpu.memory_space<semaphore_mem>>) src(%dma_wait3A_491 : memref<10000x64xf32, #tpu.memory_space<hbm>>) dst(%dma_wait3A_485 : memref<80x64xf32, #tpu.memory_space<vmem>>)
        %add3A_492 = arith.constant 1 : i32
        %add3A_493 = arith.addi %mul3A_478, %add3A_492 : i32
        %dma_wait3A_494 = arith.constant 0 : i32
        %dma_wait3A_495 = arith.constant 0 : i32
        %dma_wait3A_496 = arith.constant 0 : i32
        %dma_wait3A_497 = tpu.memref_slice %arg8[%add3A_493, %dma_wait3A_495, %dma_wait3A_496] : memref<8x80x64xf32, #tpu.memory_space<vmem>> -> memref<1x80x64xf32, #tpu.memory_space<vmem>>
        %dma_wait3A_498 = tpu.memref_squeeze %dma_wait3A_497 : memref<1x80x64xf32, #tpu.memory_space<vmem>> -> memref<80x64xf32, #tpu.memory_space<vmem>>
        %dma_wait3A_499 = arith.constant 0 : i32
        %dma_wait3A_500 = tpu.memref_slice %arg6[%dma_wait3A_494, %dma_wait3A_499] : memref<250x80xi32, #tpu.memory_space<vmem>> -> memref<1x80xi32, #tpu.memory_space<vmem>>
        %dma_wait3A_501 = tpu.memref_squeeze %dma_wait3A_500 : memref<1x80xi32, #tpu.memory_space<vmem>> -> memref<80xi32, #tpu.memory_space<vmem>>
        %dma_wait3A_502 = arith.constant 0 : i32
        %dma_wait3A_503 = arith.constant 0 : i32
        %dma_wait3A_504 = tpu.memref_slice %arg3[%dma_wait3A_502, %dma_wait3A_503] : memref<10000x64xf32, #tpu.memory_space<hbm>> -> memref<10000x64xf32, #tpu.memory_space<hbm>>
        tpu.wait_indirect_dma semaphore(%arg11 : memref<!tpu.dma_semaphore, #tpu.memory_space<semaphore_mem>>) src(%dma_wait3A_504 : memref<10000x64xf32, #tpu.memory_space<hbm>>) dst(%dma_wait3A_498 : memref<80x64xf32, #tpu.memory_space<vmem>>)
        %add3A_505 = arith.constant 2 : i32
        %add3A_506 = arith.addi %mul3A_478, %add3A_505 : i32
        %dma_wait3A_507 = arith.constant 0 : i32
        %dma_wait3A_508 = arith.constant 0 : i32
        %dma_wait3A_509 = arith.constant 0 : i32
        %dma_wait3A_510 = tpu.memref_slice %arg8[%add3A_506, %dma_wait3A_508, %dma_wait3A_509] : memref<8x80x64xf32, #tpu.memory_space<vmem>> -> memref<1x80x64xf32, #tpu.memory_space<vmem>>
        %dma_wait3A_511 = tpu.memref_squeeze %dma_wait3A_510 : memref<1x80x64xf32, #tpu.memory_space<vmem>> -> memref<80x64xf32, #tpu.memory_space<vmem>>
        %dma_wait3A_512 = arith.constant 0 : i32
        %dma_wait3A_513 = tpu.memref_slice %arg6[%dma_wait3A_507, %dma_wait3A_512] : memref<250x80xi32, #tpu.memory_space<vmem>> -> memref<1x80xi32, #tpu.memory_space<vmem>>
        %dma_wait3A_514 = tpu.memref_squeeze %dma_wait3A_513 : memref<1x80xi32, #tpu.memory_space<vmem>> -> memref<80xi32, #tpu.memory_space<vmem>>
        %dma_wait3A_515 = arith.constant 0 : i32
        %dma_wait3A_516 = arith.constant 0 : i32
        %dma_wait3A_517 = tpu.memref_slice %arg3[%dma_wait3A_515, %dma_wait3A_516] : memref<10000x64xf32, #tpu.memory_space<hbm>> -> memref<10000x64xf32, #tpu.memory_space<hbm>>
        tpu.wait_indirect_dma semaphore(%arg11 : memref<!tpu.dma_semaphore, #tpu.memory_space<semaphore_mem>>) src(%dma_wait3A_517 : memref<10000x64xf32, #tpu.memory_space<hbm>>) dst(%dma_wait3A_511 : memref<80x64xf32, #tpu.memory_space<vmem>>)
        %add3A_518 = arith.constant 3 : i32
        %add3A_519 = arith.addi %mul3A_478, %add3A_518 : i32
        %dma_wait3A_520 = arith.constant 0 : i32
        %dma_wait3A_521 = arith.constant 0 : i32
        %dma_wait3A_522 = arith.constant 0 : i32
        %dma_wait3A_523 = tpu.memref_slice %arg8[%add3A_519, %dma_wait3A_521, %dma_wait3A_522] : memref<8x80x64xf32, #tpu.memory_space<vmem>> -> memref<1x80x64xf32, #tpu.memory_space<vmem>>
        %dma_wait3A_524 = tpu.memref_squeeze %dma_wait3A_523 : memref<1x80x64xf32, #tpu.memory_space<vmem>> -> memref<80x64xf32, #tpu.memory_space<vmem>>
        %dma_wait3A_525 = arith.constant 0 : i32
        %dma_wait3A_526 = tpu.memref_slice %arg6[%dma_wait3A_520, %dma_wait3A_525] : memref<250x80xi32, #tpu.memory_space<vmem>> -> memref<1x80xi32, #tpu.memory_space<vmem>>
        %dma_wait3A_527 = tpu.memref_squeeze %dma_wait3A_526 : memref<1x80xi32, #tpu.memory_space<vmem>> -> memref<80xi32, #tpu.memory_space<vmem>>
        %dma_wait3A_528 = arith.constant 0 : i32
        %dma_wait3A_529 = arith.constant 0 : i32
        %dma_wait3A_530 = tpu.memref_slice %arg3[%dma_wait3A_528, %dma_wait3A_529] : memref<10000x64xf32, #tpu.memory_space<hbm>> -> memref<10000x64xf32, #tpu.memory_space<hbm>>
        tpu.wait_indirect_dma semaphore(%arg11 : memref<!tpu.dma_semaphore, #tpu.memory_space<semaphore_mem>>) src(%dma_wait3A_530 : memref<10000x64xf32, #tpu.memory_space<hbm>>) dst(%dma_wait3A_524 : memref<80x64xf32, #tpu.memory_space<vmem>>)
        %add3A_531 = arith.constant 0 : i32
        %add3A_532 = arith.addi %mul3A_478, %add3A_531 : i32
        %mul3A_533 = arith.constant 4 : i32
        %mul3A_534 = arith.muli %scan3A_466, %mul3A_533 : i32
        %add3A_535 = arith.constant 0 : i32
        %add3A_536 = arith.addi %mul3A_534, %add3A_535 : i32
        %dma_start3A_537 = arith.constant 0 : i32
        %dma_start3A_538 = arith.constant 0 : i32
        %dma_start3A_539 = tpu.memref_slice %arg8[%add3A_532, %dma_start3A_537, %dma_start3A_538] : memref<8x80x64xf32, #tpu.memory_space<vmem>> -> memref<1x80x64xf32, #tpu.memory_space<vmem>>
        %dma_start3A_540 = tpu.memref_squeeze %dma_start3A_539 : memref<1x80x64xf32, #tpu.memory_space<vmem>> -> memref<80x64xf32, #tpu.memory_space<vmem>>
        %dma_start3A_541 = arith.constant 0 : i32
        %dma_start3A_542 = tpu.memref_slice %arg7[%add3A_536, %dma_start3A_541] : memref<250x80xi32, #tpu.memory_space<vmem>> -> memref<1x80xi32, #tpu.memory_space<vmem>>
        %dma_start3A_543 = tpu.memref_squeeze %dma_start3A_542 : memref<1x80xi32, #tpu.memory_space<vmem>> -> memref<80xi32, #tpu.memory_space<vmem>>
        %dma_start3A_544 = arith.constant 0 : i32
        %dma_start3A_545 = arith.constant 0 : i32
        %dma_start3A_546 = tpu.memref_slice %arg10[%dma_start3A_544, %dma_start3A_545] : memref<10240x64xf32, #tpu.memory_space<vmem_shared>> -> memref<10240x64xf32, #tpu.memory_space<vmem_shared>>
        tpu.enqueue_indirect_dma source(%dma_start3A_540 : memref<80x64xf32, #tpu.memory_space<vmem>>) target(%dma_start3A_546 : memref<10240x64xf32, #tpu.memory_space<vmem_shared>>) offsets(%dma_start3A_543 : memref<80xi32, #tpu.memory_space<vmem>>) semaphore(%arg12 : memref<!tpu.dma_semaphore, #tpu.memory_space<semaphore_mem>>) {add = true}
        %add3A_547 = arith.constant 1 : i32
        %add3A_548 = arith.addi %mul3A_478, %add3A_547 : i32
        %mul3A_549 = arith.constant 4 : i32
        %mul3A_550 = arith.muli %scan3A_466, %mul3A_549 : i32
        %add3A_551 = arith.constant 1 : i32
        %add3A_552 = arith.addi %mul3A_550, %add3A_551 : i32
        %dma_start3A_553 = arith.constant 0 : i32
        %dma_start3A_554 = arith.constant 0 : i32
        %dma_start3A_555 = tpu.memref_slice %arg8[%add3A_548, %dma_start3A_553, %dma_start3A_554] : memref<8x80x64xf32, #tpu.memory_space<vmem>> -> memref<1x80x64xf32, #tpu.memory_space<vmem>>
        %dma_start3A_556 = tpu.memref_squeeze %dma_start3A_555 : memref<1x80x64xf32, #tpu.memory_space<vmem>> -> memref<80x64xf32, #tpu.memory_space<vmem>>
        %dma_start3A_557 = arith.constant 0 : i32
        %dma_start3A_558 = tpu.memref_slice %arg7[%add3A_552, %dma_start3A_557] : memref<250x80xi32, #tpu.memory_space<vmem>> -> memref<1x80xi32, #tpu.memory_space<vmem>>
        %dma_start3A_559 = tpu.memref_squeeze %dma_start3A_558 : memref<1x80xi32, #tpu.memory_space<vmem>> -> memref<80xi32, #tpu.memory_space<vmem>>
        %dma_start3A_560 = arith.constant 0 : i32
        %dma_start3A_561 = arith.constant 0 : i32
        %dma_start3A_562 = tpu.memref_slice %arg10[%dma_start3A_560, %dma_start3A_561] : memref<10240x64xf32, #tpu.memory_space<vmem_shared>> -> memref<10240x64xf32, #tpu.memory_space<vmem_shared>>
        tpu.enqueue_indirect_dma source(%dma_start3A_556 : memref<80x64xf32, #tpu.memory_space<vmem>>) target(%dma_start3A_562 : memref<10240x64xf32, #tpu.memory_space<vmem_shared>>) offsets(%dma_start3A_559 : memref<80xi32, #tpu.memory_space<vmem>>) semaphore(%arg12 : memref<!tpu.dma_semaphore, #tpu.memory_space<semaphore_mem>>) {add = true}
        %add3A_563 = arith.constant 2 : i32
        %add3A_564 = arith.addi %mul3A_478, %add3A_563 : i32
        %mul3A_565 = arith.constant 4 : i32
        %mul3A_566 = arith.muli %scan3A_466, %mul3A_565 : i32
        %add3A_567 = arith.constant 2 : i32
        %add3A_568 = arith.addi %mul3A_566, %add3A_567 : i32
        %dma_start3A_569 = arith.constant 0 : i32
        %dma_start3A_570 = arith.constant 0 : i32
        %dma_start3A_571 = tpu.memref_slice %arg8[%add3A_564, %dma_start3A_569, %dma_start3A_570] : memref<8x80x64xf32, #tpu.memory_space<vmem>> -> memref<1x80x64xf32, #tpu.memory_space<vmem>>
        %dma_start3A_572 = tpu.memref_squeeze %dma_start3A_571 : memref<1x80x64xf32, #tpu.memory_space<vmem>> -> memref<80x64xf32, #tpu.memory_space<vmem>>
        %dma_start3A_573 = arith.constant 0 : i32
        %dma_start3A_574 = tpu.memref_slice %arg7[%add3A_568, %dma_start3A_573] : memref<250x80xi32, #tpu.memory_space<vmem>> -> memref<1x80xi32, #tpu.memory_space<vmem>>
        %dma_start3A_575 = tpu.memref_squeeze %dma_start3A_574 : memref<1x80xi32, #tpu.memory_space<vmem>> -> memref<80xi32, #tpu.memory_space<vmem>>
        %dma_start3A_576 = arith.constant 0 : i32
        %dma_start3A_577 = arith.constant 0 : i32
        %dma_start3A_578 = tpu.memref_slice %arg10[%dma_start3A_576, %dma_start3A_577] : memref<10240x64xf32, #tpu.memory_space<vmem_shared>> -> memref<10240x64xf32, #tpu.memory_space<vmem_shared>>
        tpu.enqueue_indirect_dma source(%dma_start3A_572 : memref<80x64xf32, #tpu.memory_space<vmem>>) target(%dma_start3A_578 : memref<10240x64xf32, #tpu.memory_space<vmem_shared>>) offsets(%dma_start3A_575 : memref<80xi32, #tpu.memory_space<vmem>>) semaphore(%arg12 : memref<!tpu.dma_semaphore, #tpu.memory_space<semaphore_mem>>) {add = true}
        %add3A_579 = arith.constant 3 : i32
        %add3A_580 = arith.addi %mul3A_478, %add3A_579 : i32
        %mul3A_581 = arith.constant 4 : i32
        %mul3A_582 = arith.muli %scan3A_466, %mul3A_581 : i32
        %add3A_583 = arith.constant 3 : i32
        %add3A_584 = arith.addi %mul3A_582, %add3A_583 : i32
        %dma_start3A_585 = arith.constant 0 : i32
        %dma_start3A_586 = arith.constant 0 : i32
        %dma_start3A_587 = tpu.memref_slice %arg8[%add3A_580, %dma_start3A_585, %dma_start3A_586] : memref<8x80x64xf32, #tpu.memory_space<vmem>> -> memref<1x80x64xf32, #tpu.memory_space<vmem>>
        %dma_start3A_588 = tpu.memref_squeeze %dma_start3A_587 : memref<1x80x64xf32, #tpu.memory_space<vmem>> -> memref<80x64xf32, #tpu.memory_space<vmem>>
        %dma_start3A_589 = arith.constant 0 : i32
        %dma_start3A_590 = tpu.memref_slice %arg7[%add3A_584, %dma_start3A_589] : memref<250x80xi32, #tpu.memory_space<vmem>> -> memref<1x80xi32, #tpu.memory_space<vmem>>
        %dma_start3A_591 = tpu.memref_squeeze %dma_start3A_590 : memref<1x80xi32, #tpu.memory_space<vmem>> -> memref<80xi32, #tpu.memory_space<vmem>>
        %dma_start3A_592 = arith.constant 0 : i32
        %dma_start3A_593 = arith.constant 0 : i32
        %dma_start3A_594 = tpu.memref_slice %arg10[%dma_start3A_592, %dma_start3A_593] : memref<10240x64xf32, #tpu.memory_space<vmem_shared>> -> memref<10240x64xf32, #tpu.memory_space<vmem_shared>>
        tpu.enqueue_indirect_dma source(%dma_start3A_588 : memref<80x64xf32, #tpu.memory_space<vmem>>) target(%dma_start3A_594 : memref<10240x64xf32, #tpu.memory_space<vmem_shared>>) offsets(%dma_start3A_591 : memref<80xi32, #tpu.memory_space<vmem>>) semaphore(%arg12 : memref<!tpu.dma_semaphore, #tpu.memory_space<semaphore_mem>>) {add = true}
        %add3A_595 = arith.constant 0 : i32
        %add3A_596 = arith.addi %mul3A_478, %add3A_595 : i32
        %dma_wait3A_597 = arith.constant 0 : i32
        %dma_wait3A_598 = arith.constant 0 : i32
        %dma_wait3A_599 = arith.constant 0 : i32
        %dma_wait3A_600 = tpu.memref_slice %arg8[%add3A_596, %dma_wait3A_598, %dma_wait3A_599] : memref<8x80x64xf32, #tpu.memory_space<vmem>> -> memref<1x80x64xf32, #tpu.memory_space<vmem>>
        %dma_wait3A_601 = tpu.memref_squeeze %dma_wait3A_600 : memref<1x80x64xf32, #tpu.memory_space<vmem>> -> memref<80x64xf32, #tpu.memory_space<vmem>>
        %dma_wait3A_602 = arith.constant 0 : i32
        %dma_wait3A_603 = tpu.memref_slice %arg7[%dma_wait3A_597, %dma_wait3A_602] : memref<250x80xi32, #tpu.memory_space<vmem>> -> memref<1x80xi32, #tpu.memory_space<vmem>>
        %dma_wait3A_604 = tpu.memref_squeeze %dma_wait3A_603 : memref<1x80xi32, #tpu.memory_space<vmem>> -> memref<80xi32, #tpu.memory_space<vmem>>
        %dma_wait3A_605 = arith.constant 0 : i32
        %dma_wait3A_606 = arith.constant 0 : i32
        %dma_wait3A_607 = tpu.memref_slice %arg10[%dma_wait3A_605, %dma_wait3A_606] : memref<10240x64xf32, #tpu.memory_space<vmem_shared>> -> memref<10240x64xf32, #tpu.memory_space<vmem_shared>>
        tpu.wait_indirect_dma semaphore(%arg12 : memref<!tpu.dma_semaphore, #tpu.memory_space<semaphore_mem>>) src(%dma_wait3A_601 : memref<80x64xf32, #tpu.memory_space<vmem>>) dst(%dma_wait3A_607 : memref<10240x64xf32, #tpu.memory_space<vmem_shared>>)
        %add3A_608 = arith.constant 1 : i32
        %add3A_609 = arith.addi %mul3A_478, %add3A_608 : i32
        %dma_wait3A_610 = arith.constant 0 : i32
        %dma_wait3A_611 = arith.constant 0 : i32
        %dma_wait3A_612 = arith.constant 0 : i32
        %dma_wait3A_613 = tpu.memref_slice %arg8[%add3A_609, %dma_wait3A_611, %dma_wait3A_612] : memref<8x80x64xf32, #tpu.memory_space<vmem>> -> memref<1x80x64xf32, #tpu.memory_space<vmem>>
        %dma_wait3A_614 = tpu.memref_squeeze %dma_wait3A_613 : memref<1x80x64xf32, #tpu.memory_space<vmem>> -> memref<80x64xf32, #tpu.memory_space<vmem>>
        %dma_wait3A_615 = arith.constant 0 : i32
        %dma_wait3A_616 = tpu.memref_slice %arg7[%dma_wait3A_610, %dma_wait3A_615] : memref<250x80xi32, #tpu.memory_space<vmem>> -> memref<1x80xi32, #tpu.memory_space<vmem>>
        %dma_wait3A_617 = tpu.memref_squeeze %dma_wait3A_616 : memref<1x80xi32, #tpu.memory_space<vmem>> -> memref<80xi32, #tpu.memory_space<vmem>>
        %dma_wait3A_618 = arith.constant 0 : i32
        %dma_wait3A_619 = arith.constant 0 : i32
        %dma_wait3A_620 = tpu.memref_slice %arg10[%dma_wait3A_618, %dma_wait3A_619] : memref<10240x64xf32, #tpu.memory_space<vmem_shared>> -> memref<10240x64xf32, #tpu.memory_space<vmem_shared>>
        tpu.wait_indirect_dma semaphore(%arg12 : memref<!tpu.dma_semaphore, #tpu.memory_space<semaphore_mem>>) src(%dma_wait3A_614 : memref<80x64xf32, #tpu.memory_space<vmem>>) dst(%dma_wait3A_620 : memref<10240x64xf32, #tpu.memory_space<vmem_shared>>)
        %add3A_621 = arith.constant 2 : i32
        %add3A_622 = arith.addi %mul3A_478, %add3A_621 : i32
        %dma_wait3A_623 = arith.constant 0 : i32
        %dma_wait3A_624 = arith.constant 0 : i32
        %dma_wait3A_625 = arith.constant 0 : i32
        %dma_wait3A_626 = tpu.memref_slice %arg8[%add3A_622, %dma_wait3A_624, %dma_wait3A_625] : memref<8x80x64xf32, #tpu.memory_space<vmem>> -> memref<1x80x64xf32, #tpu.memory_space<vmem>>
        %dma_wait3A_627 = tpu.memref_squeeze %dma_wait3A_626 : memref<1x80x64xf32, #tpu.memory_space<vmem>> -> memref<80x64xf32, #tpu.memory_space<vmem>>
        %dma_wait3A_628 = arith.constant 0 : i32
        %dma_wait3A_629 = tpu.memref_slice %arg7[%dma_wait3A_623, %dma_wait3A_628] : memref<250x80xi32, #tpu.memory_space<vmem>> -> memref<1x80xi32, #tpu.memory_space<vmem>>
        %dma_wait3A_630 = tpu.memref_squeeze %dma_wait3A_629 : memref<1x80xi32, #tpu.memory_space<vmem>> -> memref<80xi32, #tpu.memory_space<vmem>>
        %dma_wait3A_631 = arith.constant 0 : i32
        %dma_wait3A_632 = arith.constant 0 : i32
        %dma_wait3A_633 = tpu.memref_slice %arg10[%dma_wait3A_631, %dma_wait3A_632] : memref<10240x64xf32, #tpu.memory_space<vmem_shared>> -> memref<10240x64xf32, #tpu.memory_space<vmem_shared>>
        tpu.wait_indirect_dma semaphore(%arg12 : memref<!tpu.dma_semaphore, #tpu.memory_space<semaphore_mem>>) src(%dma_wait3A_627 : memref<80x64xf32, #tpu.memory_space<vmem>>) dst(%dma_wait3A_633 : memref<10240x64xf32, #tpu.memory_space<vmem_shared>>)
        %add3A_634 = arith.constant 3 : i32
        %add3A_635 = arith.addi %mul3A_478, %add3A_634 : i32
        %dma_wait3A_636 = arith.constant 0 : i32
        %dma_wait3A_637 = arith.constant 0 : i32
        %dma_wait3A_638 = arith.constant 0 : i32
        %dma_wait3A_639 = tpu.memref_slice %arg8[%add3A_635, %dma_wait3A_637, %dma_wait3A_638] : memref<8x80x64xf32, #tpu.memory_space<vmem>> -> memref<1x80x64xf32, #tpu.memory_space<vmem>>
        %dma_wait3A_640 = tpu.memref_squeeze %dma_wait3A_639 : memref<1x80x64xf32, #tpu.memory_space<vmem>> -> memref<80x64xf32, #tpu.memory_space<vmem>>
        %dma_wait3A_641 = arith.constant 0 : i32
        %dma_wait3A_642 = tpu.memref_slice %arg7[%dma_wait3A_636, %dma_wait3A_641] : memref<250x80xi32, #tpu.memory_space<vmem>> -> memref<1x80xi32, #tpu.memory_space<vmem>>
        %dma_wait3A_643 = tpu.memref_squeeze %dma_wait3A_642 : memref<1x80xi32, #tpu.memory_space<vmem>> -> memref<80xi32, #tpu.memory_space<vmem>>
        %dma_wait3A_644 = arith.constant 0 : i32
        %dma_wait3A_645 = arith.constant 0 : i32
        %dma_wait3A_646 = tpu.memref_slice %arg10[%dma_wait3A_644, %dma_wait3A_645] : memref<10240x64xf32, #tpu.memory_space<vmem_shared>> -> memref<10240x64xf32, #tpu.memory_space<vmem_shared>>
        tpu.wait_indirect_dma semaphore(%arg12 : memref<!tpu.dma_semaphore, #tpu.memory_space<semaphore_mem>>) src(%dma_wait3A_640 : memref<80x64xf32, #tpu.memory_space<vmem>>) dst(%dma_wait3A_646 : memref<10240x64xf32, #tpu.memory_space<vmem_shared>>)
        %add3A_647 = arith.constant 2 : i32
        %add3A_648 = arith.addi %scan3A_466, %add3A_647 : i32
        %mul3A_649 = arith.constant 4 : i32
        %mul3A_650 = arith.muli %add3A_648, %mul3A_649 : i32
        %add3A_651 = arith.constant 0 : i32
        %add3A_652 = arith.addi %mul3A_650, %add3A_651 : i32
        %add3A_653 = arith.constant 0 : i32
        %add3A_654 = arith.addi %mul3A_478, %add3A_653 : i32
        %dma_start3A_655 = arith.constant 0 : i32
        %dma_start3A_656 = arith.constant 0 : i32
        %dma_start3A_657 = tpu.memref_slice %arg8[%add3A_654, %dma_start3A_655, %dma_start3A_656] : memref<8x80x64xf32, #tpu.memory_space<vmem>> -> memref<1x80x64xf32, #tpu.memory_space<vmem>>
        %dma_start3A_658 = tpu.memref_squeeze %dma_start3A_657 : memref<1x80x64xf32, #tpu.memory_space<vmem>> -> memref<80x64xf32, #tpu.memory_space<vmem>>
        %dma_start3A_659 = arith.constant 0 : i32
        %dma_start3A_660 = tpu.memref_slice %arg6[%add3A_652, %dma_start3A_659] : memref<250x80xi32, #tpu.memory_space<vmem>> -> memref<1x80xi32, #tpu.memory_space<vmem>>
        %dma_start3A_661 = tpu.memref_squeeze %dma_start3A_660 : memref<1x80xi32, #tpu.memory_space<vmem>> -> memref<80xi32, #tpu.memory_space<vmem>>
        %dma_start3A_662 = arith.constant 0 : i32
        %dma_start3A_663 = arith.constant 0 : i32
        %dma_start3A_664 = tpu.memref_slice %arg3[%dma_start3A_662, %dma_start3A_663] : memref<10000x64xf32, #tpu.memory_space<hbm>> -> memref<10000x64xf32, #tpu.memory_space<hbm>>
        tpu.enqueue_indirect_dma source(%dma_start3A_664 : memref<10000x64xf32, #tpu.memory_space<hbm>>) target(%dma_start3A_658 : memref<80x64xf32, #tpu.memory_space<vmem>>) offsets(%dma_start3A_661 : memref<80xi32, #tpu.memory_space<vmem>>) semaphore(%arg11 : memref<!tpu.dma_semaphore, #tpu.memory_space<semaphore_mem>>)
        %mul3A_665 = arith.constant 4 : i32
        %mul3A_666 = arith.muli %add3A_648, %mul3A_665 : i32
        %add3A_667 = arith.constant 1 : i32
        %add3A_668 = arith.addi %mul3A_666, %add3A_667 : i32
        %add3A_669 = arith.constant 1 : i32
        %add3A_670 = arith.addi %mul3A_478, %add3A_669 : i32
        %dma_start3A_671 = arith.constant 0 : i32
        %dma_start3A_672 = arith.constant 0 : i32
        %dma_start3A_673 = tpu.memref_slice %arg8[%add3A_670, %dma_start3A_671, %dma_start3A_672] : memref<8x80x64xf32, #tpu.memory_space<vmem>> -> memref<1x80x64xf32, #tpu.memory_space<vmem>>
        %dma_start3A_674 = tpu.memref_squeeze %dma_start3A_673 : memref<1x80x64xf32, #tpu.memory_space<vmem>> -> memref<80x64xf32, #tpu.memory_space<vmem>>
        %dma_start3A_675 = arith.constant 0 : i32
        %dma_start3A_676 = tpu.memref_slice %arg6[%add3A_668, %dma_start3A_675] : memref<250x80xi32, #tpu.memory_space<vmem>> -> memref<1x80xi32, #tpu.memory_space<vmem>>
        %dma_start3A_677 = tpu.memref_squeeze %dma_start3A_676 : memref<1x80xi32, #tpu.memory_space<vmem>> -> memref<80xi32, #tpu.memory_space<vmem>>
        %dma_start3A_678 = arith.constant 0 : i32
        %dma_start3A_679 = arith.constant 0 : i32
        %dma_start3A_680 = tpu.memref_slice %arg3[%dma_start3A_678, %dma_start3A_679] : memref<10000x64xf32, #tpu.memory_space<hbm>> -> memref<10000x64xf32, #tpu.memory_space<hbm>>
        tpu.enqueue_indirect_dma source(%dma_start3A_680 : memref<10000x64xf32, #tpu.memory_space<hbm>>) target(%dma_start3A_674 : memref<80x64xf32, #tpu.memory_space<vmem>>) offsets(%dma_start3A_677 : memref<80xi32, #tpu.memory_space<vmem>>) semaphore(%arg11 : memref<!tpu.dma_semaphore, #tpu.memory_space<semaphore_mem>>)
        %mul3A_681 = arith.constant 4 : i32
        %mul3A_682 = arith.muli %add3A_648, %mul3A_681 : i32
        %add3A_683 = arith.constant 2 : i32
        %add3A_684 = arith.addi %mul3A_682, %add3A_683 : i32
        %add3A_685 = arith.constant 2 : i32
        %add3A_686 = arith.addi %mul3A_478, %add3A_685 : i32
        %dma_start3A_687 = arith.constant 0 : i32
        %dma_start3A_688 = arith.constant 0 : i32
        %dma_start3A_689 = tpu.memref_slice %arg8[%add3A_686, %dma_start3A_687, %dma_start3A_688] : memref<8x80x64xf32, #tpu.memory_space<vmem>> -> memref<1x80x64xf32, #tpu.memory_space<vmem>>
        %dma_start3A_690 = tpu.memref_squeeze %dma_start3A_689 : memref<1x80x64xf32, #tpu.memory_space<vmem>> -> memref<80x64xf32, #tpu.memory_space<vmem>>
        %dma_start3A_691 = arith.constant 0 : i32
        %dma_start3A_692 = tpu.memref_slice %arg6[%add3A_684, %dma_start3A_691] : memref<250x80xi32, #tpu.memory_space<vmem>> -> memref<1x80xi32, #tpu.memory_space<vmem>>
        %dma_start3A_693 = tpu.memref_squeeze %dma_start3A_692 : memref<1x80xi32, #tpu.memory_space<vmem>> -> memref<80xi32, #tpu.memory_space<vmem>>
        %dma_start3A_694 = arith.constant 0 : i32
        %dma_start3A_695 = arith.constant 0 : i32
        %dma_start3A_696 = tpu.memref_slice %arg3[%dma_start3A_694, %dma_start3A_695] : memref<10000x64xf32, #tpu.memory_space<hbm>> -> memref<10000x64xf32, #tpu.memory_space<hbm>>
        tpu.enqueue_indirect_dma source(%dma_start3A_696 : memref<10000x64xf32, #tpu.memory_space<hbm>>) target(%dma_start3A_690 : memref<80x64xf32, #tpu.memory_space<vmem>>) offsets(%dma_start3A_693 : memref<80xi32, #tpu.memory_space<vmem>>) semaphore(%arg11 : memref<!tpu.dma_semaphore, #tpu.memory_space<semaphore_mem>>)
        %mul3A_697 = arith.constant 4 : i32
        %mul3A_698 = arith.muli %add3A_648, %mul3A_697 : i32
        %add3A_699 = arith.constant 3 : i32
        %add3A_700 = arith.addi %mul3A_698, %add3A_699 : i32
        %add3A_701 = arith.constant 3 : i32
        %add3A_702 = arith.addi %mul3A_478, %add3A_701 : i32
        %dma_start3A_703 = arith.constant 0 : i32
        %dma_start3A_704 = arith.constant 0 : i32
        %dma_start3A_705 = tpu.memref_slice %arg8[%add3A_702, %dma_start3A_703, %dma_start3A_704] : memref<8x80x64xf32, #tpu.memory_space<vmem>> -> memref<1x80x64xf32, #tpu.memory_space<vmem>>
        %dma_start3A_706 = tpu.memref_squeeze %dma_start3A_705 : memref<1x80x64xf32, #tpu.memory_space<vmem>> -> memref<80x64xf32, #tpu.memory_space<vmem>>
        %dma_start3A_707 = arith.constant 0 : i32
        %dma_start3A_708 = tpu.memref_slice %arg6[%add3A_700, %dma_start3A_707] : memref<250x80xi32, #tpu.memory_space<vmem>> -> memref<1x80xi32, #tpu.memory_space<vmem>>
        %dma_start3A_709 = tpu.memref_squeeze %dma_start3A_708 : memref<1x80xi32, #tpu.memory_space<vmem>> -> memref<80xi32, #tpu.memory_space<vmem>>
        %dma_start3A_710 = arith.constant 0 : i32
        %dma_start3A_711 = arith.constant 0 : i32
        %dma_start3A_712 = tpu.memref_slice %arg3[%dma_start3A_710, %dma_start3A_711] : memref<10000x64xf32, #tpu.memory_space<hbm>> -> memref<10000x64xf32, #tpu.memory_space<hbm>>
        tpu.enqueue_indirect_dma source(%dma_start3A_712 : memref<10000x64xf32, #tpu.memory_space<hbm>>) target(%dma_start3A_706 : memref<80x64xf32, #tpu.memory_space<vmem>>) offsets(%dma_start3A_709 : memref<80xi32, #tpu.memory_space<vmem>>) semaphore(%arg11 : memref<!tpu.dma_semaphore, #tpu.memory_space<semaphore_mem>>)
        %scan3A_713 = arith.constant 0 : i32
        scf.yield %scan3A_713 : i32
      }
      %scan3A_126 = arith.constant 60 : i32
      %dma_wait3A = arith.constant 0 : i32
      %dma_wait3A_127 = arith.constant 0 : i32
      %dma_wait3A_128 = arith.constant 0 : i32
      %dma_wait3A_129 = arith.constant 0 : i32
      %dma_wait3A_130 = tpu.memref_slice %arg8[%dma_wait3A_127, %dma_wait3A_128, %dma_wait3A_129] : memref<8x80x64xf32, #tpu.memory_space<vmem>> -> memref<1x80x64xf32, #tpu.memory_space<vmem>>
      %dma_wait3A_131 = tpu.memref_squeeze %dma_wait3A_130 : memref<1x80x64xf32, #tpu.memory_space<vmem>> -> memref<80x64xf32, #tpu.memory_space<vmem>>
      %dma_wait3A_132 = arith.constant 0 : i32
      %dma_wait3A_133 = tpu.memref_slice %arg6[%dma_wait3A, %dma_wait3A_132] : memref<250x80xi32, #tpu.memory_space<vmem>> -> memref<1x80xi32, #tpu.memory_space<vmem>>
      %dma_wait3A_134 = tpu.memref_squeeze %dma_wait3A_133 : memref<1x80xi32, #tpu.memory_space<vmem>> -> memref<80xi32, #tpu.memory_space<vmem>>
      %dma_wait3A_135 = arith.constant 0 : i32
      %dma_wait3A_136 = arith.constant 0 : i32
      %dma_wait3A_137 = tpu.memref_slice %arg3[%dma_wait3A_135, %dma_wait3A_136] : memref<10000x64xf32, #tpu.memory_space<hbm>> -> memref<10000x64xf32, #tpu.memory_space<hbm>>
      tpu.wait_indirect_dma semaphore(%arg11 : memref<!tpu.dma_semaphore, #tpu.memory_space<semaphore_mem>>) src(%dma_wait3A_137 : memref<10000x64xf32, #tpu.memory_space<hbm>>) dst(%dma_wait3A_131 : memref<80x64xf32, #tpu.memory_space<vmem>>)
      %dma_wait3A_138 = arith.constant 0 : i32
      %dma_wait3A_139 = arith.constant 1 : i32
      %dma_wait3A_140 = arith.constant 0 : i32
      %dma_wait3A_141 = arith.constant 0 : i32
      %dma_wait3A_142 = tpu.memref_slice %arg8[%dma_wait3A_139, %dma_wait3A_140, %dma_wait3A_141] : memref<8x80x64xf32, #tpu.memory_space<vmem>> -> memref<1x80x64xf32, #tpu.memory_space<vmem>>
      %dma_wait3A_143 = tpu.memref_squeeze %dma_wait3A_142 : memref<1x80x64xf32, #tpu.memory_space<vmem>> -> memref<80x64xf32, #tpu.memory_space<vmem>>
      %dma_wait3A_144 = arith.constant 0 : i32
      %dma_wait3A_145 = tpu.memref_slice %arg6[%dma_wait3A_138, %dma_wait3A_144] : memref<250x80xi32, #tpu.memory_space<vmem>> -> memref<1x80xi32, #tpu.memory_space<vmem>>
      %dma_wait3A_146 = tpu.memref_squeeze %dma_wait3A_145 : memref<1x80xi32, #tpu.memory_space<vmem>> -> memref<80xi32, #tpu.memory_space<vmem>>
      %dma_wait3A_147 = arith.constant 0 : i32
      %dma_wait3A_148 = arith.constant 0 : i32
      %dma_wait3A_149 = tpu.memref_slice %arg3[%dma_wait3A_147, %dma_wait3A_148] : memref<10000x64xf32, #tpu.memory_space<hbm>> -> memref<10000x64xf32, #tpu.memory_space<hbm>>
      tpu.wait_indirect_dma semaphore(%arg11 : memref<!tpu.dma_semaphore, #tpu.memory_space<semaphore_mem>>) src(%dma_wait3A_149 : memref<10000x64xf32, #tpu.memory_space<hbm>>) dst(%dma_wait3A_143 : memref<80x64xf32, #tpu.memory_space<vmem>>)
      %dma_wait3A_150 = arith.constant 0 : i32
      %dma_wait3A_151 = arith.constant 2 : i32
      %dma_wait3A_152 = arith.constant 0 : i32
      %dma_wait3A_153 = arith.constant 0 : i32
      %dma_wait3A_154 = tpu.memref_slice %arg8[%dma_wait3A_151, %dma_wait3A_152, %dma_wait3A_153] : memref<8x80x64xf32, #tpu.memory_space<vmem>> -> memref<1x80x64xf32, #tpu.memory_space<vmem>>
      %dma_wait3A_155 = tpu.memref_squeeze %dma_wait3A_154 : memref<1x80x64xf32, #tpu.memory_space<vmem>> -> memref<80x64xf32, #tpu.memory_space<vmem>>
      %dma_wait3A_156 = arith.constant 0 : i32
      %dma_wait3A_157 = tpu.memref_slice %arg6[%dma_wait3A_150, %dma_wait3A_156] : memref<250x80xi32, #tpu.memory_space<vmem>> -> memref<1x80xi32, #tpu.memory_space<vmem>>
      %dma_wait3A_158 = tpu.memref_squeeze %dma_wait3A_157 : memref<1x80xi32, #tpu.memory_space<vmem>> -> memref<80xi32, #tpu.memory_space<vmem>>
      %dma_wait3A_159 = arith.constant 0 : i32
      %dma_wait3A_160 = arith.constant 0 : i32
      %dma_wait3A_161 = tpu.memref_slice %arg3[%dma_wait3A_159, %dma_wait3A_160] : memref<10000x64xf32, #tpu.memory_space<hbm>> -> memref<10000x64xf32, #tpu.memory_space<hbm>>
      tpu.wait_indirect_dma semaphore(%arg11 : memref<!tpu.dma_semaphore, #tpu.memory_space<semaphore_mem>>) src(%dma_wait3A_161 : memref<10000x64xf32, #tpu.memory_space<hbm>>) dst(%dma_wait3A_155 : memref<80x64xf32, #tpu.memory_space<vmem>>)
      %dma_wait3A_162 = arith.constant 0 : i32
      %dma_wait3A_163 = arith.constant 3 : i32
      %dma_wait3A_164 = arith.constant 0 : i32
      %dma_wait3A_165 = arith.constant 0 : i32
      %dma_wait3A_166 = tpu.memref_slice %arg8[%dma_wait3A_163, %dma_wait3A_164, %dma_wait3A_165] : memref<8x80x64xf32, #tpu.memory_space<vmem>> -> memref<1x80x64xf32, #tpu.memory_space<vmem>>
      %dma_wait3A_167 = tpu.memref_squeeze %dma_wait3A_166 : memref<1x80x64xf32, #tpu.memory_space<vmem>> -> memref<80x64xf32, #tpu.memory_space<vmem>>
      %dma_wait3A_168 = arith.constant 0 : i32
      %dma_wait3A_169 = tpu.memref_slice %arg6[%dma_wait3A_162, %dma_wait3A_168] : memref<250x80xi32, #tpu.memory_space<vmem>> -> memref<1x80xi32, #tpu.memory_space<vmem>>
      %dma_wait3A_170 = tpu.memref_squeeze %dma_wait3A_169 : memref<1x80xi32, #tpu.memory_space<vmem>> -> memref<80xi32, #tpu.memory_space<vmem>>
      %dma_wait3A_171 = arith.constant 0 : i32
      %dma_wait3A_172 = arith.constant 0 : i32
      %dma_wait3A_173 = tpu.memref_slice %arg3[%dma_wait3A_171, %dma_wait3A_172] : memref<10000x64xf32, #tpu.memory_space<hbm>> -> memref<10000x64xf32, #tpu.memory_space<hbm>>
      tpu.wait_indirect_dma semaphore(%arg11 : memref<!tpu.dma_semaphore, #tpu.memory_space<semaphore_mem>>) src(%dma_wait3A_173 : memref<10000x64xf32, #tpu.memory_space<hbm>>) dst(%dma_wait3A_167 : memref<80x64xf32, #tpu.memory_space<vmem>>)
      %dma_start3A_174 = arith.constant 0 : i32
      %dma_start3A_175 = arith.constant 240 : i32
      %dma_start3A_176 = arith.constant 0 : i32
      %dma_start3A_177 = arith.constant 0 : i32
      %dma_start3A_178 = tpu.memref_slice %arg8[%dma_start3A_174, %dma_start3A_176, %dma_start3A_177] : memref<8x80x64xf32, #tpu.memory_space<vmem>> -> memref<1x80x64xf32, #tpu.memory_space<vmem>>
      %dma_start3A_179 = tpu.memref_squeeze %dma_start3A_178 : memref<1x80x64xf32, #tpu.memory_space<vmem>> -> memref<80x64xf32, #tpu.memory_space<vmem>>
      %dma_start3A_180 = arith.constant 0 : i32
      %dma_start3A_181 = tpu.memref_slice %arg7[%dma_start3A_175, %dma_start3A_180] : memref<250x80xi32, #tpu.memory_space<vmem>> -> memref<1x80xi32, #tpu.memory_space<vmem>>
      %dma_start3A_182 = tpu.memref_squeeze %dma_start3A_181 : memref<1x80xi32, #tpu.memory_space<vmem>> -> memref<80xi32, #tpu.memory_space<vmem>>
      %dma_start3A_183 = arith.constant 0 : i32
      %dma_start3A_184 = arith.constant 0 : i32
      %dma_start3A_185 = tpu.memref_slice %arg10[%dma_start3A_183, %dma_start3A_184] : memref<10240x64xf32, #tpu.memory_space<vmem_shared>> -> memref<10240x64xf32, #tpu.memory_space<vmem_shared>>
      tpu.enqueue_indirect_dma source(%dma_start3A_179 : memref<80x64xf32, #tpu.memory_space<vmem>>) target(%dma_start3A_185 : memref<10240x64xf32, #tpu.memory_space<vmem_shared>>) offsets(%dma_start3A_182 : memref<80xi32, #tpu.memory_space<vmem>>) semaphore(%arg12 : memref<!tpu.dma_semaphore, #tpu.memory_space<semaphore_mem>>) {add = true}
      %dma_start3A_186 = arith.constant 1 : i32
      %dma_start3A_187 = arith.constant 241 : i32
      %dma_start3A_188 = arith.constant 0 : i32
      %dma_start3A_189 = arith.constant 0 : i32
      %dma_start3A_190 = tpu.memref_slice %arg8[%dma_start3A_186, %dma_start3A_188, %dma_start3A_189] : memref<8x80x64xf32, #tpu.memory_space<vmem>> -> memref<1x80x64xf32, #tpu.memory_space<vmem>>
      %dma_start3A_191 = tpu.memref_squeeze %dma_start3A_190 : memref<1x80x64xf32, #tpu.memory_space<vmem>> -> memref<80x64xf32, #tpu.memory_space<vmem>>
      %dma_start3A_192 = arith.constant 0 : i32
      %dma_start3A_193 = tpu.memref_slice %arg7[%dma_start3A_187, %dma_start3A_192] : memref<250x80xi32, #tpu.memory_space<vmem>> -> memref<1x80xi32, #tpu.memory_space<vmem>>
      %dma_start3A_194 = tpu.memref_squeeze %dma_start3A_193 : memref<1x80xi32, #tpu.memory_space<vmem>> -> memref<80xi32, #tpu.memory_space<vmem>>
      %dma_start3A_195 = arith.constant 0 : i32
      %dma_start3A_196 = arith.constant 0 : i32
      %dma_start3A_197 = tpu.memref_slice %arg10[%dma_start3A_195, %dma_start3A_196] : memref<10240x64xf32, #tpu.memory_space<vmem_shared>> -> memref<10240x64xf32, #tpu.memory_space<vmem_shared>>
      tpu.enqueue_indirect_dma source(%dma_start3A_191 : memref<80x64xf32, #tpu.memory_space<vmem>>) target(%dma_start3A_197 : memref<10240x64xf32, #tpu.memory_space<vmem_shared>>) offsets(%dma_start3A_194 : memref<80xi32, #tpu.memory_space<vmem>>) semaphore(%arg12 : memref<!tpu.dma_semaphore, #tpu.memory_space<semaphore_mem>>) {add = true}
      %dma_start3A_198 = arith.constant 2 : i32
      %dma_start3A_199 = arith.constant 242 : i32
      %dma_start3A_200 = arith.constant 0 : i32
      %dma_start3A_201 = arith.constant 0 : i32
      %dma_start3A_202 = tpu.memref_slice %arg8[%dma_start3A_198, %dma_start3A_200, %dma_start3A_201] : memref<8x80x64xf32, #tpu.memory_space<vmem>> -> memref<1x80x64xf32, #tpu.memory_space<vmem>>
      %dma_start3A_203 = tpu.memref_squeeze %dma_start3A_202 : memref<1x80x64xf32, #tpu.memory_space<vmem>> -> memref<80x64xf32, #tpu.memory_space<vmem>>
      %dma_start3A_204 = arith.constant 0 : i32
      %dma_start3A_205 = tpu.memref_slice %arg7[%dma_start3A_199, %dma_start3A_204] : memref<250x80xi32, #tpu.memory_space<vmem>> -> memref<1x80xi32, #tpu.memory_space<vmem>>
      %dma_start3A_206 = tpu.memref_squeeze %dma_start3A_205 : memref<1x80xi32, #tpu.memory_space<vmem>> -> memref<80xi32, #tpu.memory_space<vmem>>
      %dma_start3A_207 = arith.constant 0 : i32
      %dma_start3A_208 = arith.constant 0 : i32
      %dma_start3A_209 = tpu.memref_slice %arg10[%dma_start3A_207, %dma_start3A_208] : memref<10240x64xf32, #tpu.memory_space<vmem_shared>> -> memref<10240x64xf32, #tpu.memory_space<vmem_shared>>
      tpu.enqueue_indirect_dma source(%dma_start3A_203 : memref<80x64xf32, #tpu.memory_space<vmem>>) target(%dma_start3A_209 : memref<10240x64xf32, #tpu.memory_space<vmem_shared>>) offsets(%dma_start3A_206 : memref<80xi32, #tpu.memory_space<vmem>>) semaphore(%arg12 : memref<!tpu.dma_semaphore, #tpu.memory_space<semaphore_mem>>) {add = true}
      %dma_start3A_210 = arith.constant 3 : i32
      %dma_start3A_211 = arith.constant 243 : i32
      %dma_start3A_212 = arith.constant 0 : i32
      %dma_start3A_213 = arith.constant 0 : i32
      %dma_start3A_214 = tpu.memref_slice %arg8[%dma_start3A_210, %dma_start3A_212, %dma_start3A_213] : memref<8x80x64xf32, #tpu.memory_space<vmem>> -> memref<1x80x64xf32, #tpu.memory_space<vmem>>
      %dma_start3A_215 = tpu.memref_squeeze %dma_start3A_214 : memref<1x80x64xf32, #tpu.memory_space<vmem>> -> memref<80x64xf32, #tpu.memory_space<vmem>>
      %dma_start3A_216 = arith.constant 0 : i32
      %dma_start3A_217 = tpu.memref_slice %arg7[%dma_start3A_211, %dma_start3A_216] : memref<250x80xi32, #tpu.memory_space<vmem>> -> memref<1x80xi32, #tpu.memory_space<vmem>>
      %dma_start3A_218 = tpu.memref_squeeze %dma_start3A_217 : memref<1x80xi32, #tpu.memory_space<vmem>> -> memref<80xi32, #tpu.memory_space<vmem>>
      %dma_start3A_219 = arith.constant 0 : i32
      %dma_start3A_220 = arith.constant 0 : i32
      %dma_start3A_221 = tpu.memref_slice %arg10[%dma_start3A_219, %dma_start3A_220] : memref<10240x64xf32, #tpu.memory_space<vmem_shared>> -> memref<10240x64xf32, #tpu.memory_space<vmem_shared>>
      tpu.enqueue_indirect_dma source(%dma_start3A_215 : memref<80x64xf32, #tpu.memory_space<vmem>>) target(%dma_start3A_221 : memref<10240x64xf32, #tpu.memory_space<vmem_shared>>) offsets(%dma_start3A_218 : memref<80xi32, #tpu.memory_space<vmem>>) semaphore(%arg12 : memref<!tpu.dma_semaphore, #tpu.memory_space<semaphore_mem>>) {add = true}
      %dma_wait3A_222 = arith.constant 0 : i32
      %dma_wait3A_223 = arith.constant 0 : i32
      %dma_wait3A_224 = arith.constant 0 : i32
      %dma_wait3A_225 = arith.constant 0 : i32
      %dma_wait3A_226 = tpu.memref_slice %arg8[%dma_wait3A_222, %dma_wait3A_224, %dma_wait3A_225] : memref<8x80x64xf32, #tpu.memory_space<vmem>> -> memref<1x80x64xf32, #tpu.memory_space<vmem>>
      %dma_wait3A_227 = tpu.memref_squeeze %dma_wait3A_226 : memref<1x80x64xf32, #tpu.memory_space<vmem>> -> memref<80x64xf32, #tpu.memory_space<vmem>>
      %dma_wait3A_228 = arith.constant 0 : i32
      %dma_wait3A_229 = tpu.memref_slice %arg7[%dma_wait3A_223, %dma_wait3A_228] : memref<250x80xi32, #tpu.memory_space<vmem>> -> memref<1x80xi32, #tpu.memory_space<vmem>>
      %dma_wait3A_230 = tpu.memref_squeeze %dma_wait3A_229 : memref<1x80xi32, #tpu.memory_space<vmem>> -> memref<80xi32, #tpu.memory_space<vmem>>
      %dma_wait3A_231 = arith.constant 0 : i32
      %dma_wait3A_232 = arith.constant 0 : i32
      %dma_wait3A_233 = tpu.memref_slice %arg10[%dma_wait3A_231, %dma_wait3A_232] : memref<10240x64xf32, #tpu.memory_space<vmem_shared>> -> memref<10240x64xf32, #tpu.memory_space<vmem_shared>>
      tpu.wait_indirect_dma semaphore(%arg12 : memref<!tpu.dma_semaphore, #tpu.memory_space<semaphore_mem>>) src(%dma_wait3A_227 : memref<80x64xf32, #tpu.memory_space<vmem>>) dst(%dma_wait3A_233 : memref<10240x64xf32, #tpu.memory_space<vmem_shared>>)
      %dma_wait3A_234 = arith.constant 1 : i32
      %dma_wait3A_235 = arith.constant 0 : i32
      %dma_wait3A_236 = arith.constant 0 : i32
      %dma_wait3A_237 = arith.constant 0 : i32
      %dma_wait3A_238 = tpu.memref_slice %arg8[%dma_wait3A_234, %dma_wait3A_236, %dma_wait3A_237] : memref<8x80x64xf32, #tpu.memory_space<vmem>> -> memref<1x80x64xf32, #tpu.memory_space<vmem>>
      %dma_wait3A_239 = tpu.memref_squeeze %dma_wait3A_238 : memref<1x80x64xf32, #tpu.memory_space<vmem>> -> memref<80x64xf32, #tpu.memory_space<vmem>>
      %dma_wait3A_240 = arith.constant 0 : i32
      %dma_wait3A_241 = tpu.memref_slice %arg7[%dma_wait3A_235, %dma_wait3A_240] : memref<250x80xi32, #tpu.memory_space<vmem>> -> memref<1x80xi32, #tpu.memory_space<vmem>>
      %dma_wait3A_242 = tpu.memref_squeeze %dma_wait3A_241 : memref<1x80xi32, #tpu.memory_space<vmem>> -> memref<80xi32, #tpu.memory_space<vmem>>
      %dma_wait3A_243 = arith.constant 0 : i32
      %dma_wait3A_244 = arith.constant 0 : i32
      %dma_wait3A_245 = tpu.memref_slice %arg10[%dma_wait3A_243, %dma_wait3A_244] : memref<10240x64xf32, #tpu.memory_space<vmem_shared>> -> memref<10240x64xf32, #tpu.memory_space<vmem_shared>>
      tpu.wait_indirect_dma semaphore(%arg12 : memref<!tpu.dma_semaphore, #tpu.memory_space<semaphore_mem>>) src(%dma_wait3A_239 : memref<80x64xf32, #tpu.memory_space<vmem>>) dst(%dma_wait3A_245 : memref<10240x64xf32, #tpu.memory_space<vmem_shared>>)
      %dma_wait3A_246 = arith.constant 2 : i32
      %dma_wait3A_247 = arith.constant 0 : i32
      %dma_wait3A_248 = arith.constant 0 : i32
      %dma_wait3A_249 = arith.constant 0 : i32
      %dma_wait3A_250 = tpu.memref_slice %arg8[%dma_wait3A_246, %dma_wait3A_248, %dma_wait3A_249] : memref<8x80x64xf32, #tpu.memory_space<vmem>> -> memref<1x80x64xf32, #tpu.memory_space<vmem>>
      %dma_wait3A_251 = tpu.memref_squeeze %dma_wait3A_250 : memref<1x80x64xf32, #tpu.memory_space<vmem>> -> memref<80x64xf32, #tpu.memory_space<vmem>>
      %dma_wait3A_252 = arith.constant 0 : i32
      %dma_wait3A_253 = tpu.memref_slice %arg7[%dma_wait3A_247, %dma_wait3A_252] : memref<250x80xi32, #tpu.memory_space<vmem>> -> memref<1x80xi32, #tpu.memory_space<vmem>>
      %dma_wait3A_254 = tpu.memref_squeeze %dma_wait3A_253 : memref<1x80xi32, #tpu.memory_space<vmem>> -> memref<80xi32, #tpu.memory_space<vmem>>
      %dma_wait3A_255 = arith.constant 0 : i32
      %dma_wait3A_256 = arith.constant 0 : i32
      %dma_wait3A_257 = tpu.memref_slice %arg10[%dma_wait3A_255, %dma_wait3A_256] : memref<10240x64xf32, #tpu.memory_space<vmem_shared>> -> memref<10240x64xf32, #tpu.memory_space<vmem_shared>>
      tpu.wait_indirect_dma semaphore(%arg12 : memref<!tpu.dma_semaphore, #tpu.memory_space<semaphore_mem>>) src(%dma_wait3A_251 : memref<80x64xf32, #tpu.memory_space<vmem>>) dst(%dma_wait3A_257 : memref<10240x64xf32, #tpu.memory_space<vmem_shared>>)
      %dma_wait3A_258 = arith.constant 3 : i32
      %dma_wait3A_259 = arith.constant 0 : i32
      %dma_wait3A_260 = arith.constant 0 : i32
      %dma_wait3A_261 = arith.constant 0 : i32
      %dma_wait3A_262 = tpu.memref_slice %arg8[%dma_wait3A_258, %dma_wait3A_260, %dma_wait3A_261] : memref<8x80x64xf32, #tpu.memory_space<vmem>> -> memref<1x80x64xf32, #tpu.memory_space<vmem>>
      %dma_wait3A_263 = tpu.memref_squeeze %dma_wait3A_262 : memref<1x80x64xf32, #tpu.memory_space<vmem>> -> memref<80x64xf32, #tpu.memory_space<vmem>>
      %dma_wait3A_264 = arith.constant 0 : i32
      %dma_wait3A_265 = tpu.memref_slice %arg7[%dma_wait3A_259, %dma_wait3A_264] : memref<250x80xi32, #tpu.memory_space<vmem>> -> memref<1x80xi32, #tpu.memory_space<vmem>>
      %dma_wait3A_266 = tpu.memref_squeeze %dma_wait3A_265 : memref<1x80xi32, #tpu.memory_space<vmem>> -> memref<80xi32, #tpu.memory_space<vmem>>
      %dma_wait3A_267 = arith.constant 0 : i32
      %dma_wait3A_268 = arith.constant 0 : i32
      %dma_wait3A_269 = tpu.memref_slice %arg10[%dma_wait3A_267, %dma_wait3A_268] : memref<10240x64xf32, #tpu.memory_space<vmem_shared>> -> memref<10240x64xf32, #tpu.memory_space<vmem_shared>>
      tpu.wait_indirect_dma semaphore(%arg12 : memref<!tpu.dma_semaphore, #tpu.memory_space<semaphore_mem>>) src(%dma_wait3A_263 : memref<80x64xf32, #tpu.memory_space<vmem>>) dst(%dma_wait3A_269 : memref<10240x64xf32, #tpu.memory_space<vmem_shared>>)
      %dma_wait3A_270 = arith.constant 0 : i32
      %dma_wait3A_271 = arith.constant 4 : i32
      %dma_wait3A_272 = arith.constant 0 : i32
      %dma_wait3A_273 = arith.constant 0 : i32
      %dma_wait3A_274 = tpu.memref_slice %arg8[%dma_wait3A_271, %dma_wait3A_272, %dma_wait3A_273] : memref<8x80x64xf32, #tpu.memory_space<vmem>> -> memref<1x80x64xf32, #tpu.memory_space<vmem>>
      %dma_wait3A_275 = tpu.memref_squeeze %dma_wait3A_274 : memref<1x80x64xf32, #tpu.memory_space<vmem>> -> memref<80x64xf32, #tpu.memory_space<vmem>>
      %dma_wait3A_276 = arith.constant 0 : i32
      %dma_wait3A_277 = tpu.memref_slice %arg6[%dma_wait3A_270, %dma_wait3A_276] : memref<250x80xi32, #tpu.memory_space<vmem>> -> memref<1x80xi32, #tpu.memory_space<vmem>>
      %dma_wait3A_278 = tpu.memref_squeeze %dma_wait3A_277 : memref<1x80xi32, #tpu.memory_space<vmem>> -> memref<80xi32, #tpu.memory_space<vmem>>
      %dma_wait3A_279 = arith.constant 0 : i32
      %dma_wait3A_280 = arith.constant 0 : i32
      %dma_wait3A_281 = tpu.memref_slice %arg3[%dma_wait3A_279, %dma_wait3A_280] : memref<10000x64xf32, #tpu.memory_space<hbm>> -> memref<10000x64xf32, #tpu.memory_space<hbm>>
      tpu.wait_indirect_dma semaphore(%arg11 : memref<!tpu.dma_semaphore, #tpu.memory_space<semaphore_mem>>) src(%dma_wait3A_281 : memref<10000x64xf32, #tpu.memory_space<hbm>>) dst(%dma_wait3A_275 : memref<80x64xf32, #tpu.memory_space<vmem>>)
      %dma_wait3A_282 = arith.constant 0 : i32
      %dma_wait3A_283 = arith.constant 5 : i32
      %dma_wait3A_284 = arith.constant 0 : i32
      %dma_wait3A_285 = arith.constant 0 : i32
      %dma_wait3A_286 = tpu.memref_slice %arg8[%dma_wait3A_283, %dma_wait3A_284, %dma_wait3A_285] : memref<8x80x64xf32, #tpu.memory_space<vmem>> -> memref<1x80x64xf32, #tpu.memory_space<vmem>>
      %dma_wait3A_287 = tpu.memref_squeeze %dma_wait3A_286 : memref<1x80x64xf32, #tpu.memory_space<vmem>> -> memref<80x64xf32, #tpu.memory_space<vmem>>
      %dma_wait3A_288 = arith.constant 0 : i32
      %dma_wait3A_289 = tpu.memref_slice %arg6[%dma_wait3A_282, %dma_wait3A_288] : memref<250x80xi32, #tpu.memory_space<vmem>> -> memref<1x80xi32, #tpu.memory_space<vmem>>
      %dma_wait3A_290 = tpu.memref_squeeze %dma_wait3A_289 : memref<1x80xi32, #tpu.memory_space<vmem>> -> memref<80xi32, #tpu.memory_space<vmem>>
      %dma_wait3A_291 = arith.constant 0 : i32
      %dma_wait3A_292 = arith.constant 0 : i32
      %dma_wait3A_293 = tpu.memref_slice %arg3[%dma_wait3A_291, %dma_wait3A_292] : memref<10000x64xf32, #tpu.memory_space<hbm>> -> memref<10000x64xf32, #tpu.memory_space<hbm>>
      tpu.wait_indirect_dma semaphore(%arg11 : memref<!tpu.dma_semaphore, #tpu.memory_space<semaphore_mem>>) src(%dma_wait3A_293 : memref<10000x64xf32, #tpu.memory_space<hbm>>) dst(%dma_wait3A_287 : memref<80x64xf32, #tpu.memory_space<vmem>>)
      %dma_wait3A_294 = arith.constant 0 : i32
      %dma_wait3A_295 = arith.constant 6 : i32
      %dma_wait3A_296 = arith.constant 0 : i32
      %dma_wait3A_297 = arith.constant 0 : i32
      %dma_wait3A_298 = tpu.memref_slice %arg8[%dma_wait3A_295, %dma_wait3A_296, %dma_wait3A_297] : memref<8x80x64xf32, #tpu.memory_space<vmem>> -> memref<1x80x64xf32, #tpu.memory_space<vmem>>
      %dma_wait3A_299 = tpu.memref_squeeze %dma_wait3A_298 : memref<1x80x64xf32, #tpu.memory_space<vmem>> -> memref<80x64xf32, #tpu.memory_space<vmem>>
      %dma_wait3A_300 = arith.constant 0 : i32
      %dma_wait3A_301 = tpu.memref_slice %arg6[%dma_wait3A_294, %dma_wait3A_300] : memref<250x80xi32, #tpu.memory_space<vmem>> -> memref<1x80xi32, #tpu.memory_space<vmem>>
      %dma_wait3A_302 = tpu.memref_squeeze %dma_wait3A_301 : memref<1x80xi32, #tpu.memory_space<vmem>> -> memref<80xi32, #tpu.memory_space<vmem>>
      %dma_wait3A_303 = arith.constant 0 : i32
      %dma_wait3A_304 = arith.constant 0 : i32
      %dma_wait3A_305 = tpu.memref_slice %arg3[%dma_wait3A_303, %dma_wait3A_304] : memref<10000x64xf32, #tpu.memory_space<hbm>> -> memref<10000x64xf32, #tpu.memory_space<hbm>>
      tpu.wait_indirect_dma semaphore(%arg11 : memref<!tpu.dma_semaphore, #tpu.memory_space<semaphore_mem>>) src(%dma_wait3A_305 : memref<10000x64xf32, #tpu.memory_space<hbm>>) dst(%dma_wait3A_299 : memref<80x64xf32, #tpu.memory_space<vmem>>)
      %dma_wait3A_306 = arith.constant 0 : i32
      %dma_wait3A_307 = arith.constant 7 : i32
      %dma_wait3A_308 = arith.constant 0 : i32
      %dma_wait3A_309 = arith.constant 0 : i32
      %dma_wait3A_310 = tpu.memref_slice %arg8[%dma_wait3A_307, %dma_wait3A_308, %dma_wait3A_309] : memref<8x80x64xf32, #tpu.memory_space<vmem>> -> memref<1x80x64xf32, #tpu.memory_space<vmem>>
      %dma_wait3A_311 = tpu.memref_squeeze %dma_wait3A_310 : memref<1x80x64xf32, #tpu.memory_space<vmem>> -> memref<80x64xf32, #tpu.memory_space<vmem>>
      %dma_wait3A_312 = arith.constant 0 : i32
      %dma_wait3A_313 = tpu.memref_slice %arg6[%dma_wait3A_306, %dma_wait3A_312] : memref<250x80xi32, #tpu.memory_space<vmem>> -> memref<1x80xi32, #tpu.memory_space<vmem>>
      %dma_wait3A_314 = tpu.memref_squeeze %dma_wait3A_313 : memref<1x80xi32, #tpu.memory_space<vmem>> -> memref<80xi32, #tpu.memory_space<vmem>>
      %dma_wait3A_315 = arith.constant 0 : i32
      %dma_wait3A_316 = arith.constant 0 : i32
      %dma_wait3A_317 = tpu.memref_slice %arg3[%dma_wait3A_315, %dma_wait3A_316] : memref<10000x64xf32, #tpu.memory_space<hbm>> -> memref<10000x64xf32, #tpu.memory_space<hbm>>
      tpu.wait_indirect_dma semaphore(%arg11 : memref<!tpu.dma_semaphore, #tpu.memory_space<semaphore_mem>>) src(%dma_wait3A_317 : memref<10000x64xf32, #tpu.memory_space<hbm>>) dst(%dma_wait3A_311 : memref<80x64xf32, #tpu.memory_space<vmem>>)
      %dma_start3A_318 = arith.constant 4 : i32
      %dma_start3A_319 = arith.constant 244 : i32
      %dma_start3A_320 = arith.constant 0 : i32
      %dma_start3A_321 = arith.constant 0 : i32
      %dma_start3A_322 = tpu.memref_slice %arg8[%dma_start3A_318, %dma_start3A_320, %dma_start3A_321] : memref<8x80x64xf32, #tpu.memory_space<vmem>> -> memref<1x80x64xf32, #tpu.memory_space<vmem>>
      %dma_start3A_323 = tpu.memref_squeeze %dma_start3A_322 : memref<1x80x64xf32, #tpu.memory_space<vmem>> -> memref<80x64xf32, #tpu.memory_space<vmem>>
      %dma_start3A_324 = arith.constant 0 : i32
      %dma_start3A_325 = tpu.memref_slice %arg7[%dma_start3A_319, %dma_start3A_324] : memref<250x80xi32, #tpu.memory_space<vmem>> -> memref<1x80xi32, #tpu.memory_space<vmem>>
      %dma_start3A_326 = tpu.memref_squeeze %dma_start3A_325 : memref<1x80xi32, #tpu.memory_space<vmem>> -> memref<80xi32, #tpu.memory_space<vmem>>
      %dma_start3A_327 = arith.constant 0 : i32
      %dma_start3A_328 = arith.constant 0 : i32
      %dma_start3A_329 = tpu.memref_slice %arg10[%dma_start3A_327, %dma_start3A_328] : memref<10240x64xf32, #tpu.memory_space<vmem_shared>> -> memref<10240x64xf32, #tpu.memory_space<vmem_shared>>
      tpu.enqueue_indirect_dma source(%dma_start3A_323 : memref<80x64xf32, #tpu.memory_space<vmem>>) target(%dma_start3A_329 : memref<10240x64xf32, #tpu.memory_space<vmem_shared>>) offsets(%dma_start3A_326 : memref<80xi32, #tpu.memory_space<vmem>>) semaphore(%arg12 : memref<!tpu.dma_semaphore, #tpu.memory_space<semaphore_mem>>) {add = true}
      %dma_start3A_330 = arith.constant 5 : i32
      %dma_start3A_331 = arith.constant 245 : i32
      %dma_start3A_332 = arith.constant 0 : i32
      %dma_start3A_333 = arith.constant 0 : i32
      %dma_start3A_334 = tpu.memref_slice %arg8[%dma_start3A_330, %dma_start3A_332, %dma_start3A_333] : memref<8x80x64xf32, #tpu.memory_space<vmem>> -> memref<1x80x64xf32, #tpu.memory_space<vmem>>
      %dma_start3A_335 = tpu.memref_squeeze %dma_start3A_334 : memref<1x80x64xf32, #tpu.memory_space<vmem>> -> memref<80x64xf32, #tpu.memory_space<vmem>>
      %dma_start3A_336 = arith.constant 0 : i32
      %dma_start3A_337 = tpu.memref_slice %arg7[%dma_start3A_331, %dma_start3A_336] : memref<250x80xi32, #tpu.memory_space<vmem>> -> memref<1x80xi32, #tpu.memory_space<vmem>>
      %dma_start3A_338 = tpu.memref_squeeze %dma_start3A_337 : memref<1x80xi32, #tpu.memory_space<vmem>> -> memref<80xi32, #tpu.memory_space<vmem>>
      %dma_start3A_339 = arith.constant 0 : i32
      %dma_start3A_340 = arith.constant 0 : i32
      %dma_start3A_341 = tpu.memref_slice %arg10[%dma_start3A_339, %dma_start3A_340] : memref<10240x64xf32, #tpu.memory_space<vmem_shared>> -> memref<10240x64xf32, #tpu.memory_space<vmem_shared>>
      tpu.enqueue_indirect_dma source(%dma_start3A_335 : memref<80x64xf32, #tpu.memory_space<vmem>>) target(%dma_start3A_341 : memref<10240x64xf32, #tpu.memory_space<vmem_shared>>) offsets(%dma_start3A_338 : memref<80xi32, #tpu.memory_space<vmem>>) semaphore(%arg12 : memref<!tpu.dma_semaphore, #tpu.memory_space<semaphore_mem>>) {add = true}
      %dma_start3A_342 = arith.constant 6 : i32
      %dma_start3A_343 = arith.constant 246 : i32
      %dma_start3A_344 = arith.constant 0 : i32
      %dma_start3A_345 = arith.constant 0 : i32
      %dma_start3A_346 = tpu.memref_slice %arg8[%dma_start3A_342, %dma_start3A_344, %dma_start3A_345] : memref<8x80x64xf32, #tpu.memory_space<vmem>> -> memref<1x80x64xf32, #tpu.memory_space<vmem>>
      %dma_start3A_347 = tpu.memref_squeeze %dma_start3A_346 : memref<1x80x64xf32, #tpu.memory_space<vmem>> -> memref<80x64xf32, #tpu.memory_space<vmem>>
      %dma_start3A_348 = arith.constant 0 : i32
      %dma_start3A_349 = tpu.memref_slice %arg7[%dma_start3A_343, %dma_start3A_348] : memref<250x80xi32, #tpu.memory_space<vmem>> -> memref<1x80xi32, #tpu.memory_space<vmem>>
      %dma_start3A_350 = tpu.memref_squeeze %dma_start3A_349 : memref<1x80xi32, #tpu.memory_space<vmem>> -> memref<80xi32, #tpu.memory_space<vmem>>
      %dma_start3A_351 = arith.constant 0 : i32
      %dma_start3A_352 = arith.constant 0 : i32
      %dma_start3A_353 = tpu.memref_slice %arg10[%dma_start3A_351, %dma_start3A_352] : memref<10240x64xf32, #tpu.memory_space<vmem_shared>> -> memref<10240x64xf32, #tpu.memory_space<vmem_shared>>
      tpu.enqueue_indirect_dma source(%dma_start3A_347 : memref<80x64xf32, #tpu.memory_space<vmem>>) target(%dma_start3A_353 : memref<10240x64xf32, #tpu.memory_space<vmem_shared>>) offsets(%dma_start3A_350 : memref<80xi32, #tpu.memory_space<vmem>>) semaphore(%arg12 : memref<!tpu.dma_semaphore, #tpu.memory_space<semaphore_mem>>) {add = true}
      %dma_start3A_354 = arith.constant 7 : i32
      %dma_start3A_355 = arith.constant 247 : i32
      %dma_start3A_356 = arith.constant 0 : i32
      %dma_start3A_357 = arith.constant 0 : i32
      %dma_start3A_358 = tpu.memref_slice %arg8[%dma_start3A_354, %dma_start3A_356, %dma_start3A_357] : memref<8x80x64xf32, #tpu.memory_space<vmem>> -> memref<1x80x64xf32, #tpu.memory_space<vmem>>
      %dma_start3A_359 = tpu.memref_squeeze %dma_start3A_358 : memref<1x80x64xf32, #tpu.memory_space<vmem>> -> memref<80x64xf32, #tpu.memory_space<vmem>>
      %dma_start3A_360 = arith.constant 0 : i32
      %dma_start3A_361 = tpu.memref_slice %arg7[%dma_start3A_355, %dma_start3A_360] : memref<250x80xi32, #tpu.memory_space<vmem>> -> memref<1x80xi32, #tpu.memory_space<vmem>>
      %dma_start3A_362 = tpu.memref_squeeze %dma_start3A_361 : memref<1x80xi32, #tpu.memory_space<vmem>> -> memref<80xi32, #tpu.memory_space<vmem>>
      %dma_start3A_363 = arith.constant 0 : i32
      %dma_start3A_364 = arith.constant 0 : i32
      %dma_start3A_365 = tpu.memref_slice %arg10[%dma_start3A_363, %dma_start3A_364] : memref<10240x64xf32, #tpu.memory_space<vmem_shared>> -> memref<10240x64xf32, #tpu.memory_space<vmem_shared>>
      tpu.enqueue_indirect_dma source(%dma_start3A_359 : memref<80x64xf32, #tpu.memory_space<vmem>>) target(%dma_start3A_365 : memref<10240x64xf32, #tpu.memory_space<vmem_shared>>) offsets(%dma_start3A_362 : memref<80xi32, #tpu.memory_space<vmem>>) semaphore(%arg12 : memref<!tpu.dma_semaphore, #tpu.memory_space<semaphore_mem>>) {add = true}
      %dma_wait3A_366 = arith.constant 4 : i32
      %dma_wait3A_367 = arith.constant 0 : i32
      %dma_wait3A_368 = arith.constant 0 : i32
      %dma_wait3A_369 = arith.constant 0 : i32
      %dma_wait3A_370 = tpu.memref_slice %arg8[%dma_wait3A_366, %dma_wait3A_368, %dma_wait3A_369] : memref<8x80x64xf32, #tpu.memory_space<vmem>> -> memref<1x80x64xf32, #tpu.memory_space<vmem>>
      %dma_wait3A_371 = tpu.memref_squeeze %dma_wait3A_370 : memref<1x80x64xf32, #tpu.memory_space<vmem>> -> memref<80x64xf32, #tpu.memory_space<vmem>>
      %dma_wait3A_372 = arith.constant 0 : i32
      %dma_wait3A_373 = tpu.memref_slice %arg7[%dma_wait3A_367, %dma_wait3A_372] : memref<250x80xi32, #tpu.memory_space<vmem>> -> memref<1x80xi32, #tpu.memory_space<vmem>>
      %dma_wait3A_374 = tpu.memref_squeeze %dma_wait3A_373 : memref<1x80xi32, #tpu.memory_space<vmem>> -> memref<80xi32, #tpu.memory_space<vmem>>
      %dma_wait3A_375 = arith.constant 0 : i32
      %dma_wait3A_376 = arith.constant 0 : i32
      %dma_wait3A_377 = tpu.memref_slice %arg10[%dma_wait3A_375, %dma_wait3A_376] : memref<10240x64xf32, #tpu.memory_space<vmem_shared>> -> memref<10240x64xf32, #tpu.memory_space<vmem_shared>>
      tpu.wait_indirect_dma semaphore(%arg12 : memref<!tpu.dma_semaphore, #tpu.memory_space<semaphore_mem>>) src(%dma_wait3A_371 : memref<80x64xf32, #tpu.memory_space<vmem>>) dst(%dma_wait3A_377 : memref<10240x64xf32, #tpu.memory_space<vmem_shared>>)
      %dma_wait3A_378 = arith.constant 5 : i32
      %dma_wait3A_379 = arith.constant 0 : i32
      %dma_wait3A_380 = arith.constant 0 : i32
      %dma_wait3A_381 = arith.constant 0 : i32
      %dma_wait3A_382 = tpu.memref_slice %arg8[%dma_wait3A_378, %dma_wait3A_380, %dma_wait3A_381] : memref<8x80x64xf32, #tpu.memory_space<vmem>> -> memref<1x80x64xf32, #tpu.memory_space<vmem>>
      %dma_wait3A_383 = tpu.memref_squeeze %dma_wait3A_382 : memref<1x80x64xf32, #tpu.memory_space<vmem>> -> memref<80x64xf32, #tpu.memory_space<vmem>>
      %dma_wait3A_384 = arith.constant 0 : i32
      %dma_wait3A_385 = tpu.memref_slice %arg7[%dma_wait3A_379, %dma_wait3A_384] : memref<250x80xi32, #tpu.memory_space<vmem>> -> memref<1x80xi32, #tpu.memory_space<vmem>>
      %dma_wait3A_386 = tpu.memref_squeeze %dma_wait3A_385 : memref<1x80xi32, #tpu.memory_space<vmem>> -> memref<80xi32, #tpu.memory_space<vmem>>
      %dma_wait3A_387 = arith.constant 0 : i32
      %dma_wait3A_388 = arith.constant 0 : i32
      %dma_wait3A_389 = tpu.memref_slice %arg10[%dma_wait3A_387, %dma_wait3A_388] : memref<10240x64xf32, #tpu.memory_space<vmem_shared>> -> memref<10240x64xf32, #tpu.memory_space<vmem_shared>>
      tpu.wait_indirect_dma semaphore(%arg12 : memref<!tpu.dma_semaphore, #tpu.memory_space<semaphore_mem>>) src(%dma_wait3A_383 : memref<80x64xf32, #tpu.memory_space<vmem>>) dst(%dma_wait3A_389 : memref<10240x64xf32, #tpu.memory_space<vmem_shared>>)
      %dma_wait3A_390 = arith.constant 6 : i32
      %dma_wait3A_391 = arith.constant 0 : i32
      %dma_wait3A_392 = arith.constant 0 : i32
      %dma_wait3A_393 = arith.constant 0 : i32
      %dma_wait3A_394 = tpu.memref_slice %arg8[%dma_wait3A_390, %dma_wait3A_392, %dma_wait3A_393] : memref<8x80x64xf32, #tpu.memory_space<vmem>> -> memref<1x80x64xf32, #tpu.memory_space<vmem>>
      %dma_wait3A_395 = tpu.memref_squeeze %dma_wait3A_394 : memref<1x80x64xf32, #tpu.memory_space<vmem>> -> memref<80x64xf32, #tpu.memory_space<vmem>>
      %dma_wait3A_396 = arith.constant 0 : i32
      %dma_wait3A_397 = tpu.memref_slice %arg7[%dma_wait3A_391, %dma_wait3A_396] : memref<250x80xi32, #tpu.memory_space<vmem>> -> memref<1x80xi32, #tpu.memory_space<vmem>>
      %dma_wait3A_398 = tpu.memref_squeeze %dma_wait3A_397 : memref<1x80xi32, #tpu.memory_space<vmem>> -> memref<80xi32, #tpu.memory_space<vmem>>
      %dma_wait3A_399 = arith.constant 0 : i32
      %dma_wait3A_400 = arith.constant 0 : i32
      %dma_wait3A_401 = tpu.memref_slice %arg10[%dma_wait3A_399, %dma_wait3A_400] : memref<10240x64xf32, #tpu.memory_space<vmem_shared>> -> memref<10240x64xf32, #tpu.memory_space<vmem_shared>>
      tpu.wait_indirect_dma semaphore(%arg12 : memref<!tpu.dma_semaphore, #tpu.memory_space<semaphore_mem>>) src(%dma_wait3A_395 : memref<80x64xf32, #tpu.memory_space<vmem>>) dst(%dma_wait3A_401 : memref<10240x64xf32, #tpu.memory_space<vmem_shared>>)
      %dma_wait3A_402 = arith.constant 7 : i32
      %dma_wait3A_403 = arith.constant 0 : i32
      %dma_wait3A_404 = arith.constant 0 : i32
      %dma_wait3A_405 = arith.constant 0 : i32
      %dma_wait3A_406 = tpu.memref_slice %arg8[%dma_wait3A_402, %dma_wait3A_404, %dma_wait3A_405] : memref<8x80x64xf32, #tpu.memory_space<vmem>> -> memref<1x80x64xf32, #tpu.memory_space<vmem>>
      %dma_wait3A_407 = tpu.memref_squeeze %dma_wait3A_406 : memref<1x80x64xf32, #tpu.memory_space<vmem>> -> memref<80x64xf32, #tpu.memory_space<vmem>>
      %dma_wait3A_408 = arith.constant 0 : i32
      %dma_wait3A_409 = tpu.memref_slice %arg7[%dma_wait3A_403, %dma_wait3A_408] : memref<250x80xi32, #tpu.memory_space<vmem>> -> memref<1x80xi32, #tpu.memory_space<vmem>>
      %dma_wait3A_410 = tpu.memref_squeeze %dma_wait3A_409 : memref<1x80xi32, #tpu.memory_space<vmem>> -> memref<80xi32, #tpu.memory_space<vmem>>
      %dma_wait3A_411 = arith.constant 0 : i32
      %dma_wait3A_412 = arith.constant 0 : i32
      %dma_wait3A_413 = tpu.memref_slice %arg10[%dma_wait3A_411, %dma_wait3A_412] : memref<10240x64xf32, #tpu.memory_space<vmem_shared>> -> memref<10240x64xf32, #tpu.memory_space<vmem_shared>>
      tpu.wait_indirect_dma semaphore(%arg12 : memref<!tpu.dma_semaphore, #tpu.memory_space<semaphore_mem>>) src(%dma_wait3A_407 : memref<80x64xf32, #tpu.memory_space<vmem>>) dst(%dma_wait3A_413 : memref<10240x64xf32, #tpu.memory_space<vmem_shared>>)
      %dma_start3A_414 = arith.constant 248 : i32
      %dma_start3A_415 = arith.constant 0 : i32
      %dma_start3A_416 = arith.constant 0 : i32
      %dma_start3A_417 = arith.constant 0 : i32
      %dma_start3A_418 = tpu.memref_slice %arg8[%dma_start3A_415, %dma_start3A_416, %dma_start3A_417] : memref<8x80x64xf32, #tpu.memory_space<vmem>> -> memref<1x80x64xf32, #tpu.memory_space<vmem>>
      %dma_start3A_419 = tpu.memref_squeeze %dma_start3A_418 : memref<1x80x64xf32, #tpu.memory_space<vmem>> -> memref<80x64xf32, #tpu.memory_space<vmem>>
      %dma_start3A_420 = arith.constant 0 : i32
      %dma_start3A_421 = tpu.memref_slice %arg6[%dma_start3A_414, %dma_start3A_420] : memref<250x80xi32, #tpu.memory_space<vmem>> -> memref<1x80xi32, #tpu.memory_space<vmem>>
      %dma_start3A_422 = tpu.memref_squeeze %dma_start3A_421 : memref<1x80xi32, #tpu.memory_space<vmem>> -> memref<80xi32, #tpu.memory_space<vmem>>
      %dma_start3A_423 = arith.constant 0 : i32
      %dma_start3A_424 = arith.constant 0 : i32
      %dma_start3A_425 = tpu.memref_slice %arg3[%dma_start3A_423, %dma_start3A_424] : memref<10000x64xf32, #tpu.memory_space<hbm>> -> memref<10000x64xf32, #tpu.memory_space<hbm>>
      tpu.enqueue_indirect_dma source(%dma_start3A_425 : memref<10000x64xf32, #tpu.memory_space<hbm>>) target(%dma_start3A_419 : memref<80x64xf32, #tpu.memory_space<vmem>>) offsets(%dma_start3A_422 : memref<80xi32, #tpu.memory_space<vmem>>) semaphore(%arg11 : memref<!tpu.dma_semaphore, #tpu.memory_space<semaphore_mem>>)
      %dma_wait3A_426 = arith.constant 248 : i32
      %dma_wait3A_427 = arith.constant 0 : i32
      %dma_wait3A_428 = arith.constant 0 : i32
      %dma_wait3A_429 = arith.constant 0 : i32
      %dma_wait3A_430 = tpu.memref_slice %arg8[%dma_wait3A_427, %dma_wait3A_428, %dma_wait3A_429] : memref<8x80x64xf32, #tpu.memory_space<vmem>> -> memref<1x80x64xf32, #tpu.memory_space<vmem>>
      %dma_wait3A_431 = tpu.memref_squeeze %dma_wait3A_430 : memref<1x80x64xf32, #tpu.memory_space<vmem>> -> memref<80x64xf32, #tpu.memory_space<vmem>>
      %dma_wait3A_432 = arith.constant 0 : i32
      %dma_wait3A_433 = tpu.memref_slice %arg6[%dma_wait3A_426, %dma_wait3A_432] : memref<250x80xi32, #tpu.memory_space<vmem>> -> memref<1x80xi32, #tpu.memory_space<vmem>>
      %dma_wait3A_434 = tpu.memref_squeeze %dma_wait3A_433 : memref<1x80xi32, #tpu.memory_space<vmem>> -> memref<80xi32, #tpu.memory_space<vmem>>
      %dma_wait3A_435 = arith.constant 0 : i32
      %dma_wait3A_436 = arith.constant 0 : i32
      %dma_wait3A_437 = tpu.memref_slice %arg3[%dma_wait3A_435, %dma_wait3A_436] : memref<10000x64xf32, #tpu.memory_space<hbm>> -> memref<10000x64xf32, #tpu.memory_space<hbm>>
      tpu.wait_indirect_dma semaphore(%arg11 : memref<!tpu.dma_semaphore, #tpu.memory_space<semaphore_mem>>) src(%dma_wait3A_437 : memref<10000x64xf32, #tpu.memory_space<hbm>>) dst(%dma_wait3A_431 : memref<80x64xf32, #tpu.memory_space<vmem>>)
      %run_scoped3A_438 = arith.constant 0 : i32
      %run_scoped3A_439 = arith.constant 248 : i32
      "tpu.region"() ({
        %run_scoped3A_466 = tpu.sem_alloc : memref<!tpu.dma_semaphore, #tpu.memory_space<semaphore_mem>>
        %dma_start3A_467 = arith.constant 0 : i32
        %dma_start3A_468 = arith.constant 0 : i32
        %dma_start3A_469 = tpu.memref_slice %arg8[%run_scoped3A_438, %dma_start3A_467, %dma_start3A_468] : memref<8x80x64xf32, #tpu.memory_space<vmem>> -> memref<1x80x64xf32, #tpu.memory_space<vmem>>
        %dma_start3A_470 = tpu.memref_squeeze %dma_start3A_469 : memref<1x80x64xf32, #tpu.memory_space<vmem>> -> memref<80x64xf32, #tpu.memory_space<vmem>>
        %dma_start3A_471 = arith.constant 0 : i32
        %dma_start3A_472 = tpu.memref_slice %arg7[%run_scoped3A_439, %dma_start3A_471] : memref<250x80xi32, #tpu.memory_space<vmem>> -> memref<1x80xi32, #tpu.memory_space<vmem>>
        %dma_start3A_473 = tpu.memref_squeeze %dma_start3A_472 : memref<1x80xi32, #tpu.memory_space<vmem>> -> memref<80xi32, #tpu.memory_space<vmem>>
        %dma_start3A_474 = arith.constant 0 : i32
        %dma_start3A_475 = arith.constant 0 : i32
        %dma_start3A_476 = tpu.memref_slice %arg10[%dma_start3A_474, %dma_start3A_475] : memref<10240x64xf32, #tpu.memory_space<vmem_shared>> -> memref<10240x64xf32, #tpu.memory_space<vmem_shared>>
        tpu.enqueue_indirect_dma source(%dma_start3A_470 : memref<80x64xf32, #tpu.memory_space<vmem>>) target(%dma_start3A_476 : memref<10240x64xf32, #tpu.memory_space<vmem_shared>>) offsets(%dma_start3A_473 : memref<80xi32, #tpu.memory_space<vmem>>) semaphore(%run_scoped3A_466 : memref<!tpu.dma_semaphore, #tpu.memory_space<semaphore_mem>>) {add = true}
        %dma_wait3A_477 = arith.constant 0 : i32
        %dma_wait3A_478 = arith.constant 0 : i32
        %dma_wait3A_479 = tpu.memref_slice %arg8[%run_scoped3A_438, %dma_wait3A_477, %dma_wait3A_478] : memref<8x80x64xf32, #tpu.memory_space<vmem>> -> memref<1x80x64xf32, #tpu.memory_space<vmem>>
        %dma_wait3A_480 = tpu.memref_squeeze %dma_wait3A_479 : memref<1x80x64xf32, #tpu.memory_space<vmem>> -> memref<80x64xf32, #tpu.memory_space<vmem>>
        %dma_wait3A_481 = arith.constant 0 : i32
        %dma_wait3A_482 = tpu.memref_slice %arg7[%run_scoped3A_439, %dma_wait3A_481] : memref<250x80xi32, #tpu.memory_space<vmem>> -> memref<1x80xi32, #tpu.memory_space<vmem>>
        %dma_wait3A_483 = tpu.memref_squeeze %dma_wait3A_482 : memref<1x80xi32, #tpu.memory_space<vmem>> -> memref<80xi32, #tpu.memory_space<vmem>>
        %dma_wait3A_484 = arith.constant 0 : i32
        %dma_wait3A_485 = arith.constant 0 : i32
        %dma_wait3A_486 = tpu.memref_slice %arg10[%dma_wait3A_484, %dma_wait3A_485] : memref<10240x64xf32, #tpu.memory_space<vmem_shared>> -> memref<10240x64xf32, #tpu.memory_space<vmem_shared>>
        tpu.wait_indirect_dma semaphore(%run_scoped3A_466 : memref<!tpu.dma_semaphore, #tpu.memory_space<semaphore_mem>>) src(%dma_wait3A_480 : memref<80x64xf32, #tpu.memory_space<vmem>>) dst(%dma_wait3A_486 : memref<10240x64xf32, #tpu.memory_space<vmem_shared>>)
        tpu.yield
      }) : () -> ()
      %dma_start3A_440 = arith.constant 249 : i32
      %dma_start3A_441 = arith.constant 0 : i32
      %dma_start3A_442 = arith.constant 0 : i32
      %dma_start3A_443 = arith.constant 0 : i32
      %dma_start3A_444 = tpu.memref_slice %arg8[%dma_start3A_441, %dma_start3A_442, %dma_start3A_443] : memref<8x80x64xf32, #tpu.memory_space<vmem>> -> memref<1x80x64xf32, #tpu.memory_space<vmem>>
      %dma_start3A_445 = tpu.memref_squeeze %dma_start3A_444 : memref<1x80x64xf32, #tpu.memory_space<vmem>> -> memref<80x64xf32, #tpu.memory_space<vmem>>
      %dma_start3A_446 = arith.constant 0 : i32
      %dma_start3A_447 = tpu.memref_slice %arg6[%dma_start3A_440, %dma_start3A_446] : memref<250x80xi32, #tpu.memory_space<vmem>> -> memref<1x80xi32, #tpu.memory_space<vmem>>
      %dma_start3A_448 = tpu.memref_squeeze %dma_start3A_447 : memref<1x80xi32, #tpu.memory_space<vmem>> -> memref<80xi32, #tpu.memory_space<vmem>>
      %dma_start3A_449 = arith.constant 0 : i32
      %dma_start3A_450 = arith.constant 0 : i32
      %dma_start3A_451 = tpu.memref_slice %arg3[%dma_start3A_449, %dma_start3A_450] : memref<10000x64xf32, #tpu.memory_space<hbm>> -> memref<10000x64xf32, #tpu.memory_space<hbm>>
      tpu.enqueue_indirect_dma source(%dma_start3A_451 : memref<10000x64xf32, #tpu.memory_space<hbm>>) target(%dma_start3A_445 : memref<80x64xf32, #tpu.memory_space<vmem>>) offsets(%dma_start3A_448 : memref<80xi32, #tpu.memory_space<vmem>>) semaphore(%arg11 : memref<!tpu.dma_semaphore, #tpu.memory_space<semaphore_mem>>)
      %dma_wait3A_452 = arith.constant 249 : i32
      %dma_wait3A_453 = arith.constant 0 : i32
      %dma_wait3A_454 = arith.constant 0 : i32
      %dma_wait3A_455 = arith.constant 0 : i32
      %dma_wait3A_456 = tpu.memref_slice %arg8[%dma_wait3A_453, %dma_wait3A_454, %dma_wait3A_455] : memref<8x80x64xf32, #tpu.memory_space<vmem>> -> memref<1x80x64xf32, #tpu.memory_space<vmem>>
      %dma_wait3A_457 = tpu.memref_squeeze %dma_wait3A_456 : memref<1x80x64xf32, #tpu.memory_space<vmem>> -> memref<80x64xf32, #tpu.memory_space<vmem>>
      %dma_wait3A_458 = arith.constant 0 : i32
      %dma_wait3A_459 = tpu.memref_slice %arg6[%dma_wait3A_452, %dma_wait3A_458] : memref<250x80xi32, #tpu.memory_space<vmem>> -> memref<1x80xi32, #tpu.memory_space<vmem>>
      %dma_wait3A_460 = tpu.memref_squeeze %dma_wait3A_459 : memref<1x80xi32, #tpu.memory_space<vmem>> -> memref<80xi32, #tpu.memory_space<vmem>>
      %dma_wait3A_461 = arith.constant 0 : i32
      %dma_wait3A_462 = arith.constant 0 : i32
      %dma_wait3A_463 = tpu.memref_slice %arg3[%dma_wait3A_461, %dma_wait3A_462] : memref<10000x64xf32, #tpu.memory_space<hbm>> -> memref<10000x64xf32, #tpu.memory_space<hbm>>
      tpu.wait_indirect_dma semaphore(%arg11 : memref<!tpu.dma_semaphore, #tpu.memory_space<semaphore_mem>>) src(%dma_wait3A_463 : memref<10000x64xf32, #tpu.memory_space<hbm>>) dst(%dma_wait3A_457 : memref<80x64xf32, #tpu.memory_space<vmem>>)
      %run_scoped3A_464 = arith.constant 0 : i32
      %run_scoped3A_465 = arith.constant 249 : i32
      "tpu.region"() ({
        %run_scoped3A_466 = tpu.sem_alloc : memref<!tpu.dma_semaphore, #tpu.memory_space<semaphore_mem>>
        %dma_start3A_467 = arith.constant 0 : i32
        %dma_start3A_468 = arith.constant 0 : i32
        %dma_start3A_469 = tpu.memref_slice %arg8[%run_scoped3A_464, %dma_start3A_467, %dma_start3A_468] : memref<8x80x64xf32, #tpu.memory_space<vmem>> -> memref<1x80x64xf32, #tpu.memory_space<vmem>>
        %dma_start3A_470 = tpu.memref_squeeze %dma_start3A_469 : memref<1x80x64xf32, #tpu.memory_space<vmem>> -> memref<80x64xf32, #tpu.memory_space<vmem>>
        %dma_start3A_471 = arith.constant 0 : i32
        %dma_start3A_472 = tpu.memref_slice %arg7[%run_scoped3A_465, %dma_start3A_471] : memref<250x80xi32, #tpu.memory_space<vmem>> -> memref<1x80xi32, #tpu.memory_space<vmem>>
        %dma_start3A_473 = tpu.memref_squeeze %dma_start3A_472 : memref<1x80xi32, #tpu.memory_space<vmem>> -> memref<80xi32, #tpu.memory_space<vmem>>
        %dma_start3A_474 = arith.constant 0 : i32
        %dma_start3A_475 = arith.constant 0 : i32
        %dma_start3A_476 = tpu.memref_slice %arg10[%dma_start3A_474, %dma_start3A_475] : memref<10240x64xf32, #tpu.memory_space<vmem_shared>> -> memref<10240x64xf32, #tpu.memory_space<vmem_shared>>
        tpu.enqueue_indirect_dma source(%dma_start3A_470 : memref<80x64xf32, #tpu.memory_space<vmem>>) target(%dma_start3A_476 : memref<10240x64xf32, #tpu.memory_space<vmem_shared>>) offsets(%dma_start3A_473 : memref<80xi32, #tpu.memory_space<vmem>>) semaphore(%run_scoped3A_466 : memref<!tpu.dma_semaphore, #tpu.memory_space<semaphore_mem>>) {add = true}
        %dma_wait3A_477 = arith.constant 0 : i32
        %dma_wait3A_478 = arith.constant 0 : i32
        %dma_wait3A_479 = tpu.memref_slice %arg8[%run_scoped3A_464, %dma_wait3A_477, %dma_wait3A_478] : memref<8x80x64xf32, #tpu.memory_space<vmem>> -> memref<1x80x64xf32, #tpu.memory_space<vmem>>
        %dma_wait3A_480 = tpu.memref_squeeze %dma_wait3A_479 : memref<1x80x64xf32, #tpu.memory_space<vmem>> -> memref<80x64xf32, #tpu.memory_space<vmem>>
        %dma_wait3A_481 = arith.constant 0 : i32
        %dma_wait3A_482 = tpu.memref_slice %arg7[%run_scoped3A_465, %dma_wait3A_481] : memref<250x80xi32, #tpu.memory_space<vmem>> -> memref<1x80xi32, #tpu.memory_space<vmem>>
        %dma_wait3A_483 = tpu.memref_squeeze %dma_wait3A_482 : memref<1x80xi32, #tpu.memory_space<vmem>> -> memref<80xi32, #tpu.memory_space<vmem>>
        %dma_wait3A_484 = arith.constant 0 : i32
        %dma_wait3A_485 = arith.constant 0 : i32
        %dma_wait3A_486 = tpu.memref_slice %arg10[%dma_wait3A_484, %dma_wait3A_485] : memref<10240x64xf32, #tpu.memory_space<vmem_shared>> -> memref<10240x64xf32, #tpu.memory_space<vmem_shared>>
        tpu.wait_indirect_dma semaphore(%run_scoped3A_466 : memref<!tpu.dma_semaphore, #tpu.memory_space<semaphore_mem>>) src(%dma_wait3A_480 : memref<80x64xf32, #tpu.memory_space<vmem>>) dst(%dma_wait3A_486 : memref<10240x64xf32, #tpu.memory_space<vmem_shared>>)
        tpu.yield
      }) : () -> ()
    } else {
    }
    %barrier3A_21 = arith.constant 0 : index
    tpu.barrier barrier_id(%barrier3A_21)
    %mul3A = arith.constant 640 : i32
    %mul3A_22 = arith.muli %arg1, %mul3A : i32
    %mul3A_23 = arith.constant 640 : i32
    %mul3A_24 = arith.muli %arg1, %mul3A_23 : i32
    "tpu.region"() ({
      %run_scoped3A_25 = tpu.sem_alloc : memref<!tpu.dma_semaphore, #tpu.memory_space<semaphore_mem>>
      %dma_start3A = arith.constant 0 : i32
      %dma_start3A_26 = tpu.memref_slice %arg5[%arg0, %mul3A_24, %dma_start3A] : memref<2x10240x64xf32, #tpu.memory_space<hbm>> -> memref<1x640x64xf32, #tpu.memory_space<hbm>>
      %dma_start3A_27 = tpu.memref_squeeze %dma_start3A_26 : memref<1x640x64xf32, #tpu.memory_space<hbm>> -> memref<640x64xf32, #tpu.memory_space<hbm>>
      %dma_start3A_28 = arith.constant 0 : i32
      %dma_start3A_29 = tpu.memref_slice %arg10[%mul3A_22, %dma_start3A_28] : memref<10240x64xf32, #tpu.memory_space<vmem_shared>> -> memref<640x64xf32, #tpu.memory_space<vmem_shared>>
      tpu.enqueue_dma source(%dma_start3A_29 : memref<640x64xf32, #tpu.memory_space<vmem_shared>>) target(%dma_start3A_27 : memref<640x64xf32, #tpu.memory_space<hbm>>) target_semaphore(%run_scoped3A_25 : memref<!tpu.dma_semaphore, #tpu.memory_space<semaphore_mem>>)
      %dma_wait3A = arith.constant 0 : i32
      %dma_wait3A_30 = tpu.memref_slice %arg5[%arg0, %mul3A_24, %dma_wait3A] : memref<2x10240x64xf32, #tpu.memory_space<hbm>> -> memref<1x640x64xf32, #tpu.memory_space<hbm>>
      %dma_wait3A_31 = tpu.memref_squeeze %dma_wait3A_30 : memref<1x640x64xf32, #tpu.memory_space<hbm>> -> memref<640x64xf32, #tpu.memory_space<hbm>>
      %dma_wait3A_32 = arith.constant 0 : i32
      %dma_wait3A_33 = tpu.memref_slice %arg10[%mul3A_22, %dma_wait3A_32] : memref<10240x64xf32, #tpu.memory_space<vmem_shared>> -> memref<640x64xf32, #tpu.memory_space<vmem_shared>>
      tpu.wait_dma2 semaphore(%run_scoped3A_25 : memref<!tpu.dma_semaphore, #tpu.memory_space<semaphore_mem>>) src(%dma_wait3A_33 : memref<640x64xf32, #tpu.memory_space<vmem_shared>>) dst(%dma_wait3A_31 : memref<640x64xf32, #tpu.memory_space<hbm>>)
      tpu.yield
    }) : () -> ()
    return
  }
}

#map = affine_map<(d0, d1) -> (0, 0, 0, 0)>
#map1 = affine_map<(d0, d1) -> (0, 0)>
module attributes {stable_mosaic.version = 14 : i64} {
  func.func @_deg_kernel(%arg0: i32, %arg1: i32, %arg2: memref<2x16x250x80xi32, #tpu.memory_space<hbm>>, %arg3: memref<2x10240xf32, #tpu.memory_space<hbm>>, %arg4: memref<125x80xi32, #tpu.memory_space<vmem>>, %arg5: memref<80xf32, #tpu.memory_space<vmem>>, %arg6: memref<640xf32, #tpu.memory_space<vmem>>, %arg7: memref<10240xf32, #tpu.memory_space<vmem_shared>>, %arg8: memref<!tpu.dma_semaphore, #tpu.memory_space<semaphore_mem>>) attributes {dimension_semantics = [#tpu.dimension_semantics<core_parallel>, #tpu.dimension_semantics<subcore_parallel>], iteration_bounds = array<i64: 2, 16>, scalar_prefetch = 0 : i64, scratch_operands = 5 : i64, tpu.core_type = #tpu.core_type<sc_vector_subcore>, window_params = [{transform_indices = #map}, {transform_indices = #map1}]} {
    %broadcast_in_dim3A = arith.constant 1.000000e+00 : f32
    %broadcast_in_dim3A_0 = vector.broadcast %broadcast_in_dim3A : f32 to vector<16xf32>
    %swap3A = arith.constant 0 : index
    %swap3A_1 = tpu.vector_load %arg5[%swap3A] {strides = array<i32>} : memref<80xf32, #tpu.memory_space<vmem>>, vector<16xf32>,
    %swap3A_2 = vector.shape_cast %swap3A_1 : vector<16xf32> to vector<16xf32>
    %swap3A_3 = vector.shape_cast %broadcast_in_dim3A_0 : vector<16xf32> to vector<16xf32>
    tpu.vector_store %arg5[%swap3A], %swap3A_3 {strides = array<i32>} : memref<80xf32, #tpu.memory_space<vmem>>, vector<16xf32>,
    %broadcast_in_dim3A_4 = arith.constant 1.000000e+00 : f32
    %broadcast_in_dim3A_5 = vector.broadcast %broadcast_in_dim3A_4 : f32 to vector<16xf32>
    %swap3A_6 = arith.constant 16 : index
    %swap3A_7 = tpu.vector_load %arg5[%swap3A_6] {strides = array<i32>} : memref<80xf32, #tpu.memory_space<vmem>>, vector<16xf32>,
    %swap3A_8 = vector.shape_cast %swap3A_7 : vector<16xf32> to vector<16xf32>
    %swap3A_9 = vector.shape_cast %broadcast_in_dim3A_5 : vector<16xf32> to vector<16xf32>
    tpu.vector_store %arg5[%swap3A_6], %swap3A_9 {strides = array<i32>} : memref<80xf32, #tpu.memory_space<vmem>>, vector<16xf32>,
    %broadcast_in_dim3A_10 = arith.constant 1.000000e+00 : f32
    %broadcast_in_dim3A_11 = vector.broadcast %broadcast_in_dim3A_10 : f32 to vector<16xf32>
    %swap3A_12 = arith.constant 32 : index
    %swap3A_13 = tpu.vector_load %arg5[%swap3A_12] {strides = array<i32>} : memref<80xf32, #tpu.memory_space<vmem>>, vector<16xf32>,
    %swap3A_14 = vector.shape_cast %swap3A_13 : vector<16xf32> to vector<16xf32>
    %swap3A_15 = vector.shape_cast %broadcast_in_dim3A_11 : vector<16xf32> to vector<16xf32>
    tpu.vector_store %arg5[%swap3A_12], %swap3A_15 {strides = array<i32>} : memref<80xf32, #tpu.memory_space<vmem>>, vector<16xf32>,
    %broadcast_in_dim3A_16 = arith.constant 1.000000e+00 : f32
    %broadcast_in_dim3A_17 = vector.broadcast %broadcast_in_dim3A_16 : f32 to vector<16xf32>
    %swap3A_18 = arith.constant 48 : index
    %swap3A_19 = tpu.vector_load %arg5[%swap3A_18] {strides = array<i32>} : memref<80xf32, #tpu.memory_space<vmem>>, vector<16xf32>,
    %swap3A_20 = vector.shape_cast %swap3A_19 : vector<16xf32> to vector<16xf32>
    %swap3A_21 = vector.shape_cast %broadcast_in_dim3A_17 : vector<16xf32> to vector<16xf32>
    tpu.vector_store %arg5[%swap3A_18], %swap3A_21 {strides = array<i32>} : memref<80xf32, #tpu.memory_space<vmem>>, vector<16xf32>,
    %broadcast_in_dim3A_22 = arith.constant 1.000000e+00 : f32
    %broadcast_in_dim3A_23 = vector.broadcast %broadcast_in_dim3A_22 : f32 to vector<16xf32>
    %swap3A_24 = arith.constant 64 : index
    %swap3A_25 = tpu.vector_load %arg5[%swap3A_24] {strides = array<i32>} : memref<80xf32, #tpu.memory_space<vmem>>, vector<16xf32>,
    %swap3A_26 = vector.shape_cast %swap3A_25 : vector<16xf32> to vector<16xf32>
    %swap3A_27 = vector.shape_cast %broadcast_in_dim3A_23 : vector<16xf32> to vector<16xf32>
    tpu.vector_store %arg5[%swap3A_24], %swap3A_27 {strides = array<i32>} : memref<80xf32, #tpu.memory_space<vmem>>, vector<16xf32>,
    %scan3A = arith.constant 0 : i32
    %scan3A_28 = arith.constant 0 : i32
    %scan3A_29 = arith.constant 40 : i32
    %scan3A_30 = arith.addi %scan3A_28, %scan3A_29 : i32
    %scan3A_31 = arith.constant 1 : i32
    %scan3A_32 = scf.for %scan3A_56 = %scan3A_28 to %scan3A_30 step %scan3A_31 iter_args(%scan3A_57 = %scan3A) -> (i32)  : i32 {
      %broadcast_in_dim3A_58 = arith.constant 0.000000e+00 : f32
      %broadcast_in_dim3A_59 = vector.broadcast %broadcast_in_dim3A_58 : f32 to vector<16xf32>
      %mul3A_60 = arith.constant 16 : i32
      %mul3A_61 = arith.muli %scan3A_56, %mul3A_60 : i32
      %swap3A_62 = arith.index_cast %mul3A_61 : i32 to index
      %swap3A_63 = tpu.vector_load %arg6[%swap3A_62] {strides = array<i32>} : memref<640xf32, #tpu.memory_space<vmem>>, vector<16xf32>,
      %swap3A_64 = vector.shape_cast %swap3A_63 : vector<16xf32> to vector<16xf32>
      %swap3A_65 = vector.shape_cast %broadcast_in_dim3A_59 : vector<16xf32> to vector<16xf32>
      tpu.vector_store %arg6[%swap3A_62], %swap3A_65 {strides = array<i32>} : memref<640xf32, #tpu.memory_space<vmem>>, vector<16xf32>,
      %scan3A_66 = arith.constant 0 : i32
      scf.yield %scan3A_66 : i32
    }
    %scan3A_33 = arith.constant 40 : i32
    %mul3A = arith.constant 640 : i32
    %mul3A_34 = arith.muli %arg1, %mul3A : i32
    "tpu.region"() ({
      %run_scoped3A_56 = tpu.sem_alloc : memref<!tpu.dma_semaphore, #tpu.memory_space<semaphore_mem>>
      %dma_start3A = tpu.memref_slice %arg7[%mul3A_34] : memref<10240xf32, #tpu.memory_space<vmem_shared>> -> memref<640xf32, #tpu.memory_space<vmem_shared>>
      %dma_start3A_57 = tpu.memref_slice %arg7[%mul3A_34] : memref<10240xf32, #tpu.memory_space<vmem_shared>> -> memref<640xf32, #tpu.memory_space<vmem_shared>>
      tpu.enqueue_dma source(%arg6 : memref<640xf32, #tpu.memory_space<vmem>>) target(%dma_start3A_57 : memref<640xf32, #tpu.memory_space<vmem_shared>>) target_semaphore(%run_scoped3A_56 : memref<!tpu.dma_semaphore, #tpu.memory_space<semaphore_mem>>)
      %dma_wait3A = tpu.memref_slice %arg7[%mul3A_34] : memref<10240xf32, #tpu.memory_space<vmem_shared>> -> memref<640xf32, #tpu.memory_space<vmem_shared>>
      %dma_wait3A_58 = tpu.memref_slice %arg7[%mul3A_34] : memref<10240xf32, #tpu.memory_space<vmem_shared>> -> memref<640xf32, #tpu.memory_space<vmem_shared>>
      tpu.wait_dma2 semaphore(%run_scoped3A_56 : memref<!tpu.dma_semaphore, #tpu.memory_space<semaphore_mem>>) src(%arg6 : memref<640xf32, #tpu.memory_space<vmem>>) dst(%dma_wait3A_58 : memref<640xf32, #tpu.memory_space<vmem_shared>>)
      tpu.yield
    }) : () -> ()
    %mul3A_35 = arith.constant 125 : i32
    %mul3A_36 = arith.muli %arg0, %mul3A_35 : i32
    %run_scoped3A = arith.constant 1 : i32
    "tpu.region"() ({
      %run_scoped3A_56 = tpu.sem_alloc : memref<!tpu.dma_semaphore, #tpu.memory_space<semaphore_mem>>
      %dma_start3A = arith.constant 0 : i32
      %dma_start3A_57 = tpu.memref_slice %arg2[%run_scoped3A, %arg1, %mul3A_36, %dma_start3A] : memref<2x16x250x80xi32, #tpu.memory_space<hbm>> -> memref<1x1x125x80xi32, #tpu.memory_space<hbm>>
      %dma_start3A_58 = tpu.memref_squeeze %dma_start3A_57 : memref<1x1x125x80xi32, #tpu.memory_space<hbm>> -> memref<125x80xi32, #tpu.memory_space<hbm>>
      %dma_start3A_59 = arith.constant 0 : i32
      %dma_start3A_60 = tpu.memref_slice %arg2[%run_scoped3A, %arg1, %mul3A_36, %dma_start3A_59] : memref<2x16x250x80xi32, #tpu.memory_space<hbm>> -> memref<1x1x125x80xi32, #tpu.memory_space<hbm>>
      %dma_start3A_61 = tpu.memref_squeeze %dma_start3A_60 : memref<1x1x125x80xi32, #tpu.memory_space<hbm>> -> memref<125x80xi32, #tpu.memory_space<hbm>>
      tpu.enqueue_dma source(%dma_start3A_61 : memref<125x80xi32, #tpu.memory_space<hbm>>) target(%arg4 : memref<125x80xi32, #tpu.memory_space<vmem>>) target_semaphore(%run_scoped3A_56 : memref<!tpu.dma_semaphore, #tpu.memory_space<semaphore_mem>>)
      %dma_wait3A = arith.constant 0 : i32
      %dma_wait3A_62 = tpu.memref_slice %arg2[%run_scoped3A, %arg1, %mul3A_36, %dma_wait3A] : memref<2x16x250x80xi32, #tpu.memory_space<hbm>> -> memref<1x1x125x80xi32, #tpu.memory_space<hbm>>
      %dma_wait3A_63 = tpu.memref_squeeze %dma_wait3A_62 : memref<1x1x125x80xi32, #tpu.memory_space<hbm>> -> memref<125x80xi32, #tpu.memory_space<hbm>>
      %dma_wait3A_64 = arith.constant 0 : i32
      %dma_wait3A_65 = tpu.memref_slice %arg2[%run_scoped3A, %arg1, %mul3A_36, %dma_wait3A_64] : memref<2x16x250x80xi32, #tpu.memory_space<hbm>> -> memref<1x1x125x80xi32, #tpu.memory_space<hbm>>
      %dma_wait3A_66 = tpu.memref_squeeze %dma_wait3A_65 : memref<1x1x125x80xi32, #tpu.memory_space<hbm>> -> memref<125x80xi32, #tpu.memory_space<hbm>>
      tpu.wait_dma2 semaphore(%run_scoped3A_56 : memref<!tpu.dma_semaphore, #tpu.memory_space<semaphore_mem>>) src(%dma_wait3A_66 : memref<125x80xi32, #tpu.memory_space<hbm>>) dst(%arg4 : memref<125x80xi32, #tpu.memory_space<vmem>>)
      tpu.yield
    }) : () -> ()
    %barrier3A = arith.constant 0 : index
    tpu.barrier barrier_id(%barrier3A)
    %scan3A_37 = arith.constant 0 : i32
    %scan3A_38 = arith.constant 0 : i32
    %scan3A_39 = arith.constant 125 : i32
    %scan3A_40 = arith.addi %scan3A_38, %scan3A_39 : i32
    %scan3A_41 = arith.constant 1 : i32
    %scan3A_42 = scf.for %scan3A_56 = %scan3A_38 to %scan3A_40 step %scan3A_41 iter_args(%scan3A_57 = %scan3A_37) -> (i32)  : i32 {
      %dma_start3A = arith.constant 0 : i32
      %dma_start3A_58 = tpu.memref_slice %arg4[%scan3A_56, %dma_start3A] : memref<125x80xi32, #tpu.memory_space<vmem>> -> memref<1x80xi32, #tpu.memory_space<vmem>>
      %dma_start3A_59 = tpu.memref_squeeze %dma_start3A_58 : memref<1x80xi32, #tpu.memory_space<vmem>> -> memref<80xi32, #tpu.memory_space<vmem>>
      %dma_start3A_60 = arith.constant 0 : i32
      %dma_start3A_61 = tpu.memref_slice %arg7[%dma_start3A_60] : memref<10240xf32, #tpu.memory_space<vmem_shared>> -> memref<10240xf32, #tpu.memory_space<vmem_shared>>
      tpu.enqueue_indirect_dma source(%arg5 : memref<80xf32, #tpu.memory_space<vmem>>) target(%dma_start3A_61 : memref<10240xf32, #tpu.memory_space<vmem_shared>>) offsets(%dma_start3A_59 : memref<80xi32, #tpu.memory_space<vmem>>) semaphore(%arg8 : memref<!tpu.dma_semaphore, #tpu.memory_space<semaphore_mem>>) {add = true}
      %scan3A_62 = arith.constant 0 : i32
      scf.yield %scan3A_62 : i32
    }
    %scan3A_43 = arith.constant 125 : i32
    %scan3A_44 = arith.constant 0 : i32
    %scan3A_45 = arith.constant 0 : i32
    %scan3A_46 = arith.constant 125 : i32
    %scan3A_47 = arith.addi %scan3A_45, %scan3A_46 : i32
    %scan3A_48 = arith.constant 1 : i32
    %scan3A_49 = scf.for %scan3A_56 = %scan3A_45 to %scan3A_47 step %scan3A_48 iter_args(%scan3A_57 = %scan3A_44) -> (i32)  : i32 {
      %dma_wait3A = arith.constant 0 : i32
      %dma_wait3A_58 = arith.constant 0 : i32
      %dma_wait3A_59 = tpu.memref_slice %arg4[%dma_wait3A, %dma_wait3A_58] : memref<125x80xi32, #tpu.memory_space<vmem>> -> memref<1x80xi32, #tpu.memory_space<vmem>>
      %dma_wait3A_60 = tpu.memref_squeeze %dma_wait3A_59 : memref<1x80xi32, #tpu.memory_space<vmem>> -> memref<80xi32, #tpu.memory_space<vmem>>
      %dma_wait3A_61 = arith.constant 0 : i32
      %dma_wait3A_62 = tpu.memref_slice %arg7[%dma_wait3A_61] : memref<10240xf32, #tpu.memory_space<vmem_shared>> -> memref<10240xf32, #tpu.memory_space<vmem_shared>>
      tpu.wait_indirect_dma semaphore(%arg8 : memref<!tpu.dma_semaphore, #tpu.memory_space<semaphore_mem>>) src(%arg5 : memref<80xf32, #tpu.memory_space<vmem>>) dst(%dma_wait3A_62 : memref<10240xf32, #tpu.memory_space<vmem_shared>>)
      %scan3A_63 = arith.constant 0 : i32
      scf.yield %scan3A_63 : i32
    }
    %scan3A_50 = arith.constant 125 : i32
    %barrier3A_51 = arith.constant 0 : index
    tpu.barrier barrier_id(%barrier3A_51)
    %mul3A_52 = arith.constant 640 : i32
    %mul3A_53 = arith.muli %arg1, %mul3A_52 : i32
    %mul3A_54 = arith.constant 640 : i32
    %mul3A_55 = arith.muli %arg1, %mul3A_54 : i32
    "tpu.region"() ({
      %run_scoped3A_56 = tpu.sem_alloc : memref<!tpu.dma_semaphore, #tpu.memory_space<semaphore_mem>>
      %dma_start3A = tpu.memref_slice %arg3[%arg0, %mul3A_55] : memref<2x10240xf32, #tpu.memory_space<hbm>> -> memref<1x640xf32, #tpu.memory_space<hbm>>
      %dma_start3A_57 = tpu.memref_squeeze %dma_start3A : memref<1x640xf32, #tpu.memory_space<hbm>> -> memref<640xf32, #tpu.memory_space<hbm>>
      %dma_start3A_58 = tpu.memref_slice %arg7[%mul3A_53] : memref<10240xf32, #tpu.memory_space<vmem_shared>> -> memref<640xf32, #tpu.memory_space<vmem_shared>>
      tpu.enqueue_dma source(%dma_start3A_58 : memref<640xf32, #tpu.memory_space<vmem_shared>>) target(%dma_start3A_57 : memref<640xf32, #tpu.memory_space<hbm>>) target_semaphore(%run_scoped3A_56 : memref<!tpu.dma_semaphore, #tpu.memory_space<semaphore_mem>>)
      %dma_wait3A = tpu.memref_slice %arg3[%arg0, %mul3A_55] : memref<2x10240xf32, #tpu.memory_space<hbm>> -> memref<1x640xf32, #tpu.memory_space<hbm>>
      %dma_wait3A_59 = tpu.memref_squeeze %dma_wait3A : memref<1x640xf32, #tpu.memory_space<hbm>> -> memref<640xf32, #tpu.memory_space<hbm>>
      %dma_wait3A_60 = tpu.memref_slice %arg7[%mul3A_53] : memref<10240xf32, #tpu.memory_space<vmem_shared>> -> memref<640xf32, #tpu.memory_space<vmem_shared>>
      tpu.wait_dma2 semaphore(%run_scoped3A_56 : memref<!tpu.dma_semaphore, #tpu.memory_space<semaphore_mem>>) src(%dma_wait3A_60 : memref<640xf32, #tpu.memory_space<vmem_shared>>) dst(%dma_wait3A_59 : memref<640xf32, #tpu.memory_space<hbm>>)
      tpu.yield
    }) : () -> ()
    return
  }
}

module attributes {stable_mosaic.version = 14 : i64} {
  func.func @_mm1_body(%arg0: i32, %arg1: memref<2000x128xf32, #tpu.memory_space<vmem>>, %arg2: memref<128x128xf32, #tpu.memory_space<vmem>>, %arg3: memref<1x128xf32, #tpu.memory_space<vmem>>, %arg4: memref<2000x2xf32, #tpu.memory_space<vmem>>, %arg5: memref<2000x64xf32, #tpu.memory_space<vmem>>, %arg6: memref<2000x64xf32, #tpu.memory_space<vmem>>, %arg7: memref<2000x1xf32, #tpu.memory_space<vmem>>) attributes {dimension_semantics = [#tpu.dimension_semantics<arbitrary>], iteration_bounds = array<i64: 5>, scalar_prefetch = 0 : i64, scratch_operands = 0 : i64, tpu.core_type = #tpu.core_type<tc>, window_params = [{transform_indices = @transform_0, window_bounds = array<i64: 2000, 128>}, {pipeline_mode = #tpu.pipeline_mode<synchronous>, transform_indices = @transform_1, window_bounds = array<i64: 128, 128>}, {pipeline_mode = #tpu.pipeline_mode<synchronous>, transform_indices = @transform_2, window_bounds = array<i64: 1, 128>}, {transform_indices = @transform_3, window_bounds = array<i64: 2000, 2>}, {transform_indices = @transform_4, window_bounds = array<i64: 2000, 64>}, {transform_indices = @transform_5, window_bounds = array<i64: 2000, 64>}, {transform_indices = @transform_6, window_bounds = array<i64: 2000, 1>}]} {
    %get3A = arith.constant 0 : index
    %get3A_0 = arith.constant 0 : index
    %get3A_1 = vector.load %arg1[%get3A, %get3A_0] : memref<2000x128xf32, #tpu.memory_space<vmem>>, vector<2000x128xf32>
    %get3A_2 = arith.constant 0 : index
    %get3A_3 = arith.constant 0 : index
    %get3A_4 = vector.load %arg2[%get3A_2, %get3A_3] : memref<128x128xf32, #tpu.memory_space<vmem>>, vector<128x128xf32>
    %dot_general3A = arith.constant dense<0.000000e+00> : vector<2000x128xf32>
    %dot_general3A_5 = tpu.matmul %get3A_1, %get3A_4, %dot_general3A {dimension_numbers = #tpu.dot_dimension_numbers<[1], [1], [0], [0], [0, 0, 1, 0], [], []>, transpose_lhs_hint = false} : vector<2000x128xf32>, vector<128x128xf32>, vector<2000x128xf32> -> vector<2000x128xf32>
    %get3A_6 = arith.constant 0 : index
    %get3A_7 = arith.constant 0 : index
    %get3A_8 = vector.load %arg3[%get3A_6, %get3A_7] : memref<1x128xf32, #tpu.memory_space<vmem>>, vector<1x128xf32>
    %add3A = vector.broadcast %get3A_8 : vector<1x128xf32> to vector<2000x128xf32>
    %add3A_9 = arith.addf %dot_general3A_5, %add3A : vector<2000x128xf32>
    %get3A_10 = arith.constant 0 : index
    %get3A_11 = arith.constant 0 : index
    %get3A_12 = vector.load %arg4[%get3A_10, %get3A_11] : memref<2000x2xf32, #tpu.memory_space<vmem>>, vector<2000x1xf32>
    %add3A_13 = arith.constant 1.000000e+00 : f32
    %add3A_14 = vector.broadcast %add3A_13 : f32 to vector<2000x1xf32>
    %add3A_15 = arith.addf %add3A_14, %get3A_12 : vector<2000x1xf32>
    %get3A_16 = arith.constant 0 : index
    %get3A_17 = arith.constant 1 : index
    %get3A_18 = vector.load %arg4[%get3A_16, %get3A_17] : memref<2000x2xf32, #tpu.memory_space<vmem>>, vector<2000x1xf32>
    %add3A_19 = arith.addf %add3A_15, %get3A_18 : vector<2000x1xf32>
    %rsqrt3A = math.rsqrt %add3A_19 : vector<2000x1xf32>
    %swap3A = arith.constant 0 : index
    %swap3A_20 = arith.constant 0 : index
    %swap3A_21 = vector.load %arg7[%swap3A, %swap3A_20] : memref<2000x1xf32, #tpu.memory_space<vmem>>, vector<2000x1xf32>
    tpu.vector_store %arg7[%swap3A, %swap3A_20], %rsqrt3A {strides = array<i32>} : memref<2000x1xf32, #tpu.memory_space<vmem>>, vector<2000x1xf32>,
    %mul3A = vector.broadcast %rsqrt3A : vector<2000x1xf32> to vector<2000x128xf32>
    %mul3A_22 = arith.mulf %mul3A, %add3A_9 : vector<2000x128xf32>
    %slice3A = vector.extract_strided_slice %mul3A_22 {offsets = [0, 0], sizes = [2000, 64], strides = [1, 1]} : vector<2000x128xf32> to vector<2000x64xf32>
    %swap3A_23 = arith.constant 0 : index
    %swap3A_24 = arith.constant 0 : index
    %swap3A_25 = vector.load %arg5[%swap3A_23, %swap3A_24] : memref<2000x64xf32, #tpu.memory_space<vmem>>, vector<2000x64xf32>
    tpu.vector_store %arg5[%swap3A_23, %swap3A_24], %slice3A {strides = array<i32>} : memref<2000x64xf32, #tpu.memory_space<vmem>>, vector<2000x64xf32>,
    %slice3A_26 = vector.extract_strided_slice %mul3A_22 {offsets = [0, 64], sizes = [2000, 64], strides = [1, 1]} : vector<2000x128xf32> to vector<2000x64xf32>
    %swap3A_27 = arith.constant 0 : index
    %swap3A_28 = arith.constant 0 : index
    %swap3A_29 = vector.load %arg6[%swap3A_27, %swap3A_28] : memref<2000x64xf32, #tpu.memory_space<vmem>>, vector<2000x64xf32>
    tpu.vector_store %arg6[%swap3A_27, %swap3A_28], %slice3A_26 {strides = array<i32>} : memref<2000x64xf32, #tpu.memory_space<vmem>>, vector<2000x64xf32>,
    return
  }
  func.func @transform_0(%arg0: i32) -> (i32, i32) {
    %c0_i32 = arith.constant 0 : i32
    %c0_i32_0 = arith.constant 0 : i32
    return %arg0, %c0_i32 : i32, i32
  }
  func.func @transform_1(%arg0: i32) -> (i32, i32) {
    %c0_i32 = arith.constant 0 : i32
    %c0_i32_0 = arith.constant 0 : i32
    %c0_i32_1 = arith.constant 0 : i32
    return %c0_i32, %c0_i32_0 : i32, i32
  }
  func.func @transform_2(%arg0: i32) -> (i32, i32) {
    %c0_i32 = arith.constant 0 : i32
    %c0_i32_0 = arith.constant 0 : i32
    %c0_i32_1 = arith.constant 0 : i32
    return %c0_i32, %c0_i32_0 : i32, i32
  }
  func.func @transform_3(%arg0: i32) -> (i32, i32) {
    %c0_i32 = arith.constant 0 : i32
    %c0_i32_0 = arith.constant 0 : i32
    return %arg0, %c0_i32 : i32, i32
  }
  func.func @transform_4(%arg0: i32) -> (i32, i32) {
    %c0_i32 = arith.constant 0 : i32
    %c0_i32_0 = arith.constant 0 : i32
    return %arg0, %c0_i32 : i32, i32
  }
  func.func @transform_5(%arg0: i32) -> (i32, i32) {
    %c0_i32 = arith.constant 0 : i32
    %c0_i32_0 = arith.constant 0 : i32
    return %arg0, %c0_i32 : i32, i32
  }
  func.func @transform_6(%arg0: i32) -> (i32, i32) {
    %c0_i32 = arith.constant 0 : i32
    %c0_i32_0 = arith.constant 0 : i32
    return %arg0, %c0_i32 : i32, i32
  }
}

module attributes {stable_mosaic.version = 14 : i64} {
  func.func @_mm2_body(%arg0: i32, %arg1: memref<2000x64xf32, #tpu.memory_space<vmem>>, %arg2: memref<2000x64xf32, #tpu.memory_space<vmem>>, %arg3: memref<1x2000x64xf32, #tpu.memory_space<vmem>>, %arg4: memref<1x2000x64xf32, #tpu.memory_space<vmem>>, %arg5: memref<2000x1xf32, #tpu.memory_space<vmem>>, %arg6: memref<128x128xf32, #tpu.memory_space<vmem>>, %arg7: memref<1x128xf32, #tpu.memory_space<vmem>>, %arg8: memref<2000x64xf32, #tpu.memory_space<vmem>>, %arg9: memref<2000x64xf32, #tpu.memory_space<vmem>>) attributes {dimension_semantics = [#tpu.dimension_semantics<arbitrary>], iteration_bounds = array<i64: 5>, scalar_prefetch = 0 : i64, scratch_operands = 0 : i64, tpu.core_type = #tpu.core_type<tc>, window_params = [{transform_indices = @transform_0, window_bounds = array<i64: 2000, 64>}, {transform_indices = @transform_1, window_bounds = array<i64: 2000, 64>}, {transform_indices = @transform_2, window_bounds = array<i64: 1, 2000, 64>}, {transform_indices = @transform_3, window_bounds = array<i64: 1, 2000, 64>}, {transform_indices = @transform_4, window_bounds = array<i64: 2000, 1>}, {pipeline_mode = #tpu.pipeline_mode<synchronous>, transform_indices = @transform_5, window_bounds = array<i64: 128, 128>}, {pipeline_mode = #tpu.pipeline_mode<synchronous>, transform_indices = @transform_6, window_bounds = array<i64: 1, 128>}, {transform_indices = @transform_7, window_bounds = array<i64: 2000, 64>}, {transform_indices = @transform_8, window_bounds = array<i64: 2000, 64>}]} {
    %get3A = arith.constant 0 : index
    %get3A_0 = arith.constant 0 : index
    %get3A_1 = vector.load %arg5[%get3A, %get3A_0] : memref<2000x1xf32, #tpu.memory_space<vmem>>, vector<2000x1xf32>
    %get3A_2 = arith.constant 0 : index
    %get3A_3 = arith.constant 0 : index
    %get3A_4 = vector.load %arg1[%get3A_2, %get3A_3] : memref<2000x64xf32, #tpu.memory_space<vmem>>, vector<2000x64xf32>
    %get3A_5 = arith.constant 0 : index
    %get3A_6 = arith.constant 0 : index
    %get3A_7 = arith.constant 0 : index
    %get3A_8 = vector.load %arg3[%get3A_5, %get3A_6, %get3A_7] : memref<1x2000x64xf32, #tpu.memory_space<vmem>>, vector<1x2000x64xf32>
    %get3A_9 = vector.shape_cast %get3A_8 : vector<1x2000x64xf32> to vector<2000x64xf32>
    %add3A = arith.addf %get3A_4, %get3A_9 : vector<2000x64xf32>
    %mul3A = vector.broadcast %get3A_1 : vector<2000x1xf32> to vector<2000x64xf32>
    %mul3A_10 = arith.mulf %mul3A, %add3A : vector<2000x64xf32>
    %max3A = arith.constant 0.000000e+00 : f32
    %max3A_11 = vector.broadcast %max3A : f32 to vector<2000x64xf32>
    %max3A_12 = arith.maximumf %mul3A_10, %max3A_11 : vector<2000x64xf32>
    %get3A_13 = arith.constant 0 : index
    %get3A_14 = arith.constant 0 : index
    %get3A_15 = vector.load %arg2[%get3A_13, %get3A_14] : memref<2000x64xf32, #tpu.memory_space<vmem>>, vector<2000x64xf32>
    %get3A_16 = arith.constant 0 : index
    %get3A_17 = arith.constant 0 : index
    %get3A_18 = arith.constant 0 : index
    %get3A_19 = vector.load %arg4[%get3A_16, %get3A_17, %get3A_18] : memref<1x2000x64xf32, #tpu.memory_space<vmem>>, vector<1x2000x64xf32>
    %get3A_20 = vector.shape_cast %get3A_19 : vector<1x2000x64xf32> to vector<2000x64xf32>
    %add3A_21 = arith.addf %get3A_15, %get3A_20 : vector<2000x64xf32>
    %mul3A_22 = vector.broadcast %get3A_1 : vector<2000x1xf32> to vector<2000x64xf32>
    %mul3A_23 = arith.mulf %mul3A_22, %add3A_21 : vector<2000x64xf32>
    %max3A_24 = arith.constant 0.000000e+00 : f32
    %max3A_25 = vector.broadcast %max3A_24 : f32 to vector<2000x64xf32>
    %max3A_26 = arith.maximumf %mul3A_23, %max3A_25 : vector<2000x64xf32>
    %get3A_27 = arith.constant 0 : index
    %get3A_28 = arith.constant 0 : index
    %get3A_29 = vector.load %arg6[%get3A_27, %get3A_28] : memref<128x128xf32, #tpu.memory_space<vmem>>, vector<128x64xf32>
    %dot_general3A = arith.constant dense<0.000000e+00> : vector<2000x128xf32>
    %dot_general3A_30 = tpu.matmul %max3A_12, %get3A_29, %dot_general3A {dimension_numbers = #tpu.dot_dimension_numbers<[1], [1], [0], [0], [0, 0, 1, 0], [], []>, transpose_lhs_hint = false} : vector<2000x64xf32>, vector<128x64xf32>, vector<2000x128xf32> -> vector<2000x128xf32>
    %get3A_31 = arith.constant 0 : index
    %get3A_32 = arith.constant 64 : index
    %get3A_33 = vector.load %arg6[%get3A_31, %get3A_32] : memref<128x128xf32, #tpu.memory_space<vmem>>, vector<128x64xf32>
    %dot_general3A_34 = arith.constant dense<0.000000e+00> : vector<2000x128xf32>
    %dot_general3A_35 = tpu.matmul %max3A_26, %get3A_33, %dot_general3A_34 {dimension_numbers = #tpu.dot_dimension_numbers<[1], [1], [0], [0], [0, 0, 1, 0], [], []>, transpose_lhs_hint = false} : vector<2000x64xf32>, vector<128x64xf32>, vector<2000x128xf32> -> vector<2000x128xf32>
    %add3A_36 = arith.addf %dot_general3A_30, %dot_general3A_35 : vector<2000x128xf32>
    %get3A_37 = arith.constant 0 : index
    %get3A_38 = arith.constant 0 : index
    %get3A_39 = vector.load %arg7[%get3A_37, %get3A_38] : memref<1x128xf32, #tpu.memory_space<vmem>>, vector<1x128xf32>
    %add3A_40 = vector.broadcast %get3A_39 : vector<1x128xf32> to vector<2000x128xf32>
    %add3A_41 = arith.addf %add3A_36, %add3A_40 : vector<2000x128xf32>
    %mul3A_42 = vector.broadcast %get3A_1 : vector<2000x1xf32> to vector<2000x128xf32>
    %mul3A_43 = arith.mulf %mul3A_42, %add3A_41 : vector<2000x128xf32>
    %slice3A = vector.extract_strided_slice %mul3A_43 {offsets = [0, 0], sizes = [2000, 64], strides = [1, 1]} : vector<2000x128xf32> to vector<2000x64xf32>
    %swap3A = arith.constant 0 : index
    %swap3A_44 = arith.constant 0 : index
    %swap3A_45 = vector.load %arg8[%swap3A, %swap3A_44] : memref<2000x64xf32, #tpu.memory_space<vmem>>, vector<2000x64xf32>
    tpu.vector_store %arg8[%swap3A, %swap3A_44], %slice3A {strides = array<i32>} : memref<2000x64xf32, #tpu.memory_space<vmem>>, vector<2000x64xf32>,
    %slice3A_46 = vector.extract_strided_slice %mul3A_43 {offsets = [0, 64], sizes = [2000, 64], strides = [1, 1]} : vector<2000x128xf32> to vector<2000x64xf32>
    %swap3A_47 = arith.constant 0 : index
    %swap3A_48 = arith.constant 0 : index
    %swap3A_49 = vector.load %arg9[%swap3A_47, %swap3A_48] : memref<2000x64xf32, #tpu.memory_space<vmem>>, vector<2000x64xf32>
    tpu.vector_store %arg9[%swap3A_47, %swap3A_48], %slice3A_46 {strides = array<i32>} : memref<2000x64xf32, #tpu.memory_space<vmem>>, vector<2000x64xf32>,
    return
  }
  func.func @transform_0(%arg0: i32) -> (i32, i32) {
    %c0_i32 = arith.constant 0 : i32
    %c0_i32_0 = arith.constant 0 : i32
    return %arg0, %c0_i32 : i32, i32
  }
  func.func @transform_1(%arg0: i32) -> (i32, i32) {
    %c0_i32 = arith.constant 0 : i32
    %c0_i32_0 = arith.constant 0 : i32
    return %arg0, %c0_i32 : i32, i32
  }
  func.func @transform_2(%arg0: i32) -> (i32, i32, i32) {
    %c0_i32 = arith.constant 0 : i32
    %c0_i32_0 = arith.constant 0 : i32
    %c0_i32_1 = arith.constant 0 : i32
    return %c0_i32, %arg0, %c0_i32_0 : i32, i32, i32
  }
  func.func @transform_3(%arg0: i32) -> (i32, i32, i32) {
    %c1_i32 = arith.constant 1 : i32
    %c0_i32 = arith.constant 0 : i32
    %c0_i32_0 = arith.constant 0 : i32
    return %c1_i32, %arg0, %c0_i32 : i32, i32, i32
  }
  func.func @transform_4(%arg0: i32) -> (i32, i32) {
    %c0_i32 = arith.constant 0 : i32
    %c0_i32_0 = arith.constant 0 : i32
    return %arg0, %c0_i32 : i32, i32
  }
  func.func @transform_5(%arg0: i32) -> (i32, i32) {
    %c0_i32 = arith.constant 0 : i32
    %c0_i32_0 = arith.constant 0 : i32
    %c0_i32_1 = arith.constant 0 : i32
    return %c0_i32, %c0_i32_0 : i32, i32
  }
  func.func @transform_6(%arg0: i32) -> (i32, i32) {
    %c0_i32 = arith.constant 0 : i32
    %c0_i32_0 = arith.constant 0 : i32
    %c0_i32_1 = arith.constant 0 : i32
    return %c0_i32, %c0_i32_0 : i32, i32
  }
  func.func @transform_7(%arg0: i32) -> (i32, i32) {
    %c0_i32 = arith.constant 0 : i32
    %c0_i32_0 = arith.constant 0 : i32
    return %arg0, %c0_i32 : i32, i32
  }
  func.func @transform_8(%arg0: i32) -> (i32, i32) {
    %c0_i32 = arith.constant 0 : i32
    %c0_i32_0 = arith.constant 0 : i32
    return %arg0, %c0_i32 : i32, i32
  }
}

module attributes {stable_mosaic.version = 14 : i64} {
  func.func @_fin_body(%arg0: i32, %arg1: memref<2000x64xf32, #tpu.memory_space<vmem>>, %arg2: memref<2000x64xf32, #tpu.memory_space<vmem>>, %arg3: memref<1x2000x64xf32, #tpu.memory_space<vmem>>, %arg4: memref<1x2000x64xf32, #tpu.memory_space<vmem>>, %arg5: memref<2000x1xf32, #tpu.memory_space<vmem>>, %arg6: memref<2000x128xf32, #tpu.memory_space<vmem>>) attributes {dimension_semantics = [#tpu.dimension_semantics<arbitrary>], iteration_bounds = array<i64: 5>, scalar_prefetch = 0 : i64, scratch_operands = 0 : i64, tpu.core_type = #tpu.core_type<tc>, window_params = [{transform_indices = @transform_0, window_bounds = array<i64: 2000, 64>}, {transform_indices = @transform_1, window_bounds = array<i64: 2000, 64>}, {transform_indices = @transform_2, window_bounds = array<i64: 1, 2000, 64>}, {transform_indices = @transform_3, window_bounds = array<i64: 1, 2000, 64>}, {transform_indices = @transform_4, window_bounds = array<i64: 2000, 1>}, {transform_indices = @transform_5, window_bounds = array<i64: 2000, 128>}]} {
    %get3A = arith.constant 0 : index
    %get3A_0 = arith.constant 0 : index
    %get3A_1 = vector.load %arg5[%get3A, %get3A_0] : memref<2000x1xf32, #tpu.memory_space<vmem>>, vector<2000x1xf32>
    %get3A_2 = arith.constant 0 : index
    %get3A_3 = arith.constant 0 : index
    %get3A_4 = vector.load %arg1[%get3A_2, %get3A_3] : memref<2000x64xf32, #tpu.memory_space<vmem>>, vector<2000x64xf32>
    %get3A_5 = arith.constant 0 : index
    %get3A_6 = arith.constant 0 : index
    %get3A_7 = arith.constant 0 : index
    %get3A_8 = vector.load %arg3[%get3A_5, %get3A_6, %get3A_7] : memref<1x2000x64xf32, #tpu.memory_space<vmem>>, vector<1x2000x64xf32>
    %get3A_9 = vector.shape_cast %get3A_8 : vector<1x2000x64xf32> to vector<2000x64xf32>
    %add3A = arith.addf %get3A_4, %get3A_9 : vector<2000x64xf32>
    %mul3A = vector.broadcast %get3A_1 : vector<2000x1xf32> to vector<2000x64xf32>
    %mul3A_10 = arith.mulf %mul3A, %add3A : vector<2000x64xf32>
    %swap3A = arith.constant 0 : index
    %swap3A_11 = arith.constant 0 : index
    %swap3A_12 = vector.load %arg6[%swap3A, %swap3A_11] : memref<2000x128xf32, #tpu.memory_space<vmem>>, vector<2000x64xf32>
    tpu.vector_store %arg6[%swap3A, %swap3A_11], %mul3A_10 {strides = array<i32>} : memref<2000x128xf32, #tpu.memory_space<vmem>>, vector<2000x64xf32>,
    %get3A_13 = arith.constant 0 : index
    %get3A_14 = arith.constant 0 : index
    %get3A_15 = vector.load %arg2[%get3A_13, %get3A_14] : memref<2000x64xf32, #tpu.memory_space<vmem>>, vector<2000x64xf32>
    %get3A_16 = arith.constant 0 : index
    %get3A_17 = arith.constant 0 : index
    %get3A_18 = arith.constant 0 : index
    %get3A_19 = vector.load %arg4[%get3A_16, %get3A_17, %get3A_18] : memref<1x2000x64xf32, #tpu.memory_space<vmem>>, vector<1x2000x64xf32>
    %get3A_20 = vector.shape_cast %get3A_19 : vector<1x2000x64xf32> to vector<2000x64xf32>
    %add3A_21 = arith.addf %get3A_15, %get3A_20 : vector<2000x64xf32>
    %mul3A_22 = vector.broadcast %get3A_1 : vector<2000x1xf32> to vector<2000x64xf32>
    %mul3A_23 = arith.mulf %mul3A_22, %add3A_21 : vector<2000x64xf32>
    %swap3A_24 = arith.constant 0 : index
    %swap3A_25 = arith.constant 64 : index
    %swap3A_26 = vector.load %arg6[%swap3A_24, %swap3A_25] : memref<2000x128xf32, #tpu.memory_space<vmem>>, vector<2000x64xf32>
    tpu.vector_store %arg6[%swap3A_24, %swap3A_25], %mul3A_23 {strides = array<i32>} : memref<2000x128xf32, #tpu.memory_space<vmem>>, vector<2000x64xf32>,
    return
  }
  func.func @transform_0(%arg0: i32) -> (i32, i32) {
    %c0_i32 = arith.constant 0 : i32
    %c0_i32_0 = arith.constant 0 : i32
    return %arg0, %c0_i32 : i32, i32
  }
  func.func @transform_1(%arg0: i32) -> (i32, i32) {
    %c0_i32 = arith.constant 0 : i32
    %c0_i32_0 = arith.constant 0 : i32
    return %arg0, %c0_i32 : i32, i32
  }
  func.func @transform_2(%arg0: i32) -> (i32, i32, i32) {
    %c0_i32 = arith.constant 0 : i32
    %c0_i32_0 = arith.constant 0 : i32
    %c0_i32_1 = arith.constant 0 : i32
    return %c0_i32, %arg0, %c0_i32_0 : i32, i32, i32
  }
  func.func @transform_3(%arg0: i32) -> (i32, i32, i32) {
    %c1_i32 = arith.constant 1 : i32
    %c0_i32 = arith.constant 0 : i32
    %c0_i32_0 = arith.constant 0 : i32
    return %c1_i32, %arg0, %c0_i32 : i32, i32, i32
  }
  func.func @transform_4(%arg0: i32) -> (i32, i32) {
    %c0_i32 = arith.constant 0 : i32
    %c0_i32_0 = arith.constant 0 : i32
    return %arg0, %c0_i32 : i32, i32
  }
  func.func @transform_5(%arg0: i32) -> (i32, i32) {
    %c0_i32 = arith.constant 0 : i32
    %c0_i32_0 = arith.constant 0 : i32
    return %arg0, %c0_i32 : i32, i32
  }
}

</mosaic_0001>

<sc_bundles>
// kernel: kernel.11.cloned.1.call-start
scs
__scs_entry_jumppad:
0x0: {  	(pc) =	sbr.rel $0x88, $3  }
0x1: {  	(tag) =	ssettag $0x0;
	lr =	simm.s32 $0x1  }
0x2: {  	[smem:$0x3F9B] =	sst lr;
	_ =	strace $0xD0000000  }
0x3: {  	_ = 	snop  }
0x4: {  	_ = 	snop  }
0x5: {  	_ = 	snop  }
0x6: {  	_ = 	snop  }
0x7: {  	_ = 	snop  }
__scs_overlays_trampoline_lowered:
0x8: {  	[smem:$0x3FAA] =	sst s0  }
0x9: {  	[smem:$0x3FAB] =	sst s1  }
0xa: {  	[smem:$0x3FAC] =	sst s2  }
0xb: {  	[smem:$0x3FAD] =	sst s3  }
0xc: {  	[smem:$0x3FAE] =	sst s4  }
0xd: {  	[smem:$0x3FAF] =	sst s5  }
0xe: {  	[smem:$0x3FB0] =	sst s6  }
0xf: {  	[smem:$0x3FB1] =	sst s7  }
0x10: {  	[smem:$0x3FB2] =	sst s8  }
0x11: {  	[smem:$0x3FB3] =	sst s9;
	s0 =	simm.s32 @!p0 $0x0  }
0x12: {  	s1 =	sld [smem:$0x3F99];
	s0 =	simm.s32 @p0 $0x1  }
0x13: {  	[smem:$0x3FB4] =	sst s0;
	s0 =	simm.s32 @!p1 $0x0  }
0x14: {  	s2 =	sld [smem:$0x3F98];
	s0 =	simm.s32 @p1 $0x1  }
0x15: {  	[smem:$0x3FB5] =	sst s0;
	s0 =	simm.s32 @!p2 $0x0  }
0x16: {  	s3 =	sld [smem:$0x3FDB];
	s0 =	simm.s32 @p2 $0x1  }
0x17: {  	s4 =	simm.s32 $0x1BF5;
	[smem:$0x3FB7] =	sst s0  }
0x18: {  	s0 =	sld [smem:$0x3F9A];
	_ =	swait.ge [sflag:s4], $0x0  }
0x19: {  	s7 =	sld [smem:$0x3F9B]  }
0x1a: {  	s8 =	sadd.s32 $0xFFFFE003, lr  }
0x1b: {  	s9 =	sadd.s32 $0xFFFFFEF7, lr;
	s5 =	simm.s32 $0xFFFFFFFF;
	p2 =	slt.u32 s8, $0xFFFFF086  }
0x1c: {  	p1 =	slt.u32 s9, $0xF7A;
	s5 =	simm.s32 @!p2 $0x0  }
0x1d: {  	s5 =	simm.s32 @p1 $0x1;
	p0 =	seq.s32 s7, s2  }
0x1e: {  	s7 =	smul.u32 @!p0 $0xF7A, s2;
	p2 =	seq.s32 @!p0 s5, $0x0  }
0x1f: {  	s9 =	smul.u32 $0xF7A, s1;
	s8 =	simm.s32 @!p0 $0x1BF5;
	p2 =	por !p2, p0  }
0x20: {  	[sflag:s8] =	ssyncset.s32 @!p0 $0xFFFFF086;
	s6 =	sadd.s32 @!p0 s3, s7;
	s7 =	simm.s32 @!p0 $0x108  }
0x21: {  	s3 =	sadd.s32 s3, s9;
	s6 =	sadd.s32 @!p0 $0x88, s6;
	s7 =	simm.s32 @p2 $0x1082  }
0x22: {  	[simem:s7], [sflag:s8] =	dma.local @!p0 [hbm:s6], $0xF7A  }
0x23: {  	s9 =	sor.u32 $0xD0000000, s2;
	s6 =	simm.s32 $0x108;
	_ =	swait.ge @!p0 [sflag:s8], $0x0  }
0x24: {  	s3 =	sadd.s32 $0x88, s3;
	s6 =	simm.s32 @!p1 $0x1082;
	[sflag:s4] =	ssyncset.s32 $0xFFFFF086  }
0x25: {  	[simem:s6], [sflag:s4] =	dma.local [hbm:s3], $0xF7A  }
0x26: {  	[smem:$0x3F9B] =	sst s1;
	(tag) =	ssettag s2;
	_ =	strace s9  }
0x27: {  	s1 =	sld [smem:$0x3FAB]  }
0x28: {  	s2 =	sld [smem:$0x3FAC]  }
0x29: {  	s4 =	sld [smem:$0x3FAE]  }
0x2a: {  	p0 =	seq.s32 s5, $0x0;
	s5 =	sld [smem:$0x3FAF]  }
0x2b: {  	s6 =	sld [smem:$0x3FB0]  }
0x2c: {  	s7 =	sld [smem:$0x3FB1]  }
0x2d: {  	s3 =	simm.s32 $0x108;
	s8 =	sld [smem:$0x3FB2]  }
0x2e: {  	s3 =	simm.s32 @!p0 $0x1082;
	s9 =	sld [smem:$0x3FB3]  }
0x2f: {  	lr =	sadd.s32 s0, s3;
	s0 =	sld [smem:$0x3FAA]  }
0x30: {  	s3 =	sld [smem:$0x3FAD]  }
0x31: {  	[smem:$0x3FB6] =	sst s10  }
0x32: {  	s10 =	sld [smem:$0x3FB4];
	_ =	sdelay $0x3  }
0x33: {  	p0 =	seq.s32 s10, $0x1;
	s10 =	sld [smem:$0x3FB6];
	_ =	sdelay $0x3  }
0x34: {  	[smem:$0x3FB6] =	sst s10  }
0x35: {  	s10 =	sld [smem:$0x3FB5];
	_ =	sdelay $0x3  }
0x36: {  	p1 =	seq.s32 s10, $0x1;
	s10 =	sld [smem:$0x3FB6];
	_ =	sdelay $0x3  }
0x37: {  	[smem:$0x3FB6] =	sst s10  }
0x38: {  	s10 =	sld [smem:$0x3FB7]  }
0x39: {  	_ = 	snop;
	(pc) =	sbr.ind lr, $3  }
0x3a: {  	_ = 	snop  }
0x3b: {  	_ = 	snop  }
0x3c: {  	p2 =	seq.s32 s10, $0x1;
	s10 =	sld [smem:$0x3FB6]  }
0x3d: {  	_ =	shalt  }
0x3e: {  	_ =	shalt  }
0x3f: {  	_ =	shalt  }
0x40: {  	_ =	shalt  }
0x41: {  	_ =	shalt  }
0x42: {  	_ =	shalt  }
0x43: {  	_ =	shalt  }
0x44: {  	_ =	shalt  }
0x45: {  	_ =	shalt  }
0x46: {  	_ =	shalt  }
0x47: {  	_ =	shalt  }
0x48: {  	_ =	shalt  }
0x49: {  	_ =	shalt  }
0x4a: {  	_ =	shalt  }
0x4b: {  	_ =	shalt  }
0x4c: {  	_ =	shalt  }
0x4d: {  	_ =	shalt  }
0x4e: {  	_ =	shalt  }
0x4f: {  	_ =	shalt  }
0x50: {  	_ =	shalt  }
0x51: {  	_ =	shalt  }
0x52: {  	_ =	shalt  }
0x53: {  	_ =	shalt  }
0x54: {  	_ =	shalt  }
0x55: {  	_ =	shalt  }
0x56: {  	_ =	shalt  }
0x57: {  	_ =	shalt  }
0x58: {  	_ =	shalt  }
0x59: {  	_ =	shalt  }
0x5a: {  	_ =	shalt  }
0x5b: {  	_ =	shalt  }
0x5c: {  	_ =	shalt  }
0x5d: {  	_ =	shalt  }
0x5e: {  	_ =	shalt  }
0x5f: {  	_ =	shalt  }
0x60: {  	_ =	shalt  }
0x61: {  	_ =	shalt  }
0x62: {  	_ =	shalt  }
0x63: {  	_ =	shalt  }
0x64: {  	_ =	shalt  }
0x65: {  	_ =	shalt  }
0x66: {  	_ =	shalt  }
0x67: {  	_ =	shalt  }
0x68: {  	_ =	shalt  }
0x69: {  	_ =	shalt  }
0x6a: {  	_ =	shalt  }
0x6b: {  	_ =	shalt  }
0x6c: {  	_ =	shalt  }
0x6d: {  	_ =	shalt  }
0x6e: {  	_ =	shalt  }
0x6f: {  	_ =	shalt  }
0x70: {  	_ =	shalt  }
0x71: {  	_ =	shalt  }
0x72: {  	_ =	shalt  }
0x73: {  	_ =	shalt  }
0x74: {  	_ =	shalt  }
0x75: {  	_ =	shalt  }
0x76: {  	_ =	shalt  }
0x77: {  	_ =	shalt  }
0x78: {  	_ =	shalt  }
0x79: {  	_ =	shalt  }
0x7a: {  	_ =	shalt  }
0x7b: {  	_ =	shalt  }
0x7c: {  	_ =	shalt  }
0x7d: {  	_ =	shalt  }
0x7e: {  	_ =	shalt  }
0x7f: {  	_ =	shalt  }
0x80: {  	_ =	shalt  }
0x81: {  	_ =	shalt  }
0x82: {  	_ =	shalt  }
0x83: {  	_ =	shalt  }
0x84: {  	_ =	shalt  }
0x85: {  	_ =	shalt  }
0x86: {  	_ =	shalt  }
0x87: {  	_ =	shalt  }
.Lfunc_end0:
.L_simem_size_0:
called_computation.1_lowered:
.L_overlay_start_0:
0x88: {  	s2 =	sld [smem:$0x3FD9]  }
0x89: {  	s3 =	sld [smem:$0x3FFE];
	_ =	sdelay $0x1  }
0x8a: {  	s1 =	srdreg.scid  }
0x8b: {  	s0 =	sand.u32 $0x1, s1  }
0x8c: {  	s16 =	sshll.u32 s0, $0xA;
	s2 =	sadd.s32 s3, s2  }
0x8d: {  	s2 =	sadd.s32 s2, s16  }
0x8e: {  	[smem:$0x3FC2] =	sst s2  }
0x8f: {  	_ = 	snop  }
0x90: {  	(tm) =	ssettm $0x1  }
0x91: {  	s17 =	sld [smem:$0x3FFB];
	_ =	sdelay $0x3  }
0x92: {  	_ =	strace s17  }
0x93: {  	s2 =	sld [smem:$0x3FFC];
	_ =	sdelay $0x3  }
0x94: {  	_ =	strace s2  }
0x95: {  	s2 =	sld [smem:$0x3FFD];
	_ =	sdelay $0x3  }
0x96: {  	_ =	strace s2  }
0x97: {  	_ =	strace $0x8FFFFFFF  }
0x98: {  	s18 =	sld [smem:$0x3FDB];
	_ =	sdelay $0x1  }
0x99: {  	s19 =	simm.s32 $_scs_section_size  }
0x9a: {  	s4 =	simm.s32 $_size__tile_overlayer_lowered;
	s5 =	simm.s32 $_tile_overlayer_lowered  }
0x9b: {  	s22 =	simm.s32 $0x1BFF;
	s21 =	sshll.u32 s5, $0x1;
	s2 =	sadd.s32 s19, s18  }
0x9c: {  	s6 =	simm.s32 $0x0;
	s20 =	sshll.u32 s4, $0x1;
	s4 =	sadd.s32 s21, s2  }
0x9d: {  	[timem:s6], [sflag:s22] =	dma.local [hbm:s4], s20  }
0x9e: {  	_ =	swait.ge [sflag:s22], s20  }
0x9f: {  	s3 =	ssub.s32 $0x0, s20;
	[sflag:s22] =	ssyncset.done $0x0  }
0xa0: {  	[sflag:s22] =	ssyncadd.s32 s3;
	_ =	sdelay $0x1  }
0xa1: {  	s23 =	simm.s32 $0x1B8B  }
0xa2: {  	_ =	swait.ge [sflag:s23], $0x1  }
0xa3: {  	[sflag:s23] =	ssyncset.done $0x0  }
0xa4: {  	s25 =	simm.s32 $0x1B8E;
	s24 =	sld [smem:$0x3FFE];
	[sflag:s23] =	ssyncadd.s32 $0xFFFFFFFF  }
0xa5: {  	s26 =	simm.s32 $execute0_lowered;
	[smem:$0x3FD2] =	sst s25  }
0xa6: {  	s4 =	sshll.u32 s26, $0x1;
	_ =	strace $0x80000049;
	[dreg:$0x1] =	wrdreg $0xFFFFFFFF  }
0xa7: {  	s28 =	simm.s32 $_size_execute0_lowered;
	s2 =	sadd.s32 s2, s4;
	[dreg:$0x0] =	wrdreg $0x0  }
0xa8: {  	s4 =	sshll.u32 s28, $0x1;
	[dreg:$0x2] =	wrdreg s2  }
0xa9: {  	[dreg:$0x3] =	wrdreg s4  }
0xaa: {  	[dreg:$0x4] =	wrdreg $0xC0  }
0xab: {  	_ =	task [dreg:s6], $0x5FFFF  }
0xac: {  	[dreg:$0x1] =	wrdreg $0xFFFFFFFF  }
0xad: {  	[dreg:$0x0] =	wrdreg $0x60  }
0xae: {  	[dreg:$0x2] =	wrdreg s24  }
0xaf: {  	[dreg:$0x3] =	wrdreg $0x150400  }
0xb0: {  	[dreg:$0x4] =	wrdreg $0x9  }
0xb1: {  	_ =	task.clear_ibuf [dreg:s6], $0x5FFFF;
	_ =	strace $0x90000049  }
0xb2: {  	s29 =	simm.s32 $0x9;
	_ =	strace $0x8000004B  }
0xb3: {  	_ =	swait.ge [sflag:s29], $0x1  }
0xb4: {  	[sflag:s29] =	ssyncadd.s32 $0xFFFFFFFF  }
0xb5: {  	_ =	strace $0x9000004B  }
0xb6: {  	_ =	sfence  }
0xb7: {  	s30 =	sld [smem:$0x0];
	_ =	sdelay $0x2  }
0xb8: {  	s31 =	sshll.u32 s1, $0xD;
	s1 =	sshrl.u32 s1, $0x2  }
0xb9: {  	s3 =	sand.u32 $0x4000, s31;
	s1 =	sadd.s32 s1, s30  }
0xba: {  	s0 =	sor.u32 s3, s0;
	s1 =	sshll.u32 s1, $0x11  }
0xbb: {  	s0 =	sor.u32 s1, s0  }
0xbc: {  	s0 =	sadd.s32 $0x8F2B, s0  }
0xbd: {  	[sflag:s0] =	ssyncadd.remote.s32 $0x1  }
0xbe: {  	_ =	sfence.sel $0xFFFF  }
0xbf: {  	[dreg:$0x0] =	wrdreg $0xFFFFFFFF;
	(pc) =	sbr.abs _section_cstart, $3  }
0xc0: {  	[dreg:$0x1] =	wrdreg $0xFFFFFFFF  }
0xc1: {  	_ =	task.clear_ibuf [dreg:s6], $0x2FFFF;
	_ =	strace $0x9FFFFFFF  }
0xc2: {  	(tm) =	ssettm $0x7FFFFFFF  }
0xc3: {  	_ =	shalt  }
tec
execute0_lowered:
.L_overlay_start_1:
0x0: {  	(tag) =	ssettag $0x1  }
0x1: {  	s0 =	rddreg [dreg:$0x0]  }
0x2: {  	s2 =	rddreg [dreg:$0x1];
	s10 =	stileid.u32  }
0x3: {  	s1 =	srdreg.scid;
	s4 =	simm.s32 $0x0;
	s21 =	simm.s32 $0x50  }
0x4: {  	s22 =	simm.s32 $0x9C40;
	s29 =	simm.s32 $0xD840;
	s31 =	simm.s32 $0xEC40  }
0x5: {  	s28 =	simm.s32 $0x11440;
	s30 =	simm.s32 $0x2;
	s3 =	smul.u32 $0x4E20, s10  }
0x6: {  	s1 =	sand.u32 $0x1, s1;
	[smem:$0x7FF] =	sst s4;
	s7 =	smul.u32 $0xA000, s10  }
0x7: {  	s4 =	sadd.s32 $0x16800, s0;
	s5 =	sadd.s32 $0x2A200, s0;
	s10 =	smul.u32 $0x28000, s10  }
0x8: {  	s6 =	smul.u32 $0xA0000, s1;
	_ =	strace $0x8000004A;
	s8 =	ssub.s32 $0x2, s1  }
0x9: {  	p0 =	seq.s32 s1, $0x1;
	s1 =	simm.s32 $0x0;
	s3 =	sshrl.u32 s3, $0x3  }
0xa: {  	s9 =	sshrl.u32 s8, $0x1;
	s19 =	sshrl.u32 s10, $0x2;
	s20 =	sadd.s32 s7, s2  }
0xb: {  	s3 =	sadd.s32 s3, s0;
	s6 =	sadd.s32 s7, s6;
	s17 =	ssub.s32 s8, s9  }
0xc: {  	s9 =	sadd.s32 s19, s2;
	s19 =	simm.s32 $0x3;
	s18 =	sadd.s32 $0x2E00, s3  }
0xd: {  	s6 =	sshrl.u32 s6, $0x3;
	s3 =	sadd.s32 $0xCA40, s3;
	[dreg:$0x3] =	wrdreg s18  }
0xe: {  	s23 =	smax.u32 s17, $0x1;
	s24 =	sadd.s32 $0x1400, s9;
	[dreg:$0x4] =	wrdreg s3  }
0xf: {  	s25 =	sadd.s32 $0x2800, s9;
	s26 =	sadd.s32 $0x3C00, s9;
	[dreg:$0x6] =	wrdreg s23  }
0x10: {  	s14 =	sadd.s32 $0x5000, s9;
	s15 =	sadd.s32 $0x6400, s9;
	[dreg:$0x7] =	wrdreg s24  }
.Ltmp0:
0x11: {  	s16 =	sadd.s32 $0x7800, s9;
	[dreg:$0x8] =	wrdreg s25;
	(pc) =	sbr.rel .LBB2_1-.Ltmp0, $4  }
0x12: {  	s17 =	sadd.s32 $0x8C00, s9;
	s0 =	sadd.s32 s6, s0;
	[dreg:$0x9] =	wrdreg s26  }
0x13: {  	s18 =	simm.s32 $0x13C40;
	s23 =	simm.s32 $0xB040;
	s25 =	sshrl.u32 s20, $0x3  }
0x14: {  	s26 =	simm.s32 $0xC440;
	s20 =	simm.s32 $0x10040;
	s0 =	sadd.s32 $0x3DC00, s0  }
0x15: {  	v0 =	vimm.f32 $0.0e+00;
	s24 =	simm.s32 $0x1;
	[dreg:$0x5] =	wrdreg s0;
	s0 =	simm.s32 $0x12840  }
.LBB2_6:
0x16: {  	[tilespmem:s7], [sflag:$0x1] =	stream.indirect.gather [hbm4b:s4+s21], $0x40, s8, s21, $0xb8;
	[tilespmem:$0x1F040] =	vst v63  }
0x17: {  	s3 =	smov.u32 s4  }
.LBB2_10:
0x18: {  	_ =	swait.ge [sflag:s24], $0x1400  }
0x19: {  	[sflag:s24] =	ssyncset.done $0x0  }
0x1a: {  	[sflag:s24] =	ssyncadd.s32 $0xFFFFEC00  }
0x1b: {  	_ =	swait.ge [sflag:s24], $0x1400  }
0x1c: {  	[sflag:s24] =	ssyncset.done $0x0  }
0x1d: {  	[sflag:s24] =	ssyncadd.s32 $0xFFFFEC00  }
0x1e: {  	_ =	swait.ge [sflag:s24], $0x1400  }
0x1f: {  	[sflag:s24] =	ssyncset.done $0x0  }
0x20: {  	[sflag:s24] =	ssyncadd.s32 $0xFFFFEC00  }
0x21: {  	_ =	swait.ge [sflag:s24], $0x1400  }
0x22: {  	[sflag:s24] =	ssyncset.done $0x0  }
0x23: {  	s6 =	simm.s32 $0x9920;
	[sflag:s24] =	ssyncadd.s32 $0xFFFFEC00  }
0x24: {  	[spmem:s2] =	stream.indirect.scatter.add.f32 [tilespmem:s22], [sflag:$0x2], $0x40, s6, s21, $0xb8;
	[tilespmem:$0x1F040] =	vst v63  }
0x25: {  	s12 =	simm.s32 $0x9970  }
0x26: {  	[spmem:s2] =	stream.indirect.scatter.add.f32 [tilespmem:s23], [sflag:$0x2], $0x40, s12, s21, $0xb8;
	[tilespmem:$0x1F040] =	vst v63  }
0x27: {  	s13 =	simm.s32 $0x99C0  }
0x28: {  	[spmem:s2] =	stream.indirect.scatter.add.f32 [tilespmem:s26], [sflag:$0x2], $0x40, s13, s21, $0xb8;
	[tilespmem:$0x1F040] =	vst v63  }
0x29: {  	s7 =	simm.s32 $0x9A10  }
0x2a: {  	[spmem:s2] =	stream.indirect.scatter.add.f32 [tilespmem:s29], [sflag:$0x2], $0x40, s7, s21, $0xb8;
	[tilespmem:$0x1F040] =	vst v63  }
0x2b: {  	_ =	swait.ge [sflag:s30], $0x1400  }
0x2c: {  	[sflag:s30] =	ssyncset.done $0x0  }
0x2d: {  	[sflag:s30] =	ssyncadd.s32 $0xFFFFEC00  }
0x2e: {  	_ =	swait.ge [sflag:s30], $0x1400  }
0x2f: {  	[sflag:s30] =	ssyncset.done $0x0  }
0x30: {  	[sflag:s30] =	ssyncadd.s32 $0xFFFFEC00  }
0x31: {  	_ =	swait.ge [sflag:s30], $0x1400  }
0x32: {  	[sflag:s30] =	ssyncset.done $0x0  }
0x33: {  	[sflag:s30] =	ssyncadd.s32 $0xFFFFEC00  }
0x34: {  	_ =	swait.ge [sflag:s30], $0x1400  }
0x35: {  	[sflag:s30] =	ssyncset.done $0x0  }
0x36: {  	[sflag:s30] =	ssyncadd.s32 $0xFFFFEC00  }
0x37: {  	_ =	swait.ge [sflag:s24], $0x1400  }
0x38: {  	[sflag:s24] =	ssyncset.done $0x0  }
0x39: {  	[sflag:s24] =	ssyncadd.s32 $0xFFFFEC00  }
0x3a: {  	_ =	swait.ge [sflag:s24], $0x1400  }
0x3b: {  	[sflag:s24] =	ssyncset.done $0x0  }
0x3c: {  	[sflag:s24] =	ssyncadd.s32 $0xFFFFEC00  }
0x3d: {  	_ =	swait.ge [sflag:s24], $0x1400  }
0x3e: {  	[sflag:s24] =	ssyncset.done $0x0  }
0x3f: {  	[sflag:s24] =	ssyncadd.s32 $0xFFFFEC00  }
0x40: {  	_ =	swait.ge [sflag:s24], $0x1400  }
0x41: {  	[sflag:s24] =	ssyncset.done $0x0  }
0x42: {  	s8 =	simm.s32 $0x9A60;
	[sflag:s24] =	ssyncadd.s32 $0xFFFFEC00  }
0x43: {  	[spmem:s2] =	stream.indirect.scatter.add.f32 [tilespmem:s31], [sflag:$0x2], $0x40, s8, s21, $0xb8;
	[tilespmem:$0x1F040] =	vst v63  }
0x44: {  	s10 =	simm.s32 $0x9AB0  }
0x45: {  	[spmem:s2] =	stream.indirect.scatter.add.f32 [tilespmem:s20], [sflag:$0x2], $0x40, s10, s21, $0xb8;
	[tilespmem:$0x1F040] =	vst v63  }
0x46: {  	s11 =	simm.s32 $0x9B00  }
0x47: {  	[spmem:s2] =	stream.indirect.scatter.add.f32 [tilespmem:s28], [sflag:$0x2], $0x40, s11, s21, $0xb8;
	[tilespmem:$0x1F040] =	vst v63  }
0x48: {  	s12 =	simm.s32 $0x9B50  }
0x49: {  	[spmem:s2] =	stream.indirect.scatter.add.f32 [tilespmem:s0], [sflag:$0x2], $0x40, s12, s21, $0xb8;
	[tilespmem:$0x1F040] =	vst v63  }
0x4a: {  	_ =	swait.ge [sflag:s30], $0x1400  }
0x4b: {  	[sflag:s30] =	ssyncset.done $0x0  }
0x4c: {  	[sflag:s30] =	ssyncadd.s32 $0xFFFFEC00  }
0x4d: {  	_ =	swait.ge [sflag:s30], $0x1400  }
0x4e: {  	[sflag:s30] =	ssyncset.done $0x0  }
0x4f: {  	[sflag:s30] =	ssyncadd.s32 $0xFFFFEC00  }
0x50: {  	_ =	swait.ge [sflag:s30], $0x1400  }
0x51: {  	[sflag:s30] =	ssyncset.done $0x0  }
0x52: {  	[sflag:s30] =	ssyncadd.s32 $0xFFFFEC00  }
0x53: {  	_ =	swait.ge [sflag:s30], $0x1400  }
0x54: {  	[sflag:s30] =	ssyncset.done $0x0  }
0x55: {  	s13 =	simm.s32 $0x4D80;
	[sflag:s30] =	ssyncadd.s32 $0xFFFFEC00  }
0x56: {  	[tilespmem:s22], [sflag:$0x1] =	stream.indirect.gather [hbm4b:s3+s21], $0x40, s13, s21, $0xb8;
	[tilespmem:$0x1F040] =	vst v63  }
0x57: {  	_ =	swait.ge [sflag:s24], $0x1400  }
0x58: {  	[sflag:s24] =	ssyncset.done $0x0  }
0x59: {  	s7 =	simm.s32 $0x9BA0;
	[sflag:s24] =	ssyncadd.s32 $0xFFFFEC00  }
0x5a: {  	[spmem:s2] =	stream.indirect.scatter.add.f32 [tilespmem:s22], [sflag:$0x3], $0x40, s7, s21, $0xb8;
	[tilespmem:$0x1F040] =	vst v63  }
0x5b: {  	_ =	swait.ge [sflag:s19], $0x1400  }
0x5c: {  	[sflag:s19] =	ssyncset.done $0x0  }
0x5d: {  	s8 =	simm.s32 $0x4DD0;
	[sflag:s19] =	ssyncadd.s32 $0xFFFFEC00  }
0x5e: {  	[tilespmem:s22], [sflag:$0x1] =	stream.indirect.gather [hbm4b:s3+s21], $0x40, s8, s21, $0xb8;
	[tilespmem:$0x1F040] =	vst v63  }
0x5f: {  	_ =	swait.ge [sflag:s24], $0x1400  }
0x60: {  	[sflag:s24] =	ssyncset.done $0x0  }
0x61: {  	s10 =	simm.s32 $0x9BF0;
	[sflag:s24] =	ssyncadd.s32 $0xFFFFEC00  }
0x62: {  	[spmem:s2] =	stream.indirect.scatter.add.f32 [tilespmem:s22], [sflag:$0x3], $0x40, s10, s21, $0xb8;
	[tilespmem:$0x1F040] =	vst v63  }
0x63: {  	_ =	swait.ge [sflag:s19], $0x1400  }
0x64: {  	[sflag:s19] =	ssyncset.done $0x0  }
0x65: {  	s11 =	stileid.u32;
	[sflag:s19] =	ssyncadd.s32 $0xFFFFEC00  }
0x66: {  	s3 =	sshll.u32 s11, $0x6;
	[bflag:$0x0] =	sbarrier.arrive $0xFFFF  }
0x67: {  	s3 =	sor.u32 $0x1C03, s3;
	s12 =	rddreg [dreg:$0x5]  }
0x68: {  	[hbm:s12], [sflag:s3] =	dma.local [spmem:s25], $0x1400  }
0x69: {  	_ =	swait.ge [sflag:s19], $0x1400  }
0x6a: {  	s1 =	sadd.s32 $0x1, s1;
	s13 =	rddreg [dreg:$0x6]  }
0x6b: {  	p1 =	sne.s32 s1, s13  }
.Ltmp1:
0x6c: {  	_ = 	snop;
	(pc) =	sbr.rel @!p1 .LBB2_11-.Ltmp1, $3  }
0x6d: {  	_ =	sdelay $0x1  }
0x6e: {  	[sflag:s19] =	ssyncset.done $0x0  }
0x6f: {  	[sflag:s19] =	ssyncadd.s32 $0xFFFFEC00  }
.LBB2_1:
0x70: {  	s6 =	simm.s32 $0x100;
	s3 =	simm.s32 $0x0  }
.LBB2_2:
0x71: {  	p1 =	sne.s32 s6, $0x4F00;
	[tilespmem:s3+$0x13C70] =	vst v0;
	s7 =	smov.u32 s6;
	s6 =	sadd.s32 $0x100, s6  }
.Ltmp2:
0x72: {  	[tilespmem:s3+$0x13C60] =	vst v0;
	(pc) =	sbr.rel @p1 .LBB2_2-.Ltmp2, $3  }
0x73: {  	[tilespmem:s3+$0x13C40] =	vst v0  }
0x74: {  	[tilespmem:s3+$0x13C50] =	vst v0;
	_ =	sdelay $0x1  }
0x75: {  	s3 =	sshra.s32 s7, $0x2  }
0x76: {  	[tilespmem:s3+$0x13C70] =	vst v0  }
0x77: {  	[tilespmem:s3+$0x13C60] =	vst v0  }
0x78: {  	[tilespmem:s3+$0x13C40] =	vst v0  }
0x79: {  	[tilespmem:s3+$0x13C50] =	vst v0  }
0x7a: {  	[spmem:s9] =	stream.linear.scatter [tilespmem:s18], [sflag:$0x3], $0x1400, $0x38;
	[tilespmem:$0x1F040] =	vst v63  }
0x7b: {  	_ =	swait.ge [sflag:s19], $0x1400  }
0x7c: {  	[sflag:s19] =	ssyncset.done $0x0  }
0x7d: {  	s8 =	rddreg [dreg:$0x7];
	[sflag:s19] =	ssyncadd.s32 $0xFFFFEC00  }
0x7e: {  	[spmem:s8] =	stream.linear.scatter [tilespmem:s18], [sflag:$0x3], $0x1400, $0x38;
	[tilespmem:$0x1F040] =	vst v63  }
0x7f: {  	_ =	swait.ge [sflag:s19], $0x1400  }
0x80: {  	[sflag:s19] =	ssyncset.done $0x0  }
0x81: {  	s10 =	rddreg [dreg:$0x8];
	[sflag:s19] =	ssyncadd.s32 $0xFFFFEC00  }
0x82: {  	[spmem:s10] =	stream.linear.scatter [tilespmem:s18], [sflag:$0x3], $0x1400, $0x38;
	[tilespmem:$0x1F040] =	vst v63  }
0x83: {  	_ =	swait.ge [sflag:s19], $0x1400  }
0x84: {  	[sflag:s19] =	ssyncset.done $0x0  }
0x85: {  	s11 =	rddreg [dreg:$0x9];
	[sflag:s19] =	ssyncadd.s32 $0xFFFFEC00  }
0x86: {  	[spmem:s11] =	stream.linear.scatter [tilespmem:s18], [sflag:$0x3], $0x1400, $0x38;
	[tilespmem:$0x1F040] =	vst v63  }
0x87: {  	_ =	swait.ge [sflag:s19], $0x1400  }
0x88: {  	[sflag:s19] =	ssyncset.done $0x0  }
0x89: {  	[sflag:s19] =	ssyncadd.s32 $0xFFFFEC00  }
0x8a: {  	[spmem:s14] =	stream.linear.scatter [tilespmem:s18], [sflag:$0x3], $0x1400, $0x38;
	[tilespmem:$0x1F040] =	vst v63  }
0x8b: {  	_ =	swait.ge [sflag:s19], $0x1400  }
0x8c: {  	[sflag:s19] =	ssyncset.done $0x0  }
0x8d: {  	[sflag:s19] =	ssyncadd.s32 $0xFFFFEC00  }
0x8e: {  	[spmem:s15] =	stream.linear.scatter [tilespmem:s18], [sflag:$0x3], $0x1400, $0x38;
	[tilespmem:$0x1F040] =	vst v63  }
0x8f: {  	_ =	swait.ge [sflag:s19], $0x1400  }
0x90: {  	[sflag:s19] =	ssyncset.done $0x0  }
0x91: {  	[sflag:s19] =	ssyncadd.s32 $0xFFFFEC00  }
0x92: {  	[spmem:s16] =	stream.linear.scatter [tilespmem:s18], [sflag:$0x3], $0x1400, $0x38;
	[tilespmem:$0x1F040] =	vst v63  }
0x93: {  	_ =	swait.ge [sflag:s19], $0x1400  }
0x94: {  	[sflag:s19] =	ssyncset.done $0x0  }
0x95: {  	[sflag:s19] =	ssyncadd.s32 $0xFFFFEC00  }
0x96: {  	[spmem:s17] =	stream.linear.scatter [tilespmem:s18], [sflag:$0x3], $0x1400, $0x38;
	[tilespmem:$0x1F040] =	vst v63  }
0x97: {  	_ =	swait.ge [sflag:s19], $0x1400  }
0x98: {  	[sflag:s19] =	ssyncset.done $0x0  }
0x99: {  	s12 =	simm.s32 $0x0;
	s6 =	rddreg [dreg:$0x3];
	[sflag:s19] =	ssyncadd.s32 $0xFFFFEC00  }
0x9a: {  	[tilespmem:s12], [sflag:$0x3] =	stream.linear.gather [hbm4b:s6+s12], $0x4E20, $0x38;
	[tilespmem:$0x1F040] =	vst v63  }
0x9b: {  	_ =	swait.ge [sflag:s19], $0x4E20  }
0x9c: {  	[sflag:s19] =	ssyncset.done $0x0  }
0x9d: {  	s7 =	simm.s32 $0x4E20;
	s13 =	rddreg [dreg:$0x4];
	[sflag:s19] =	ssyncadd.s32 $0xFFFFB1E0  }
0x9e: {  	[tilespmem:s7], [sflag:$0x3] =	stream.linear.gather [hbm4b:s13+s12], $0x4E20, $0x38;
	[tilespmem:$0x1F040] =	vst v63  }
.Ltmp3:
0x9f: {  	_ =	swait.ge [sflag:s19], $0x4E20;
	(pc) =	sbr.rel @!p0 .LBB2_4-.Ltmp3, $4  }
0xa0: {  	[sflag:s19] =	ssyncset.done $0x0  }
0xa1: {  	[sflag:s19] =	ssyncadd.s32 $0xFFFFB1E0  }
0xa2: {  	[bflag:$0x0] =	sbarrier.arrive $0xFFFF  }
0xa3: {  	s3 =	simm.s32 $0x0  }
0xa4: {  	[tilespmem:s22], [sflag:$0x1] =	stream.indirect.gather [hbm4b:s5+s21], $0x40, s3, s21, $0xb8;
	[tilespmem:$0x1F040] =	vst v63  }
0xa5: {  	_ = 	snop  }
0xa6: {  	[tilespmem:s23], [sflag:$0x1] =	stream.indirect.gather [hbm4b:s5+s21], $0x40, s21, s21, $0xb8;
	[tilespmem:$0x1F040] =	vst v63  }
0xa7: {  	s6 =	simm.s32 $0xA0  }
0xa8: {  	[tilespmem:s26], [sflag:$0x1] =	stream.indirect.gather [hbm4b:s5+s21], $0x40, s6, s21, $0xb8;
	[tilespmem:$0x1F040] =	vst v63  }
0xa9: {  	s11 =	simm.s32 $0xF0  }
0xaa: {  	[tilespmem:s29], [sflag:$0x1] =	stream.indirect.gather [hbm4b:s5+s21], $0x40, s11, s21, $0xb8;
	[tilespmem:$0x1F040] =	vst v63  }
0xab: {  	s12 =	simm.s32 $0x140  }
0xac: {  	[tilespmem:s31], [sflag:$0x1] =	stream.indirect.gather [hbm4b:s5+s21], $0x40, s12, s21, $0xb8;
	[tilespmem:$0x1F040] =	vst v63  }
0xad: {  	s13 =	simm.s32 $0x190  }
0xae: {  	[tilespmem:s20], [sflag:$0x1] =	stream.indirect.gather [hbm4b:s5+s21], $0x40, s13, s21, $0xb8;
	[tilespmem:$0x1F040] =	vst v63  }
0xaf: {  	s7 =	simm.s32 $0x1E0  }
0xb0: {  	[tilespmem:s28], [sflag:$0x1] =	stream.indirect.gather [hbm4b:s5+s21], $0x40, s7, s21, $0xb8;
	[tilespmem:$0x1F040] =	vst v63  }
0xb1: {  	s8 =	simm.s32 $0x230  }
0xb2: {  	[tilespmem:s0], [sflag:$0x1] =	stream.indirect.gather [hbm4b:s5+s21], $0x40, s8, s21, $0xb8;
	[tilespmem:$0x1F040] =	vst v63  }
0xb3: {  	_ =	swait.ge [sflag:s24], $0x1400  }
0xb4: {  	[sflag:s24] =	ssyncset.done $0x0  }
0xb5: {  	[sflag:s24] =	ssyncadd.s32 $0xFFFFEC00  }
0xb6: {  	_ =	swait.ge [sflag:s24], $0x1400  }
0xb7: {  	[sflag:s24] =	ssyncset.done $0x0  }
0xb8: {  	[sflag:s24] =	ssyncadd.s32 $0xFFFFEC00  }
0xb9: {  	_ =	swait.ge [sflag:s24], $0x1400  }
0xba: {  	s10 =	sand.u32 $0x4, s3;
	[sflag:s24] =	ssyncset.done $0x0  }
0xbb: {  	s3 =	smul.u32 $0x5000, s10;
	[sflag:s24] =	ssyncadd.s32 $0xFFFFEC00  }
0xbc: {  	_ =	swait.ge [sflag:s24], $0x1400  }
0xbd: {  	s3 =	sshrl.u32 s3, $0x2;
	[sflag:s24] =	ssyncset.done $0x0  }
0xbe: {  	s6 =	sadd.s32 $0x9C40, s3;
	s7 =	simm.s32 $0x4E20;
	[sflag:s24] =	ssyncadd.s32 $0xFFFFEC00  }
0xbf: {  	[spmem:s2] =	stream.indirect.scatter.add.f32 [tilespmem:s6], [sflag:$0x2], $0x40, s7, s21, $0xb8;
	[tilespmem:$0x1F040] =	vst v63  }
0xc0: {  	s11 =	simm.s32 $0x4E70;
	s8 =	sadd.s32 $0xB040, s3  }
0xc1: {  	[spmem:s2] =	stream.indirect.scatter.add.f32 [tilespmem:s8], [sflag:$0x2], $0x40, s11, s21, $0xb8;
	[tilespmem:$0x1F040] =	vst v63  }
0xc2: {  	s10 =	sadd.s32 $0xC440, s3;
	s12 =	simm.s32 $0x4EC0  }
0xc3: {  	[spmem:s2] =	stream.indirect.scatter.add.f32 [tilespmem:s10], [sflag:$0x2], $0x40, s12, s21, $0xb8;
	[tilespmem:$0x1F040] =	vst v63  }
0xc4: {  	s13 =	simm.s32 $0x4F10;
	s7 =	sadd.s32 $0xD840, s3  }
0xc5: {  	[spmem:s2] =	stream.indirect.scatter.add.f32 [tilespmem:s7], [sflag:$0x2], $0x40, s13, s21, $0xb8;
	[tilespmem:$0x1F040] =	vst v63  }
0xc6: {  	_ =	swait.ge [sflag:s30], $0x1400  }
0xc7: {  	[sflag:s30] =	ssyncset.done $0x0  }
0xc8: {  	[sflag:s30] =	ssyncadd.s32 $0xFFFFEC00  }
0xc9: {  	_ =	swait.ge [sflag:s30], $0x1400  }
0xca: {  	[sflag:s30] =	ssyncset.done $0x0  }
0xcb: {  	[sflag:s30] =	ssyncadd.s32 $0xFFFFEC00  }
0xcc: {  	_ =	swait.ge [sflag:s30], $0x1400  }
0xcd: {  	[sflag:s30] =	ssyncset.done $0x0  }
0xce: {  	[sflag:s30] =	ssyncadd.s32 $0xFFFFEC00  }
0xcf: {  	_ =	swait.ge [sflag:s30], $0x1400  }
0xd0: {  	[sflag:s30] =	ssyncset.done $0x0  }
0xd1: {  	s11 =	simm.s32 $0x280;
	[sflag:s30] =	ssyncadd.s32 $0xFFFFEC00  }
0xd2: {  	[tilespmem:s6], [sflag:$0x1] =	stream.indirect.gather [hbm4b:s5+s21], $0x40, s11, s21, $0xb8;
	[tilespmem:$0x1F040] =	vst v63  }
0xd3: {  	s3 =	simm.s32 $0x500;
	s12 =	simm.s32 $0x2D0  }
0xd4: {  	[tilespmem:s8], [sflag:$0x1] =	stream.indirect.gather [hbm4b:s5+s21], $0x40, s12, s21, $0xb8;
	[tilespmem:$0x1F040] =	vst v63  }
0xd5: {  	s13 =	simm.s32 $0x320;
	s6 =	simm.s32 $0x4;
	s8 =	simm.s32 $0x370  }
0xd6: {  	[tilespmem:s10], [sflag:$0x1] =	stream.indirect.gather [hbm4b:s5+s21], $0x40, s13, s21, $0xb8;
	[tilespmem:$0x1F040] =	vst v63  }
.LBB2_8:
0xd7: {  	[tilespmem:s7], [sflag:$0x1] =	stream.indirect.gather [hbm4b:s5+s21], $0x40, s8, s21, $0xb8;
	[tilespmem:$0x1F040] =	vst v63  }
0xd8: {  	s7 =	smov.u32 s3  }
0xd9: {  	p1 =	sne.s32 s3, $0x12700;
	s3 =	sadd.s32 $0x500, s3;
	_ =	swait.ge [sflag:s24], $0x1400  }
0xda: {  	[sflag:s24] =	ssyncset.done $0x0  }
0xdb: {  	[sflag:s24] =	ssyncadd.s32 $0xFFFFEC00  }
0xdc: {  	_ =	swait.ge [sflag:s24], $0x1400  }
0xdd: {  	[sflag:s24] =	ssyncset.done $0x0  }
0xde: {  	[sflag:s24] =	ssyncadd.s32 $0xFFFFEC00  }
0xdf: {  	_ =	swait.ge [sflag:s24], $0x1400  }
0xe0: {  	s8 =	sand.u32 $0x4, s6;
	[sflag:s24] =	ssyncset.done $0x0  }
0xe1: {  	s8 =	smul.u32 $0x5000, s8;
	[sflag:s24] =	ssyncadd.s32 $0xFFFFEC00  }
0xe2: {  	_ =	swait.ge [sflag:s24], $0x1400  }
0xe3: {  	s10 =	sshra.s32 s7, $0x2;
	s8 =	sshrl.u32 s8, $0x2;
	[sflag:s24] =	ssyncset.done $0x0  }
0xe4: {  	s7 =	sadd.s32 $0x4E20, s10;
	s11 =	sadd.s32 $0x9C40, s8;
	[sflag:s24] =	ssyncadd.s32 $0xFFFFEC00  }
0xe5: {  	[spmem:s2] =	stream.indirect.scatter.add.f32 [tilespmem:s11], [sflag:$0x2], $0x40, s7, s21, $0xb8;
	[tilespmem:$0x1F040] =	vst v63  }
0xe6: {  	s12 =	sadd.s32 $0xB040, s8;
	s7 =	sadd.s32 $0x4E70, s10  }
0xe7: {  	[spmem:s2] =	stream.indirect.scatter.add.f32 [tilespmem:s12], [sflag:$0x2], $0x40, s7, s21, $0xb8;
	[tilespmem:$0x1F040] =	vst v63  }
0xe8: {  	s13 =	sadd.s32 $0xC440, s8;
	s7 =	sadd.s32 $0x4EC0, s10  }
0xe9: {  	[spmem:s2] =	stream.indirect.scatter.add.f32 [tilespmem:s13], [sflag:$0x2], $0x40, s7, s21, $0xb8;
	[tilespmem:$0x1F040] =	vst v63  }
0xea: {  	s7 =	sadd.s32 $0xD840, s8;
	s8 =	sadd.s32 $0x4F10, s10  }
0xeb: {  	[spmem:s2] =	stream.indirect.scatter.add.f32 [tilespmem:s7], [sflag:$0x2], $0x40, s8, s21, $0xb8;
	[tilespmem:$0x1F040] =	vst v63  }
0xec: {  	_ =	swait.ge [sflag:s30], $0x1400  }
0xed: {  	[sflag:s30] =	ssyncset.done $0x0  }
0xee: {  	[sflag:s30] =	ssyncadd.s32 $0xFFFFEC00  }
0xef: {  	_ =	swait.ge [sflag:s30], $0x1400  }
0xf0: {  	[sflag:s30] =	ssyncset.done $0x0  }
0xf1: {  	[sflag:s30] =	ssyncadd.s32 $0xFFFFEC00  }
0xf2: {  	_ =	swait.ge [sflag:s30], $0x1400  }
0xf3: {  	[sflag:s30] =	ssyncset.done $0x0  }
0xf4: {  	[sflag:s30] =	ssyncadd.s32 $0xFFFFEC00  }
0xf5: {  	_ =	swait.ge [sflag:s30], $0x1400  }
0xf6: {  	[sflag:s30] =	ssyncset.done $0x0  }
0xf7: {  	s8 =	sadd.s32 $0x280, s10;
	[sflag:s30] =	ssyncadd.s32 $0xFFFFEC00  }
0xf8: {  	[tilespmem:s11], [sflag:$0x1] =	stream.indirect.gather [hbm4b:s5+s21], $0x40, s8, s21, $0xb8;
	[tilespmem:$0x1F040] =	vst v63  }
.Ltmp4:
0xf9: {  	s8 =	sadd.s32 $0x2D0, s10;
	(pc) =	sbr.rel @p1 .LBB2_8-.Ltmp4, $4  }
0xfa: {  	[tilespmem:s12], [sflag:$0x1] =	stream.indirect.gather [hbm4b:s5+s21], $0x40, s8, s21, $0xb8;
	[tilespmem:$0x1F040] =	vst v63  }
0xfb: {  	s8 =	sadd.s32 $0x320, s10  }
0xfc: {  	[tilespmem:s13], [sflag:$0x1] =	stream.indirect.gather [hbm4b:s5+s21], $0x40, s8, s21, $0xb8;
	[tilespmem:$0x1F040] =	vst v63  }
0xfd: {  	s6 =	sadd.s32 $0x4, s6;
	s8 =	sadd.s32 $0x370, s10  }
.Ltmp5:
0xfe: {  	(pc) =	sbr.rel .LBB2_10-.Ltmp5, $3  }
0xff: {  	_ =	sdelay $0x1  }
0x100: {  	[tilespmem:s7], [sflag:$0x1] =	stream.indirect.gather [hbm4b:s5+s21], $0x40, s8, s21, $0xb8;
	[tilespmem:$0x1F040] =	vst v63  }
0x101: {  	s3 =	smov.u32 s5  }
.LBB2_4:
0x102: {  	[tilespmem:s22], [sflag:$0x1] =	stream.indirect.gather [hbm4b:s4+s21], $0x40, s3, s21, $0xb8;
	[tilespmem:$0x1F040] =	vst v63  }
0x103: {  	_ = 	snop  }
0x104: {  	[tilespmem:s23], [sflag:$0x1] =	stream.indirect.gather [hbm4b:s4+s21], $0x40, s21, s21, $0xb8;
	[tilespmem:$0x1F040] =	vst v63  }
0x105: {  	s6 =	simm.s32 $0xA0  }
0x106: {  	[tilespmem:s26], [sflag:$0x1] =	stream.indirect.gather [hbm4b:s4+s21], $0x40, s6, s21, $0xb8;
	[tilespmem:$0x1F040] =	vst v63  }
0x107: {  	s11 =	simm.s32 $0xF0  }
0x108: {  	[tilespmem:s29], [sflag:$0x1] =	stream.indirect.gather [hbm4b:s4+s21], $0x40, s11, s21, $0xb8;
	[tilespmem:$0x1F040] =	vst v63  }
0x109: {  	s12 =	simm.s32 $0x140  }
0x10a: {  	[tilespmem:s31], [sflag:$0x1] =	stream.indirect.gather [hbm4b:s4+s21], $0x40, s12, s21, $0xb8;
	[tilespmem:$0x1F040] =	vst v63  }
0x10b: {  	s13 =	simm.s32 $0x190  }
0x10c: {  	[tilespmem:s20], [sflag:$0x1] =	stream.indirect.gather [hbm4b:s4+s21], $0x40, s13, s21, $0xb8;
	[tilespmem:$0x1F040] =	vst v63  }
0x10d: {  	s7 =	simm.s32 $0x1E0  }
0x10e: {  	[tilespmem:s28], [sflag:$0x1] =	stream.indirect.gather [hbm4b:s4+s21], $0x40, s7, s21, $0xb8;
	[tilespmem:$0x1F040] =	vst v63  }
0x10f: {  	s8 =	simm.s32 $0x230  }
0x110: {  	[tilespmem:s0], [sflag:$0x1] =	stream.indirect.gather [hbm4b:s4+s21], $0x40, s8, s21, $0xb8;
	[tilespmem:$0x1F040] =	vst v63  }
0x111: {  	_ =	swait.ge [sflag:s24], $0x1400  }
0x112: {  	[sflag:s24] =	ssyncset.done $0x0  }
0x113: {  	[sflag:s24] =	ssyncadd.s32 $0xFFFFEC00  }
0x114: {  	_ =	swait.ge [sflag:s24], $0x1400  }
0x115: {  	[sflag:s24] =	ssyncset.done $0x0  }
0x116: {  	[sflag:s24] =	ssyncadd.s32 $0xFFFFEC00  }
0x117: {  	_ =	swait.ge [sflag:s24], $0x1400  }
0x118: {  	s10 =	sand.u32 $0x4, s3;
	[sflag:s24] =	ssyncset.done $0x0  }
0x119: {  	s3 =	smul.u32 $0x5000, s10;
	[sflag:s24] =	ssyncadd.s32 $0xFFFFEC00  }
0x11a: {  	_ =	swait.ge [sflag:s24], $0x1400  }
0x11b: {  	s3 =	sshrl.u32 s3, $0x2;
	[sflag:s24] =	ssyncset.done $0x0  }
0x11c: {  	s6 =	sadd.s32 $0x9C40, s3;
	s7 =	simm.s32 $0x4E20;
	[sflag:s24] =	ssyncadd.s32 $0xFFFFEC00  }
0x11d: {  	[spmem:s2] =	stream.indirect.scatter.add.f32 [tilespmem:s6], [sflag:$0x2], $0x40, s7, s21, $0xb8;
	[tilespmem:$0x1F040] =	vst v63  }
0x11e: {  	s11 =	simm.s32 $0x4E70;
	s8 =	sadd.s32 $0xB040, s3  }
0x11f: {  	[spmem:s2] =	stream.indirect.scatter.add.f32 [tilespmem:s8], [sflag:$0x2], $0x40, s11, s21, $0xb8;
	[tilespmem:$0x1F040] =	vst v63  }
0x120: {  	s10 =	sadd.s32 $0xC440, s3;
	s12 =	simm.s32 $0x4EC0  }
0x121: {  	[spmem:s2] =	stream.indirect.scatter.add.f32 [tilespmem:s10], [sflag:$0x2], $0x40, s12, s21, $0xb8;
	[tilespmem:$0x1F040] =	vst v63  }
0x122: {  	s13 =	simm.s32 $0x4F10;
	s7 =	sadd.s32 $0xD840, s3  }
0x123: {  	[spmem:s2] =	stream.indirect.scatter.add.f32 [tilespmem:s7], [sflag:$0x2], $0x40, s13, s21, $0xb8;
	[tilespmem:$0x1F040] =	vst v63  }
0x124: {  	_ =	swait.ge [sflag:s30], $0x1400  }
0x125: {  	[sflag:s30] =	ssyncset.done $0x0  }
0x126: {  	[sflag:s30] =	ssyncadd.s32 $0xFFFFEC00  }
0x127: {  	_ =	swait.ge [sflag:s30], $0x1400  }
0x128: {  	[sflag:s30] =	ssyncset.done $0x0  }
0x129: {  	[sflag:s30] =	ssyncadd.s32 $0xFFFFEC00  }
0x12a: {  	_ =	swait.ge [sflag:s30], $0x1400  }
0x12b: {  	[sflag:s30] =	ssyncset.done $0x0  }
0x12c: {  	[sflag:s30] =	ssyncadd.s32 $0xFFFFEC00  }
0x12d: {  	_ =	swait.ge [sflag:s30], $0x1400  }
0x12e: {  	[sflag:s30] =	ssyncset.done $0x0  }
0x12f: {  	s11 =	simm.s32 $0x280;
	[sflag:s30] =	ssyncadd.s32 $0xFFFFEC00  }
0x130: {  	[tilespmem:s6], [sflag:$0x1] =	stream.indirect.gather [hbm4b:s4+s21], $0x40, s11, s21, $0xb8;
	[tilespmem:$0x1F040] =	vst v63  }
0x131: {  	s3 =	simm.s32 $0x500;
	s12 =	simm.s32 $0x2D0  }
0x132: {  	[tilespmem:s8], [sflag:$0x1] =	stream.indirect.gather [hbm4b:s4+s21], $0x40, s12, s21, $0xb8;
	[tilespmem:$0x1F040] =	vst v63  }
0x133: {  	s13 =	simm.s32 $0x320;
	s6 =	simm.s32 $0x4;
	s8 =	simm.s32 $0x370  }
0x134: {  	[tilespmem:s10], [sflag:$0x1] =	stream.indirect.gather [hbm4b:s4+s21], $0x40, s13, s21, $0xb8;
	[tilespmem:$0x1F040] =	vst v63  }
.LBB2_5:
0x135: {  	[tilespmem:s7], [sflag:$0x1] =	stream.indirect.gather [hbm4b:s4+s21], $0x40, s8, s21, $0xb8;
	[tilespmem:$0x1F040] =	vst v63  }
0x136: {  	s7 =	smov.u32 s3  }
0x137: {  	p1 =	seq.s32 s3, $0x12700;
	s3 =	sadd.s32 $0x500, s3;
	_ =	swait.ge [sflag:s24], $0x1400  }
0x138: {  	[sflag:s24] =	ssyncset.done $0x0  }
0x139: {  	[sflag:s24] =	ssyncadd.s32 $0xFFFFEC00  }
0x13a: {  	_ =	swait.ge [sflag:s24], $0x1400  }
0x13b: {  	[sflag:s24] =	ssyncset.done $0x0  }
0x13c: {  	[sflag:s24] =	ssyncadd.s32 $0xFFFFEC00  }
0x13d: {  	_ =	swait.ge [sflag:s24], $0x1400  }
0x13e: {  	s8 =	sand.u32 $0x4, s6;
	[sflag:s24] =	ssyncset.done $0x0  }
0x13f: {  	s8 =	smul.u32 $0x5000, s8;
	[sflag:s24] =	ssyncadd.s32 $0xFFFFEC00  }
0x140: {  	_ =	swait.ge [sflag:s24], $0x1400  }
0x141: {  	s10 =	sshra.s32 s7, $0x2;
	s8 =	sshrl.u32 s8, $0x2;
	[sflag:s24] =	ssyncset.done $0x0  }
0x142: {  	s7 =	sadd.s32 $0x4E20, s10;
	s11 =	sadd.s32 $0x9C40, s8;
	[sflag:s24] =	ssyncadd.s32 $0xFFFFEC00  }
0x143: {  	[spmem:s2] =	stream.indirect.scatter.add.f32 [tilespmem:s11], [sflag:$0x2], $0x40, s7, s21, $0xb8;
	[tilespmem:$0x1F040] =	vst v63  }
0x144: {  	s12 =	sadd.s32 $0xB040, s8;
	s7 =	sadd.s32 $0x4E70, s10  }
0x145: {  	[spmem:s2] =	stream.indirect.scatter.add.f32 [tilespmem:s12], [sflag:$0x2], $0x40, s7, s21, $0xb8;
	[tilespmem:$0x1F040] =	vst v63  }
0x146: {  	s13 =	sadd.s32 $0xC440, s8;
	s7 =	sadd.s32 $0x4EC0, s10  }
0x147: {  	[spmem:s2] =	stream.indirect.scatter.add.f32 [tilespmem:s13], [sflag:$0x2], $0x40, s7, s21, $0xb8;
	[tilespmem:$0x1F040] =	vst v63  }
0x148: {  	s7 =	sadd.s32 $0xD840, s8;
	s8 =	sadd.s32 $0x4F10, s10  }
0x149: {  	[spmem:s2] =	stream.indirect.scatter.add.f32 [tilespmem:s7], [sflag:$0x2], $0x40, s8, s21, $0xb8;
	[tilespmem:$0x1F040] =	vst v63  }
0x14a: {  	_ =	swait.ge [sflag:s30], $0x1400  }
0x14b: {  	[sflag:s30] =	ssyncset.done $0x0  }
0x14c: {  	[sflag:s30] =	ssyncadd.s32 $0xFFFFEC00  }
0x14d: {  	_ =	swait.ge [sflag:s30], $0x1400  }
0x14e: {  	[sflag:s30] =	ssyncset.done $0x0  }
0x14f: {  	[sflag:s30] =	ssyncadd.s32 $0xFFFFEC00  }
0x150: {  	_ =	swait.ge [sflag:s30], $0x1400  }
0x151: {  	[sflag:s30] =	ssyncset.done $0x0  }
0x152: {  	[sflag:s30] =	ssyncadd.s32 $0xFFFFEC00  }
0x153: {  	_ =	swait.ge [sflag:s30], $0x1400  }
0x154: {  	[sflag:s30] =	ssyncset.done $0x0  }
0x155: {  	s8 =	sadd.s32 $0x280, s10;
	[sflag:s30] =	ssyncadd.s32 $0xFFFFEC00  }
0x156: {  	[tilespmem:s11], [sflag:$0x1] =	stream.indirect.gather [hbm4b:s4+s21], $0x40, s8, s21, $0xb8;
	[tilespmem:$0x1F040] =	vst v63  }
.Ltmp6:
0x157: {  	s8 =	sadd.s32 $0x2D0, s10;
	(pc) =	sbr.rel @!p1 .LBB2_5-.Ltmp6, $4  }
0x158: {  	[tilespmem:s12], [sflag:$0x1] =	stream.indirect.gather [hbm4b:s4+s21], $0x40, s8, s21, $0xb8;
	[tilespmem:$0x1F040] =	vst v63  }
0x159: {  	s8 =	sadd.s32 $0x320, s10  }
0x15a: {  	[tilespmem:s13], [sflag:$0x1] =	stream.indirect.gather [hbm4b:s4+s21], $0x40, s8, s21, $0xb8;
	[tilespmem:$0x1F040] =	vst v63  }
0x15b: {  	s6 =	sadd.s32 $0x4, s6;
	s8 =	sadd.s32 $0x370, s10  }
.Ltmp7:
0x15c: {  	_ = 	snop;
	(pc) =	sbr.rel .LBB2_6-.Ltmp7, $1  }
0x15d: {  	_ =	sdelay $0x3  }
.LBB2_11:
0x15e: {  	_ =	sfence.sel $0x180000  }
0x15f: {  	[bflag:$0x0] =	sbarrier.arrive $0xFFFF  }
0x160: {  	_ =	strace $0x9000004A  }
0x161: {  	s0 =	stileid.u32;
	[bflag:$0x2] =	sbarrier.arrive $0xFFFF  }
0x162: {  	p0 =	sne.s32 s0, $0x0;
	s0 =	rddreg [dreg:$0x2]  }
0x163: {  	s0 =	sadd.s32 @!p0 $0x100000, s0  }
0x164: {  	[sflag:s0] =	ssyncadd.tile.s32 @!p0 $0x1;
	_ =	shalt  }
.Lfunc_end2:
_tile_overlayer_lowered:
.L_overlay_start_2:
0x165: {  	(tag) =	ssettag $0x2  }
0x166: {  	s0 =	rddreg [dreg:$0x0];
	s2 =	stileid.u32  }
0x167: {  	s1 =	rddreg [dreg:$0x1];
	p0 =	sne.s32 s2, $0x0  }
0x168: {  	s3 =	rddreg [dreg:$0x2];
	[bflag:$0x3] =	sbarrier.arrive $0xFFFF;
	s2 =	simm.s32 @!p0 $0x1C03  }
0x169: {  	[timem:s3], [sflag:s2] =	dma.local @!p0 [hbm:s0], s1  }
0x16a: {  	s0 =	simm.s32 @!p0 $0x3  }
0x16b: {  	_ =	swait.ge @!p0 [sflag:s0], s1  }
0x16c: {  	s1 =	ssub.s32 @!p0 $0x0, s1;
	[sflag:s0] =	ssyncset.done @!p0 $0x0  }
0x16d: {  	[sflag:s0] =	ssyncadd.s32 @!p0 s1  }
0x16e: {  	[bflag:$0x3] =	sbarrier.arrive $0xFFFF  }
0x16f: {  	_ =	shalt  }

// kernel: kernel.14.cloned.1.call-start
scs
__scs_entry_jumppad:
0x0: {  	(pc) =	sbr.rel $0x88, $3  }
0x1: {  	(tag) =	ssettag $0x0;
	lr =	simm.s32 $0x1  }
0x2: {  	[smem:$0x3F9B] =	sst lr;
	_ =	strace $0xD0000000  }
0x3: {  	_ = 	snop  }
0x4: {  	_ = 	snop  }
0x5: {  	_ = 	snop  }
0x6: {  	_ = 	snop  }
0x7: {  	_ = 	snop  }
__scs_overlays_trampoline_lowered:
0x8: {  	[smem:$0x3FAA] =	sst s0  }
0x9: {  	[smem:$0x3FAB] =	sst s1  }
0xa: {  	[smem:$0x3FAC] =	sst s2  }
0xb: {  	[smem:$0x3FAD] =	sst s3  }
0xc: {  	[smem:$0x3FAE] =	sst s4  }
0xd: {  	[smem:$0x3FAF] =	sst s5  }
0xe: {  	[smem:$0x3FB0] =	sst s6  }
0xf: {  	[smem:$0x3FB1] =	sst s7  }
0x10: {  	[smem:$0x3FB2] =	sst s8  }
0x11: {  	[smem:$0x3FB3] =	sst s9;
	s0 =	simm.s32 @!p0 $0x0  }
0x12: {  	s1 =	sld [smem:$0x3F99];
	s0 =	simm.s32 @p0 $0x1  }
0x13: {  	[smem:$0x3FB4] =	sst s0;
	s0 =	simm.s32 @!p1 $0x0  }
0x14: {  	s2 =	sld [smem:$0x3F98];
	s0 =	simm.s32 @p1 $0x1  }
0x15: {  	[smem:$0x3FB5] =	sst s0;
	s0 =	simm.s32 @!p2 $0x0  }
0x16: {  	s3 =	sld [smem:$0x3FDB];
	s0 =	simm.s32 @p2 $0x1  }
0x17: {  	s4 =	simm.s32 $0x1BF5;
	[smem:$0x3FB7] =	sst s0  }
0x18: {  	s0 =	sld [smem:$0x3F9A];
	_ =	swait.ge [sflag:s4], $0x0  }
0x19: {  	s7 =	sld [smem:$0x3F9B]  }
0x1a: {  	s8 =	sadd.s32 $0xFFFFE003, lr  }
0x1b: {  	s9 =	sadd.s32 $0xFFFFFEF7, lr;
	s5 =	simm.s32 $0xFFFFFFFF;
	p2 =	slt.u32 s8, $0xFFFFF086  }
0x1c: {  	p1 =	slt.u32 s9, $0xF7A;
	s5 =	simm.s32 @!p2 $0x0  }
0x1d: {  	s5 =	simm.s32 @p1 $0x1;
	p0 =	seq.s32 s7, s2  }
0x1e: {  	s7 =	smul.u32 @!p0 $0xF7A, s2;
	p2 =	seq.s32 @!p0 s5, $0x0  }
0x1f: {  	s9 =	smul.u32 $0xF7A, s1;
	s8 =	simm.s32 @!p0 $0x1BF5;
	p2 =	por !p2, p0  }
0x20: {  	[sflag:s8] =	ssyncset.s32 @!p0 $0xFFFFF086;
	s6 =	sadd.s32 @!p0 s3, s7;
	s7 =	simm.s32 @!p0 $0x108  }
0x21: {  	s3 =	sadd.s32 s3, s9;
	s6 =	sadd.s32 @!p0 $0x88, s6;
	s7 =	simm.s32 @p2 $0x1082  }
0x22: {  	[simem:s7], [sflag:s8] =	dma.local @!p0 [hbm:s6], $0xF7A  }
0x23: {  	s9 =	sor.u32 $0xD0000000, s2;
	s6 =	simm.s32 $0x108;
	_ =	swait.ge @!p0 [sflag:s8], $0x0  }
0x24: {  	s3 =	sadd.s32 $0x88, s3;
	s6 =	simm.s32 @!p1 $0x1082;
	[sflag:s4] =	ssyncset.s32 $0xFFFFF086  }
0x25: {  	[simem:s6], [sflag:s4] =	dma.local [hbm:s3], $0xF7A  }
0x26: {  	[smem:$0x3F9B] =	sst s1;
	(tag) =	ssettag s2;
	_ =	strace s9  }
0x27: {  	s1 =	sld [smem:$0x3FAB]  }
0x28: {  	s2 =	sld [smem:$0x3FAC]  }
0x29: {  	s4 =	sld [smem:$0x3FAE]  }
0x2a: {  	p0 =	seq.s32 s5, $0x0;
	s5 =	sld [smem:$0x3FAF]  }
0x2b: {  	s6 =	sld [smem:$0x3FB0]  }
0x2c: {  	s7 =	sld [smem:$0x3FB1]  }
0x2d: {  	s3 =	simm.s32 $0x108;
	s8 =	sld [smem:$0x3FB2]  }
0x2e: {  	s3 =	simm.s32 @!p0 $0x1082;
	s9 =	sld [smem:$0x3FB3]  }
0x2f: {  	lr =	sadd.s32 s0, s3;
	s0 =	sld [smem:$0x3FAA]  }
0x30: {  	s3 =	sld [smem:$0x3FAD]  }
0x31: {  	[smem:$0x3FB6] =	sst s10  }
0x32: {  	s10 =	sld [smem:$0x3FB4];
	_ =	sdelay $0x3  }
0x33: {  	p0 =	seq.s32 s10, $0x1;
	s10 =	sld [smem:$0x3FB6];
	_ =	sdelay $0x3  }
0x34: {  	[smem:$0x3FB6] =	sst s10  }
0x35: {  	s10 =	sld [smem:$0x3FB5];
	_ =	sdelay $0x3  }
0x36: {  	p1 =	seq.s32 s10, $0x1;
	s10 =	sld [smem:$0x3FB6];
	_ =	sdelay $0x3  }
0x37: {  	[smem:$0x3FB6] =	sst s10  }
0x38: {  	s10 =	sld [smem:$0x3FB7]  }
0x39: {  	_ = 	snop;
	(pc) =	sbr.ind lr, $3  }
0x3a: {  	_ = 	snop  }
0x3b: {  	_ = 	snop  }
0x3c: {  	p2 =	seq.s32 s10, $0x1;
	s10 =	sld [smem:$0x3FB6]  }
0x3d: {  	_ =	shalt  }
0x3e: {  	_ =	shalt  }
0x3f: {  	_ =	shalt  }
0x40: {  	_ =	shalt  }
0x41: {  	_ =	shalt  }
0x42: {  	_ =	shalt  }
0x43: {  	_ =	shalt  }
0x44: {  	_ =	shalt  }
0x45: {  	_ =	shalt  }
0x46: {  	_ =	shalt  }
0x47: {  	_ =	shalt  }
0x48: {  	_ =	shalt  }
0x49: {  	_ =	shalt  }
0x4a: {  	_ =	shalt  }
0x4b: {  	_ =	shalt  }
0x4c: {  	_ =	shalt  }
0x4d: {  	_ =	shalt  }
0x4e: {  	_ =	shalt  }
0x4f: {  	_ =	shalt  }
0x50: {  	_ =	shalt  }
0x51: {  	_ =	shalt  }
0x52: {  	_ =	shalt  }
0x53: {  	_ =	shalt  }
0x54: {  	_ =	shalt  }
0x55: {  	_ =	shalt  }
0x56: {  	_ =	shalt  }
0x57: {  	_ =	shalt  }
0x58: {  	_ =	shalt  }
0x59: {  	_ =	shalt  }
0x5a: {  	_ =	shalt  }
0x5b: {  	_ =	shalt  }
0x5c: {  	_ =	shalt  }
0x5d: {  	_ =	shalt  }
0x5e: {  	_ =	shalt  }
0x5f: {  	_ =	shalt  }
0x60: {  	_ =	shalt  }
0x61: {  	_ =	shalt  }
0x62: {  	_ =	shalt  }
0x63: {  	_ =	shalt  }
0x64: {  	_ =	shalt  }
0x65: {  	_ =	shalt  }
0x66: {  	_ =	shalt  }
0x67: {  	_ =	shalt  }
0x68: {  	_ =	shalt  }
0x69: {  	_ =	shalt  }
0x6a: {  	_ =	shalt  }
0x6b: {  	_ =	shalt  }
0x6c: {  	_ =	shalt  }
0x6d: {  	_ =	shalt  }
0x6e: {  	_ =	shalt  }
0x6f: {  	_ =	shalt  }
0x70: {  	_ =	shalt  }
0x71: {  	_ =	shalt  }
0x72: {  	_ =	shalt  }
0x73: {  	_ =	shalt  }
0x74: {  	_ =	shalt  }
0x75: {  	_ =	shalt  }
0x76: {  	_ =	shalt  }
0x77: {  	_ =	shalt  }
0x78: {  	_ =	shalt  }
0x79: {  	_ =	shalt  }
0x7a: {  	_ =	shalt  }
0x7b: {  	_ =	shalt  }
0x7c: {  	_ =	shalt  }
0x7d: {  	_ =	shalt  }
0x7e: {  	_ =	shalt  }
0x7f: {  	_ =	shalt  }
0x80: {  	_ =	shalt  }
0x81: {  	_ =	shalt  }
0x82: {  	_ =	shalt  }
0x83: {  	_ =	shalt  }
0x84: {  	_ =	shalt  }
0x85: {  	_ =	shalt  }
0x86: {  	_ =	shalt  }
0x87: {  	_ =	shalt  }
.Lfunc_end0:
.L_simem_size_0:
called_computation.2_lowered:
.L_overlay_start_0:
0x88: {  	s2 =	sld [smem:$0x3FD9]  }
0x89: {  	s3 =	sld [smem:$0x3FFE];
	_ =	sdelay $0x1  }
0x8a: {  	s1 =	srdreg.scid  }
0x8b: {  	s0 =	sand.u32 $0x1, s1  }
0x8c: {  	s16 =	sshll.u32 s0, $0xA;
	s2 =	sadd.s32 s3, s2  }
0x8d: {  	s2 =	sadd.s32 s2, s16  }
0x8e: {  	[smem:$0x3FC2] =	sst s2  }
0x8f: {  	_ = 	snop  }
0x90: {  	(tm) =	ssettm $0x1  }
0x91: {  	s17 =	sld [smem:$0x3FFB];
	_ =	sdelay $0x3  }
0x92: {  	_ =	strace s17  }
0x93: {  	s2 =	sld [smem:$0x3FFC];
	_ =	sdelay $0x3  }
0x94: {  	_ =	strace s2  }
0x95: {  	s2 =	sld [smem:$0x3FFD];
	_ =	sdelay $0x3  }
0x96: {  	_ =	strace s2  }
0x97: {  	_ =	strace $0x8FFFFFFF  }
0x98: {  	s18 =	sld [smem:$0x3FDB];
	_ =	sdelay $0x1  }
0x99: {  	s19 =	simm.s32 $_scs_section_size  }
0x9a: {  	s4 =	simm.s32 $_size__tile_overlayer_lowered;
	s5 =	simm.s32 $_tile_overlayer_lowered  }
0x9b: {  	s22 =	simm.s32 $0x1BFF;
	s21 =	sshll.u32 s5, $0x1;
	s2 =	sadd.s32 s19, s18  }
0x9c: {  	s6 =	simm.s32 $0x0;
	s20 =	sshll.u32 s4, $0x1;
	s4 =	sadd.s32 s21, s2  }
0x9d: {  	[timem:s6], [sflag:s22] =	dma.local [hbm:s4], s20  }
0x9e: {  	_ =	swait.ge [sflag:s22], s20  }
0x9f: {  	s3 =	ssub.s32 $0x0, s20;
	[sflag:s22] =	ssyncset.done $0x0  }
0xa0: {  	[sflag:s22] =	ssyncadd.s32 s3;
	_ =	sdelay $0x1  }
0xa1: {  	s23 =	simm.s32 $0x1B8B  }
0xa2: {  	_ =	swait.ge [sflag:s23], $0x1  }
0xa3: {  	[sflag:s23] =	ssyncset.done $0x0  }
0xa4: {  	s25 =	simm.s32 $0x1B8E;
	s24 =	sld [smem:$0x3FFE];
	[sflag:s23] =	ssyncadd.s32 $0xFFFFFFFF  }
0xa5: {  	s26 =	simm.s32 $execute0_lowered;
	[smem:$0x3FD2] =	sst s25  }
0xa6: {  	s4 =	sshll.u32 s26, $0x1;
	_ =	strace $0x8000004C;
	[dreg:$0x1] =	wrdreg $0xFFFFFFFF  }
0xa7: {  	s28 =	simm.s32 $_size_execute0_lowered;
	s2 =	sadd.s32 s2, s4;
	[dreg:$0x0] =	wrdreg $0x0  }
0xa8: {  	s4 =	sshll.u32 s28, $0x1;
	[dreg:$0x2] =	wrdreg s2  }
0xa9: {  	[dreg:$0x3] =	wrdreg s4  }
0xaa: {  	[dreg:$0x4] =	wrdreg $0xC0  }
0xab: {  	_ =	task [dreg:s6], $0x5FFFF  }
0xac: {  	[dreg:$0x1] =	wrdreg $0xFFFFFFFF  }
0xad: {  	[dreg:$0x0] =	wrdreg $0x60  }
0xae: {  	[dreg:$0x2] =	wrdreg s24  }
0xaf: {  	[dreg:$0x3] =	wrdreg $0x150400  }
0xb0: {  	[dreg:$0x4] =	wrdreg $0x9  }
0xb1: {  	_ =	task.clear_ibuf [dreg:s6], $0x5FFFF;
	_ =	strace $0x9000004C  }
0xb2: {  	s29 =	simm.s32 $0x9;
	_ =	strace $0x8000004E  }
0xb3: {  	_ =	swait.ge [sflag:s29], $0x1  }
0xb4: {  	[sflag:s29] =	ssyncadd.s32 $0xFFFFFFFF  }
0xb5: {  	_ =	strace $0x9000004E  }
0xb6: {  	_ =	sfence  }
0xb7: {  	s30 =	sld [smem:$0x0];
	_ =	sdelay $0x2  }
0xb8: {  	s31 =	sshll.u32 s1, $0xD;
	s1 =	sshrl.u32 s1, $0x2  }
0xb9: {  	s3 =	sand.u32 $0x4000, s31;
	s1 =	sadd.s32 s1, s30  }
0xba: {  	s0 =	sor.u32 s3, s0;
	s1 =	sshll.u32 s1, $0x11  }
0xbb: {  	s0 =	sor.u32 s1, s0  }
0xbc: {  	s0 =	sadd.s32 $0x8F2B, s0  }
0xbd: {  	[sflag:s0] =	ssyncadd.remote.s32 $0x1  }
0xbe: {  	_ =	sfence.sel $0xFFFF  }
0xbf: {  	[dreg:$0x0] =	wrdreg $0xFFFFFFFF;
	(pc) =	sbr.abs _section_cstart, $3  }
0xc0: {  	[dreg:$0x1] =	wrdreg $0xFFFFFFFF  }
0xc1: {  	_ =	task.clear_ibuf [dreg:s6], $0x2FFFF;
	_ =	strace $0x9FFFFFFF  }
0xc2: {  	(tm) =	ssettm $0x7FFFFFFF  }
0xc3: {  	_ =	shalt  }
tec
execute0_lowered:
.L_overlay_start_1:
0x0: {  	(tag) =	ssettag $0x1  }
0x1: {  	s0 =	rddreg [dreg:$0x0]  }
0x2: {  	s2 =	rddreg [dreg:$0x1];
	s10 =	stileid.u32  }
0x3: {  	s1 =	srdreg.scid;
	s4 =	simm.s32 $0x0;
	s21 =	simm.s32 $0x50  }
0x4: {  	s22 =	simm.s32 $0x9C40;
	s29 =	simm.s32 $0xD840;
	s31 =	simm.s32 $0xEC40  }
0x5: {  	s28 =	simm.s32 $0x11440;
	s30 =	simm.s32 $0x2;
	s3 =	smul.u32 $0x4E20, s10  }
0x6: {  	s1 =	sand.u32 $0x1, s1;
	[smem:$0x7FF] =	sst s4;
	s7 =	smul.u32 $0xA000, s10  }
0x7: {  	s4 =	sadd.s32 $0x3DA00, s0;
	s5 =	sadd.s32 $0x51400, s0;
	s10 =	smul.u32 $0x28000, s10  }
0x8: {  	s6 =	smul.u32 $0xA0000, s1;
	_ =	strace $0x8000004D;
	s8 =	ssub.s32 $0x2, s1  }
0x9: {  	p0 =	seq.s32 s1, $0x1;
	s1 =	simm.s32 $0x0;
	s3 =	sshrl.u32 s3, $0x3  }
0xa: {  	s9 =	sshrl.u32 s8, $0x1;
	s19 =	sshrl.u32 s10, $0x2;
	s20 =	sadd.s32 s7, s2  }
0xb: {  	s3 =	sadd.s32 s3, s0;
	s6 =	sadd.s32 s7, s6;
	s17 =	ssub.s32 s8, s9  }
0xc: {  	s9 =	sadd.s32 s19, s2;
	s19 =	simm.s32 $0x3;
	s18 =	sadd.s32 $0x2E00, s3  }
0xd: {  	s6 =	sshrl.u32 s6, $0x3;
	s3 =	sadd.s32 $0xCA40, s3;
	[dreg:$0x3] =	wrdreg s18  }
0xe: {  	s23 =	smax.u32 s17, $0x1;
	s24 =	sadd.s32 $0x1400, s9;
	[dreg:$0x4] =	wrdreg s3  }
0xf: {  	s25 =	sadd.s32 $0x2800, s9;
	s26 =	sadd.s32 $0x3C00, s9;
	[dreg:$0x6] =	wrdreg s23  }
0x10: {  	s14 =	sadd.s32 $0x5000, s9;
	s15 =	sadd.s32 $0x6400, s9;
	[dreg:$0x7] =	wrdreg s24  }
.Ltmp0:
0x11: {  	s16 =	sadd.s32 $0x7800, s9;
	[dreg:$0x8] =	wrdreg s25;
	(pc) =	sbr.rel .LBB2_1-.Ltmp0, $4  }
0x12: {  	s17 =	sadd.s32 $0x8C00, s9;
	s0 =	sadd.s32 s6, s0;
	[dreg:$0x9] =	wrdreg s26  }
0x13: {  	s18 =	simm.s32 $0x13C40;
	s23 =	simm.s32 $0xB040;
	s25 =	sshrl.u32 s20, $0x3  }
0x14: {  	s26 =	simm.s32 $0xC440;
	s20 =	simm.s32 $0x10040;
	s0 =	sadd.s32 $0x64E00, s0  }
0x15: {  	v0 =	vimm.f32 $0.0e+00;
	s24 =	simm.s32 $0x1;
	[dreg:$0x5] =	wrdreg s0;
	s0 =	simm.s32 $0x12840  }
.LBB2_6:
0x16: {  	[tilespmem:s7], [sflag:$0x1] =	stream.indirect.gather [hbm4b:s4+s21], $0x40, s8, s21, $0xb8;
	[tilespmem:$0x1F040] =	vst v63  }
0x17: {  	s3 =	smov.u32 s4  }
.LBB2_10:
0x18: {  	_ =	swait.ge [sflag:s24], $0x1400  }
0x19: {  	[sflag:s24] =	ssyncset.done $0x0  }
0x1a: {  	[sflag:s24] =	ssyncadd.s32 $0xFFFFEC00  }
0x1b: {  	_ =	swait.ge [sflag:s24], $0x1400  }
0x1c: {  	[sflag:s24] =	ssyncset.done $0x0  }
0x1d: {  	[sflag:s24] =	ssyncadd.s32 $0xFFFFEC00  }
0x1e: {  	_ =	swait.ge [sflag:s24], $0x1400  }
0x1f: {  	[sflag:s24] =	ssyncset.done $0x0  }
0x20: {  	[sflag:s24] =	ssyncadd.s32 $0xFFFFEC00  }
0x21: {  	_ =	swait.ge [sflag:s24], $0x1400  }
0x22: {  	[sflag:s24] =	ssyncset.done $0x0  }
0x23: {  	s6 =	simm.s32 $0x9920;
	[sflag:s24] =	ssyncadd.s32 $0xFFFFEC00  }
0x24: {  	[spmem:s2] =	stream.indirect.scatter.add.f32 [tilespmem:s22], [sflag:$0x2], $0x40, s6, s21, $0xb8;
	[tilespmem:$0x1F040] =	vst v63  }
0x25: {  	s12 =	simm.s32 $0x9970  }
0x26: {  	[spmem:s2] =	stream.indirect.scatter.add.f32 [tilespmem:s23], [sflag:$0x2], $0x40, s12, s21, $0xb8;
	[tilespmem:$0x1F040] =	vst v63  }
0x27: {  	s13 =	simm.s32 $0x99C0  }
0x28: {  	[spmem:s2] =	stream.indirect.scatter.add.f32 [tilespmem:s26], [sflag:$0x2], $0x40, s13, s21, $0xb8;
	[tilespmem:$0x1F040] =	vst v63  }
0x29: {  	s7 =	simm.s32 $0x9A10  }
0x2a: {  	[spmem:s2] =	stream.indirect.scatter.add.f32 [tilespmem:s29], [sflag:$0x2], $0x40, s7, s21, $0xb8;
	[tilespmem:$0x1F040] =	vst v63  }
0x2b: {  	_ =	swait.ge [sflag:s30], $0x1400  }
0x2c: {  	[sflag:s30] =	ssyncset.done $0x0  }
0x2d: {  	[sflag:s30] =	ssyncadd.s32 $0xFFFFEC00  }
0x2e: {  	_ =	swait.ge [sflag:s30], $0x1400  }
0x2f: {  	[sflag:s30] =	ssyncset.done $0x0  }
0x30: {  	[sflag:s30] =	ssyncadd.s32 $0xFFFFEC00  }
0x31: {  	_ =	swait.ge [sflag:s30], $0x1400  }
0x32: {  	[sflag:s30] =	ssyncset.done $0x0  }
0x33: {  	[sflag:s30] =	ssyncadd.s32 $0xFFFFEC00  }
0x34: {  	_ =	swait.ge [sflag:s30], $0x1400  }
0x35: {  	[sflag:s30] =	ssyncset.done $0x0  }
0x36: {  	[sflag:s30] =	ssyncadd.s32 $0xFFFFEC00  }
0x37: {  	_ =	swait.ge [sflag:s24], $0x1400  }
0x38: {  	[sflag:s24] =	ssyncset.done $0x0  }
0x39: {  	[sflag:s24] =	ssyncadd.s32 $0xFFFFEC00  }
0x3a: {  	_ =	swait.ge [sflag:s24], $0x1400  }
0x3b: {  	[sflag:s24] =	ssyncset.done $0x0  }
0x3c: {  	[sflag:s24] =	ssyncadd.s32 $0xFFFFEC00  }
0x3d: {  	_ =	swait.ge [sflag:s24], $0x1400  }
0x3e: {  	[sflag:s24] =	ssyncset.done $0x0  }
0x3f: {  	[sflag:s24] =	ssyncadd.s32 $0xFFFFEC00  }
0x40: {  	_ =	swait.ge [sflag:s24], $0x1400  }
0x41: {  	[sflag:s24] =	ssyncset.done $0x0  }
0x42: {  	s8 =	simm.s32 $0x9A60;
	[sflag:s24] =	ssyncadd.s32 $0xFFFFEC00  }
0x43: {  	[spmem:s2] =	stream.indirect.scatter.add.f32 [tilespmem:s31], [sflag:$0x2], $0x40, s8, s21, $0xb8;
	[tilespmem:$0x1F040] =	vst v63  }
0x44: {  	s10 =	simm.s32 $0x9AB0  }
0x45: {  	[spmem:s2] =	stream.indirect.scatter.add.f32 [tilespmem:s20], [sflag:$0x2], $0x40, s10, s21, $0xb8;
	[tilespmem:$0x1F040] =	vst v63  }
0x46: {  	s11 =	simm.s32 $0x9B00  }
0x47: {  	[spmem:s2] =	stream.indirect.scatter.add.f32 [tilespmem:s28], [sflag:$0x2], $0x40, s11, s21, $0xb8;
	[tilespmem:$0x1F040] =	vst v63  }
0x48: {  	s12 =	simm.s32 $0x9B50  }
0x49: {  	[spmem:s2] =	stream.indirect.scatter.add.f32 [tilespmem:s0], [sflag:$0x2], $0x40, s12, s21, $0xb8;
	[tilespmem:$0x1F040] =	vst v63  }
0x4a: {  	_ =	swait.ge [sflag:s30], $0x1400  }
0x4b: {  	[sflag:s30] =	ssyncset.done $0x0  }
0x4c: {  	[sflag:s30] =	ssyncadd.s32 $0xFFFFEC00  }
0x4d: {  	_ =	swait.ge [sflag:s30], $0x1400  }
0x4e: {  	[sflag:s30] =	ssyncset.done $0x0  }
0x4f: {  	[sflag:s30] =	ssyncadd.s32 $0xFFFFEC00  }
0x50: {  	_ =	swait.ge [sflag:s30], $0x1400  }
0x51: {  	[sflag:s30] =	ssyncset.done $0x0  }
0x52: {  	[sflag:s30] =	ssyncadd.s32 $0xFFFFEC00  }
0x53: {  	_ =	swait.ge [sflag:s30], $0x1400  }
0x54: {  	[sflag:s30] =	ssyncset.done $0x0  }
0x55: {  	s13 =	simm.s32 $0x4D80;
	[sflag:s30] =	ssyncadd.s32 $0xFFFFEC00  }
0x56: {  	[tilespmem:s22], [sflag:$0x1] =	stream.indirect.gather [hbm4b:s3+s21], $0x40, s13, s21, $0xb8;
	[tilespmem:$0x1F040] =	vst v63  }
0x57: {  	_ =	swait.ge [sflag:s24], $0x1400  }
0x58: {  	[sflag:s24] =	ssyncset.done $0x0  }
0x59: {  	s7 =	simm.s32 $0x9BA0;
	[sflag:s24] =	ssyncadd.s32 $0xFFFFEC00  }
0x5a: {  	[spmem:s2] =	stream.indirect.scatter.add.f32 [tilespmem:s22], [sflag:$0x3], $0x40, s7, s21, $0xb8;
	[tilespmem:$0x1F040] =	vst v63  }
0x5b: {  	_ =	swait.ge [sflag:s19], $0x1400  }
0x5c: {  	[sflag:s19] =	ssyncset.done $0x0  }
0x5d: {  	s8 =	simm.s32 $0x4DD0;
	[sflag:s19] =	ssyncadd.s32 $0xFFFFEC00  }
0x5e: {  	[tilespmem:s22], [sflag:$0x1] =	stream.indirect.gather [hbm4b:s3+s21], $0x40, s8, s21, $0xb8;
	[tilespmem:$0x1F040] =	vst v63  }
0x5f: {  	_ =	swait.ge [sflag:s24], $0x1400  }
0x60: {  	[sflag:s24] =	ssyncset.done $0x0  }
0x61: {  	s10 =	simm.s32 $0x9BF0;
	[sflag:s24] =	ssyncadd.s32 $0xFFFFEC00  }
0x62: {  	[spmem:s2] =	stream.indirect.scatter.add.f32 [tilespmem:s22], [sflag:$0x3], $0x40, s10, s21, $0xb8;
	[tilespmem:$0x1F040] =	vst v63  }
0x63: {  	_ =	swait.ge [sflag:s19], $0x1400  }
0x64: {  	[sflag:s19] =	ssyncset.done $0x0  }
0x65: {  	s11 =	stileid.u32;
	[sflag:s19] =	ssyncadd.s32 $0xFFFFEC00  }
0x66: {  	s3 =	sshll.u32 s11, $0x6;
	[bflag:$0x0] =	sbarrier.arrive $0xFFFF  }
0x67: {  	s3 =	sor.u32 $0x1C03, s3;
	s12 =	rddreg [dreg:$0x5]  }
0x68: {  	[hbm:s12], [sflag:s3] =	dma.local [spmem:s25], $0x1400  }
0x69: {  	_ =	swait.ge [sflag:s19], $0x1400  }
0x6a: {  	s1 =	sadd.s32 $0x1, s1;
	s13 =	rddreg [dreg:$0x6]  }
0x6b: {  	p1 =	sne.s32 s1, s13  }
.Ltmp1:
0x6c: {  	_ = 	snop;
	(pc) =	sbr.rel @!p1 .LBB2_11-.Ltmp1, $3  }
0x6d: {  	_ =	sdelay $0x1  }
0x6e: {  	[sflag:s19] =	ssyncset.done $0x0  }
0x6f: {  	[sflag:s19] =	ssyncadd.s32 $0xFFFFEC00  }
.LBB2_1:
0x70: {  	s6 =	simm.s32 $0x100;
	s3 =	simm.s32 $0x0  }
.LBB2_2:
0x71: {  	p1 =	sne.s32 s6, $0x4F00;
	[tilespmem:s3+$0x13C70] =	vst v0;
	s7 =	smov.u32 s6;
	s6 =	sadd.s32 $0x100, s6  }
.Ltmp2:
0x72: {  	[tilespmem:s3+$0x13C60] =	vst v0;
	(pc) =	sbr.rel @p1 .LBB2_2-.Ltmp2, $3  }
0x73: {  	[tilespmem:s3+$0x13C40] =	vst v0  }
0x74: {  	[tilespmem:s3+$0x13C50] =	vst v0;
	_ =	sdelay $0x1  }
0x75: {  	s3 =	sshra.s32 s7, $0x2  }
0x76: {  	[tilespmem:s3+$0x13C70] =	vst v0  }
0x77: {  	[tilespmem:s3+$0x13C60] =	vst v0  }
0x78: {  	[tilespmem:s3+$0x13C40] =	vst v0  }
0x79: {  	[tilespmem:s3+$0x13C50] =	vst v0  }
0x7a: {  	[spmem:s9] =	stream.linear.scatter [tilespmem:s18], [sflag:$0x3], $0x1400, $0x38;
	[tilespmem:$0x1F040] =	vst v63  }
0x7b: {  	_ =	swait.ge [sflag:s19], $0x1400  }
0x7c: {  	[sflag:s19] =	ssyncset.done $0x0  }
0x7d: {  	s8 =	rddreg [dreg:$0x7];
	[sflag:s19] =	ssyncadd.s32 $0xFFFFEC00  }
0x7e: {  	[spmem:s8] =	stream.linear.scatter [tilespmem:s18], [sflag:$0x3], $0x1400, $0x38;
	[tilespmem:$0x1F040] =	vst v63  }
0x7f: {  	_ =	swait.ge [sflag:s19], $0x1400  }
0x80: {  	[sflag:s19] =	ssyncset.done $0x0  }
0x81: {  	s10 =	rddreg [dreg:$0x8];
	[sflag:s19] =	ssyncadd.s32 $0xFFFFEC00  }
0x82: {  	[spmem:s10] =	stream.linear.scatter [tilespmem:s18], [sflag:$0x3], $0x1400, $0x38;
	[tilespmem:$0x1F040] =	vst v63  }
0x83: {  	_ =	swait.ge [sflag:s19], $0x1400  }
0x84: {  	[sflag:s19] =	ssyncset.done $0x0  }
0x85: {  	s11 =	rddreg [dreg:$0x9];
	[sflag:s19] =	ssyncadd.s32 $0xFFFFEC00  }
0x86: {  	[spmem:s11] =	stream.linear.scatter [tilespmem:s18], [sflag:$0x3], $0x1400, $0x38;
	[tilespmem:$0x1F040] =	vst v63  }
0x87: {  	_ =	swait.ge [sflag:s19], $0x1400  }
0x88: {  	[sflag:s19] =	ssyncset.done $0x0  }
0x89: {  	[sflag:s19] =	ssyncadd.s32 $0xFFFFEC00  }
0x8a: {  	[spmem:s14] =	stream.linear.scatter [tilespmem:s18], [sflag:$0x3], $0x1400, $0x38;
	[tilespmem:$0x1F040] =	vst v63  }
0x8b: {  	_ =	swait.ge [sflag:s19], $0x1400  }
0x8c: {  	[sflag:s19] =	ssyncset.done $0x0  }
0x8d: {  	[sflag:s19] =	ssyncadd.s32 $0xFFFFEC00  }
0x8e: {  	[spmem:s15] =	stream.linear.scatter [tilespmem:s18], [sflag:$0x3], $0x1400, $0x38;
	[tilespmem:$0x1F040] =	vst v63  }
0x8f: {  	_ =	swait.ge [sflag:s19], $0x1400  }
0x90: {  	[sflag:s19] =	ssyncset.done $0x0  }
0x91: {  	[sflag:s19] =	ssyncadd.s32 $0xFFFFEC00  }
0x92: {  	[spmem:s16] =	stream.linear.scatter [tilespmem:s18], [sflag:$0x3], $0x1400, $0x38;
	[tilespmem:$0x1F040] =	vst v63  }
0x93: {  	_ =	swait.ge [sflag:s19], $0x1400  }
0x94: {  	[sflag:s19] =	ssyncset.done $0x0  }
0x95: {  	[sflag:s19] =	ssyncadd.s32 $0xFFFFEC00  }
0x96: {  	[spmem:s17] =	stream.linear.scatter [tilespmem:s18], [sflag:$0x3], $0x1400, $0x38;
	[tilespmem:$0x1F040] =	vst v63  }
0x97: {  	_ =	swait.ge [sflag:s19], $0x1400  }
0x98: {  	[sflag:s19] =	ssyncset.done $0x0  }
0x99: {  	s12 =	simm.s32 $0x0;
	s6 =	rddreg [dreg:$0x3];
	[sflag:s19] =	ssyncadd.s32 $0xFFFFEC00  }
0x9a: {  	[tilespmem:s12], [sflag:$0x3] =	stream.linear.gather [hbm4b:s6+s12], $0x4E20, $0x38;
	[tilespmem:$0x1F040] =	vst v63  }
0x9b: {  	_ =	swait.ge [sflag:s19], $0x4E20  }
0x9c: {  	[sflag:s19] =	ssyncset.done $0x0  }
0x9d: {  	s7 =	simm.s32 $0x4E20;
	s13 =	rddreg [dreg:$0x4];
	[sflag:s19] =	ssyncadd.s32 $0xFFFFB1E0  }
0x9e: {  	[tilespmem:s7], [sflag:$0x3] =	stream.linear.gather [hbm4b:s13+s12], $0x4E20, $0x38;
	[tilespmem:$0x1F040] =	vst v63  }
.Ltmp3:
0x9f: {  	_ =	swait.ge [sflag:s19], $0x4E20;
	(pc) =	sbr.rel @!p0 .LBB2_4-.Ltmp3, $4  }
0xa0: {  	[sflag:s19] =	ssyncset.done $0x0  }
0xa1: {  	[sflag:s19] =	ssyncadd.s32 $0xFFFFB1E0  }
0xa2: {  	[bflag:$0x0] =	sbarrier.arrive $0xFFFF  }
0xa3: {  	s3 =	simm.s32 $0x0  }
0xa4: {  	[tilespmem:s22], [sflag:$0x1] =	stream.indirect.gather [hbm4b:s5+s21], $0x40, s3, s21, $0xb8;
	[tilespmem:$0x1F040] =	vst v63  }
0xa5: {  	_ = 	snop  }
0xa6: {  	[tilespmem:s23], [sflag:$0x1] =	stream.indirect.gather [hbm4b:s5+s21], $0x40, s21, s21, $0xb8;
	[tilespmem:$0x1F040] =	vst v63  }
0xa7: {  	s6 =	simm.s32 $0xA0  }
0xa8: {  	[tilespmem:s26], [sflag:$0x1] =	stream.indirect.gather [hbm4b:s5+s21], $0x40, s6, s21, $0xb8;
	[tilespmem:$0x1F040] =	vst v63  }
0xa9: {  	s11 =	simm.s32 $0xF0  }
0xaa: {  	[tilespmem:s29], [sflag:$0x1] =	stream.indirect.gather [hbm4b:s5+s21], $0x40, s11, s21, $0xb8;
	[tilespmem:$0x1F040] =	vst v63  }
0xab: {  	s12 =	simm.s32 $0x140  }
0xac: {  	[tilespmem:s31], [sflag:$0x1] =	stream.indirect.gather [hbm4b:s5+s21], $0x40, s12, s21, $0xb8;
	[tilespmem:$0x1F040] =	vst v63  }
0xad: {  	s13 =	simm.s32 $0x190  }
0xae: {  	[tilespmem:s20], [sflag:$0x1] =	stream.indirect.gather [hbm4b:s5+s21], $0x40, s13, s21, $0xb8;
	[tilespmem:$0x1F040] =	vst v63  }
0xaf: {  	s7 =	simm.s32 $0x1E0  }
0xb0: {  	[tilespmem:s28], [sflag:$0x1] =	stream.indirect.gather [hbm4b:s5+s21], $0x40, s7, s21, $0xb8;
	[tilespmem:$0x1F040] =	vst v63  }
0xb1: {  	s8 =	simm.s32 $0x230  }
0xb2: {  	[tilespmem:s0], [sflag:$0x1] =	stream.indirect.gather [hbm4b:s5+s21], $0x40, s8, s21, $0xb8;
	[tilespmem:$0x1F040] =	vst v63  }
0xb3: {  	_ =	swait.ge [sflag:s24], $0x1400  }
0xb4: {  	[sflag:s24] =	ssyncset.done $0x0  }
0xb5: {  	[sflag:s24] =	ssyncadd.s32 $0xFFFFEC00  }
0xb6: {  	_ =	swait.ge [sflag:s24], $0x1400  }
0xb7: {  	[sflag:s24] =	ssyncset.done $0x0  }
0xb8: {  	[sflag:s24] =	ssyncadd.s32 $0xFFFFEC00  }
0xb9: {  	_ =	swait.ge [sflag:s24], $0x1400  }
0xba: {  	s10 =	sand.u32 $0x4, s3;
	[sflag:s24] =	ssyncset.done $0x0  }
0xbb: {  	s3 =	smul.u32 $0x5000, s10;
	[sflag:s24] =	ssyncadd.s32 $0xFFFFEC00  }
0xbc: {  	_ =	swait.ge [sflag:s24], $0x1400  }
0xbd: {  	s3 =	sshrl.u32 s3, $0x2;
	[sflag:s24] =	ssyncset.done $0x0  }
0xbe: {  	s6 =	sadd.s32 $0x9C40, s3;
	s7 =	simm.s32 $0x4E20;
	[sflag:s24] =	ssyncadd.s32 $0xFFFFEC00  }
0xbf: {  	[spmem:s2] =	stream.indirect.scatter.add.f32 [tilespmem:s6], [sflag:$0x2], $0x40, s7, s21, $0xb8;
	[tilespmem:$0x1F040] =	vst v63  }
0xc0: {  	s11 =	simm.s32 $0x4E70;
	s8 =	sadd.s32 $0xB040, s3  }
0xc1: {  	[spmem:s2] =	stream.indirect.scatter.add.f32 [tilespmem:s8], [sflag:$0x2], $0x40, s11, s21, $0xb8;
	[tilespmem:$0x1F040] =	vst v63  }
0xc2: {  	s10 =	sadd.s32 $0xC440, s3;
	s12 =	simm.s32 $0x4EC0  }
0xc3: {  	[spmem:s2] =	stream.indirect.scatter.add.f32 [tilespmem:s10], [sflag:$0x2], $0x40, s12, s21, $0xb8;
	[tilespmem:$0x1F040] =	vst v63  }
0xc4: {  	s13 =	simm.s32 $0x4F10;
	s7 =	sadd.s32 $0xD840, s3  }
0xc5: {  	[spmem:s2] =	stream.indirect.scatter.add.f32 [tilespmem:s7], [sflag:$0x2], $0x40, s13, s21, $0xb8;
	[tilespmem:$0x1F040] =	vst v63  }
0xc6: {  	_ =	swait.ge [sflag:s30], $0x1400  }
0xc7: {  	[sflag:s30] =	ssyncset.done $0x0  }
0xc8: {  	[sflag:s30] =	ssyncadd.s32 $0xFFFFEC00  }
0xc9: {  	_ =	swait.ge [sflag:s30], $0x1400  }
0xca: {  	[sflag:s30] =	ssyncset.done $0x0  }
0xcb: {  	[sflag:s30] =	ssyncadd.s32 $0xFFFFEC00  }
0xcc: {  	_ =	swait.ge [sflag:s30], $0x1400  }
0xcd: {  	[sflag:s30] =	ssyncset.done $0x0  }
0xce: {  	[sflag:s30] =	ssyncadd.s32 $0xFFFFEC00  }
0xcf: {  	_ =	swait.ge [sflag:s30], $0x1400  }
0xd0: {  	[sflag:s30] =	ssyncset.done $0x0  }
0xd1: {  	s11 =	simm.s32 $0x280;
	[sflag:s30] =	ssyncadd.s32 $0xFFFFEC00  }
0xd2: {  	[tilespmem:s6], [sflag:$0x1] =	stream.indirect.gather [hbm4b:s5+s21], $0x40, s11, s21, $0xb8;
	[tilespmem:$0x1F040] =	vst v63  }
0xd3: {  	s3 =	simm.s32 $0x500;
	s12 =	simm.s32 $0x2D0  }
0xd4: {  	[tilespmem:s8], [sflag:$0x1] =	stream.indirect.gather [hbm4b:s5+s21], $0x40, s12, s21, $0xb8;
	[tilespmem:$0x1F040] =	vst v63  }
0xd5: {  	s13 =	simm.s32 $0x320;
	s6 =	simm.s32 $0x4;
	s8 =	simm.s32 $0x370  }
0xd6: {  	[tilespmem:s10], [sflag:$0x1] =	stream.indirect.gather [hbm4b:s5+s21], $0x40, s13, s21, $0xb8;
	[tilespmem:$0x1F040] =	vst v63  }
.LBB2_8:
0xd7: {  	[tilespmem:s7], [sflag:$0x1] =	stream.indirect.gather [hbm4b:s5+s21], $0x40, s8, s21, $0xb8;
	[tilespmem:$0x1F040] =	vst v63  }
0xd8: {  	s7 =	smov.u32 s3  }
0xd9: {  	p1 =	sne.s32 s3, $0x12700;
	s3 =	sadd.s32 $0x500, s3;
	_ =	swait.ge [sflag:s24], $0x1400  }
0xda: {  	[sflag:s24] =	ssyncset.done $0x0  }
0xdb: {  	[sflag:s24] =	ssyncadd.s32 $0xFFFFEC00  }
0xdc: {  	_ =	swait.ge [sflag:s24], $0x1400  }
0xdd: {  	[sflag:s24] =	ssyncset.done $0x0  }
0xde: {  	[sflag:s24] =	ssyncadd.s32 $0xFFFFEC00  }
0xdf: {  	_ =	swait.ge [sflag:s24], $0x1400  }
0xe0: {  	s8 =	sand.u32 $0x4, s6;
	[sflag:s24] =	ssyncset.done $0x0  }
0xe1: {  	s8 =	smul.u32 $0x5000, s8;
	[sflag:s24] =	ssyncadd.s32 $0xFFFFEC00  }
0xe2: {  	_ =	swait.ge [sflag:s24], $0x1400  }
0xe3: {  	s10 =	sshra.s32 s7, $0x2;
	s8 =	sshrl.u32 s8, $0x2;
	[sflag:s24] =	ssyncset.done $0x0  }
0xe4: {  	s7 =	sadd.s32 $0x4E20, s10;
	s11 =	sadd.s32 $0x9C40, s8;
	[sflag:s24] =	ssyncadd.s32 $0xFFFFEC00  }
0xe5: {  	[spmem:s2] =	stream.indirect.scatter.add.f32 [tilespmem:s11], [sflag:$0x2], $0x40, s7, s21, $0xb8;
	[tilespmem:$0x1F040] =	vst v63  }
0xe6: {  	s12 =	sadd.s32 $0xB040, s8;
	s7 =	sadd.s32 $0x4E70, s10  }
0xe7: {  	[spmem:s2] =	stream.indirect.scatter.add.f32 [tilespmem:s12], [sflag:$0x2], $0x40, s7, s21, $0xb8;
	[tilespmem:$0x1F040] =	vst v63  }
0xe8: {  	s13 =	sadd.s32 $0xC440, s8;
	s7 =	sadd.s32 $0x4EC0, s10  }
0xe9: {  	[spmem:s2] =	stream.indirect.scatter.add.f32 [tilespmem:s13], [sflag:$0x2], $0x40, s7, s21, $0xb8;
	[tilespmem:$0x1F040] =	vst v63  }
0xea: {  	s7 =	sadd.s32 $0xD840, s8;
	s8 =	sadd.s32 $0x4F10, s10  }
0xeb: {  	[spmem:s2] =	stream.indirect.scatter.add.f32 [tilespmem:s7], [sflag:$0x2], $0x40, s8, s21, $0xb8;
	[tilespmem:$0x1F040] =	vst v63  }
0xec: {  	_ =	swait.ge [sflag:s30], $0x1400  }
0xed: {  	[sflag:s30] =	ssyncset.done $0x0  }
0xee: {  	[sflag:s30] =	ssyncadd.s32 $0xFFFFEC00  }
0xef: {  	_ =	swait.ge [sflag:s30], $0x1400  }
0xf0: {  	[sflag:s30] =	ssyncset.done $0x0  }
0xf1: {  	[sflag:s30] =	ssyncadd.s32 $0xFFFFEC00  }
0xf2: {  	_ =	swait.ge [sflag:s30], $0x1400  }
0xf3: {  	[sflag:s30] =	ssyncset.done $0x0  }
0xf4: {  	[sflag:s30] =	ssyncadd.s32 $0xFFFFEC00  }
0xf5: {  	_ =	swait.ge [sflag:s30], $0x1400  }
0xf6: {  	[sflag:s30] =	ssyncset.done $0x0  }
0xf7: {  	s8 =	sadd.s32 $0x280, s10;
	[sflag:s30] =	ssyncadd.s32 $0xFFFFEC00  }
0xf8: {  	[tilespmem:s11], [sflag:$0x1] =	stream.indirect.gather [hbm4b:s5+s21], $0x40, s8, s21, $0xb8;
	[tilespmem:$0x1F040] =	vst v63  }
.Ltmp4:
0xf9: {  	s8 =	sadd.s32 $0x2D0, s10;
	(pc) =	sbr.rel @p1 .LBB2_8-.Ltmp4, $4  }
0xfa: {  	[tilespmem:s12], [sflag:$0x1] =	stream.indirect.gather [hbm4b:s5+s21], $0x40, s8, s21, $0xb8;
	[tilespmem:$0x1F040] =	vst v63  }
0xfb: {  	s8 =	sadd.s32 $0x320, s10  }
0xfc: {  	[tilespmem:s13], [sflag:$0x1] =	stream.indirect.gather [hbm4b:s5+s21], $0x40, s8, s21, $0xb8;
	[tilespmem:$0x1F040] =	vst v63  }
0xfd: {  	s6 =	sadd.s32 $0x4, s6;
	s8 =	sadd.s32 $0x370, s10  }
.Ltmp5:
0xfe: {  	(pc) =	sbr.rel .LBB2_10-.Ltmp5, $3  }
0xff: {  	_ =	sdelay $0x1  }
0x100: {  	[tilespmem:s7], [sflag:$0x1] =	stream.indirect.gather [hbm4b:s5+s21], $0x40, s8, s21, $0xb8;
	[tilespmem:$0x1F040] =	vst v63  }
0x101: {  	s3 =	smov.u32 s5  }
.LBB2_4:
0x102: {  	[tilespmem:s22], [sflag:$0x1] =	stream.indirect.gather [hbm4b:s4+s21], $0x40, s3, s21, $0xb8;
	[tilespmem:$0x1F040] =	vst v63  }
0x103: {  	_ = 	snop  }
0x104: {  	[tilespmem:s23], [sflag:$0x1] =	stream.indirect.gather [hbm4b:s4+s21], $0x40, s21, s21, $0xb8;
	[tilespmem:$0x1F040] =	vst v63  }
0x105: {  	s6 =	simm.s32 $0xA0  }
0x106: {  	[tilespmem:s26], [sflag:$0x1] =	stream.indirect.gather [hbm4b:s4+s21], $0x40, s6, s21, $0xb8;
	[tilespmem:$0x1F040] =	vst v63  }
0x107: {  	s11 =	simm.s32 $0xF0  }
0x108: {  	[tilespmem:s29], [sflag:$0x1] =	stream.indirect.gather [hbm4b:s4+s21], $0x40, s11, s21, $0xb8;
	[tilespmem:$0x1F040] =	vst v63  }
0x109: {  	s12 =	simm.s32 $0x140  }
0x10a: {  	[tilespmem:s31], [sflag:$0x1] =	stream.indirect.gather [hbm4b:s4+s21], $0x40, s12, s21, $0xb8;
	[tilespmem:$0x1F040] =	vst v63  }
0x10b: {  	s13 =	simm.s32 $0x190  }
0x10c: {  	[tilespmem:s20], [sflag:$0x1] =	stream.indirect.gather [hbm4b:s4+s21], $0x40, s13, s21, $0xb8;
	[tilespmem:$0x1F040] =	vst v63  }
0x10d: {  	s7 =	simm.s32 $0x1E0  }
0x10e: {  	[tilespmem:s28], [sflag:$0x1] =	stream.indirect.gather [hbm4b:s4+s21], $0x40, s7, s21, $0xb8;
	[tilespmem:$0x1F040] =	vst v63  }
0x10f: {  	s8 =	simm.s32 $0x230  }
0x110: {  	[tilespmem:s0], [sflag:$0x1] =	stream.indirect.gather [hbm4b:s4+s21], $0x40, s8, s21, $0xb8;
	[tilespmem:$0x1F040] =	vst v63  }
0x111: {  	_ =	swait.ge [sflag:s24], $0x1400  }
0x112: {  	[sflag:s24] =	ssyncset.done $0x0  }
0x113: {  	[sflag:s24] =	ssyncadd.s32 $0xFFFFEC00  }
0x114: {  	_ =	swait.ge [sflag:s24], $0x1400  }
0x115: {  	[sflag:s24] =	ssyncset.done $0x0  }
0x116: {  	[sflag:s24] =	ssyncadd.s32 $0xFFFFEC00  }
0x117: {  	_ =	swait.ge [sflag:s24], $0x1400  }
0x118: {  	s10 =	sand.u32 $0x4, s3;
	[sflag:s24] =	ssyncset.done $0x0  }
0x119: {  	s3 =	smul.u32 $0x5000, s10;
	[sflag:s24] =	ssyncadd.s32 $0xFFFFEC00  }
0x11a: {  	_ =	swait.ge [sflag:s24], $0x1400  }
0x11b: {  	s3 =	sshrl.u32 s3, $0x2;
	[sflag:s24] =	ssyncset.done $0x0  }
0x11c: {  	s6 =	sadd.s32 $0x9C40, s3;
	s7 =	simm.s32 $0x4E20;
	[sflag:s24] =	ssyncadd.s32 $0xFFFFEC00  }
0x11d: {  	[spmem:s2] =	stream.indirect.scatter.add.f32 [tilespmem:s6], [sflag:$0x2], $0x40, s7, s21, $0xb8;
	[tilespmem:$0x1F040] =	vst v63  }
0x11e: {  	s11 =	simm.s32 $0x4E70;
	s8 =	sadd.s32 $0xB040, s3  }
0x11f: {  	[spmem:s2] =	stream.indirect.scatter.add.f32 [tilespmem:s8], [sflag:$0x2], $0x40, s11, s21, $0xb8;
	[tilespmem:$0x1F040] =	vst v63  }
0x120: {  	s10 =	sadd.s32 $0xC440, s3;
	s12 =	simm.s32 $0x4EC0  }
0x121: {  	[spmem:s2] =	stream.indirect.scatter.add.f32 [tilespmem:s10], [sflag:$0x2], $0x40, s12, s21, $0xb8;
	[tilespmem:$0x1F040] =	vst v63  }
0x122: {  	s13 =	simm.s32 $0x4F10;
	s7 =	sadd.s32 $0xD840, s3  }
0x123: {  	[spmem:s2] =	stream.indirect.scatter.add.f32 [tilespmem:s7], [sflag:$0x2], $0x40, s13, s21, $0xb8;
	[tilespmem:$0x1F040] =	vst v63  }
0x124: {  	_ =	swait.ge [sflag:s30], $0x1400  }
0x125: {  	[sflag:s30] =	ssyncset.done $0x0  }
0x126: {  	[sflag:s30] =	ssyncadd.s32 $0xFFFFEC00  }
0x127: {  	_ =	swait.ge [sflag:s30], $0x1400  }
0x128: {  	[sflag:s30] =	ssyncset.done $0x0  }
0x129: {  	[sflag:s30] =	ssyncadd.s32 $0xFFFFEC00  }
0x12a: {  	_ =	swait.ge [sflag:s30], $0x1400  }
0x12b: {  	[sflag:s30] =	ssyncset.done $0x0  }
0x12c: {  	[sflag:s30] =	ssyncadd.s32 $0xFFFFEC00  }
0x12d: {  	_ =	swait.ge [sflag:s30], $0x1400  }
0x12e: {  	[sflag:s30] =	ssyncset.done $0x0  }
0x12f: {  	s11 =	simm.s32 $0x280;
	[sflag:s30] =	ssyncadd.s32 $0xFFFFEC00  }
0x130: {  	[tilespmem:s6], [sflag:$0x1] =	stream.indirect.gather [hbm4b:s4+s21], $0x40, s11, s21, $0xb8;
	[tilespmem:$0x1F040] =	vst v63  }
0x131: {  	s3 =	simm.s32 $0x500;
	s12 =	simm.s32 $0x2D0  }
0x132: {  	[tilespmem:s8], [sflag:$0x1] =	stream.indirect.gather [hbm4b:s4+s21], $0x40, s12, s21, $0xb8;
	[tilespmem:$0x1F040] =	vst v63  }
0x133: {  	s13 =	simm.s32 $0x320;
	s6 =	simm.s32 $0x4;
	s8 =	simm.s32 $0x370  }
0x134: {  	[tilespmem:s10], [sflag:$0x1] =	stream.indirect.gather [hbm4b:s4+s21], $0x40, s13, s21, $0xb8;
	[tilespmem:$0x1F040] =	vst v63  }
.LBB2_5:
0x135: {  	[tilespmem:s7], [sflag:$0x1] =	stream.indirect.gather [hbm4b:s4+s21], $0x40, s8, s21, $0xb8;
	[tilespmem:$0x1F040] =	vst v63  }
0x136: {  	s7 =	smov.u32 s3  }
0x137: {  	p1 =	seq.s32 s3, $0x12700;
	s3 =	sadd.s32 $0x500, s3;
	_ =	swait.ge [sflag:s24], $0x1400  }
0x138: {  	[sflag:s24] =	ssyncset.done $0x0  }
0x139: {  	[sflag:s24] =	ssyncadd.s32 $0xFFFFEC00  }
0x13a: {  	_ =	swait.ge [sflag:s24], $0x1400  }
0x13b: {  	[sflag:s24] =	ssyncset.done $0x0  }
0x13c: {  	[sflag:s24] =	ssyncadd.s32 $0xFFFFEC00  }
0x13d: {  	_ =	swait.ge [sflag:s24], $0x1400  }
0x13e: {  	s8 =	sand.u32 $0x4, s6;
	[sflag:s24] =	ssyncset.done $0x0  }
0x13f: {  	s8 =	smul.u32 $0x5000, s8;
	[sflag:s24] =	ssyncadd.s32 $0xFFFFEC00  }
0x140: {  	_ =	swait.ge [sflag:s24], $0x1400  }
0x141: {  	s10 =	sshra.s32 s7, $0x2;
	s8 =	sshrl.u32 s8, $0x2;
	[sflag:s24] =	ssyncset.done $0x0  }
0x142: {  	s7 =	sadd.s32 $0x4E20, s10;
	s11 =	sadd.s32 $0x9C40, s8;
	[sflag:s24] =	ssyncadd.s32 $0xFFFFEC00  }
0x143: {  	[spmem:s2] =	stream.indirect.scatter.add.f32 [tilespmem:s11], [sflag:$0x2], $0x40, s7, s21, $0xb8;
	[tilespmem:$0x1F040] =	vst v63  }
0x144: {  	s12 =	sadd.s32 $0xB040, s8;
	s7 =	sadd.s32 $0x4E70, s10  }
0x145: {  	[spmem:s2] =	stream.indirect.scatter.add.f32 [tilespmem:s12], [sflag:$0x2], $0x40, s7, s21, $0xb8;
	[tilespmem:$0x1F040] =	vst v63  }
0x146: {  	s13 =	sadd.s32 $0xC440, s8;
	s7 =	sadd.s32 $0x4EC0, s10  }
0x147: {  	[spmem:s2] =	stream.indirect.scatter.add.f32 [tilespmem:s13], [sflag:$0x2], $0x40, s7, s21, $0xb8;
	[tilespmem:$0x1F040] =	vst v63  }
0x148: {  	s7 =	sadd.s32 $0xD840, s8;
	s8 =	sadd.s32 $0x4F10, s10  }
0x149: {  	[spmem:s2] =	stream.indirect.scatter.add.f32 [tilespmem:s7], [sflag:$0x2], $0x40, s8, s21, $0xb8;
	[tilespmem:$0x1F040] =	vst v63  }
0x14a: {  	_ =	swait.ge [sflag:s30], $0x1400  }
0x14b: {  	[sflag:s30] =	ssyncset.done $0x0  }
0x14c: {  	[sflag:s30] =	ssyncadd.s32 $0xFFFFEC00  }
0x14d: {  	_ =	swait.ge [sflag:s30], $0x1400  }
0x14e: {  	[sflag:s30] =	ssyncset.done $0x0  }
0x14f: {  	[sflag:s30] =	ssyncadd.s32 $0xFFFFEC00  }
0x150: {  	_ =	swait.ge [sflag:s30], $0x1400  }
0x151: {  	[sflag:s30] =	ssyncset.done $0x0  }
0x152: {  	[sflag:s30] =	ssyncadd.s32 $0xFFFFEC00  }
0x153: {  	_ =	swait.ge [sflag:s30], $0x1400  }
0x154: {  	[sflag:s30] =	ssyncset.done $0x0  }
0x155: {  	s8 =	sadd.s32 $0x280, s10;
	[sflag:s30] =	ssyncadd.s32 $0xFFFFEC00  }
0x156: {  	[tilespmem:s11], [sflag:$0x1] =	stream.indirect.gather [hbm4b:s4+s21], $0x40, s8, s21, $0xb8;
	[tilespmem:$0x1F040] =	vst v63  }
.Ltmp6:
0x157: {  	s8 =	sadd.s32 $0x2D0, s10;
	(pc) =	sbr.rel @!p1 .LBB2_5-.Ltmp6, $4  }
0x158: {  	[tilespmem:s12], [sflag:$0x1] =	stream.indirect.gather [hbm4b:s4+s21], $0x40, s8, s21, $0xb8;
	[tilespmem:$0x1F040] =	vst v63  }
0x159: {  	s8 =	sadd.s32 $0x320, s10  }
0x15a: {  	[tilespmem:s13], [sflag:$0x1] =	stream.indirect.gather [hbm4b:s4+s21], $0x40, s8, s21, $0xb8;
	[tilespmem:$0x1F040] =	vst v63  }
0x15b: {  	s6 =	sadd.s32 $0x4, s6;
	s8 =	sadd.s32 $0x370, s10  }
.Ltmp7:
0x15c: {  	_ = 	snop;
	(pc) =	sbr.rel .LBB2_6-.Ltmp7, $1  }
0x15d: {  	_ =	sdelay $0x3  }
.LBB2_11:
0x15e: {  	_ =	sfence.sel $0x180000  }
0x15f: {  	[bflag:$0x0] =	sbarrier.arrive $0xFFFF  }
0x160: {  	_ =	strace $0x9000004D  }
0x161: {  	s0 =	stileid.u32;
	[bflag:$0x2] =	sbarrier.arrive $0xFFFF  }
0x162: {  	p0 =	sne.s32 s0, $0x0;
	s0 =	rddreg [dreg:$0x2]  }
0x163: {  	s0 =	sadd.s32 @!p0 $0x100000, s0  }
0x164: {  	[sflag:s0] =	ssyncadd.tile.s32 @!p0 $0x1;
	_ =	shalt  }
.Lfunc_end2:
_tile_overlayer_lowered:
.L_overlay_start_2:
0x165: {  	(tag) =	ssettag $0x2  }
0x166: {  	s0 =	rddreg [dreg:$0x0];
	s2 =	stileid.u32  }
0x167: {  	s1 =	rddreg [dreg:$0x1];
	p0 =	sne.s32 s2, $0x0  }
0x168: {  	s3 =	rddreg [dreg:$0x2];
	[bflag:$0x3] =	sbarrier.arrive $0xFFFF;
	s2 =	simm.s32 @!p0 $0x1C03  }
0x169: {  	[timem:s3], [sflag:s2] =	dma.local @!p0 [hbm:s0], s1  }
0x16a: {  	s0 =	simm.s32 @!p0 $0x3  }
0x16b: {  	_ =	swait.ge @!p0 [sflag:s0], s1  }
0x16c: {  	s1 =	ssub.s32 @!p0 $0x0, s1;
	[sflag:s0] =	ssyncset.done @!p0 $0x0  }
0x16d: {  	[sflag:s0] =	ssyncadd.s32 @!p0 s1  }
0x16e: {  	[bflag:$0x3] =	sbarrier.arrive $0xFFFF  }
0x16f: {  	_ =	shalt  }

// kernel: kernel.8.cloned.1.call-start
scs
__scs_entry_jumppad:
0x0: {  	(pc) =	sbr.rel $0x88, $3  }
0x1: {  	(tag) =	ssettag $0x0;
	lr =	simm.s32 $0x1  }
0x2: {  	[smem:$0x3F9B] =	sst lr;
	_ =	strace $0xD0000000  }
0x3: {  	_ = 	snop  }
0x4: {  	_ = 	snop  }
0x5: {  	_ = 	snop  }
0x6: {  	_ = 	snop  }
0x7: {  	_ = 	snop  }
__scs_overlays_trampoline_lowered:
0x8: {  	[smem:$0x3FAA] =	sst s0  }
0x9: {  	[smem:$0x3FAB] =	sst s1  }
0xa: {  	[smem:$0x3FAC] =	sst s2  }
0xb: {  	[smem:$0x3FAD] =	sst s3  }
0xc: {  	[smem:$0x3FAE] =	sst s4  }
0xd: {  	[smem:$0x3FAF] =	sst s5  }
0xe: {  	[smem:$0x3FB0] =	sst s6  }
0xf: {  	[smem:$0x3FB1] =	sst s7  }
0x10: {  	[smem:$0x3FB2] =	sst s8  }
0x11: {  	[smem:$0x3FB3] =	sst s9;
	s0 =	simm.s32 @!p0 $0x0  }
0x12: {  	s1 =	sld [smem:$0x3F99];
	s0 =	simm.s32 @p0 $0x1  }
0x13: {  	[smem:$0x3FB4] =	sst s0;
	s0 =	simm.s32 @!p1 $0x0  }
0x14: {  	s2 =	sld [smem:$0x3F98];
	s0 =	simm.s32 @p1 $0x1  }
0x15: {  	[smem:$0x3FB5] =	sst s0;
	s0 =	simm.s32 @!p2 $0x0  }
0x16: {  	s3 =	sld [smem:$0x3FDB];
	s0 =	simm.s32 @p2 $0x1  }
0x17: {  	s4 =	simm.s32 $0x1BF5;
	[smem:$0x3FB7] =	sst s0  }
0x18: {  	s0 =	sld [smem:$0x3F9A];
	_ =	swait.ge [sflag:s4], $0x0  }
0x19: {  	s7 =	sld [smem:$0x3F9B]  }
0x1a: {  	s8 =	sadd.s32 $0xFFFFE003, lr  }
0x1b: {  	s9 =	sadd.s32 $0xFFFFFEF7, lr;
	s5 =	simm.s32 $0xFFFFFFFF;
	p2 =	slt.u32 s8, $0xFFFFF086  }
0x1c: {  	p1 =	slt.u32 s9, $0xF7A;
	s5 =	simm.s32 @!p2 $0x0  }
0x1d: {  	s5 =	simm.s32 @p1 $0x1;
	p0 =	seq.s32 s7, s2  }
0x1e: {  	s7 =	smul.u32 @!p0 $0xF7A, s2;
	p2 =	seq.s32 @!p0 s5, $0x0  }
0x1f: {  	s9 =	smul.u32 $0xF7A, s1;
	s8 =	simm.s32 @!p0 $0x1BF5;
	p2 =	por !p2, p0  }
0x20: {  	[sflag:s8] =	ssyncset.s32 @!p0 $0xFFFFF086;
	s6 =	sadd.s32 @!p0 s3, s7;
	s7 =	simm.s32 @!p0 $0x108  }
0x21: {  	s3 =	sadd.s32 s3, s9;
	s6 =	sadd.s32 @!p0 $0x88, s6;
	s7 =	simm.s32 @p2 $0x1082  }
0x22: {  	[simem:s7], [sflag:s8] =	dma.local @!p0 [hbm:s6], $0xF7A  }
0x23: {  	s9 =	sor.u32 $0xD0000000, s2;
	s6 =	simm.s32 $0x108;
	_ =	swait.ge @!p0 [sflag:s8], $0x0  }
0x24: {  	s3 =	sadd.s32 $0x88, s3;
	s6 =	simm.s32 @!p1 $0x1082;
	[sflag:s4] =	ssyncset.s32 $0xFFFFF086  }
0x25: {  	[simem:s6], [sflag:s4] =	dma.local [hbm:s3], $0xF7A  }
0x26: {  	[smem:$0x3F9B] =	sst s1;
	(tag) =	ssettag s2;
	_ =	strace s9  }
0x27: {  	s1 =	sld [smem:$0x3FAB]  }
0x28: {  	s2 =	sld [smem:$0x3FAC]  }
0x29: {  	s4 =	sld [smem:$0x3FAE]  }
0x2a: {  	p0 =	seq.s32 s5, $0x0;
	s5 =	sld [smem:$0x3FAF]  }
0x2b: {  	s6 =	sld [smem:$0x3FB0]  }
0x2c: {  	s7 =	sld [smem:$0x3FB1]  }
0x2d: {  	s3 =	simm.s32 $0x108;
	s8 =	sld [smem:$0x3FB2]  }
0x2e: {  	s3 =	simm.s32 @!p0 $0x1082;
	s9 =	sld [smem:$0x3FB3]  }
0x2f: {  	lr =	sadd.s32 s0, s3;
	s0 =	sld [smem:$0x3FAA]  }
0x30: {  	s3 =	sld [smem:$0x3FAD]  }
0x31: {  	[smem:$0x3FB6] =	sst s10  }
0x32: {  	s10 =	sld [smem:$0x3FB4];
	_ =	sdelay $0x3  }
0x33: {  	p0 =	seq.s32 s10, $0x1;
	s10 =	sld [smem:$0x3FB6];
	_ =	sdelay $0x3  }
0x34: {  	[smem:$0x3FB6] =	sst s10  }
0x35: {  	s10 =	sld [smem:$0x3FB5];
	_ =	sdelay $0x3  }
0x36: {  	p1 =	seq.s32 s10, $0x1;
	s10 =	sld [smem:$0x3FB6];
	_ =	sdelay $0x3  }
0x37: {  	[smem:$0x3FB6] =	sst s10  }
0x38: {  	s10 =	sld [smem:$0x3FB7]  }
0x39: {  	_ = 	snop;
	(pc) =	sbr.ind lr, $3  }
0x3a: {  	_ = 	snop  }
0x3b: {  	_ = 	snop  }
0x3c: {  	p2 =	seq.s32 s10, $0x1;
	s10 =	sld [smem:$0x3FB6]  }
0x3d: {  	_ =	shalt  }
0x3e: {  	_ =	shalt  }
0x3f: {  	_ =	shalt  }
0x40: {  	_ =	shalt  }
0x41: {  	_ =	shalt  }
0x42: {  	_ =	shalt  }
0x43: {  	_ =	shalt  }
0x44: {  	_ =	shalt  }
0x45: {  	_ =	shalt  }
0x46: {  	_ =	shalt  }
0x47: {  	_ =	shalt  }
0x48: {  	_ =	shalt  }
0x49: {  	_ =	shalt  }
0x4a: {  	_ =	shalt  }
0x4b: {  	_ =	shalt  }
0x4c: {  	_ =	shalt  }
0x4d: {  	_ =	shalt  }
0x4e: {  	_ =	shalt  }
0x4f: {  	_ =	shalt  }
0x50: {  	_ =	shalt  }
0x51: {  	_ =	shalt  }
0x52: {  	_ =	shalt  }
0x53: {  	_ =	shalt  }
0x54: {  	_ =	shalt  }
0x55: {  	_ =	shalt  }
0x56: {  	_ =	shalt  }
0x57: {  	_ =	shalt  }
0x58: {  	_ =	shalt  }
0x59: {  	_ =	shalt  }
0x5a: {  	_ =	shalt  }
0x5b: {  	_ =	shalt  }
0x5c: {  	_ =	shalt  }
0x5d: {  	_ =	shalt  }
0x5e: {  	_ =	shalt  }
0x5f: {  	_ =	shalt  }
0x60: {  	_ =	shalt  }
0x61: {  	_ =	shalt  }
0x62: {  	_ =	shalt  }
0x63: {  	_ =	shalt  }
0x64: {  	_ =	shalt  }
0x65: {  	_ =	shalt  }
0x66: {  	_ =	shalt  }
0x67: {  	_ =	shalt  }
0x68: {  	_ =	shalt  }
0x69: {  	_ =	shalt  }
0x6a: {  	_ =	shalt  }
0x6b: {  	_ =	shalt  }
0x6c: {  	_ =	shalt  }
0x6d: {  	_ =	shalt  }
0x6e: {  	_ =	shalt  }
0x6f: {  	_ =	shalt  }
0x70: {  	_ =	shalt  }
0x71: {  	_ =	shalt  }
0x72: {  	_ =	shalt  }
0x73: {  	_ =	shalt  }
0x74: {  	_ =	shalt  }
0x75: {  	_ =	shalt  }
0x76: {  	_ =	shalt  }
0x77: {  	_ =	shalt  }
0x78: {  	_ =	shalt  }
0x79: {  	_ =	shalt  }
0x7a: {  	_ =	shalt  }
0x7b: {  	_ =	shalt  }
0x7c: {  	_ =	shalt  }
0x7d: {  	_ =	shalt  }
0x7e: {  	_ =	shalt  }
0x7f: {  	_ =	shalt  }
0x80: {  	_ =	shalt  }
0x81: {  	_ =	shalt  }
0x82: {  	_ =	shalt  }
0x83: {  	_ =	shalt  }
0x84: {  	_ =	shalt  }
0x85: {  	_ =	shalt  }
0x86: {  	_ =	shalt  }
0x87: {  	_ =	shalt  }
.Lfunc_end0:
.L_simem_size_0:
called_computation_lowered:
.L_overlay_start_0:
0x88: {  	s2 =	sld [smem:$0x3FD9]  }
0x89: {  	s3 =	sld [smem:$0x3FFE];
	_ =	sdelay $0x1  }
0x8a: {  	s1 =	srdreg.scid  }
0x8b: {  	s0 =	sand.u32 $0x1, s1  }
0x8c: {  	s17 =	sshll.u32 s0, $0xA;
	s2 =	sadd.s32 s3, s2  }
0x8d: {  	s2 =	sadd.s32 s2, s17  }
0x8e: {  	[smem:$0x3FC2] =	sst s2  }
0x8f: {  	_ = 	snop  }
0x90: {  	s2 =	sld [smem:$0x3FD0];
	(tm) =	ssettm $0x1  }
0x91: {  	s18 =	sld [smem:$0x3FFB];
	_ =	sdelay $0x3  }
0x92: {  	_ =	strace s18  }
0x93: {  	s3 =	sld [smem:$0x3FFC];
	_ =	sdelay $0x3  }
0x94: {  	_ =	strace s3  }
0x95: {  	s3 =	sld [smem:$0x3FFD];
	_ =	sdelay $0x3  }
0x96: {  	_ =	strace s3  }
0x97: {  	_ =	strace $0x8FFFFFFF  }
0x98: {  	s19 =	sld [smem:$0x3FDB];
	_ =	sdelay $0x1  }
0x99: {  	s4 =	simm.s32 $_scs_section_size  }
0x9a: {  	s5 =	simm.s32 $_size__tile_overlayer_lowered;
	s6 =	simm.s32 $_tile_overlayer_lowered  }
0x9b: {  	s22 =	simm.s32 $0x1BFF;
	s21 =	sshll.u32 s6, $0x1;
	s3 =	sadd.s32 s4, s19  }
0x9c: {  	s7 =	simm.s32 $0x0;
	s20 =	sshll.u32 s5, $0x1;
	s5 =	sadd.s32 s21, s3  }
0x9d: {  	[timem:s7], [sflag:s22] =	dma.local [hbm:s5], s20  }
0x9e: {  	_ =	swait.ge [sflag:s22], s20  }
0x9f: {  	s4 =	ssub.s32 $0x0, s20;
	[sflag:s22] =	ssyncset.done $0x0  }
0xa0: {  	[sflag:s22] =	ssyncadd.s32 s4;
	_ =	sdelay $0x1  }
0xa1: {  	s23 =	simm.s32 $0x1B8B  }
0xa2: {  	_ =	swait.ge [sflag:s23], $0x1  }
0xa3: {  	[sflag:s23] =	ssyncset.done $0x0  }
0xa4: {  	s25 =	simm.s32 $0x1B8E;
	s24 =	sld [smem:$0x3FFE];
	[sflag:s23] =	ssyncadd.s32 $0xFFFFFFFF  }
0xa5: {  	s26 =	simm.s32 $execute0_lowered;
	[smem:$0x3FD2] =	sst s25  }
0xa6: {  	s5 =	sshll.u32 s26, $0x1;
	_ =	strace $0x80000046;
	[dreg:$0x1] =	wrdreg $0xFFFFFFFF  }
0xa7: {  	s28 =	simm.s32 $_size_execute0_lowered;
	s3 =	sadd.s32 s3, s5;
	[dreg:$0x0] =	wrdreg $0x0  }
0xa8: {  	s5 =	sshll.u32 s28, $0x1;
	[dreg:$0x2] =	wrdreg s3  }
0xa9: {  	[dreg:$0x3] =	wrdreg s5  }
0xaa: {  	[dreg:$0x4] =	wrdreg $0xC0  }
0xab: {  	_ =	task [dreg:s7], $0x5FFFF  }
0xac: {  	[dreg:$0x1] =	wrdreg $0xFFFFFFFF  }
0xad: {  	[dreg:$0x0] =	wrdreg $0x60  }
0xae: {  	[dreg:$0x2] =	wrdreg s24  }
0xaf: {  	[dreg:$0x3] =	wrdreg s2  }
0xb0: {  	[dreg:$0x4] =	wrdreg $0x29E00  }
0xb1: {  	[dreg:$0x5] =	wrdreg $0x9  }
0xb2: {  	_ =	task.clear_ibuf [dreg:s7], $0x6FFFF;
	_ =	strace $0x90000046  }
0xb3: {  	s29 =	simm.s32 $0x9;
	_ =	strace $0x80000048  }
0xb4: {  	_ =	swait.ge [sflag:s29], $0x1  }
0xb5: {  	[sflag:s29] =	ssyncadd.s32 $0xFFFFFFFF  }
0xb6: {  	_ =	strace $0x90000048  }
0xb7: {  	_ =	sfence  }
0xb8: {  	s30 =	sld [smem:$0x0];
	_ =	sdelay $0x2  }
0xb9: {  	s31 =	sshll.u32 s1, $0xD;
	s1 =	sshrl.u32 s1, $0x2  }
0xba: {  	s3 =	sand.u32 $0x4000, s31;
	s1 =	sadd.s32 s1, s30  }
0xbb: {  	s0 =	sor.u32 s3, s0;
	s1 =	sshll.u32 s1, $0x11  }
0xbc: {  	s0 =	sor.u32 s1, s0  }
0xbd: {  	s0 =	sadd.s32 $0x8F2B, s0  }
0xbe: {  	[sflag:s0] =	ssyncadd.remote.s32 $0x1  }
0xbf: {  	_ =	sfence.sel $0xFFFF  }
0xc0: {  	[dreg:$0x0] =	wrdreg $0xFFFFFFFF;
	(pc) =	sbr.abs _section_cstart, $3  }
0xc1: {  	[dreg:$0x1] =	wrdreg $0xFFFFFFFF  }
0xc2: {  	_ =	task.clear_ibuf [dreg:s7], $0x2FFFF;
	_ =	strace $0x9FFFFFFF  }
0xc3: {  	(tm) =	ssettm $0x7FFFFFFF  }
tec
execute0_lowered:
.L_overlay_start_1:
0x0: {  	(tag) =	ssettag $0x1  }
0x1: {  	s5 =	rddreg [dreg:$0x0]  }
0x2: {  	s6 =	rddreg [dreg:$0x1];
	s0 =	stileid.u32  }
0x3: {  	s1 =	srdreg.scid;
	s2 =	rddreg [dreg:$0x2]  }
0x4: {  	s3 =	simm.s32 $0x0;
	s12 =	simm.s32 $0x1;
	s4 =	smul.u32 $0x280, s0  }
0x5: {  	s7 =	sand.u32 $0x1, s1;
	s8 =	smul.u32 $0x4E20, s0;
	s1 =	rddreg [dreg:$0x3]  }
0x6: {  	s15 =	simm.s32 $0x0;
	[smem:$0x7FF] =	sst s3;
	s9 =	smul.u32 $0x2710, s7  }
0x7: {  	s13 =	sshll.u32 s0, $0x6;
	s10 =	ssub.s32 $0x2, s7;
	s7 =	smul.u32 $0x2800, s7  }
0x8: {  	_ =	strace $0x80000047;
	s13 =	sor.u32 $0x1C02, s13;
	s11 =	sshrl.u32 s10, $0x1  }
0x9: {  	s8 =	sadd.s32 s8, s9;
	s31 =	ssub.s32 s10, s11;
	s7 =	sadd.s32 s4, s7  }
0xa: {  	s4 =	sadd.s32 s4, s2;
	s9 =	simm.s32 $0x2;
	s10 =	simm.s32 $0x50  }
0xb: {  	s11 =	simm.s32 $0x2710;
	s8 =	sshrl.u32 s8, $0x3;
	s7 =	sshrl.u32 s7, $0x3  }
0xc: {  	s14 =	sshrl.u32 s4, $0x3;
	s5 =	sadd.s32 s5, s8;
	s6 =	sadd.s32 s6, s7  }
0xd: {  	v0 =	vimm.f32 $1.000000000e+00;
	v1 =	vimm.f32 $0.0e+00;
	s7 =	smax.u32 s31, $0x1;
	s8 =	simm.s32 $0x2760;
	s5 =	sadd.s32 $0xCA40, s5  }
.LBB2_1:
0xe: {  	[tilespmem:$0x2710] =	vst v0  }
0xf: {  	[tilespmem:$0x2720] =	vst v0  }
0x10: {  	[tilespmem:$0x2730] =	vst v0  }
0x11: {  	[tilespmem:$0x2740] =	vst v0  }
0x12: {  	[tilespmem:$0x2750] =	vst v0  }
0x13: {  	[tilespmem:$0x2760] =	vst v1  }
0x14: {  	[tilespmem:$0x2770] =	vst v1  }
0x15: {  	[tilespmem:$0x2780] =	vst v1  }
0x16: {  	[tilespmem:$0x2790] =	vst v1  }
0x17: {  	[tilespmem:$0x27A0] =	vst v1  }
0x18: {  	[tilespmem:$0x27B0] =	vst v1  }
0x19: {  	[tilespmem:$0x27C0] =	vst v1  }
0x1a: {  	[tilespmem:$0x27D0] =	vst v1  }
0x1b: {  	[tilespmem:$0x27E0] =	vst v1  }
0x1c: {  	[tilespmem:$0x27F0] =	vst v1  }
0x1d: {  	[tilespmem:$0x2800] =	vst v1  }
0x1e: {  	[tilespmem:$0x2810] =	vst v1  }
0x1f: {  	[tilespmem:$0x2820] =	vst v1  }
0x20: {  	[tilespmem:$0x2830] =	vst v1  }
0x21: {  	[tilespmem:$0x2840] =	vst v1  }
0x22: {  	[tilespmem:$0x2850] =	vst v1  }
0x23: {  	[tilespmem:$0x2860] =	vst v1  }
0x24: {  	[tilespmem:$0x2870] =	vst v1  }
0x25: {  	[tilespmem:$0x2880] =	vst v1  }
0x26: {  	[tilespmem:$0x2890] =	vst v1  }
0x27: {  	[tilespmem:$0x28A0] =	vst v1  }
0x28: {  	[tilespmem:$0x28B0] =	vst v1  }
0x29: {  	[tilespmem:$0x28C0] =	vst v1  }
0x2a: {  	[tilespmem:$0x28D0] =	vst v1  }
0x2b: {  	[tilespmem:$0x28E0] =	vst v1  }
0x2c: {  	[tilespmem:$0x28F0] =	vst v1  }
0x2d: {  	[tilespmem:$0x2900] =	vst v1  }
0x2e: {  	[tilespmem:$0x2910] =	vst v1  }
0x2f: {  	[tilespmem:$0x2920] =	vst v1  }
0x30: {  	[tilespmem:$0x2930] =	vst v1  }
0x31: {  	[tilespmem:$0x2940] =	vst v1  }
0x32: {  	[tilespmem:$0x2950] =	vst v1  }
0x33: {  	[tilespmem:$0x2960] =	vst v1  }
0x34: {  	[tilespmem:$0x2970] =	vst v1  }
0x35: {  	[tilespmem:$0x2980] =	vst v1  }
0x36: {  	[tilespmem:$0x2990] =	vst v1  }
0x37: {  	[tilespmem:$0x29A0] =	vst v1  }
0x38: {  	[tilespmem:$0x29B0] =	vst v1  }
0x39: {  	[tilespmem:$0x29C0] =	vst v1  }
0x3a: {  	[tilespmem:$0x29D0] =	vst v1  }
0x3b: {  	[spmem:s4] =	stream.linear.scatter [tilespmem:s8], [sflag:$0x2], $0x280, $0x38;
	[tilespmem:$0x2C60] =	vst v63  }
0x3c: {  	_ =	swait.ge [sflag:s9], $0x280  }
0x3d: {  	[sflag:s9] =	ssyncset.done $0x0  }
0x3e: {  	[sflag:s9] =	ssyncadd.s32 $0xFFFFFD80  }
0x3f: {  	[tilespmem:s3], [sflag:$0x2] =	stream.linear.gather [hbm4b:s5+s3], $0x2710, $0x38;
	[tilespmem:$0x2C60] =	vst v63  }
0x40: {  	_ =	swait.ge [sflag:s9], $0x2710  }
0x41: {  	[sflag:s9] =	ssyncset.done $0x0  }
0x42: {  	[sflag:s9] =	ssyncadd.s32 $0xFFFFD8F0  }
0x43: {  	s16 =	simm.s32 $0x0;
	[bflag:$0x0] =	sbarrier.arrive $0xFFFF  }
.LBB2_2:
0x44: {  	p0 =	sne.s32 s16, $0x9B00  }
.Ltmp0:
0x45: {  	_ = 	snop;
	(pc) =	sbr.rel @p0 .LBB2_2-.Ltmp0, $3  }
0x46: {  	_ =	sdelay $0x1  }
0x47: {  	s17 =	sshra.s32 s16, $0x2;
	s16 =	sadd.s32 $0x140, s16  }
0x48: {  	[spmem:s2] =	stream.indirect.scatter.add.f32 [tilespmem:s11], [sflag:$0x1], $0x1, s17, s10, $0xb8;
	[tilespmem:$0x2C60] =	vst v63  }
0x49: {  	_ =	swait.ge [sflag:s12], $0x50  }
0x4a: {  	s16 =	simm.s32 $0x7C;
	[sflag:s12] =	ssyncset.done $0x0  }
.LBB2_4:
0x4b: {  	p0 =	sne.s32 s16, $0x1;
	s16 =	sadd.s32 $0xFFFFFFFF, s16;
	[sflag:s12] =	ssyncadd.s32 $0xFFFFFFB0  }
.Ltmp1:
0x4c: {  	(pc) =	sbr.rel @p0 .LBB2_4-.Ltmp1, $3  }
0x4d: {  	_ =	sdelay $0x1  }
0x4e: {  	_ =	swait.ge [sflag:s12], $0x50  }
0x4f: {  	[sflag:s12] =	ssyncset.done $0x0  }
0x50: {  	s15 =	sadd.s32 $0x1, s15  }
0x51: {  	[sflag:s12] =	ssyncadd.s32 $0xFFFFFFB0;
	p0 =	sne.s32 s15, s7  }
.Ltmp2:
0x52: {  	[bflag:$0x0] =	sbarrier.arrive $0xFFFF;
	(pc) =	sbr.rel @p0 .LBB2_1-.Ltmp2, $4  }
0x53: {  	[hbm:s6], [sflag:s13] =	dma.local [spmem:s14], $0x50  }
0x54: {  	_ =	swait.ge [sflag:s9], $0x50  }
0x55: {  	[sflag:s9] =	ssyncset.done $0x0  }
0x56: {  	[sflag:s9] =	ssyncadd.s32 $0xFFFFFFB0  }
0x57: {  	_ =	sfence.sel $0x180000  }
0x58: {  	[bflag:$0x0] =	sbarrier.arrive $0xFFFF  }
0x59: {  	p0 =	sne.s32 s0, $0x0;
	_ =	strace $0x90000047  }
0x5a: {  	s0 =	sadd.s32 @!p0 $0x100000, s1;
	[bflag:$0x2] =	sbarrier.arrive $0xFFFF  }
0x5b: {  	[sflag:s0] =	ssyncadd.tile.s32 @!p0 $0x1;
	_ =	shalt  }
.Lfunc_end2:
_tile_overlayer_lowered:
.L_overlay_start_2:
0x5c: {  	(tag) =	ssettag $0x2  }
0x5d: {  	s0 =	rddreg [dreg:$0x0];
	s2 =	stileid.u32  }
0x5e: {  	s1 =	rddreg [dreg:$0x1];
	p0 =	sne.s32 s2, $0x0  }
0x5f: {  	s3 =	rddreg [dreg:$0x2];
	[bflag:$0x3] =	sbarrier.arrive $0xFFFF;
	s2 =	simm.s32 @!p0 $0x1C02  }
0x60: {  	[timem:s3], [sflag:s2] =	dma.local @!p0 [hbm:s0], s1  }
0x61: {  	s0 =	simm.s32 @!p0 $0x2  }
0x62: {  	_ =	swait.ge @!p0 [sflag:s0], s1  }
0x63: {  	s1 =	ssub.s32 @!p0 $0x0, s1;
	[sflag:s0] =	ssyncset.done @!p0 $0x0  }
0x64: {  	[sflag:s0] =	ssyncadd.s32 @!p0 s1  }
0x65: {  	[bflag:$0x3] =	sbarrier.arrive $0xFFFF  }
0x66: {  	_ =	shalt  }

</sc_bundles>
